<compile_context>
chip_gen: v7x
topology: tpu7x:2x2x1
jax: 0.10.2.dev20260603
libtpu: 0.0.44.dev20260713+nightly
codegen_flags: <defaults>
</compile_context>

<pallas_src>
import functools

import jax
import jax.numpy as jnp
from jax import lax
from jax.experimental import pallas as pl
from jax.experimental.pallas import tpu as pltpu
from jax.experimental.pallas import tpu_sc as plsc

_VOCAB = 1000000
_HIDDEN = 64
_BATCH = 16384

_info = plsc.get_sparse_core_info()
_NC, _NS = _info.num_cores, _info.num_subcores
_NW = _NC * _NS
_NG = 8
_NB = _NW // _NG
_BPB = _BATCH // _NB
_L = 16
_TB = 32
_NBATCH = _BPB // _TB

_mesh = plsc.VectorSubcoreMesh(core_axis_name="c", subcore_axis_name="s")


@functools.partial(
    pl.kernel,
    mesh=_mesh,
    out_type=jax.ShapeDtypeStruct((_HIDDEN, _BATCH), jnp.float32),
    scratch_types=[
        pltpu.VMEM((_BPB,), jnp.int32),
        pltpu.VMEM((2, _TB * 8, 128), jnp.float32),
        *[pltpu.VMEM((_BPB,), jnp.float32) for _ in range(_NG)],
        pltpu.SemaphoreType.DMA,
    ],
    compiler_params=pltpu.CompilerParams(
        needs_layout_passes=False, disable_bounds_checks=True
    ),
)
def _gather_kernel(src_hbm, embt_hbm, outt_hbm, idx_v, tiles_v, *rest):
    rows = rest[:_NG]
    sem = rest[_NG]
    wid = lax.axis_index("s") * _NC + lax.axis_index("c")
    g = wid // _NB
    ib = wid % _NB
    f0 = g * _NG
    pltpu.sync_copy(src_hbm.at[pl.ds(ib * _BPB, _BPB)], idx_v)

    lanes = lax.iota(jnp.int32, _L)

    def fire(b):
        slot = b & 1
        for h in range(2):
            vec = idx_v[pl.ds(b * _TB + h * _L, _L)]
            for jj in range(_L):
                r = jnp.max(jnp.where(lanes == jj, vec, 0))
                c0 = pl.multiple_of((r >> 7) * 128, 128)
                t = h * _L + jj
                pltpu.async_copy(
                    embt_hbm.at[pl.ds(f0, _NG), pl.ds(c0, 128)],
                    tiles_v.at[slot, pl.ds(t * 8, 8), :],
                    sem,
                )

    def drain(b):
        slot = b & 1
        for q in range(4):
            pltpu.make_async_copy(
                embt_hbm.at[pl.ds(0, 64), pl.ds(0, 128)],
                tiles_v.at[slot, pl.ds(q * 64, 64), :],
                sem,
            ).wait()

    def extract(b):
        slot = b & 1
        slot_v = jnp.full((_L,), slot, jnp.int32)
        for h in range(2):
            vec = idx_v[pl.ds(b * _TB + h * _L, _L)]
            lane_v = vec & 127
            col0 = b * _TB + h * _L
            for k in range(_NG):
                row_v = lanes * 8 + (128 * h + k)
                v = plsc.load_gather(tiles_v, [slot_v, row_v, lane_v])
                rows[k][pl.ds(col0, _L)] = v

    fire(jnp.int32(0))

    def body(i, carry):
        fire(i + 1)
        drain(i)
        extract(i)
        return carry

    lax.fori_loop(0, _NBATCH - 1, body, 0)
    last = jnp.int32(_NBATCH - 1)
    drain(last)
    extract(last)

    for k in range(_NG):
        pltpu.sync_copy(
            rows[k], outt_hbm.at[f0 + k].at[pl.ds(ib * _BPB, _BPB)]
        )


def kernel(source, hidden, cell, emb):
    del hidden, cell
    outt = _gather_kernel(source, emb.T)
    return outt.T

# --- scband reference (transcript-rebuilt; emitter-appended) ---
"""Pipeline reference for scband-decoder-31645319037697 (READ-ONLY COPY).

The authoritative reference and input builder live on the scoring server;
editing this copy changes nothing except your own understanding.
"""

import jax, jax.numpy as jnp
import numpy as np

VOCAB = 1000000
HIDDEN = 64
BATCH = 16384


def setup_inputs(seed: int = 0) -> dict:
    key = jax.random.key(seed)
    k1, k2, k3, k4 = jax.random.split(key, 4)
    source = jax.random.randint(k1, (BATCH,), 0, VOCAB, dtype=jnp.int64 if jax.config.jax_enable_x64 else jnp.int32).astype(jnp.int32)
    hidden = jax.random.normal(k2, (BATCH, HIDDEN), dtype=jnp.float32)
    cell = jax.random.normal(k3, (BATCH, HIDDEN), dtype=jnp.float32)
    emb = jax.random.normal(k4, (VOCAB, HIDDEN), dtype=jnp.float32) * 0.02
    # nn.Embedding(padding_idx=0): row 0 initialized to zeros
    emb = emb.at[0].set(0.0)
    return {"source": source, "hidden": hidden, "cell": cell, "emb": emb}


def reference(source, hidden, cell, emb):
    # embedded = self.embedding(source)  -> gather rows of the table
    embedded = jnp.take(emb, source, axis=0)
    return embedded

if __name__ == "__main__":
    import jax
    _d = setup_inputs()
    print(jax.jit(kernel)(*tuple(_d.values())))

</pallas_src>

<mosaic_0001>
#map = affine_map<(d0, d1) -> (0)>
#map1 = affine_map<(d0, d1) -> (0, 0)>
module attributes {stable_mosaic.version = 14 : i64} {
  func.func @_gather_kernel(%arg0: i32, %arg1: i32, %arg2: memref<16384xi32, #tpu.memory_space<hbm>>, %arg3: memref<64x1000000xf32, #tpu.memory_space<hbm>>, %arg4: memref<64x16384xf32, #tpu.memory_space<hbm>>, %arg5: memref<4096xi32, #tpu.memory_space<vmem>>, %arg6: memref<2x256x128xf32, #tpu.memory_space<vmem>>, %arg7: memref<4096xf32, #tpu.memory_space<vmem>>, %arg8: memref<4096xf32, #tpu.memory_space<vmem>>, %arg9: memref<4096xf32, #tpu.memory_space<vmem>>, %arg10: memref<4096xf32, #tpu.memory_space<vmem>>, %arg11: memref<4096xf32, #tpu.memory_space<vmem>>, %arg12: memref<4096xf32, #tpu.memory_space<vmem>>, %arg13: memref<4096xf32, #tpu.memory_space<vmem>>, %arg14: memref<4096xf32, #tpu.memory_space<vmem>>, %arg15: memref<!tpu.dma_semaphore, #tpu.memory_space<semaphore_mem>>) attributes {dimension_semantics = [#tpu.dimension_semantics<core_parallel>, #tpu.dimension_semantics<subcore_parallel>], iteration_bounds = array<i64: 2, 16>, scalar_prefetch = 0 : i64, scratch_operands = 11 : i64, tpu.core_type = #tpu.core_type<sc_vector_subcore>, window_params = [{transform_indices = #map}, {transform_indices = #map1}, {transform_indices = #map1}]} {
    %mul3A = arith.constant 2 : i32
    %mul3A_0 = arith.muli %arg1, %mul3A : i32
    %add3A = arith.addi %mul3A_0, %arg0 : i32
    %jit3A = arith.constant 4 : i32
    %div3A = arith.divsi %add3A, %jit3A : i32
    %sign3A = arith.constant 0 : i32
    %sign3A_1 = arith.cmpi sgt, %add3A, %sign3A : i32
    %sign3A_2 = arith.extui %sign3A_1 : i1 to i32
    %sign3A_3 = arith.constant 0 : i32
    %sign3A_4 = arith.cmpi slt, %add3A, %sign3A_3 : i32
    %sign3A_5 = arith.extui %sign3A_4 : i1 to i32
    %sign3A_6 = arith.subi %sign3A_2, %sign3A_5 : i32
    %sign3A_7 = arith.constant 0 : i32
    %sign3A_8 = arith.cmpi sgt, %jit3A, %sign3A_7 : i32
    %sign3A_9 = arith.extui %sign3A_8 : i1 to i32
    %sign3A_10 = arith.constant 0 : i32
    %sign3A_11 = arith.cmpi slt, %jit3A, %sign3A_10 : i32
    %sign3A_12 = arith.extui %sign3A_11 : i1 to i32
    %sign3A_13 = arith.subi %sign3A_9, %sign3A_12 : i32
    %ne3A = arith.cmpi ne, %sign3A_6, %sign3A_13 : i32
    %rem3A = arith.remsi %add3A, %jit3A : i32
    %ne3A_14 = arith.constant 0 : i32
    %ne3A_15 = arith.cmpi ne, %rem3A, %ne3A_14 : i32
    %and3A = arith.andi %ne3A, %ne3A_15 : i1
    %sub3A = arith.constant 1 : i32
    %sub3A_16 = arith.subi %div3A, %sub3A : i32
    %select_n3A = arith.select %and3A, %sub3A_16, %div3A : i32
    %jit3A_17 = arith.constant 4 : i32
    %eq3A = arith.constant 0 : i32
    %eq3A_18 = arith.cmpi eq, %jit3A_17, %eq3A : i32
    %jit3A_19 = arith.constant 1 : i32
    %select_n3A_20 = arith.select %eq3A_18, %jit3A_19, %jit3A_17 : i32
    %rem3A_21 = arith.remsi %add3A, %select_n3A_20 : i32
    %ne3A_22 = arith.constant 0 : i32
    %ne3A_23 = arith.cmpi ne, %rem3A_21, %ne3A_22 : i32
    %lt3A = arith.constant 0 : i32
    %lt3A_24 = arith.cmpi slt, %rem3A_21, %lt3A : i32
    %lt3A_25 = arith.constant 0 : i32
    %lt3A_26 = arith.cmpi slt, %select_n3A_20, %lt3A_25 : i32
    %ne3A_27 = arith.xori %lt3A_24, %lt3A_26 : i1
    %and3A_28 = arith.andi %ne3A_27, %ne3A_23 : i1
    %add3A_29 = arith.addi %rem3A_21, %select_n3A_20 : i32
    %select_n3A_30 = arith.select %and3A_28, %add3A_29, %rem3A_21 : i32
    %mul3A_31 = arith.constant 8 : i32
    %mul3A_32 = arith.muli %select_n3A, %mul3A_31 : i32
    %mul3A_33 = arith.constant 4096 : i32
    %mul3A_34 = arith.muli %select_n3A_30, %mul3A_33 : i32
    "tpu.region"() ({
      %run_scoped3A = tpu.sem_alloc : memref<!tpu.dma_semaphore, #tpu.memory_space<semaphore_mem>>
      %dma_start3A_1245 = tpu.memref_slice %arg2[%mul3A_34] : memref<16384xi32, #tpu.memory_space<hbm>> -> memref<4096xi32, #tpu.memory_space<hbm>>
      %dma_start3A_1246 = tpu.memref_slice %arg2[%mul3A_34] : memref<16384xi32, #tpu.memory_space<hbm>> -> memref<4096xi32, #tpu.memory_space<hbm>>
      tpu.enqueue_dma source(%dma_start3A_1246 : memref<4096xi32, #tpu.memory_space<hbm>>) target(%arg5 : memref<4096xi32, #tpu.memory_space<vmem>>) target_semaphore(%run_scoped3A : memref<!tpu.dma_semaphore, #tpu.memory_space<semaphore_mem>>)
      %dma_wait3A_1247 = tpu.memref_slice %arg2[%mul3A_34] : memref<16384xi32, #tpu.memory_space<hbm>> -> memref<4096xi32, #tpu.memory_space<hbm>>
      %dma_wait3A_1248 = tpu.memref_slice %arg2[%mul3A_34] : memref<16384xi32, #tpu.memory_space<hbm>> -> memref<4096xi32, #tpu.memory_space<hbm>>
      tpu.wait_dma2 semaphore(%run_scoped3A : memref<!tpu.dma_semaphore, #tpu.memory_space<semaphore_mem>>) src(%dma_wait3A_1248 : memref<4096xi32, #tpu.memory_space<hbm>>) dst(%arg5 : memref<4096xi32, #tpu.memory_space<vmem>>)
      tpu.yield
    }) : () -> ()
    %iota3A = tpu.iota {dimensions = array<i32: 0>} : vector<16xi32>
    %and3A_35 = arith.constant 0 : i32
    %and3A_36 = arith.constant 1 : i32
    %and3A_37 = arith.andi %and3A_35, %and3A_36 : i32
    %mul3A_38 = arith.constant 0 : i32
    %mul3A_39 = arith.constant 32 : i32
    %mul3A_40 = arith.muli %mul3A_38, %mul3A_39 : i32
    %add3A_41 = arith.constant 0 : i32
    %add3A_42 = arith.addi %mul3A_40, %add3A_41 : i32
    %get3A = arith.index_cast %add3A_42 : i32 to index
    %get3A_43 = tpu.vector_load %arg5[%get3A] {strides = array<i32>} : memref<4096xi32, #tpu.memory_space<vmem>>, vector<16xi32>,
    %eq3A_44 = arith.constant 0 : i32
    %eq3A_45 = vector.broadcast %eq3A_44 : i32 to vector<16xi32>
    %eq3A_46 = arith.cmpi eq, %iota3A, %eq3A_45 : vector<16xi32>
    %jit3A_47 = arith.constant 0 : i32
    %broadcast_in_dim3A = vector.broadcast %jit3A_47 : i32 to vector<16xi32>
    %select_n3A_48 = arith.select %eq3A_46, %get3A_43, %broadcast_in_dim3A : vector<16xi1>, vector<16xi32>
    %reduce_max3A = arith.constant true
    %reduce_max3A_49 = vector.broadcast %reduce_max3A : i1 to vector<16xi1>
    %reduce_max3A_50 = arith.constant -2147483648 : i32
    %reduce_max3A_51 = vector.broadcast %reduce_max3A_50 : i32 to vector<16xi32>
    %reduce_max3A_52 = arith.xori %select_n3A_48, %reduce_max3A_51 : vector<16xi32>
    %reduce_max3A_53 = tpu.scan <max>, %reduce_max3A_52 masked %reduce_max3A_49 : vector<16xi32>, vector<16xi1> -> vector<16xi32>
    %reduce_max3A_54 = arith.xori %reduce_max3A_53, %reduce_max3A_51 : vector<16xi32>
    %reduce_max3A_55 = vector.extract %reduce_max3A_54[15] : i32 from vector<16xi32>
    %shift_right_arithmetic3A = arith.constant 7 : i32
    %shift_right_arithmetic3A_56 = arith.shrsi %reduce_max3A_55, %shift_right_arithmetic3A : i32
    %mul3A_57 = arith.constant 128 : i32
    %mul3A_58 = arith.muli %shift_right_arithmetic3A_56, %mul3A_57 : i32
    %multiple_of3A = tpu.assume_multiple %mul3A_58, 128 : i32
    %dma_start3A = arith.constant 0 : i32
    %dma_start3A_59 = arith.constant 0 : i32
    %dma_start3A_60 = tpu.memref_slice %arg6[%and3A_37, %dma_start3A, %dma_start3A_59] : memref<2x256x128xf32, #tpu.memory_space<vmem>> -> memref<1x8x128xf32, #tpu.memory_space<vmem>>
    %dma_start3A_61 = tpu.memref_squeeze %dma_start3A_60 : memref<1x8x128xf32, #tpu.memory_space<vmem>> -> memref<8x128xf32, #tpu.memory_space<vmem>>
    %dma_start3A_62 = tpu.memref_slice %arg3[%mul3A_32, %multiple_of3A] : memref<64x1000000xf32, #tpu.memory_space<hbm>> -> memref<8x128xf32, #tpu.memory_space<hbm>>
    %dma_start3A_63 = arith.constant 0 : i32
    %dma_start3A_64 = arith.constant 0 : i32
    %dma_start3A_65 = tpu.memref_slice %arg6[%and3A_37, %dma_start3A_63, %dma_start3A_64] : memref<2x256x128xf32, #tpu.memory_space<vmem>> -> memref<1x8x128xf32, #tpu.memory_space<vmem>>
    %dma_start3A_66 = tpu.memref_squeeze %dma_start3A_65 : memref<1x8x128xf32, #tpu.memory_space<vmem>> -> memref<8x128xf32, #tpu.memory_space<vmem>>
    %dma_start3A_67 = tpu.memref_slice %arg3[%mul3A_32, %multiple_of3A] : memref<64x1000000xf32, #tpu.memory_space<hbm>> -> memref<8x128xf32, #tpu.memory_space<hbm>>
    tpu.enqueue_dma source(%dma_start3A_67 : memref<8x128xf32, #tpu.memory_space<hbm>>) target(%dma_start3A_66 : memref<8x128xf32, #tpu.memory_space<vmem>>) target_semaphore(%arg15 : memref<!tpu.dma_semaphore, #tpu.memory_space<semaphore_mem>>)
    %eq3A_68 = arith.constant 1 : i32
    %eq3A_69 = vector.broadcast %eq3A_68 : i32 to vector<16xi32>
    %eq3A_70 = arith.cmpi eq, %iota3A, %eq3A_69 : vector<16xi32>
    %jit3A_71 = arith.constant 0 : i32
    %broadcast_in_dim3A_72 = vector.broadcast %jit3A_71 : i32 to vector<16xi32>
    %select_n3A_73 = arith.select %eq3A_70, %get3A_43, %broadcast_in_dim3A_72 : vector<16xi1>, vector<16xi32>
    %reduce_max3A_74 = arith.constant true
    %reduce_max3A_75 = vector.broadcast %reduce_max3A_74 : i1 to vector<16xi1>
    %reduce_max3A_76 = arith.constant -2147483648 : i32
    %reduce_max3A_77 = vector.broadcast %reduce_max3A_76 : i32 to vector<16xi32>
    %reduce_max3A_78 = arith.xori %select_n3A_73, %reduce_max3A_77 : vector<16xi32>
    %reduce_max3A_79 = tpu.scan <max>, %reduce_max3A_78 masked %reduce_max3A_75 : vector<16xi32>, vector<16xi1> -> vector<16xi32>
    %reduce_max3A_80 = arith.xori %reduce_max3A_79, %reduce_max3A_77 : vector<16xi32>
    %reduce_max3A_81 = vector.extract %reduce_max3A_80[15] : i32 from vector<16xi32>
    %shift_right_arithmetic3A_82 = arith.constant 7 : i32
    %shift_right_arithmetic3A_83 = arith.shrsi %reduce_max3A_81, %shift_right_arithmetic3A_82 : i32
    %mul3A_84 = arith.constant 128 : i32
    %mul3A_85 = arith.muli %shift_right_arithmetic3A_83, %mul3A_84 : i32
    %multiple_of3A_86 = tpu.assume_multiple %mul3A_85, 128 : i32
    %dma_start3A_87 = arith.constant 8 : i32
    %dma_start3A_88 = arith.constant 0 : i32
    %dma_start3A_89 = tpu.memref_slice %arg6[%and3A_37, %dma_start3A_87, %dma_start3A_88] : memref<2x256x128xf32, #tpu.memory_space<vmem>> -> memref<1x8x128xf32, #tpu.memory_space<vmem>>
    %dma_start3A_90 = tpu.memref_squeeze %dma_start3A_89 : memref<1x8x128xf32, #tpu.memory_space<vmem>> -> memref<8x128xf32, #tpu.memory_space<vmem>>
    %dma_start3A_91 = tpu.memref_slice %arg3[%mul3A_32, %multiple_of3A_86] : memref<64x1000000xf32, #tpu.memory_space<hbm>> -> memref<8x128xf32, #tpu.memory_space<hbm>>
    %dma_start3A_92 = arith.constant 8 : i32
    %dma_start3A_93 = arith.constant 0 : i32
    %dma_start3A_94 = tpu.memref_slice %arg6[%and3A_37, %dma_start3A_92, %dma_start3A_93] : memref<2x256x128xf32, #tpu.memory_space<vmem>> -> memref<1x8x128xf32, #tpu.memory_space<vmem>>
    %dma_start3A_95 = tpu.memref_squeeze %dma_start3A_94 : memref<1x8x128xf32, #tpu.memory_space<vmem>> -> memref<8x128xf32, #tpu.memory_space<vmem>>
    %dma_start3A_96 = tpu.memref_slice %arg3[%mul3A_32, %multiple_of3A_86] : memref<64x1000000xf32, #tpu.memory_space<hbm>> -> memref<8x128xf32, #tpu.memory_space<hbm>>
    tpu.enqueue_dma source(%dma_start3A_96 : memref<8x128xf32, #tpu.memory_space<hbm>>) target(%dma_start3A_95 : memref<8x128xf32, #tpu.memory_space<vmem>>) target_semaphore(%arg15 : memref<!tpu.dma_semaphore, #tpu.memory_space<semaphore_mem>>)
    %eq3A_97 = arith.constant 2 : i32
    %eq3A_98 = vector.broadcast %eq3A_97 : i32 to vector<16xi32>
    %eq3A_99 = arith.cmpi eq, %iota3A, %eq3A_98 : vector<16xi32>
    %jit3A_100 = arith.constant 0 : i32
    %broadcast_in_dim3A_101 = vector.broadcast %jit3A_100 : i32 to vector<16xi32>
    %select_n3A_102 = arith.select %eq3A_99, %get3A_43, %broadcast_in_dim3A_101 : vector<16xi1>, vector<16xi32>
    %reduce_max3A_103 = arith.constant true
    %reduce_max3A_104 = vector.broadcast %reduce_max3A_103 : i1 to vector<16xi1>
    %reduce_max3A_105 = arith.constant -2147483648 : i32
    %reduce_max3A_106 = vector.broadcast %reduce_max3A_105 : i32 to vector<16xi32>
    %reduce_max3A_107 = arith.xori %select_n3A_102, %reduce_max3A_106 : vector<16xi32>
    %reduce_max3A_108 = tpu.scan <max>, %reduce_max3A_107 masked %reduce_max3A_104 : vector<16xi32>, vector<16xi1> -> vector<16xi32>
    %reduce_max3A_109 = arith.xori %reduce_max3A_108, %reduce_max3A_106 : vector<16xi32>
    %reduce_max3A_110 = vector.extract %reduce_max3A_109[15] : i32 from vector<16xi32>
    %shift_right_arithmetic3A_111 = arith.constant 7 : i32
    %shift_right_arithmetic3A_112 = arith.shrsi %reduce_max3A_110, %shift_right_arithmetic3A_111 : i32
    %mul3A_113 = arith.constant 128 : i32
    %mul3A_114 = arith.muli %shift_right_arithmetic3A_112, %mul3A_113 : i32
    %multiple_of3A_115 = tpu.assume_multiple %mul3A_114, 128 : i32
    %dma_start3A_116 = arith.constant 16 : i32
    %dma_start3A_117 = arith.constant 0 : i32
    %dma_start3A_118 = tpu.memref_slice %arg6[%and3A_37, %dma_start3A_116, %dma_start3A_117] : memref<2x256x128xf32, #tpu.memory_space<vmem>> -> memref<1x8x128xf32, #tpu.memory_space<vmem>>
    %dma_start3A_119 = tpu.memref_squeeze %dma_start3A_118 : memref<1x8x128xf32, #tpu.memory_space<vmem>> -> memref<8x128xf32, #tpu.memory_space<vmem>>
    %dma_start3A_120 = tpu.memref_slice %arg3[%mul3A_32, %multiple_of3A_115] : memref<64x1000000xf32, #tpu.memory_space<hbm>> -> memref<8x128xf32, #tpu.memory_space<hbm>>
    %dma_start3A_121 = arith.constant 16 : i32
    %dma_start3A_122 = arith.constant 0 : i32
    %dma_start3A_123 = tpu.memref_slice %arg6[%and3A_37, %dma_start3A_121, %dma_start3A_122] : memref<2x256x128xf32, #tpu.memory_space<vmem>> -> memref<1x8x128xf32, #tpu.memory_space<vmem>>
    %dma_start3A_124 = tpu.memref_squeeze %dma_start3A_123 : memref<1x8x128xf32, #tpu.memory_space<vmem>> -> memref<8x128xf32, #tpu.memory_space<vmem>>
    %dma_start3A_125 = tpu.memref_slice %arg3[%mul3A_32, %multiple_of3A_115] : memref<64x1000000xf32, #tpu.memory_space<hbm>> -> memref<8x128xf32, #tpu.memory_space<hbm>>
    tpu.enqueue_dma source(%dma_start3A_125 : memref<8x128xf32, #tpu.memory_space<hbm>>) target(%dma_start3A_124 : memref<8x128xf32, #tpu.memory_space<vmem>>) target_semaphore(%arg15 : memref<!tpu.dma_semaphore, #tpu.memory_space<semaphore_mem>>)
    %eq3A_126 = arith.constant 3 : i32
    %eq3A_127 = vector.broadcast %eq3A_126 : i32 to vector<16xi32>
    %eq3A_128 = arith.cmpi eq, %iota3A, %eq3A_127 : vector<16xi32>
    %jit3A_129 = arith.constant 0 : i32
    %broadcast_in_dim3A_130 = vector.broadcast %jit3A_129 : i32 to vector<16xi32>
    %select_n3A_131 = arith.select %eq3A_128, %get3A_43, %broadcast_in_dim3A_130 : vector<16xi1>, vector<16xi32>
    %reduce_max3A_132 = arith.constant true
    %reduce_max3A_133 = vector.broadcast %reduce_max3A_132 : i1 to vector<16xi1>
    %reduce_max3A_134 = arith.constant -2147483648 : i32
    %reduce_max3A_135 = vector.broadcast %reduce_max3A_134 : i32 to vector<16xi32>
    %reduce_max3A_136 = arith.xori %select_n3A_131, %reduce_max3A_135 : vector<16xi32>
    %reduce_max3A_137 = tpu.scan <max>, %reduce_max3A_136 masked %reduce_max3A_133 : vector<16xi32>, vector<16xi1> -> vector<16xi32>
    %reduce_max3A_138 = arith.xori %reduce_max3A_137, %reduce_max3A_135 : vector<16xi32>
    %reduce_max3A_139 = vector.extract %reduce_max3A_138[15] : i32 from vector<16xi32>
    %shift_right_arithmetic3A_140 = arith.constant 7 : i32
    %shift_right_arithmetic3A_141 = arith.shrsi %reduce_max3A_139, %shift_right_arithmetic3A_140 : i32
    %mul3A_142 = arith.constant 128 : i32
    %mul3A_143 = arith.muli %shift_right_arithmetic3A_141, %mul3A_142 : i32
    %multiple_of3A_144 = tpu.assume_multiple %mul3A_143, 128 : i32
    %dma_start3A_145 = arith.constant 24 : i32
    %dma_start3A_146 = arith.constant 0 : i32
    %dma_start3A_147 = tpu.memref_slice %arg6[%and3A_37, %dma_start3A_145, %dma_start3A_146] : memref<2x256x128xf32, #tpu.memory_space<vmem>> -> memref<1x8x128xf32, #tpu.memory_space<vmem>>
    %dma_start3A_148 = tpu.memref_squeeze %dma_start3A_147 : memref<1x8x128xf32, #tpu.memory_space<vmem>> -> memref<8x128xf32, #tpu.memory_space<vmem>>
    %dma_start3A_149 = tpu.memref_slice %arg3[%mul3A_32, %multiple_of3A_144] : memref<64x1000000xf32, #tpu.memory_space<hbm>> -> memref<8x128xf32, #tpu.memory_space<hbm>>
    %dma_start3A_150 = arith.constant 24 : i32
    %dma_start3A_151 = arith.constant 0 : i32
    %dma_start3A_152 = tpu.memref_slice %arg6[%and3A_37, %dma_start3A_150, %dma_start3A_151] : memref<2x256x128xf32, #tpu.memory_space<vmem>> -> memref<1x8x128xf32, #tpu.memory_space<vmem>>
    %dma_start3A_153 = tpu.memref_squeeze %dma_start3A_152 : memref<1x8x128xf32, #tpu.memory_space<vmem>> -> memref<8x128xf32, #tpu.memory_space<vmem>>
    %dma_start3A_154 = tpu.memref_slice %arg3[%mul3A_32, %multiple_of3A_144] : memref<64x1000000xf32, #tpu.memory_space<hbm>> -> memref<8x128xf32, #tpu.memory_space<hbm>>
    tpu.enqueue_dma source(%dma_start3A_154 : memref<8x128xf32, #tpu.memory_space<hbm>>) target(%dma_start3A_153 : memref<8x128xf32, #tpu.memory_space<vmem>>) target_semaphore(%arg15 : memref<!tpu.dma_semaphore, #tpu.memory_space<semaphore_mem>>)
    %eq3A_155 = arith.constant 4 : i32
    %eq3A_156 = vector.broadcast %eq3A_155 : i32 to vector<16xi32>
    %eq3A_157 = arith.cmpi eq, %iota3A, %eq3A_156 : vector<16xi32>
    %jit3A_158 = arith.constant 0 : i32
    %broadcast_in_dim3A_159 = vector.broadcast %jit3A_158 : i32 to vector<16xi32>
    %select_n3A_160 = arith.select %eq3A_157, %get3A_43, %broadcast_in_dim3A_159 : vector<16xi1>, vector<16xi32>
    %reduce_max3A_161 = arith.constant true
    %reduce_max3A_162 = vector.broadcast %reduce_max3A_161 : i1 to vector<16xi1>
    %reduce_max3A_163 = arith.constant -2147483648 : i32
    %reduce_max3A_164 = vector.broadcast %reduce_max3A_163 : i32 to vector<16xi32>
    %reduce_max3A_165 = arith.xori %select_n3A_160, %reduce_max3A_164 : vector<16xi32>
    %reduce_max3A_166 = tpu.scan <max>, %reduce_max3A_165 masked %reduce_max3A_162 : vector<16xi32>, vector<16xi1> -> vector<16xi32>
    %reduce_max3A_167 = arith.xori %reduce_max3A_166, %reduce_max3A_164 : vector<16xi32>
    %reduce_max3A_168 = vector.extract %reduce_max3A_167[15] : i32 from vector<16xi32>
    %shift_right_arithmetic3A_169 = arith.constant 7 : i32
    %shift_right_arithmetic3A_170 = arith.shrsi %reduce_max3A_168, %shift_right_arithmetic3A_169 : i32
    %mul3A_171 = arith.constant 128 : i32
    %mul3A_172 = arith.muli %shift_right_arithmetic3A_170, %mul3A_171 : i32
    %multiple_of3A_173 = tpu.assume_multiple %mul3A_172, 128 : i32
    %dma_start3A_174 = arith.constant 32 : i32
    %dma_start3A_175 = arith.constant 0 : i32
    %dma_start3A_176 = tpu.memref_slice %arg6[%and3A_37, %dma_start3A_174, %dma_start3A_175] : memref<2x256x128xf32, #tpu.memory_space<vmem>> -> memref<1x8x128xf32, #tpu.memory_space<vmem>>
    %dma_start3A_177 = tpu.memref_squeeze %dma_start3A_176 : memref<1x8x128xf32, #tpu.memory_space<vmem>> -> memref<8x128xf32, #tpu.memory_space<vmem>>
    %dma_start3A_178 = tpu.memref_slice %arg3[%mul3A_32, %multiple_of3A_173] : memref<64x1000000xf32, #tpu.memory_space<hbm>> -> memref<8x128xf32, #tpu.memory_space<hbm>>
    %dma_start3A_179 = arith.constant 32 : i32
    %dma_start3A_180 = arith.constant 0 : i32
    %dma_start3A_181 = tpu.memref_slice %arg6[%and3A_37, %dma_start3A_179, %dma_start3A_180] : memref<2x256x128xf32, #tpu.memory_space<vmem>> -> memref<1x8x128xf32, #tpu.memory_space<vmem>>
    %dma_start3A_182 = tpu.memref_squeeze %dma_start3A_181 : memref<1x8x128xf32, #tpu.memory_space<vmem>> -> memref<8x128xf32, #tpu.memory_space<vmem>>
    %dma_start3A_183 = tpu.memref_slice %arg3[%mul3A_32, %multiple_of3A_173] : memref<64x1000000xf32, #tpu.memory_space<hbm>> -> memref<8x128xf32, #tpu.memory_space<hbm>>
    tpu.enqueue_dma source(%dma_start3A_183 : memref<8x128xf32, #tpu.memory_space<hbm>>) target(%dma_start3A_182 : memref<8x128xf32, #tpu.memory_space<vmem>>) target_semaphore(%arg15 : memref<!tpu.dma_semaphore, #tpu.memory_space<semaphore_mem>>)
    %eq3A_184 = arith.constant 5 : i32
    %eq3A_185 = vector.broadcast %eq3A_184 : i32 to vector<16xi32>
    %eq3A_186 = arith.cmpi eq, %iota3A, %eq3A_185 : vector<16xi32>
    %jit3A_187 = arith.constant 0 : i32
    %broadcast_in_dim3A_188 = vector.broadcast %jit3A_187 : i32 to vector<16xi32>
    %select_n3A_189 = arith.select %eq3A_186, %get3A_43, %broadcast_in_dim3A_188 : vector<16xi1>, vector<16xi32>
    %reduce_max3A_190 = arith.constant true
    %reduce_max3A_191 = vector.broadcast %reduce_max3A_190 : i1 to vector<16xi1>
    %reduce_max3A_192 = arith.constant -2147483648 : i32
    %reduce_max3A_193 = vector.broadcast %reduce_max3A_192 : i32 to vector<16xi32>
    %reduce_max3A_194 = arith.xori %select_n3A_189, %reduce_max3A_193 : vector<16xi32>
    %reduce_max3A_195 = tpu.scan <max>, %reduce_max3A_194 masked %reduce_max3A_191 : vector<16xi32>, vector<16xi1> -> vector<16xi32>
    %reduce_max3A_196 = arith.xori %reduce_max3A_195, %reduce_max3A_193 : vector<16xi32>
    %reduce_max3A_197 = vector.extract %reduce_max3A_196[15] : i32 from vector<16xi32>
    %shift_right_arithmetic3A_198 = arith.constant 7 : i32
    %shift_right_arithmetic3A_199 = arith.shrsi %reduce_max3A_197, %shift_right_arithmetic3A_198 : i32
    %mul3A_200 = arith.constant 128 : i32
    %mul3A_201 = arith.muli %shift_right_arithmetic3A_199, %mul3A_200 : i32
    %multiple_of3A_202 = tpu.assume_multiple %mul3A_201, 128 : i32
    %dma_start3A_203 = arith.constant 40 : i32
    %dma_start3A_204 = arith.constant 0 : i32
    %dma_start3A_205 = tpu.memref_slice %arg6[%and3A_37, %dma_start3A_203, %dma_start3A_204] : memref<2x256x128xf32, #tpu.memory_space<vmem>> -> memref<1x8x128xf32, #tpu.memory_space<vmem>>
    %dma_start3A_206 = tpu.memref_squeeze %dma_start3A_205 : memref<1x8x128xf32, #tpu.memory_space<vmem>> -> memref<8x128xf32, #tpu.memory_space<vmem>>
    %dma_start3A_207 = tpu.memref_slice %arg3[%mul3A_32, %multiple_of3A_202] : memref<64x1000000xf32, #tpu.memory_space<hbm>> -> memref<8x128xf32, #tpu.memory_space<hbm>>
    %dma_start3A_208 = arith.constant 40 : i32
    %dma_start3A_209 = arith.constant 0 : i32
    %dma_start3A_210 = tpu.memref_slice %arg6[%and3A_37, %dma_start3A_208, %dma_start3A_209] : memref<2x256x128xf32, #tpu.memory_space<vmem>> -> memref<1x8x128xf32, #tpu.memory_space<vmem>>
    %dma_start3A_211 = tpu.memref_squeeze %dma_start3A_210 : memref<1x8x128xf32, #tpu.memory_space<vmem>> -> memref<8x128xf32, #tpu.memory_space<vmem>>
    %dma_start3A_212 = tpu.memref_slice %arg3[%mul3A_32, %multiple_of3A_202] : memref<64x1000000xf32, #tpu.memory_space<hbm>> -> memref<8x128xf32, #tpu.memory_space<hbm>>
    tpu.enqueue_dma source(%dma_start3A_212 : memref<8x128xf32, #tpu.memory_space<hbm>>) target(%dma_start3A_211 : memref<8x128xf32, #tpu.memory_space<vmem>>) target_semaphore(%arg15 : memref<!tpu.dma_semaphore, #tpu.memory_space<semaphore_mem>>)
    %eq3A_213 = arith.constant 6 : i32
    %eq3A_214 = vector.broadcast %eq3A_213 : i32 to vector<16xi32>
    %eq3A_215 = arith.cmpi eq, %iota3A, %eq3A_214 : vector<16xi32>
    %jit3A_216 = arith.constant 0 : i32
    %broadcast_in_dim3A_217 = vector.broadcast %jit3A_216 : i32 to vector<16xi32>
    %select_n3A_218 = arith.select %eq3A_215, %get3A_43, %broadcast_in_dim3A_217 : vector<16xi1>, vector<16xi32>
    %reduce_max3A_219 = arith.constant true
    %reduce_max3A_220 = vector.broadcast %reduce_max3A_219 : i1 to vector<16xi1>
    %reduce_max3A_221 = arith.constant -2147483648 : i32
    %reduce_max3A_222 = vector.broadcast %reduce_max3A_221 : i32 to vector<16xi32>
    %reduce_max3A_223 = arith.xori %select_n3A_218, %reduce_max3A_222 : vector<16xi32>
    %reduce_max3A_224 = tpu.scan <max>, %reduce_max3A_223 masked %reduce_max3A_220 : vector<16xi32>, vector<16xi1> -> vector<16xi32>
    %reduce_max3A_225 = arith.xori %reduce_max3A_224, %reduce_max3A_222 : vector<16xi32>
    %reduce_max3A_226 = vector.extract %reduce_max3A_225[15] : i32 from vector<16xi32>
    %shift_right_arithmetic3A_227 = arith.constant 7 : i32
    %shift_right_arithmetic3A_228 = arith.shrsi %reduce_max3A_226, %shift_right_arithmetic3A_227 : i32
    %mul3A_229 = arith.constant 128 : i32
    %mul3A_230 = arith.muli %shift_right_arithmetic3A_228, %mul3A_229 : i32
    %multiple_of3A_231 = tpu.assume_multiple %mul3A_230, 128 : i32
    %dma_start3A_232 = arith.constant 48 : i32
    %dma_start3A_233 = arith.constant 0 : i32
    %dma_start3A_234 = tpu.memref_slice %arg6[%and3A_37, %dma_start3A_232, %dma_start3A_233] : memref<2x256x128xf32, #tpu.memory_space<vmem>> -> memref<1x8x128xf32, #tpu.memory_space<vmem>>
    %dma_start3A_235 = tpu.memref_squeeze %dma_start3A_234 : memref<1x8x128xf32, #tpu.memory_space<vmem>> -> memref<8x128xf32, #tpu.memory_space<vmem>>
    %dma_start3A_236 = tpu.memref_slice %arg3[%mul3A_32, %multiple_of3A_231] : memref<64x1000000xf32, #tpu.memory_space<hbm>> -> memref<8x128xf32, #tpu.memory_space<hbm>>
    %dma_start3A_237 = arith.constant 48 : i32
    %dma_start3A_238 = arith.constant 0 : i32
    %dma_start3A_239 = tpu.memref_slice %arg6[%and3A_37, %dma_start3A_237, %dma_start3A_238] : memref<2x256x128xf32, #tpu.memory_space<vmem>> -> memref<1x8x128xf32, #tpu.memory_space<vmem>>
    %dma_start3A_240 = tpu.memref_squeeze %dma_start3A_239 : memref<1x8x128xf32, #tpu.memory_space<vmem>> -> memref<8x128xf32, #tpu.memory_space<vmem>>
    %dma_start3A_241 = tpu.memref_slice %arg3[%mul3A_32, %multiple_of3A_231] : memref<64x1000000xf32, #tpu.memory_space<hbm>> -> memref<8x128xf32, #tpu.memory_space<hbm>>
    tpu.enqueue_dma source(%dma_start3A_241 : memref<8x128xf32, #tpu.memory_space<hbm>>) target(%dma_start3A_240 : memref<8x128xf32, #tpu.memory_space<vmem>>) target_semaphore(%arg15 : memref<!tpu.dma_semaphore, #tpu.memory_space<semaphore_mem>>)
    %eq3A_242 = arith.constant 7 : i32
    %eq3A_243 = vector.broadcast %eq3A_242 : i32 to vector<16xi32>
    %eq3A_244 = arith.cmpi eq, %iota3A, %eq3A_243 : vector<16xi32>
    %jit3A_245 = arith.constant 0 : i32
    %broadcast_in_dim3A_246 = vector.broadcast %jit3A_245 : i32 to vector<16xi32>
    %select_n3A_247 = arith.select %eq3A_244, %get3A_43, %broadcast_in_dim3A_246 : vector<16xi1>, vector<16xi32>
    %reduce_max3A_248 = arith.constant true
    %reduce_max3A_249 = vector.broadcast %reduce_max3A_248 : i1 to vector<16xi1>
    %reduce_max3A_250 = arith.constant -2147483648 : i32
    %reduce_max3A_251 = vector.broadcast %reduce_max3A_250 : i32 to vector<16xi32>
    %reduce_max3A_252 = arith.xori %select_n3A_247, %reduce_max3A_251 : vector<16xi32>
    %reduce_max3A_253 = tpu.scan <max>, %reduce_max3A_252 masked %reduce_max3A_249 : vector<16xi32>, vector<16xi1> -> vector<16xi32>
    %reduce_max3A_254 = arith.xori %reduce_max3A_253, %reduce_max3A_251 : vector<16xi32>
    %reduce_max3A_255 = vector.extract %reduce_max3A_254[15] : i32 from vector<16xi32>
    %shift_right_arithmetic3A_256 = arith.constant 7 : i32
    %shift_right_arithmetic3A_257 = arith.shrsi %reduce_max3A_255, %shift_right_arithmetic3A_256 : i32
    %mul3A_258 = arith.constant 128 : i32
    %mul3A_259 = arith.muli %shift_right_arithmetic3A_257, %mul3A_258 : i32
    %multiple_of3A_260 = tpu.assume_multiple %mul3A_259, 128 : i32
    %dma_start3A_261 = arith.constant 56 : i32
    %dma_start3A_262 = arith.constant 0 : i32
    %dma_start3A_263 = tpu.memref_slice %arg6[%and3A_37, %dma_start3A_261, %dma_start3A_262] : memref<2x256x128xf32, #tpu.memory_space<vmem>> -> memref<1x8x128xf32, #tpu.memory_space<vmem>>
    %dma_start3A_264 = tpu.memref_squeeze %dma_start3A_263 : memref<1x8x128xf32, #tpu.memory_space<vmem>> -> memref<8x128xf32, #tpu.memory_space<vmem>>
    %dma_start3A_265 = tpu.memref_slice %arg3[%mul3A_32, %multiple_of3A_260] : memref<64x1000000xf32, #tpu.memory_space<hbm>> -> memref<8x128xf32, #tpu.memory_space<hbm>>
    %dma_start3A_266 = arith.constant 56 : i32
    %dma_start3A_267 = arith.constant 0 : i32
    %dma_start3A_268 = tpu.memref_slice %arg6[%and3A_37, %dma_start3A_266, %dma_start3A_267] : memref<2x256x128xf32, #tpu.memory_space<vmem>> -> memref<1x8x128xf32, #tpu.memory_space<vmem>>
    %dma_start3A_269 = tpu.memref_squeeze %dma_start3A_268 : memref<1x8x128xf32, #tpu.memory_space<vmem>> -> memref<8x128xf32, #tpu.memory_space<vmem>>
    %dma_start3A_270 = tpu.memref_slice %arg3[%mul3A_32, %multiple_of3A_260] : memref<64x1000000xf32, #tpu.memory_space<hbm>> -> memref<8x128xf32, #tpu.memory_space<hbm>>
    tpu.enqueue_dma source(%dma_start3A_270 : memref<8x128xf32, #tpu.memory_space<hbm>>) target(%dma_start3A_269 : memref<8x128xf32, #tpu.memory_space<vmem>>) target_semaphore(%arg15 : memref<!tpu.dma_semaphore, #tpu.memory_space<semaphore_mem>>)
    %eq3A_271 = arith.constant 8 : i32
    %eq3A_272 = vector.broadcast %eq3A_271 : i32 to vector<16xi32>
    %eq3A_273 = arith.cmpi eq, %iota3A, %eq3A_272 : vector<16xi32>
    %jit3A_274 = arith.constant 0 : i32
    %broadcast_in_dim3A_275 = vector.broadcast %jit3A_274 : i32 to vector<16xi32>
    %select_n3A_276 = arith.select %eq3A_273, %get3A_43, %broadcast_in_dim3A_275 : vector<16xi1>, vector<16xi32>
    %reduce_max3A_277 = arith.constant true
    %reduce_max3A_278 = vector.broadcast %reduce_max3A_277 : i1 to vector<16xi1>
    %reduce_max3A_279 = arith.constant -2147483648 : i32
    %reduce_max3A_280 = vector.broadcast %reduce_max3A_279 : i32 to vector<16xi32>
    %reduce_max3A_281 = arith.xori %select_n3A_276, %reduce_max3A_280 : vector<16xi32>
    %reduce_max3A_282 = tpu.scan <max>, %reduce_max3A_281 masked %reduce_max3A_278 : vector<16xi32>, vector<16xi1> -> vector<16xi32>
    %reduce_max3A_283 = arith.xori %reduce_max3A_282, %reduce_max3A_280 : vector<16xi32>
    %reduce_max3A_284 = vector.extract %reduce_max3A_283[15] : i32 from vector<16xi32>
    %shift_right_arithmetic3A_285 = arith.constant 7 : i32
    %shift_right_arithmetic3A_286 = arith.shrsi %reduce_max3A_284, %shift_right_arithmetic3A_285 : i32
    %mul3A_287 = arith.constant 128 : i32
    %mul3A_288 = arith.muli %shift_right_arithmetic3A_286, %mul3A_287 : i32
    %multiple_of3A_289 = tpu.assume_multiple %mul3A_288, 128 : i32
    %dma_start3A_290 = arith.constant 64 : i32
    %dma_start3A_291 = arith.constant 0 : i32
    %dma_start3A_292 = tpu.memref_slice %arg6[%and3A_37, %dma_start3A_290, %dma_start3A_291] : memref<2x256x128xf32, #tpu.memory_space<vmem>> -> memref<1x8x128xf32, #tpu.memory_space<vmem>>
    %dma_start3A_293 = tpu.memref_squeeze %dma_start3A_292 : memref<1x8x128xf32, #tpu.memory_space<vmem>> -> memref<8x128xf32, #tpu.memory_space<vmem>>
    %dma_start3A_294 = tpu.memref_slice %arg3[%mul3A_32, %multiple_of3A_289] : memref<64x1000000xf32, #tpu.memory_space<hbm>> -> memref<8x128xf32, #tpu.memory_space<hbm>>
    %dma_start3A_295 = arith.constant 64 : i32
    %dma_start3A_296 = arith.constant 0 : i32
    %dma_start3A_297 = tpu.memref_slice %arg6[%and3A_37, %dma_start3A_295, %dma_start3A_296] : memref<2x256x128xf32, #tpu.memory_space<vmem>> -> memref<1x8x128xf32, #tpu.memory_space<vmem>>
    %dma_start3A_298 = tpu.memref_squeeze %dma_start3A_297 : memref<1x8x128xf32, #tpu.memory_space<vmem>> -> memref<8x128xf32, #tpu.memory_space<vmem>>
    %dma_start3A_299 = tpu.memref_slice %arg3[%mul3A_32, %multiple_of3A_289] : memref<64x1000000xf32, #tpu.memory_space<hbm>> -> memref<8x128xf32, #tpu.memory_space<hbm>>
    tpu.enqueue_dma source(%dma_start3A_299 : memref<8x128xf32, #tpu.memory_space<hbm>>) target(%dma_start3A_298 : memref<8x128xf32, #tpu.memory_space<vmem>>) target_semaphore(%arg15 : memref<!tpu.dma_semaphore, #tpu.memory_space<semaphore_mem>>)
    %eq3A_300 = arith.constant 9 : i32
    %eq3A_301 = vector.broadcast %eq3A_300 : i32 to vector<16xi32>
    %eq3A_302 = arith.cmpi eq, %iota3A, %eq3A_301 : vector<16xi32>
    %jit3A_303 = arith.constant 0 : i32
    %broadcast_in_dim3A_304 = vector.broadcast %jit3A_303 : i32 to vector<16xi32>
    %select_n3A_305 = arith.select %eq3A_302, %get3A_43, %broadcast_in_dim3A_304 : vector<16xi1>, vector<16xi32>
    %reduce_max3A_306 = arith.constant true
    %reduce_max3A_307 = vector.broadcast %reduce_max3A_306 : i1 to vector<16xi1>
    %reduce_max3A_308 = arith.constant -2147483648 : i32
    %reduce_max3A_309 = vector.broadcast %reduce_max3A_308 : i32 to vector<16xi32>
    %reduce_max3A_310 = arith.xori %select_n3A_305, %reduce_max3A_309 : vector<16xi32>
    %reduce_max3A_311 = tpu.scan <max>, %reduce_max3A_310 masked %reduce_max3A_307 : vector<16xi32>, vector<16xi1> -> vector<16xi32>
    %reduce_max3A_312 = arith.xori %reduce_max3A_311, %reduce_max3A_309 : vector<16xi32>
    %reduce_max3A_313 = vector.extract %reduce_max3A_312[15] : i32 from vector<16xi32>
    %shift_right_arithmetic3A_314 = arith.constant 7 : i32
    %shift_right_arithmetic3A_315 = arith.shrsi %reduce_max3A_313, %shift_right_arithmetic3A_314 : i32
    %mul3A_316 = arith.constant 128 : i32
    %mul3A_317 = arith.muli %shift_right_arithmetic3A_315, %mul3A_316 : i32
    %multiple_of3A_318 = tpu.assume_multiple %mul3A_317, 128 : i32
    %dma_start3A_319 = arith.constant 72 : i32
    %dma_start3A_320 = arith.constant 0 : i32
    %dma_start3A_321 = tpu.memref_slice %arg6[%and3A_37, %dma_start3A_319, %dma_start3A_320] : memref<2x256x128xf32, #tpu.memory_space<vmem>> -> memref<1x8x128xf32, #tpu.memory_space<vmem>>
    %dma_start3A_322 = tpu.memref_squeeze %dma_start3A_321 : memref<1x8x128xf32, #tpu.memory_space<vmem>> -> memref<8x128xf32, #tpu.memory_space<vmem>>
    %dma_start3A_323 = tpu.memref_slice %arg3[%mul3A_32, %multiple_of3A_318] : memref<64x1000000xf32, #tpu.memory_space<hbm>> -> memref<8x128xf32, #tpu.memory_space<hbm>>
    %dma_start3A_324 = arith.constant 72 : i32
    %dma_start3A_325 = arith.constant 0 : i32
    %dma_start3A_326 = tpu.memref_slice %arg6[%and3A_37, %dma_start3A_324, %dma_start3A_325] : memref<2x256x128xf32, #tpu.memory_space<vmem>> -> memref<1x8x128xf32, #tpu.memory_space<vmem>>
    %dma_start3A_327 = tpu.memref_squeeze %dma_start3A_326 : memref<1x8x128xf32, #tpu.memory_space<vmem>> -> memref<8x128xf32, #tpu.memory_space<vmem>>
    %dma_start3A_328 = tpu.memref_slice %arg3[%mul3A_32, %multiple_of3A_318] : memref<64x1000000xf32, #tpu.memory_space<hbm>> -> memref<8x128xf32, #tpu.memory_space<hbm>>
    tpu.enqueue_dma source(%dma_start3A_328 : memref<8x128xf32, #tpu.memory_space<hbm>>) target(%dma_start3A_327 : memref<8x128xf32, #tpu.memory_space<vmem>>) target_semaphore(%arg15 : memref<!tpu.dma_semaphore, #tpu.memory_space<semaphore_mem>>)
    %eq3A_329 = arith.constant 10 : i32
    %eq3A_330 = vector.broadcast %eq3A_329 : i32 to vector<16xi32>
    %eq3A_331 = arith.cmpi eq, %iota3A, %eq3A_330 : vector<16xi32>
    %jit3A_332 = arith.constant 0 : i32
    %broadcast_in_dim3A_333 = vector.broadcast %jit3A_332 : i32 to vector<16xi32>
    %select_n3A_334 = arith.select %eq3A_331, %get3A_43, %broadcast_in_dim3A_333 : vector<16xi1>, vector<16xi32>
    %reduce_max3A_335 = arith.constant true
    %reduce_max3A_336 = vector.broadcast %reduce_max3A_335 : i1 to vector<16xi1>
    %reduce_max3A_337 = arith.constant -2147483648 : i32
    %reduce_max3A_338 = vector.broadcast %reduce_max3A_337 : i32 to vector<16xi32>
    %reduce_max3A_339 = arith.xori %select_n3A_334, %reduce_max3A_338 : vector<16xi32>
    %reduce_max3A_340 = tpu.scan <max>, %reduce_max3A_339 masked %reduce_max3A_336 : vector<16xi32>, vector<16xi1> -> vector<16xi32>
    %reduce_max3A_341 = arith.xori %reduce_max3A_340, %reduce_max3A_338 : vector<16xi32>
    %reduce_max3A_342 = vector.extract %reduce_max3A_341[15] : i32 from vector<16xi32>
    %shift_right_arithmetic3A_343 = arith.constant 7 : i32
    %shift_right_arithmetic3A_344 = arith.shrsi %reduce_max3A_342, %shift_right_arithmetic3A_343 : i32
    %mul3A_345 = arith.constant 128 : i32
    %mul3A_346 = arith.muli %shift_right_arithmetic3A_344, %mul3A_345 : i32
    %multiple_of3A_347 = tpu.assume_multiple %mul3A_346, 128 : i32
    %dma_start3A_348 = arith.constant 80 : i32
    %dma_start3A_349 = arith.constant 0 : i32
    %dma_start3A_350 = tpu.memref_slice %arg6[%and3A_37, %dma_start3A_348, %dma_start3A_349] : memref<2x256x128xf32, #tpu.memory_space<vmem>> -> memref<1x8x128xf32, #tpu.memory_space<vmem>>
    %dma_start3A_351 = tpu.memref_squeeze %dma_start3A_350 : memref<1x8x128xf32, #tpu.memory_space<vmem>> -> memref<8x128xf32, #tpu.memory_space<vmem>>
    %dma_start3A_352 = tpu.memref_slice %arg3[%mul3A_32, %multiple_of3A_347] : memref<64x1000000xf32, #tpu.memory_space<hbm>> -> memref<8x128xf32, #tpu.memory_space<hbm>>
    %dma_start3A_353 = arith.constant 80 : i32
    %dma_start3A_354 = arith.constant 0 : i32
    %dma_start3A_355 = tpu.memref_slice %arg6[%and3A_37, %dma_start3A_353, %dma_start3A_354] : memref<2x256x128xf32, #tpu.memory_space<vmem>> -> memref<1x8x128xf32, #tpu.memory_space<vmem>>
    %dma_start3A_356 = tpu.memref_squeeze %dma_start3A_355 : memref<1x8x128xf32, #tpu.memory_space<vmem>> -> memref<8x128xf32, #tpu.memory_space<vmem>>
    %dma_start3A_357 = tpu.memref_slice %arg3[%mul3A_32, %multiple_of3A_347] : memref<64x1000000xf32, #tpu.memory_space<hbm>> -> memref<8x128xf32, #tpu.memory_space<hbm>>
    tpu.enqueue_dma source(%dma_start3A_357 : memref<8x128xf32, #tpu.memory_space<hbm>>) target(%dma_start3A_356 : memref<8x128xf32, #tpu.memory_space<vmem>>) target_semaphore(%arg15 : memref<!tpu.dma_semaphore, #tpu.memory_space<semaphore_mem>>)
    %eq3A_358 = arith.constant 11 : i32
    %eq3A_359 = vector.broadcast %eq3A_358 : i32 to vector<16xi32>
    %eq3A_360 = arith.cmpi eq, %iota3A, %eq3A_359 : vector<16xi32>
    %jit3A_361 = arith.constant 0 : i32
    %broadcast_in_dim3A_362 = vector.broadcast %jit3A_361 : i32 to vector<16xi32>
    %select_n3A_363 = arith.select %eq3A_360, %get3A_43, %broadcast_in_dim3A_362 : vector<16xi1>, vector<16xi32>
    %reduce_max3A_364 = arith.constant true
    %reduce_max3A_365 = vector.broadcast %reduce_max3A_364 : i1 to vector<16xi1>
    %reduce_max3A_366 = arith.constant -2147483648 : i32
    %reduce_max3A_367 = vector.broadcast %reduce_max3A_366 : i32 to vector<16xi32>
    %reduce_max3A_368 = arith.xori %select_n3A_363, %reduce_max3A_367 : vector<16xi32>
    %reduce_max3A_369 = tpu.scan <max>, %reduce_max3A_368 masked %reduce_max3A_365 : vector<16xi32>, vector<16xi1> -> vector<16xi32>
    %reduce_max3A_370 = arith.xori %reduce_max3A_369, %reduce_max3A_367 : vector<16xi32>
    %reduce_max3A_371 = vector.extract %reduce_max3A_370[15] : i32 from vector<16xi32>
    %shift_right_arithmetic3A_372 = arith.constant 7 : i32
    %shift_right_arithmetic3A_373 = arith.shrsi %reduce_max3A_371, %shift_right_arithmetic3A_372 : i32
    %mul3A_374 = arith.constant 128 : i32
    %mul3A_375 = arith.muli %shift_right_arithmetic3A_373, %mul3A_374 : i32
    %multiple_of3A_376 = tpu.assume_multiple %mul3A_375, 128 : i32
    %dma_start3A_377 = arith.constant 88 : i32
    %dma_start3A_378 = arith.constant 0 : i32
    %dma_start3A_379 = tpu.memref_slice %arg6[%and3A_37, %dma_start3A_377, %dma_start3A_378] : memref<2x256x128xf32, #tpu.memory_space<vmem>> -> memref<1x8x128xf32, #tpu.memory_space<vmem>>
    %dma_start3A_380 = tpu.memref_squeeze %dma_start3A_379 : memref<1x8x128xf32, #tpu.memory_space<vmem>> -> memref<8x128xf32, #tpu.memory_space<vmem>>
    %dma_start3A_381 = tpu.memref_slice %arg3[%mul3A_32, %multiple_of3A_376] : memref<64x1000000xf32, #tpu.memory_space<hbm>> -> memref<8x128xf32, #tpu.memory_space<hbm>>
    %dma_start3A_382 = arith.constant 88 : i32
    %dma_start3A_383 = arith.constant 0 : i32
    %dma_start3A_384 = tpu.memref_slice %arg6[%and3A_37, %dma_start3A_382, %dma_start3A_383] : memref<2x256x128xf32, #tpu.memory_space<vmem>> -> memref<1x8x128xf32, #tpu.memory_space<vmem>>
    %dma_start3A_385 = tpu.memref_squeeze %dma_start3A_384 : memref<1x8x128xf32, #tpu.memory_space<vmem>> -> memref<8x128xf32, #tpu.memory_space<vmem>>
    %dma_start3A_386 = tpu.memref_slice %arg3[%mul3A_32, %multiple_of3A_376] : memref<64x1000000xf32, #tpu.memory_space<hbm>> -> memref<8x128xf32, #tpu.memory_space<hbm>>
    tpu.enqueue_dma source(%dma_start3A_386 : memref<8x128xf32, #tpu.memory_space<hbm>>) target(%dma_start3A_385 : memref<8x128xf32, #tpu.memory_space<vmem>>) target_semaphore(%arg15 : memref<!tpu.dma_semaphore, #tpu.memory_space<semaphore_mem>>)
    %eq3A_387 = arith.constant 12 : i32
    %eq3A_388 = vector.broadcast %eq3A_387 : i32 to vector<16xi32>
    %eq3A_389 = arith.cmpi eq, %iota3A, %eq3A_388 : vector<16xi32>
    %jit3A_390 = arith.constant 0 : i32
    %broadcast_in_dim3A_391 = vector.broadcast %jit3A_390 : i32 to vector<16xi32>
    %select_n3A_392 = arith.select %eq3A_389, %get3A_43, %broadcast_in_dim3A_391 : vector<16xi1>, vector<16xi32>
    %reduce_max3A_393 = arith.constant true
    %reduce_max3A_394 = vector.broadcast %reduce_max3A_393 : i1 to vector<16xi1>
    %reduce_max3A_395 = arith.constant -2147483648 : i32
    %reduce_max3A_396 = vector.broadcast %reduce_max3A_395 : i32 to vector<16xi32>
    %reduce_max3A_397 = arith.xori %select_n3A_392, %reduce_max3A_396 : vector<16xi32>
    %reduce_max3A_398 = tpu.scan <max>, %reduce_max3A_397 masked %reduce_max3A_394 : vector<16xi32>, vector<16xi1> -> vector<16xi32>
    %reduce_max3A_399 = arith.xori %reduce_max3A_398, %reduce_max3A_396 : vector<16xi32>
    %reduce_max3A_400 = vector.extract %reduce_max3A_399[15] : i32 from vector<16xi32>
    %shift_right_arithmetic3A_401 = arith.constant 7 : i32
    %shift_right_arithmetic3A_402 = arith.shrsi %reduce_max3A_400, %shift_right_arithmetic3A_401 : i32
    %mul3A_403 = arith.constant 128 : i32
    %mul3A_404 = arith.muli %shift_right_arithmetic3A_402, %mul3A_403 : i32
    %multiple_of3A_405 = tpu.assume_multiple %mul3A_404, 128 : i32
    %dma_start3A_406 = arith.constant 96 : i32
    %dma_start3A_407 = arith.constant 0 : i32
    %dma_start3A_408 = tpu.memref_slice %arg6[%and3A_37, %dma_start3A_406, %dma_start3A_407] : memref<2x256x128xf32, #tpu.memory_space<vmem>> -> memref<1x8x128xf32, #tpu.memory_space<vmem>>
    %dma_start3A_409 = tpu.memref_squeeze %dma_start3A_408 : memref<1x8x128xf32, #tpu.memory_space<vmem>> -> memref<8x128xf32, #tpu.memory_space<vmem>>
    %dma_start3A_410 = tpu.memref_slice %arg3[%mul3A_32, %multiple_of3A_405] : memref<64x1000000xf32, #tpu.memory_space<hbm>> -> memref<8x128xf32, #tpu.memory_space<hbm>>
    %dma_start3A_411 = arith.constant 96 : i32
    %dma_start3A_412 = arith.constant 0 : i32
    %dma_start3A_413 = tpu.memref_slice %arg6[%and3A_37, %dma_start3A_411, %dma_start3A_412] : memref<2x256x128xf32, #tpu.memory_space<vmem>> -> memref<1x8x128xf32, #tpu.memory_space<vmem>>
    %dma_start3A_414 = tpu.memref_squeeze %dma_start3A_413 : memref<1x8x128xf32, #tpu.memory_space<vmem>> -> memref<8x128xf32, #tpu.memory_space<vmem>>
    %dma_start3A_415 = tpu.memref_slice %arg3[%mul3A_32, %multiple_of3A_405] : memref<64x1000000xf32, #tpu.memory_space<hbm>> -> memref<8x128xf32, #tpu.memory_space<hbm>>
    tpu.enqueue_dma source(%dma_start3A_415 : memref<8x128xf32, #tpu.memory_space<hbm>>) target(%dma_start3A_414 : memref<8x128xf32, #tpu.memory_space<vmem>>) target_semaphore(%arg15 : memref<!tpu.dma_semaphore, #tpu.memory_space<semaphore_mem>>)
    %eq3A_416 = arith.constant 13 : i32
    %eq3A_417 = vector.broadcast %eq3A_416 : i32 to vector<16xi32>
    %eq3A_418 = arith.cmpi eq, %iota3A, %eq3A_417 : vector<16xi32>
    %jit3A_419 = arith.constant 0 : i32
    %broadcast_in_dim3A_420 = vector.broadcast %jit3A_419 : i32 to vector<16xi32>
    %select_n3A_421 = arith.select %eq3A_418, %get3A_43, %broadcast_in_dim3A_420 : vector<16xi1>, vector<16xi32>
    %reduce_max3A_422 = arith.constant true
    %reduce_max3A_423 = vector.broadcast %reduce_max3A_422 : i1 to vector<16xi1>
    %reduce_max3A_424 = arith.constant -2147483648 : i32
    %reduce_max3A_425 = vector.broadcast %reduce_max3A_424 : i32 to vector<16xi32>
    %reduce_max3A_426 = arith.xori %select_n3A_421, %reduce_max3A_425 : vector<16xi32>
    %reduce_max3A_427 = tpu.scan <max>, %reduce_max3A_426 masked %reduce_max3A_423 : vector<16xi32>, vector<16xi1> -> vector<16xi32>
    %reduce_max3A_428 = arith.xori %reduce_max3A_427, %reduce_max3A_425 : vector<16xi32>
    %reduce_max3A_429 = vector.extract %reduce_max3A_428[15] : i32 from vector<16xi32>
    %shift_right_arithmetic3A_430 = arith.constant 7 : i32
    %shift_right_arithmetic3A_431 = arith.shrsi %reduce_max3A_429, %shift_right_arithmetic3A_430 : i32
    %mul3A_432 = arith.constant 128 : i32
    %mul3A_433 = arith.muli %shift_right_arithmetic3A_431, %mul3A_432 : i32
    %multiple_of3A_434 = tpu.assume_multiple %mul3A_433, 128 : i32
    %dma_start3A_435 = arith.constant 104 : i32
    %dma_start3A_436 = arith.constant 0 : i32
    %dma_start3A_437 = tpu.memref_slice %arg6[%and3A_37, %dma_start3A_435, %dma_start3A_436] : memref<2x256x128xf32, #tpu.memory_space<vmem>> -> memref<1x8x128xf32, #tpu.memory_space<vmem>>
    %dma_start3A_438 = tpu.memref_squeeze %dma_start3A_437 : memref<1x8x128xf32, #tpu.memory_space<vmem>> -> memref<8x128xf32, #tpu.memory_space<vmem>>
    %dma_start3A_439 = tpu.memref_slice %arg3[%mul3A_32, %multiple_of3A_434] : memref<64x1000000xf32, #tpu.memory_space<hbm>> -> memref<8x128xf32, #tpu.memory_space<hbm>>
    %dma_start3A_440 = arith.constant 104 : i32
    %dma_start3A_441 = arith.constant 0 : i32
    %dma_start3A_442 = tpu.memref_slice %arg6[%and3A_37, %dma_start3A_440, %dma_start3A_441] : memref<2x256x128xf32, #tpu.memory_space<vmem>> -> memref<1x8x128xf32, #tpu.memory_space<vmem>>
    %dma_start3A_443 = tpu.memref_squeeze %dma_start3A_442 : memref<1x8x128xf32, #tpu.memory_space<vmem>> -> memref<8x128xf32, #tpu.memory_space<vmem>>
    %dma_start3A_444 = tpu.memref_slice %arg3[%mul3A_32, %multiple_of3A_434] : memref<64x1000000xf32, #tpu.memory_space<hbm>> -> memref<8x128xf32, #tpu.memory_space<hbm>>
    tpu.enqueue_dma source(%dma_start3A_444 : memref<8x128xf32, #tpu.memory_space<hbm>>) target(%dma_start3A_443 : memref<8x128xf32, #tpu.memory_space<vmem>>) target_semaphore(%arg15 : memref<!tpu.dma_semaphore, #tpu.memory_space<semaphore_mem>>)
    %eq3A_445 = arith.constant 14 : i32
    %eq3A_446 = vector.broadcast %eq3A_445 : i32 to vector<16xi32>
    %eq3A_447 = arith.cmpi eq, %iota3A, %eq3A_446 : vector<16xi32>
    %jit3A_448 = arith.constant 0 : i32
    %broadcast_in_dim3A_449 = vector.broadcast %jit3A_448 : i32 to vector<16xi32>
    %select_n3A_450 = arith.select %eq3A_447, %get3A_43, %broadcast_in_dim3A_449 : vector<16xi1>, vector<16xi32>
    %reduce_max3A_451 = arith.constant true
    %reduce_max3A_452 = vector.broadcast %reduce_max3A_451 : i1 to vector<16xi1>
    %reduce_max3A_453 = arith.constant -2147483648 : i32
    %reduce_max3A_454 = vector.broadcast %reduce_max3A_453 : i32 to vector<16xi32>
    %reduce_max3A_455 = arith.xori %select_n3A_450, %reduce_max3A_454 : vector<16xi32>
    %reduce_max3A_456 = tpu.scan <max>, %reduce_max3A_455 masked %reduce_max3A_452 : vector<16xi32>, vector<16xi1> -> vector<16xi32>
    %reduce_max3A_457 = arith.xori %reduce_max3A_456, %reduce_max3A_454 : vector<16xi32>
    %reduce_max3A_458 = vector.extract %reduce_max3A_457[15] : i32 from vector<16xi32>
    %shift_right_arithmetic3A_459 = arith.constant 7 : i32
    %shift_right_arithmetic3A_460 = arith.shrsi %reduce_max3A_458, %shift_right_arithmetic3A_459 : i32
    %mul3A_461 = arith.constant 128 : i32
    %mul3A_462 = arith.muli %shift_right_arithmetic3A_460, %mul3A_461 : i32
    %multiple_of3A_463 = tpu.assume_multiple %mul3A_462, 128 : i32
    %dma_start3A_464 = arith.constant 112 : i32
    %dma_start3A_465 = arith.constant 0 : i32
    %dma_start3A_466 = tpu.memref_slice %arg6[%and3A_37, %dma_start3A_464, %dma_start3A_465] : memref<2x256x128xf32, #tpu.memory_space<vmem>> -> memref<1x8x128xf32, #tpu.memory_space<vmem>>
    %dma_start3A_467 = tpu.memref_squeeze %dma_start3A_466 : memref<1x8x128xf32, #tpu.memory_space<vmem>> -> memref<8x128xf32, #tpu.memory_space<vmem>>
    %dma_start3A_468 = tpu.memref_slice %arg3[%mul3A_32, %multiple_of3A_463] : memref<64x1000000xf32, #tpu.memory_space<hbm>> -> memref<8x128xf32, #tpu.memory_space<hbm>>
    %dma_start3A_469 = arith.constant 112 : i32
    %dma_start3A_470 = arith.constant 0 : i32
    %dma_start3A_471 = tpu.memref_slice %arg6[%and3A_37, %dma_start3A_469, %dma_start3A_470] : memref<2x256x128xf32, #tpu.memory_space<vmem>> -> memref<1x8x128xf32, #tpu.memory_space<vmem>>
    %dma_start3A_472 = tpu.memref_squeeze %dma_start3A_471 : memref<1x8x128xf32, #tpu.memory_space<vmem>> -> memref<8x128xf32, #tpu.memory_space<vmem>>
    %dma_start3A_473 = tpu.memref_slice %arg3[%mul3A_32, %multiple_of3A_463] : memref<64x1000000xf32, #tpu.memory_space<hbm>> -> memref<8x128xf32, #tpu.memory_space<hbm>>
    tpu.enqueue_dma source(%dma_start3A_473 : memref<8x128xf32, #tpu.memory_space<hbm>>) target(%dma_start3A_472 : memref<8x128xf32, #tpu.memory_space<vmem>>) target_semaphore(%arg15 : memref<!tpu.dma_semaphore, #tpu.memory_space<semaphore_mem>>)
    %eq3A_474 = arith.constant 15 : i32
    %eq3A_475 = vector.broadcast %eq3A_474 : i32 to vector<16xi32>
    %eq3A_476 = arith.cmpi eq, %iota3A, %eq3A_475 : vector<16xi32>
    %jit3A_477 = arith.constant 0 : i32
    %broadcast_in_dim3A_478 = vector.broadcast %jit3A_477 : i32 to vector<16xi32>
    %select_n3A_479 = arith.select %eq3A_476, %get3A_43, %broadcast_in_dim3A_478 : vector<16xi1>, vector<16xi32>
    %reduce_max3A_480 = arith.constant true
    %reduce_max3A_481 = vector.broadcast %reduce_max3A_480 : i1 to vector<16xi1>
    %reduce_max3A_482 = arith.constant -2147483648 : i32
    %reduce_max3A_483 = vector.broadcast %reduce_max3A_482 : i32 to vector<16xi32>
    %reduce_max3A_484 = arith.xori %select_n3A_479, %reduce_max3A_483 : vector<16xi32>
    %reduce_max3A_485 = tpu.scan <max>, %reduce_max3A_484 masked %reduce_max3A_481 : vector<16xi32>, vector<16xi1> -> vector<16xi32>
    %reduce_max3A_486 = arith.xori %reduce_max3A_485, %reduce_max3A_483 : vector<16xi32>
    %reduce_max3A_487 = vector.extract %reduce_max3A_486[15] : i32 from vector<16xi32>
    %shift_right_arithmetic3A_488 = arith.constant 7 : i32
    %shift_right_arithmetic3A_489 = arith.shrsi %reduce_max3A_487, %shift_right_arithmetic3A_488 : i32
    %mul3A_490 = arith.constant 128 : i32
    %mul3A_491 = arith.muli %shift_right_arithmetic3A_489, %mul3A_490 : i32
    %multiple_of3A_492 = tpu.assume_multiple %mul3A_491, 128 : i32
    %dma_start3A_493 = arith.constant 120 : i32
    %dma_start3A_494 = arith.constant 0 : i32
    %dma_start3A_495 = tpu.memref_slice %arg6[%and3A_37, %dma_start3A_493, %dma_start3A_494] : memref<2x256x128xf32, #tpu.memory_space<vmem>> -> memref<1x8x128xf32, #tpu.memory_space<vmem>>
    %dma_start3A_496 = tpu.memref_squeeze %dma_start3A_495 : memref<1x8x128xf32, #tpu.memory_space<vmem>> -> memref<8x128xf32, #tpu.memory_space<vmem>>
    %dma_start3A_497 = tpu.memref_slice %arg3[%mul3A_32, %multiple_of3A_492] : memref<64x1000000xf32, #tpu.memory_space<hbm>> -> memref<8x128xf32, #tpu.memory_space<hbm>>
    %dma_start3A_498 = arith.constant 120 : i32
    %dma_start3A_499 = arith.constant 0 : i32
    %dma_start3A_500 = tpu.memref_slice %arg6[%and3A_37, %dma_start3A_498, %dma_start3A_499] : memref<2x256x128xf32, #tpu.memory_space<vmem>> -> memref<1x8x128xf32, #tpu.memory_space<vmem>>
    %dma_start3A_501 = tpu.memref_squeeze %dma_start3A_500 : memref<1x8x128xf32, #tpu.memory_space<vmem>> -> memref<8x128xf32, #tpu.memory_space<vmem>>
    %dma_start3A_502 = tpu.memref_slice %arg3[%mul3A_32, %multiple_of3A_492] : memref<64x1000000xf32, #tpu.memory_space<hbm>> -> memref<8x128xf32, #tpu.memory_space<hbm>>
    tpu.enqueue_dma source(%dma_start3A_502 : memref<8x128xf32, #tpu.memory_space<hbm>>) target(%dma_start3A_501 : memref<8x128xf32, #tpu.memory_space<vmem>>) target_semaphore(%arg15 : memref<!tpu.dma_semaphore, #tpu.memory_space<semaphore_mem>>)
    %mul3A_503 = arith.constant 0 : i32
    %mul3A_504 = arith.constant 32 : i32
    %mul3A_505 = arith.muli %mul3A_503, %mul3A_504 : i32
    %add3A_506 = arith.constant 16 : i32
    %add3A_507 = arith.addi %mul3A_505, %add3A_506 : i32
    %get3A_508 = arith.index_cast %add3A_507 : i32 to index
    %get3A_509 = tpu.vector_load %arg5[%get3A_508] {strides = array<i32>} : memref<4096xi32, #tpu.memory_space<vmem>>, vector<16xi32>,
    %eq3A_510 = arith.constant 0 : i32
    %eq3A_511 = vector.broadcast %eq3A_510 : i32 to vector<16xi32>
    %eq3A_512 = arith.cmpi eq, %iota3A, %eq3A_511 : vector<16xi32>
    %jit3A_513 = arith.constant 0 : i32
    %broadcast_in_dim3A_514 = vector.broadcast %jit3A_513 : i32 to vector<16xi32>
    %select_n3A_515 = arith.select %eq3A_512, %get3A_509, %broadcast_in_dim3A_514 : vector<16xi1>, vector<16xi32>
    %reduce_max3A_516 = arith.constant true
    %reduce_max3A_517 = vector.broadcast %reduce_max3A_516 : i1 to vector<16xi1>
    %reduce_max3A_518 = arith.constant -2147483648 : i32
    %reduce_max3A_519 = vector.broadcast %reduce_max3A_518 : i32 to vector<16xi32>
    %reduce_max3A_520 = arith.xori %select_n3A_515, %reduce_max3A_519 : vector<16xi32>
    %reduce_max3A_521 = tpu.scan <max>, %reduce_max3A_520 masked %reduce_max3A_517 : vector<16xi32>, vector<16xi1> -> vector<16xi32>
    %reduce_max3A_522 = arith.xori %reduce_max3A_521, %reduce_max3A_519 : vector<16xi32>
    %reduce_max3A_523 = vector.extract %reduce_max3A_522[15] : i32 from vector<16xi32>
    %shift_right_arithmetic3A_524 = arith.constant 7 : i32
    %shift_right_arithmetic3A_525 = arith.shrsi %reduce_max3A_523, %shift_right_arithmetic3A_524 : i32
    %mul3A_526 = arith.constant 128 : i32
    %mul3A_527 = arith.muli %shift_right_arithmetic3A_525, %mul3A_526 : i32
    %multiple_of3A_528 = tpu.assume_multiple %mul3A_527, 128 : i32
    %dma_start3A_529 = arith.constant 128 : i32
    %dma_start3A_530 = arith.constant 0 : i32
    %dma_start3A_531 = tpu.memref_slice %arg6[%and3A_37, %dma_start3A_529, %dma_start3A_530] : memref<2x256x128xf32, #tpu.memory_space<vmem>> -> memref<1x8x128xf32, #tpu.memory_space<vmem>>
    %dma_start3A_532 = tpu.memref_squeeze %dma_start3A_531 : memref<1x8x128xf32, #tpu.memory_space<vmem>> -> memref<8x128xf32, #tpu.memory_space<vmem>>
    %dma_start3A_533 = tpu.memref_slice %arg3[%mul3A_32, %multiple_of3A_528] : memref<64x1000000xf32, #tpu.memory_space<hbm>> -> memref<8x128xf32, #tpu.memory_space<hbm>>
    %dma_start3A_534 = arith.constant 128 : i32
    %dma_start3A_535 = arith.constant 0 : i32
    %dma_start3A_536 = tpu.memref_slice %arg6[%and3A_37, %dma_start3A_534, %dma_start3A_535] : memref<2x256x128xf32, #tpu.memory_space<vmem>> -> memref<1x8x128xf32, #tpu.memory_space<vmem>>
    %dma_start3A_537 = tpu.memref_squeeze %dma_start3A_536 : memref<1x8x128xf32, #tpu.memory_space<vmem>> -> memref<8x128xf32, #tpu.memory_space<vmem>>
    %dma_start3A_538 = tpu.memref_slice %arg3[%mul3A_32, %multiple_of3A_528] : memref<64x1000000xf32, #tpu.memory_space<hbm>> -> memref<8x128xf32, #tpu.memory_space<hbm>>
    tpu.enqueue_dma source(%dma_start3A_538 : memref<8x128xf32, #tpu.memory_space<hbm>>) target(%dma_start3A_537 : memref<8x128xf32, #tpu.memory_space<vmem>>) target_semaphore(%arg15 : memref<!tpu.dma_semaphore, #tpu.memory_space<semaphore_mem>>)
    %eq3A_539 = arith.constant 1 : i32
    %eq3A_540 = vector.broadcast %eq3A_539 : i32 to vector<16xi32>
    %eq3A_541 = arith.cmpi eq, %iota3A, %eq3A_540 : vector<16xi32>
    %jit3A_542 = arith.constant 0 : i32
    %broadcast_in_dim3A_543 = vector.broadcast %jit3A_542 : i32 to vector<16xi32>
    %select_n3A_544 = arith.select %eq3A_541, %get3A_509, %broadcast_in_dim3A_543 : vector<16xi1>, vector<16xi32>
    %reduce_max3A_545 = arith.constant true
    %reduce_max3A_546 = vector.broadcast %reduce_max3A_545 : i1 to vector<16xi1>
    %reduce_max3A_547 = arith.constant -2147483648 : i32
    %reduce_max3A_548 = vector.broadcast %reduce_max3A_547 : i32 to vector<16xi32>
    %reduce_max3A_549 = arith.xori %select_n3A_544, %reduce_max3A_548 : vector<16xi32>
    %reduce_max3A_550 = tpu.scan <max>, %reduce_max3A_549 masked %reduce_max3A_546 : vector<16xi32>, vector<16xi1> -> vector<16xi32>
    %reduce_max3A_551 = arith.xori %reduce_max3A_550, %reduce_max3A_548 : vector<16xi32>
    %reduce_max3A_552 = vector.extract %reduce_max3A_551[15] : i32 from vector<16xi32>
    %shift_right_arithmetic3A_553 = arith.constant 7 : i32
    %shift_right_arithmetic3A_554 = arith.shrsi %reduce_max3A_552, %shift_right_arithmetic3A_553 : i32
    %mul3A_555 = arith.constant 128 : i32
    %mul3A_556 = arith.muli %shift_right_arithmetic3A_554, %mul3A_555 : i32
    %multiple_of3A_557 = tpu.assume_multiple %mul3A_556, 128 : i32
    %dma_start3A_558 = arith.constant 136 : i32
    %dma_start3A_559 = arith.constant 0 : i32
    %dma_start3A_560 = tpu.memref_slice %arg6[%and3A_37, %dma_start3A_558, %dma_start3A_559] : memref<2x256x128xf32, #tpu.memory_space<vmem>> -> memref<1x8x128xf32, #tpu.memory_space<vmem>>
    %dma_start3A_561 = tpu.memref_squeeze %dma_start3A_560 : memref<1x8x128xf32, #tpu.memory_space<vmem>> -> memref<8x128xf32, #tpu.memory_space<vmem>>
    %dma_start3A_562 = tpu.memref_slice %arg3[%mul3A_32, %multiple_of3A_557] : memref<64x1000000xf32, #tpu.memory_space<hbm>> -> memref<8x128xf32, #tpu.memory_space<hbm>>
    %dma_start3A_563 = arith.constant 136 : i32
    %dma_start3A_564 = arith.constant 0 : i32
    %dma_start3A_565 = tpu.memref_slice %arg6[%and3A_37, %dma_start3A_563, %dma_start3A_564] : memref<2x256x128xf32, #tpu.memory_space<vmem>> -> memref<1x8x128xf32, #tpu.memory_space<vmem>>
    %dma_start3A_566 = tpu.memref_squeeze %dma_start3A_565 : memref<1x8x128xf32, #tpu.memory_space<vmem>> -> memref<8x128xf32, #tpu.memory_space<vmem>>
    %dma_start3A_567 = tpu.memref_slice %arg3[%mul3A_32, %multiple_of3A_557] : memref<64x1000000xf32, #tpu.memory_space<hbm>> -> memref<8x128xf32, #tpu.memory_space<hbm>>
    tpu.enqueue_dma source(%dma_start3A_567 : memref<8x128xf32, #tpu.memory_space<hbm>>) target(%dma_start3A_566 : memref<8x128xf32, #tpu.memory_space<vmem>>) target_semaphore(%arg15 : memref<!tpu.dma_semaphore, #tpu.memory_space<semaphore_mem>>)
    %eq3A_568 = arith.constant 2 : i32
    %eq3A_569 = vector.broadcast %eq3A_568 : i32 to vector<16xi32>
    %eq3A_570 = arith.cmpi eq, %iota3A, %eq3A_569 : vector<16xi32>
    %jit3A_571 = arith.constant 0 : i32
    %broadcast_in_dim3A_572 = vector.broadcast %jit3A_571 : i32 to vector<16xi32>
    %select_n3A_573 = arith.select %eq3A_570, %get3A_509, %broadcast_in_dim3A_572 : vector<16xi1>, vector<16xi32>
    %reduce_max3A_574 = arith.constant true
    %reduce_max3A_575 = vector.broadcast %reduce_max3A_574 : i1 to vector<16xi1>
    %reduce_max3A_576 = arith.constant -2147483648 : i32
    %reduce_max3A_577 = vector.broadcast %reduce_max3A_576 : i32 to vector<16xi32>
    %reduce_max3A_578 = arith.xori %select_n3A_573, %reduce_max3A_577 : vector<16xi32>
    %reduce_max3A_579 = tpu.scan <max>, %reduce_max3A_578 masked %reduce_max3A_575 : vector<16xi32>, vector<16xi1> -> vector<16xi32>
    %reduce_max3A_580 = arith.xori %reduce_max3A_579, %reduce_max3A_577 : vector<16xi32>
    %reduce_max3A_581 = vector.extract %reduce_max3A_580[15] : i32 from vector<16xi32>
    %shift_right_arithmetic3A_582 = arith.constant 7 : i32
    %shift_right_arithmetic3A_583 = arith.shrsi %reduce_max3A_581, %shift_right_arithmetic3A_582 : i32
    %mul3A_584 = arith.constant 128 : i32
    %mul3A_585 = arith.muli %shift_right_arithmetic3A_583, %mul3A_584 : i32
    %multiple_of3A_586 = tpu.assume_multiple %mul3A_585, 128 : i32
    %dma_start3A_587 = arith.constant 144 : i32
    %dma_start3A_588 = arith.constant 0 : i32
    %dma_start3A_589 = tpu.memref_slice %arg6[%and3A_37, %dma_start3A_587, %dma_start3A_588] : memref<2x256x128xf32, #tpu.memory_space<vmem>> -> memref<1x8x128xf32, #tpu.memory_space<vmem>>
    %dma_start3A_590 = tpu.memref_squeeze %dma_start3A_589 : memref<1x8x128xf32, #tpu.memory_space<vmem>> -> memref<8x128xf32, #tpu.memory_space<vmem>>
    %dma_start3A_591 = tpu.memref_slice %arg3[%mul3A_32, %multiple_of3A_586] : memref<64x1000000xf32, #tpu.memory_space<hbm>> -> memref<8x128xf32, #tpu.memory_space<hbm>>
    %dma_start3A_592 = arith.constant 144 : i32
    %dma_start3A_593 = arith.constant 0 : i32
    %dma_start3A_594 = tpu.memref_slice %arg6[%and3A_37, %dma_start3A_592, %dma_start3A_593] : memref<2x256x128xf32, #tpu.memory_space<vmem>> -> memref<1x8x128xf32, #tpu.memory_space<vmem>>
    %dma_start3A_595 = tpu.memref_squeeze %dma_start3A_594 : memref<1x8x128xf32, #tpu.memory_space<vmem>> -> memref<8x128xf32, #tpu.memory_space<vmem>>
    %dma_start3A_596 = tpu.memref_slice %arg3[%mul3A_32, %multiple_of3A_586] : memref<64x1000000xf32, #tpu.memory_space<hbm>> -> memref<8x128xf32, #tpu.memory_space<hbm>>
    tpu.enqueue_dma source(%dma_start3A_596 : memref<8x128xf32, #tpu.memory_space<hbm>>) target(%dma_start3A_595 : memref<8x128xf32, #tpu.memory_space<vmem>>) target_semaphore(%arg15 : memref<!tpu.dma_semaphore, #tpu.memory_space<semaphore_mem>>)
    %eq3A_597 = arith.constant 3 : i32
    %eq3A_598 = vector.broadcast %eq3A_597 : i32 to vector<16xi32>
    %eq3A_599 = arith.cmpi eq, %iota3A, %eq3A_598 : vector<16xi32>
    %jit3A_600 = arith.constant 0 : i32
    %broadcast_in_dim3A_601 = vector.broadcast %jit3A_600 : i32 to vector<16xi32>
    %select_n3A_602 = arith.select %eq3A_599, %get3A_509, %broadcast_in_dim3A_601 : vector<16xi1>, vector<16xi32>
    %reduce_max3A_603 = arith.constant true
    %reduce_max3A_604 = vector.broadcast %reduce_max3A_603 : i1 to vector<16xi1>
    %reduce_max3A_605 = arith.constant -2147483648 : i32
    %reduce_max3A_606 = vector.broadcast %reduce_max3A_605 : i32 to vector<16xi32>
    %reduce_max3A_607 = arith.xori %select_n3A_602, %reduce_max3A_606 : vector<16xi32>
    %reduce_max3A_608 = tpu.scan <max>, %reduce_max3A_607 masked %reduce_max3A_604 : vector<16xi32>, vector<16xi1> -> vector<16xi32>
    %reduce_max3A_609 = arith.xori %reduce_max3A_608, %reduce_max3A_606 : vector<16xi32>
    %reduce_max3A_610 = vector.extract %reduce_max3A_609[15] : i32 from vector<16xi32>
    %shift_right_arithmetic3A_611 = arith.constant 7 : i32
    %shift_right_arithmetic3A_612 = arith.shrsi %reduce_max3A_610, %shift_right_arithmetic3A_611 : i32
    %mul3A_613 = arith.constant 128 : i32
    %mul3A_614 = arith.muli %shift_right_arithmetic3A_612, %mul3A_613 : i32
    %multiple_of3A_615 = tpu.assume_multiple %mul3A_614, 128 : i32
    %dma_start3A_616 = arith.constant 152 : i32
    %dma_start3A_617 = arith.constant 0 : i32
    %dma_start3A_618 = tpu.memref_slice %arg6[%and3A_37, %dma_start3A_616, %dma_start3A_617] : memref<2x256x128xf32, #tpu.memory_space<vmem>> -> memref<1x8x128xf32, #tpu.memory_space<vmem>>
    %dma_start3A_619 = tpu.memref_squeeze %dma_start3A_618 : memref<1x8x128xf32, #tpu.memory_space<vmem>> -> memref<8x128xf32, #tpu.memory_space<vmem>>
    %dma_start3A_620 = tpu.memref_slice %arg3[%mul3A_32, %multiple_of3A_615] : memref<64x1000000xf32, #tpu.memory_space<hbm>> -> memref<8x128xf32, #tpu.memory_space<hbm>>
    %dma_start3A_621 = arith.constant 152 : i32
    %dma_start3A_622 = arith.constant 0 : i32
    %dma_start3A_623 = tpu.memref_slice %arg6[%and3A_37, %dma_start3A_621, %dma_start3A_622] : memref<2x256x128xf32, #tpu.memory_space<vmem>> -> memref<1x8x128xf32, #tpu.memory_space<vmem>>
    %dma_start3A_624 = tpu.memref_squeeze %dma_start3A_623 : memref<1x8x128xf32, #tpu.memory_space<vmem>> -> memref<8x128xf32, #tpu.memory_space<vmem>>
    %dma_start3A_625 = tpu.memref_slice %arg3[%mul3A_32, %multiple_of3A_615] : memref<64x1000000xf32, #tpu.memory_space<hbm>> -> memref<8x128xf32, #tpu.memory_space<hbm>>
    tpu.enqueue_dma source(%dma_start3A_625 : memref<8x128xf32, #tpu.memory_space<hbm>>) target(%dma_start3A_624 : memref<8x128xf32, #tpu.memory_space<vmem>>) target_semaphore(%arg15 : memref<!tpu.dma_semaphore, #tpu.memory_space<semaphore_mem>>)
    %eq3A_626 = arith.constant 4 : i32
    %eq3A_627 = vector.broadcast %eq3A_626 : i32 to vector<16xi32>
    %eq3A_628 = arith.cmpi eq, %iota3A, %eq3A_627 : vector<16xi32>
    %jit3A_629 = arith.constant 0 : i32
    %broadcast_in_dim3A_630 = vector.broadcast %jit3A_629 : i32 to vector<16xi32>
    %select_n3A_631 = arith.select %eq3A_628, %get3A_509, %broadcast_in_dim3A_630 : vector<16xi1>, vector<16xi32>
    %reduce_max3A_632 = arith.constant true
    %reduce_max3A_633 = vector.broadcast %reduce_max3A_632 : i1 to vector<16xi1>
    %reduce_max3A_634 = arith.constant -2147483648 : i32
    %reduce_max3A_635 = vector.broadcast %reduce_max3A_634 : i32 to vector<16xi32>
    %reduce_max3A_636 = arith.xori %select_n3A_631, %reduce_max3A_635 : vector<16xi32>
    %reduce_max3A_637 = tpu.scan <max>, %reduce_max3A_636 masked %reduce_max3A_633 : vector<16xi32>, vector<16xi1> -> vector<16xi32>
    %reduce_max3A_638 = arith.xori %reduce_max3A_637, %reduce_max3A_635 : vector<16xi32>
    %reduce_max3A_639 = vector.extract %reduce_max3A_638[15] : i32 from vector<16xi32>
    %shift_right_arithmetic3A_640 = arith.constant 7 : i32
    %shift_right_arithmetic3A_641 = arith.shrsi %reduce_max3A_639, %shift_right_arithmetic3A_640 : i32
    %mul3A_642 = arith.constant 128 : i32
    %mul3A_643 = arith.muli %shift_right_arithmetic3A_641, %mul3A_642 : i32
    %multiple_of3A_644 = tpu.assume_multiple %mul3A_643, 128 : i32
    %dma_start3A_645 = arith.constant 160 : i32
    %dma_start3A_646 = arith.constant 0 : i32
    %dma_start3A_647 = tpu.memref_slice %arg6[%and3A_37, %dma_start3A_645, %dma_start3A_646] : memref<2x256x128xf32, #tpu.memory_space<vmem>> -> memref<1x8x128xf32, #tpu.memory_space<vmem>>
    %dma_start3A_648 = tpu.memref_squeeze %dma_start3A_647 : memref<1x8x128xf32, #tpu.memory_space<vmem>> -> memref<8x128xf32, #tpu.memory_space<vmem>>
    %dma_start3A_649 = tpu.memref_slice %arg3[%mul3A_32, %multiple_of3A_644] : memref<64x1000000xf32, #tpu.memory_space<hbm>> -> memref<8x128xf32, #tpu.memory_space<hbm>>
    %dma_start3A_650 = arith.constant 160 : i32
    %dma_start3A_651 = arith.constant 0 : i32
    %dma_start3A_652 = tpu.memref_slice %arg6[%and3A_37, %dma_start3A_650, %dma_start3A_651] : memref<2x256x128xf32, #tpu.memory_space<vmem>> -> memref<1x8x128xf32, #tpu.memory_space<vmem>>
    %dma_start3A_653 = tpu.memref_squeeze %dma_start3A_652 : memref<1x8x128xf32, #tpu.memory_space<vmem>> -> memref<8x128xf32, #tpu.memory_space<vmem>>
    %dma_start3A_654 = tpu.memref_slice %arg3[%mul3A_32, %multiple_of3A_644] : memref<64x1000000xf32, #tpu.memory_space<hbm>> -> memref<8x128xf32, #tpu.memory_space<hbm>>
    tpu.enqueue_dma source(%dma_start3A_654 : memref<8x128xf32, #tpu.memory_space<hbm>>) target(%dma_start3A_653 : memref<8x128xf32, #tpu.memory_space<vmem>>) target_semaphore(%arg15 : memref<!tpu.dma_semaphore, #tpu.memory_space<semaphore_mem>>)
    %eq3A_655 = arith.constant 5 : i32
    %eq3A_656 = vector.broadcast %eq3A_655 : i32 to vector<16xi32>
    %eq3A_657 = arith.cmpi eq, %iota3A, %eq3A_656 : vector<16xi32>
    %jit3A_658 = arith.constant 0 : i32
    %broadcast_in_dim3A_659 = vector.broadcast %jit3A_658 : i32 to vector<16xi32>
    %select_n3A_660 = arith.select %eq3A_657, %get3A_509, %broadcast_in_dim3A_659 : vector<16xi1>, vector<16xi32>
    %reduce_max3A_661 = arith.constant true
    %reduce_max3A_662 = vector.broadcast %reduce_max3A_661 : i1 to vector<16xi1>
    %reduce_max3A_663 = arith.constant -2147483648 : i32
    %reduce_max3A_664 = vector.broadcast %reduce_max3A_663 : i32 to vector<16xi32>
    %reduce_max3A_665 = arith.xori %select_n3A_660, %reduce_max3A_664 : vector<16xi32>
    %reduce_max3A_666 = tpu.scan <max>, %reduce_max3A_665 masked %reduce_max3A_662 : vector<16xi32>, vector<16xi1> -> vector<16xi32>
    %reduce_max3A_667 = arith.xori %reduce_max3A_666, %reduce_max3A_664 : vector<16xi32>
    %reduce_max3A_668 = vector.extract %reduce_max3A_667[15] : i32 from vector<16xi32>
    %shift_right_arithmetic3A_669 = arith.constant 7 : i32
    %shift_right_arithmetic3A_670 = arith.shrsi %reduce_max3A_668, %shift_right_arithmetic3A_669 : i32
    %mul3A_671 = arith.constant 128 : i32
    %mul3A_672 = arith.muli %shift_right_arithmetic3A_670, %mul3A_671 : i32
    %multiple_of3A_673 = tpu.assume_multiple %mul3A_672, 128 : i32
    %dma_start3A_674 = arith.constant 168 : i32
    %dma_start3A_675 = arith.constant 0 : i32
    %dma_start3A_676 = tpu.memref_slice %arg6[%and3A_37, %dma_start3A_674, %dma_start3A_675] : memref<2x256x128xf32, #tpu.memory_space<vmem>> -> memref<1x8x128xf32, #tpu.memory_space<vmem>>
    %dma_start3A_677 = tpu.memref_squeeze %dma_start3A_676 : memref<1x8x128xf32, #tpu.memory_space<vmem>> -> memref<8x128xf32, #tpu.memory_space<vmem>>
    %dma_start3A_678 = tpu.memref_slice %arg3[%mul3A_32, %multiple_of3A_673] : memref<64x1000000xf32, #tpu.memory_space<hbm>> -> memref<8x128xf32, #tpu.memory_space<hbm>>
    %dma_start3A_679 = arith.constant 168 : i32
    %dma_start3A_680 = arith.constant 0 : i32
    %dma_start3A_681 = tpu.memref_slice %arg6[%and3A_37, %dma_start3A_679, %dma_start3A_680] : memref<2x256x128xf32, #tpu.memory_space<vmem>> -> memref<1x8x128xf32, #tpu.memory_space<vmem>>
    %dma_start3A_682 = tpu.memref_squeeze %dma_start3A_681 : memref<1x8x128xf32, #tpu.memory_space<vmem>> -> memref<8x128xf32, #tpu.memory_space<vmem>>
    %dma_start3A_683 = tpu.memref_slice %arg3[%mul3A_32, %multiple_of3A_673] : memref<64x1000000xf32, #tpu.memory_space<hbm>> -> memref<8x128xf32, #tpu.memory_space<hbm>>
    tpu.enqueue_dma source(%dma_start3A_683 : memref<8x128xf32, #tpu.memory_space<hbm>>) target(%dma_start3A_682 : memref<8x128xf32, #tpu.memory_space<vmem>>) target_semaphore(%arg15 : memref<!tpu.dma_semaphore, #tpu.memory_space<semaphore_mem>>)
    %eq3A_684 = arith.constant 6 : i32
    %eq3A_685 = vector.broadcast %eq3A_684 : i32 to vector<16xi32>
    %eq3A_686 = arith.cmpi eq, %iota3A, %eq3A_685 : vector<16xi32>
    %jit3A_687 = arith.constant 0 : i32
    %broadcast_in_dim3A_688 = vector.broadcast %jit3A_687 : i32 to vector<16xi32>
    %select_n3A_689 = arith.select %eq3A_686, %get3A_509, %broadcast_in_dim3A_688 : vector<16xi1>, vector<16xi32>
    %reduce_max3A_690 = arith.constant true
    %reduce_max3A_691 = vector.broadcast %reduce_max3A_690 : i1 to vector<16xi1>
    %reduce_max3A_692 = arith.constant -2147483648 : i32
    %reduce_max3A_693 = vector.broadcast %reduce_max3A_692 : i32 to vector<16xi32>
    %reduce_max3A_694 = arith.xori %select_n3A_689, %reduce_max3A_693 : vector<16xi32>
    %reduce_max3A_695 = tpu.scan <max>, %reduce_max3A_694 masked %reduce_max3A_691 : vector<16xi32>, vector<16xi1> -> vector<16xi32>
    %reduce_max3A_696 = arith.xori %reduce_max3A_695, %reduce_max3A_693 : vector<16xi32>
    %reduce_max3A_697 = vector.extract %reduce_max3A_696[15] : i32 from vector<16xi32>
    %shift_right_arithmetic3A_698 = arith.constant 7 : i32
    %shift_right_arithmetic3A_699 = arith.shrsi %reduce_max3A_697, %shift_right_arithmetic3A_698 : i32
    %mul3A_700 = arith.constant 128 : i32
    %mul3A_701 = arith.muli %shift_right_arithmetic3A_699, %mul3A_700 : i32
    %multiple_of3A_702 = tpu.assume_multiple %mul3A_701, 128 : i32
    %dma_start3A_703 = arith.constant 176 : i32
    %dma_start3A_704 = arith.constant 0 : i32
    %dma_start3A_705 = tpu.memref_slice %arg6[%and3A_37, %dma_start3A_703, %dma_start3A_704] : memref<2x256x128xf32, #tpu.memory_space<vmem>> -> memref<1x8x128xf32, #tpu.memory_space<vmem>>
    %dma_start3A_706 = tpu.memref_squeeze %dma_start3A_705 : memref<1x8x128xf32, #tpu.memory_space<vmem>> -> memref<8x128xf32, #tpu.memory_space<vmem>>
    %dma_start3A_707 = tpu.memref_slice %arg3[%mul3A_32, %multiple_of3A_702] : memref<64x1000000xf32, #tpu.memory_space<hbm>> -> memref<8x128xf32, #tpu.memory_space<hbm>>
    %dma_start3A_708 = arith.constant 176 : i32
    %dma_start3A_709 = arith.constant 0 : i32
    %dma_start3A_710 = tpu.memref_slice %arg6[%and3A_37, %dma_start3A_708, %dma_start3A_709] : memref<2x256x128xf32, #tpu.memory_space<vmem>> -> memref<1x8x128xf32, #tpu.memory_space<vmem>>
    %dma_start3A_711 = tpu.memref_squeeze %dma_start3A_710 : memref<1x8x128xf32, #tpu.memory_space<vmem>> -> memref<8x128xf32, #tpu.memory_space<vmem>>
    %dma_start3A_712 = tpu.memref_slice %arg3[%mul3A_32, %multiple_of3A_702] : memref<64x1000000xf32, #tpu.memory_space<hbm>> -> memref<8x128xf32, #tpu.memory_space<hbm>>
    tpu.enqueue_dma source(%dma_start3A_712 : memref<8x128xf32, #tpu.memory_space<hbm>>) target(%dma_start3A_711 : memref<8x128xf32, #tpu.memory_space<vmem>>) target_semaphore(%arg15 : memref<!tpu.dma_semaphore, #tpu.memory_space<semaphore_mem>>)
    %eq3A_713 = arith.constant 7 : i32
    %eq3A_714 = vector.broadcast %eq3A_713 : i32 to vector<16xi32>
    %eq3A_715 = arith.cmpi eq, %iota3A, %eq3A_714 : vector<16xi32>
    %jit3A_716 = arith.constant 0 : i32
    %broadcast_in_dim3A_717 = vector.broadcast %jit3A_716 : i32 to vector<16xi32>
    %select_n3A_718 = arith.select %eq3A_715, %get3A_509, %broadcast_in_dim3A_717 : vector<16xi1>, vector<16xi32>
    %reduce_max3A_719 = arith.constant true
    %reduce_max3A_720 = vector.broadcast %reduce_max3A_719 : i1 to vector<16xi1>
    %reduce_max3A_721 = arith.constant -2147483648 : i32
    %reduce_max3A_722 = vector.broadcast %reduce_max3A_721 : i32 to vector<16xi32>
    %reduce_max3A_723 = arith.xori %select_n3A_718, %reduce_max3A_722 : vector<16xi32>
    %reduce_max3A_724 = tpu.scan <max>, %reduce_max3A_723 masked %reduce_max3A_720 : vector<16xi32>, vector<16xi1> -> vector<16xi32>
    %reduce_max3A_725 = arith.xori %reduce_max3A_724, %reduce_max3A_722 : vector<16xi32>
    %reduce_max3A_726 = vector.extract %reduce_max3A_725[15] : i32 from vector<16xi32>
    %shift_right_arithmetic3A_727 = arith.constant 7 : i32
    %shift_right_arithmetic3A_728 = arith.shrsi %reduce_max3A_726, %shift_right_arithmetic3A_727 : i32
    %mul3A_729 = arith.constant 128 : i32
    %mul3A_730 = arith.muli %shift_right_arithmetic3A_728, %mul3A_729 : i32
    %multiple_of3A_731 = tpu.assume_multiple %mul3A_730, 128 : i32
    %dma_start3A_732 = arith.constant 184 : i32
    %dma_start3A_733 = arith.constant 0 : i32
    %dma_start3A_734 = tpu.memref_slice %arg6[%and3A_37, %dma_start3A_732, %dma_start3A_733] : memref<2x256x128xf32, #tpu.memory_space<vmem>> -> memref<1x8x128xf32, #tpu.memory_space<vmem>>
    %dma_start3A_735 = tpu.memref_squeeze %dma_start3A_734 : memref<1x8x128xf32, #tpu.memory_space<vmem>> -> memref<8x128xf32, #tpu.memory_space<vmem>>
    %dma_start3A_736 = tpu.memref_slice %arg3[%mul3A_32, %multiple_of3A_731] : memref<64x1000000xf32, #tpu.memory_space<hbm>> -> memref<8x128xf32, #tpu.memory_space<hbm>>
    %dma_start3A_737 = arith.constant 184 : i32
    %dma_start3A_738 = arith.constant 0 : i32
    %dma_start3A_739 = tpu.memref_slice %arg6[%and3A_37, %dma_start3A_737, %dma_start3A_738] : memref<2x256x128xf32, #tpu.memory_space<vmem>> -> memref<1x8x128xf32, #tpu.memory_space<vmem>>
    %dma_start3A_740 = tpu.memref_squeeze %dma_start3A_739 : memref<1x8x128xf32, #tpu.memory_space<vmem>> -> memref<8x128xf32, #tpu.memory_space<vmem>>
    %dma_start3A_741 = tpu.memref_slice %arg3[%mul3A_32, %multiple_of3A_731] : memref<64x1000000xf32, #tpu.memory_space<hbm>> -> memref<8x128xf32, #tpu.memory_space<hbm>>
    tpu.enqueue_dma source(%dma_start3A_741 : memref<8x128xf32, #tpu.memory_space<hbm>>) target(%dma_start3A_740 : memref<8x128xf32, #tpu.memory_space<vmem>>) target_semaphore(%arg15 : memref<!tpu.dma_semaphore, #tpu.memory_space<semaphore_mem>>)
    %eq3A_742 = arith.constant 8 : i32
    %eq3A_743 = vector.broadcast %eq3A_742 : i32 to vector<16xi32>
    %eq3A_744 = arith.cmpi eq, %iota3A, %eq3A_743 : vector<16xi32>
    %jit3A_745 = arith.constant 0 : i32
    %broadcast_in_dim3A_746 = vector.broadcast %jit3A_745 : i32 to vector<16xi32>
    %select_n3A_747 = arith.select %eq3A_744, %get3A_509, %broadcast_in_dim3A_746 : vector<16xi1>, vector<16xi32>
    %reduce_max3A_748 = arith.constant true
    %reduce_max3A_749 = vector.broadcast %reduce_max3A_748 : i1 to vector<16xi1>
    %reduce_max3A_750 = arith.constant -2147483648 : i32
    %reduce_max3A_751 = vector.broadcast %reduce_max3A_750 : i32 to vector<16xi32>
    %reduce_max3A_752 = arith.xori %select_n3A_747, %reduce_max3A_751 : vector<16xi32>
    %reduce_max3A_753 = tpu.scan <max>, %reduce_max3A_752 masked %reduce_max3A_749 : vector<16xi32>, vector<16xi1> -> vector<16xi32>
    %reduce_max3A_754 = arith.xori %reduce_max3A_753, %reduce_max3A_751 : vector<16xi32>
    %reduce_max3A_755 = vector.extract %reduce_max3A_754[15] : i32 from vector<16xi32>
    %shift_right_arithmetic3A_756 = arith.constant 7 : i32
    %shift_right_arithmetic3A_757 = arith.shrsi %reduce_max3A_755, %shift_right_arithmetic3A_756 : i32
    %mul3A_758 = arith.constant 128 : i32
    %mul3A_759 = arith.muli %shift_right_arithmetic3A_757, %mul3A_758 : i32
    %multiple_of3A_760 = tpu.assume_multiple %mul3A_759, 128 : i32
    %dma_start3A_761 = arith.constant 192 : i32
    %dma_start3A_762 = arith.constant 0 : i32
    %dma_start3A_763 = tpu.memref_slice %arg6[%and3A_37, %dma_start3A_761, %dma_start3A_762] : memref<2x256x128xf32, #tpu.memory_space<vmem>> -> memref<1x8x128xf32, #tpu.memory_space<vmem>>
    %dma_start3A_764 = tpu.memref_squeeze %dma_start3A_763 : memref<1x8x128xf32, #tpu.memory_space<vmem>> -> memref<8x128xf32, #tpu.memory_space<vmem>>
    %dma_start3A_765 = tpu.memref_slice %arg3[%mul3A_32, %multiple_of3A_760] : memref<64x1000000xf32, #tpu.memory_space<hbm>> -> memref<8x128xf32, #tpu.memory_space<hbm>>
    %dma_start3A_766 = arith.constant 192 : i32
    %dma_start3A_767 = arith.constant 0 : i32
    %dma_start3A_768 = tpu.memref_slice %arg6[%and3A_37, %dma_start3A_766, %dma_start3A_767] : memref<2x256x128xf32, #tpu.memory_space<vmem>> -> memref<1x8x128xf32, #tpu.memory_space<vmem>>
    %dma_start3A_769 = tpu.memref_squeeze %dma_start3A_768 : memref<1x8x128xf32, #tpu.memory_space<vmem>> -> memref<8x128xf32, #tpu.memory_space<vmem>>
    %dma_start3A_770 = tpu.memref_slice %arg3[%mul3A_32, %multiple_of3A_760] : memref<64x1000000xf32, #tpu.memory_space<hbm>> -> memref<8x128xf32, #tpu.memory_space<hbm>>
    tpu.enqueue_dma source(%dma_start3A_770 : memref<8x128xf32, #tpu.memory_space<hbm>>) target(%dma_start3A_769 : memref<8x128xf32, #tpu.memory_space<vmem>>) target_semaphore(%arg15 : memref<!tpu.dma_semaphore, #tpu.memory_space<semaphore_mem>>)
    %eq3A_771 = arith.constant 9 : i32
    %eq3A_772 = vector.broadcast %eq3A_771 : i32 to vector<16xi32>
    %eq3A_773 = arith.cmpi eq, %iota3A, %eq3A_772 : vector<16xi32>
    %jit3A_774 = arith.constant 0 : i32
    %broadcast_in_dim3A_775 = vector.broadcast %jit3A_774 : i32 to vector<16xi32>
    %select_n3A_776 = arith.select %eq3A_773, %get3A_509, %broadcast_in_dim3A_775 : vector<16xi1>, vector<16xi32>
    %reduce_max3A_777 = arith.constant true
    %reduce_max3A_778 = vector.broadcast %reduce_max3A_777 : i1 to vector<16xi1>
    %reduce_max3A_779 = arith.constant -2147483648 : i32
    %reduce_max3A_780 = vector.broadcast %reduce_max3A_779 : i32 to vector<16xi32>
    %reduce_max3A_781 = arith.xori %select_n3A_776, %reduce_max3A_780 : vector<16xi32>
    %reduce_max3A_782 = tpu.scan <max>, %reduce_max3A_781 masked %reduce_max3A_778 : vector<16xi32>, vector<16xi1> -> vector<16xi32>
    %reduce_max3A_783 = arith.xori %reduce_max3A_782, %reduce_max3A_780 : vector<16xi32>
    %reduce_max3A_784 = vector.extract %reduce_max3A_783[15] : i32 from vector<16xi32>
    %shift_right_arithmetic3A_785 = arith.constant 7 : i32
    %shift_right_arithmetic3A_786 = arith.shrsi %reduce_max3A_784, %shift_right_arithmetic3A_785 : i32
    %mul3A_787 = arith.constant 128 : i32
    %mul3A_788 = arith.muli %shift_right_arithmetic3A_786, %mul3A_787 : i32
    %multiple_of3A_789 = tpu.assume_multiple %mul3A_788, 128 : i32
    %dma_start3A_790 = arith.constant 200 : i32
    %dma_start3A_791 = arith.constant 0 : i32
    %dma_start3A_792 = tpu.memref_slice %arg6[%and3A_37, %dma_start3A_790, %dma_start3A_791] : memref<2x256x128xf32, #tpu.memory_space<vmem>> -> memref<1x8x128xf32, #tpu.memory_space<vmem>>
    %dma_start3A_793 = tpu.memref_squeeze %dma_start3A_792 : memref<1x8x128xf32, #tpu.memory_space<vmem>> -> memref<8x128xf32, #tpu.memory_space<vmem>>
    %dma_start3A_794 = tpu.memref_slice %arg3[%mul3A_32, %multiple_of3A_789] : memref<64x1000000xf32, #tpu.memory_space<hbm>> -> memref<8x128xf32, #tpu.memory_space<hbm>>
    %dma_start3A_795 = arith.constant 200 : i32
    %dma_start3A_796 = arith.constant 0 : i32
    %dma_start3A_797 = tpu.memref_slice %arg6[%and3A_37, %dma_start3A_795, %dma_start3A_796] : memref<2x256x128xf32, #tpu.memory_space<vmem>> -> memref<1x8x128xf32, #tpu.memory_space<vmem>>
    %dma_start3A_798 = tpu.memref_squeeze %dma_start3A_797 : memref<1x8x128xf32, #tpu.memory_space<vmem>> -> memref<8x128xf32, #tpu.memory_space<vmem>>
    %dma_start3A_799 = tpu.memref_slice %arg3[%mul3A_32, %multiple_of3A_789] : memref<64x1000000xf32, #tpu.memory_space<hbm>> -> memref<8x128xf32, #tpu.memory_space<hbm>>
    tpu.enqueue_dma source(%dma_start3A_799 : memref<8x128xf32, #tpu.memory_space<hbm>>) target(%dma_start3A_798 : memref<8x128xf32, #tpu.memory_space<vmem>>) target_semaphore(%arg15 : memref<!tpu.dma_semaphore, #tpu.memory_space<semaphore_mem>>)
    %eq3A_800 = arith.constant 10 : i32
    %eq3A_801 = vector.broadcast %eq3A_800 : i32 to vector<16xi32>
    %eq3A_802 = arith.cmpi eq, %iota3A, %eq3A_801 : vector<16xi32>
    %jit3A_803 = arith.constant 0 : i32
    %broadcast_in_dim3A_804 = vector.broadcast %jit3A_803 : i32 to vector<16xi32>
    %select_n3A_805 = arith.select %eq3A_802, %get3A_509, %broadcast_in_dim3A_804 : vector<16xi1>, vector<16xi32>
    %reduce_max3A_806 = arith.constant true
    %reduce_max3A_807 = vector.broadcast %reduce_max3A_806 : i1 to vector<16xi1>
    %reduce_max3A_808 = arith.constant -2147483648 : i32
    %reduce_max3A_809 = vector.broadcast %reduce_max3A_808 : i32 to vector<16xi32>
    %reduce_max3A_810 = arith.xori %select_n3A_805, %reduce_max3A_809 : vector<16xi32>
    %reduce_max3A_811 = tpu.scan <max>, %reduce_max3A_810 masked %reduce_max3A_807 : vector<16xi32>, vector<16xi1> -> vector<16xi32>
    %reduce_max3A_812 = arith.xori %reduce_max3A_811, %reduce_max3A_809 : vector<16xi32>
    %reduce_max3A_813 = vector.extract %reduce_max3A_812[15] : i32 from vector<16xi32>
    %shift_right_arithmetic3A_814 = arith.constant 7 : i32
    %shift_right_arithmetic3A_815 = arith.shrsi %reduce_max3A_813, %shift_right_arithmetic3A_814 : i32
    %mul3A_816 = arith.constant 128 : i32
    %mul3A_817 = arith.muli %shift_right_arithmetic3A_815, %mul3A_816 : i32
    %multiple_of3A_818 = tpu.assume_multiple %mul3A_817, 128 : i32
    %dma_start3A_819 = arith.constant 208 : i32
    %dma_start3A_820 = arith.constant 0 : i32
    %dma_start3A_821 = tpu.memref_slice %arg6[%and3A_37, %dma_start3A_819, %dma_start3A_820] : memref<2x256x128xf32, #tpu.memory_space<vmem>> -> memref<1x8x128xf32, #tpu.memory_space<vmem>>
    %dma_start3A_822 = tpu.memref_squeeze %dma_start3A_821 : memref<1x8x128xf32, #tpu.memory_space<vmem>> -> memref<8x128xf32, #tpu.memory_space<vmem>>
    %dma_start3A_823 = tpu.memref_slice %arg3[%mul3A_32, %multiple_of3A_818] : memref<64x1000000xf32, #tpu.memory_space<hbm>> -> memref<8x128xf32, #tpu.memory_space<hbm>>
    %dma_start3A_824 = arith.constant 208 : i32
    %dma_start3A_825 = arith.constant 0 : i32
    %dma_start3A_826 = tpu.memref_slice %arg6[%and3A_37, %dma_start3A_824, %dma_start3A_825] : memref<2x256x128xf32, #tpu.memory_space<vmem>> -> memref<1x8x128xf32, #tpu.memory_space<vmem>>
    %dma_start3A_827 = tpu.memref_squeeze %dma_start3A_826 : memref<1x8x128xf32, #tpu.memory_space<vmem>> -> memref<8x128xf32, #tpu.memory_space<vmem>>
    %dma_start3A_828 = tpu.memref_slice %arg3[%mul3A_32, %multiple_of3A_818] : memref<64x1000000xf32, #tpu.memory_space<hbm>> -> memref<8x128xf32, #tpu.memory_space<hbm>>
    tpu.enqueue_dma source(%dma_start3A_828 : memref<8x128xf32, #tpu.memory_space<hbm>>) target(%dma_start3A_827 : memref<8x128xf32, #tpu.memory_space<vmem>>) target_semaphore(%arg15 : memref<!tpu.dma_semaphore, #tpu.memory_space<semaphore_mem>>)
    %eq3A_829 = arith.constant 11 : i32
    %eq3A_830 = vector.broadcast %eq3A_829 : i32 to vector<16xi32>
    %eq3A_831 = arith.cmpi eq, %iota3A, %eq3A_830 : vector<16xi32>
    %jit3A_832 = arith.constant 0 : i32
    %broadcast_in_dim3A_833 = vector.broadcast %jit3A_832 : i32 to vector<16xi32>
    %select_n3A_834 = arith.select %eq3A_831, %get3A_509, %broadcast_in_dim3A_833 : vector<16xi1>, vector<16xi32>
    %reduce_max3A_835 = arith.constant true
    %reduce_max3A_836 = vector.broadcast %reduce_max3A_835 : i1 to vector<16xi1>
    %reduce_max3A_837 = arith.constant -2147483648 : i32
    %reduce_max3A_838 = vector.broadcast %reduce_max3A_837 : i32 to vector<16xi32>
    %reduce_max3A_839 = arith.xori %select_n3A_834, %reduce_max3A_838 : vector<16xi32>
    %reduce_max3A_840 = tpu.scan <max>, %reduce_max3A_839 masked %reduce_max3A_836 : vector<16xi32>, vector<16xi1> -> vector<16xi32>
    %reduce_max3A_841 = arith.xori %reduce_max3A_840, %reduce_max3A_838 : vector<16xi32>
    %reduce_max3A_842 = vector.extract %reduce_max3A_841[15] : i32 from vector<16xi32>
    %shift_right_arithmetic3A_843 = arith.constant 7 : i32
    %shift_right_arithmetic3A_844 = arith.shrsi %reduce_max3A_842, %shift_right_arithmetic3A_843 : i32
    %mul3A_845 = arith.constant 128 : i32
    %mul3A_846 = arith.muli %shift_right_arithmetic3A_844, %mul3A_845 : i32
    %multiple_of3A_847 = tpu.assume_multiple %mul3A_846, 128 : i32
    %dma_start3A_848 = arith.constant 216 : i32
    %dma_start3A_849 = arith.constant 0 : i32
    %dma_start3A_850 = tpu.memref_slice %arg6[%and3A_37, %dma_start3A_848, %dma_start3A_849] : memref<2x256x128xf32, #tpu.memory_space<vmem>> -> memref<1x8x128xf32, #tpu.memory_space<vmem>>
    %dma_start3A_851 = tpu.memref_squeeze %dma_start3A_850 : memref<1x8x128xf32, #tpu.memory_space<vmem>> -> memref<8x128xf32, #tpu.memory_space<vmem>>
    %dma_start3A_852 = tpu.memref_slice %arg3[%mul3A_32, %multiple_of3A_847] : memref<64x1000000xf32, #tpu.memory_space<hbm>> -> memref<8x128xf32, #tpu.memory_space<hbm>>
    %dma_start3A_853 = arith.constant 216 : i32
    %dma_start3A_854 = arith.constant 0 : i32
    %dma_start3A_855 = tpu.memref_slice %arg6[%and3A_37, %dma_start3A_853, %dma_start3A_854] : memref<2x256x128xf32, #tpu.memory_space<vmem>> -> memref<1x8x128xf32, #tpu.memory_space<vmem>>
    %dma_start3A_856 = tpu.memref_squeeze %dma_start3A_855 : memref<1x8x128xf32, #tpu.memory_space<vmem>> -> memref<8x128xf32, #tpu.memory_space<vmem>>
    %dma_start3A_857 = tpu.memref_slice %arg3[%mul3A_32, %multiple_of3A_847] : memref<64x1000000xf32, #tpu.memory_space<hbm>> -> memref<8x128xf32, #tpu.memory_space<hbm>>
    tpu.enqueue_dma source(%dma_start3A_857 : memref<8x128xf32, #tpu.memory_space<hbm>>) target(%dma_start3A_856 : memref<8x128xf32, #tpu.memory_space<vmem>>) target_semaphore(%arg15 : memref<!tpu.dma_semaphore, #tpu.memory_space<semaphore_mem>>)
    %eq3A_858 = arith.constant 12 : i32
    %eq3A_859 = vector.broadcast %eq3A_858 : i32 to vector<16xi32>
    %eq3A_860 = arith.cmpi eq, %iota3A, %eq3A_859 : vector<16xi32>
    %jit3A_861 = arith.constant 0 : i32
    %broadcast_in_dim3A_862 = vector.broadcast %jit3A_861 : i32 to vector<16xi32>
    %select_n3A_863 = arith.select %eq3A_860, %get3A_509, %broadcast_in_dim3A_862 : vector<16xi1>, vector<16xi32>
    %reduce_max3A_864 = arith.constant true
    %reduce_max3A_865 = vector.broadcast %reduce_max3A_864 : i1 to vector<16xi1>
    %reduce_max3A_866 = arith.constant -2147483648 : i32
    %reduce_max3A_867 = vector.broadcast %reduce_max3A_866 : i32 to vector<16xi32>
    %reduce_max3A_868 = arith.xori %select_n3A_863, %reduce_max3A_867 : vector<16xi32>
    %reduce_max3A_869 = tpu.scan <max>, %reduce_max3A_868 masked %reduce_max3A_865 : vector<16xi32>, vector<16xi1> -> vector<16xi32>
    %reduce_max3A_870 = arith.xori %reduce_max3A_869, %reduce_max3A_867 : vector<16xi32>
    %reduce_max3A_871 = vector.extract %reduce_max3A_870[15] : i32 from vector<16xi32>
    %shift_right_arithmetic3A_872 = arith.constant 7 : i32
    %shift_right_arithmetic3A_873 = arith.shrsi %reduce_max3A_871, %shift_right_arithmetic3A_872 : i32
    %mul3A_874 = arith.constant 128 : i32
    %mul3A_875 = arith.muli %shift_right_arithmetic3A_873, %mul3A_874 : i32
    %multiple_of3A_876 = tpu.assume_multiple %mul3A_875, 128 : i32
    %dma_start3A_877 = arith.constant 224 : i32
    %dma_start3A_878 = arith.constant 0 : i32
    %dma_start3A_879 = tpu.memref_slice %arg6[%and3A_37, %dma_start3A_877, %dma_start3A_878] : memref<2x256x128xf32, #tpu.memory_space<vmem>> -> memref<1x8x128xf32, #tpu.memory_space<vmem>>
    %dma_start3A_880 = tpu.memref_squeeze %dma_start3A_879 : memref<1x8x128xf32, #tpu.memory_space<vmem>> -> memref<8x128xf32, #tpu.memory_space<vmem>>
    %dma_start3A_881 = tpu.memref_slice %arg3[%mul3A_32, %multiple_of3A_876] : memref<64x1000000xf32, #tpu.memory_space<hbm>> -> memref<8x128xf32, #tpu.memory_space<hbm>>
    %dma_start3A_882 = arith.constant 224 : i32
    %dma_start3A_883 = arith.constant 0 : i32
    %dma_start3A_884 = tpu.memref_slice %arg6[%and3A_37, %dma_start3A_882, %dma_start3A_883] : memref<2x256x128xf32, #tpu.memory_space<vmem>> -> memref<1x8x128xf32, #tpu.memory_space<vmem>>
    %dma_start3A_885 = tpu.memref_squeeze %dma_start3A_884 : memref<1x8x128xf32, #tpu.memory_space<vmem>> -> memref<8x128xf32, #tpu.memory_space<vmem>>
    %dma_start3A_886 = tpu.memref_slice %arg3[%mul3A_32, %multiple_of3A_876] : memref<64x1000000xf32, #tpu.memory_space<hbm>> -> memref<8x128xf32, #tpu.memory_space<hbm>>
    tpu.enqueue_dma source(%dma_start3A_886 : memref<8x128xf32, #tpu.memory_space<hbm>>) target(%dma_start3A_885 : memref<8x128xf32, #tpu.memory_space<vmem>>) target_semaphore(%arg15 : memref<!tpu.dma_semaphore, #tpu.memory_space<semaphore_mem>>)
    %eq3A_887 = arith.constant 13 : i32
    %eq3A_888 = vector.broadcast %eq3A_887 : i32 to vector<16xi32>
    %eq3A_889 = arith.cmpi eq, %iota3A, %eq3A_888 : vector<16xi32>
    %jit3A_890 = arith.constant 0 : i32
    %broadcast_in_dim3A_891 = vector.broadcast %jit3A_890 : i32 to vector<16xi32>
    %select_n3A_892 = arith.select %eq3A_889, %get3A_509, %broadcast_in_dim3A_891 : vector<16xi1>, vector<16xi32>
    %reduce_max3A_893 = arith.constant true
    %reduce_max3A_894 = vector.broadcast %reduce_max3A_893 : i1 to vector<16xi1>
    %reduce_max3A_895 = arith.constant -2147483648 : i32
    %reduce_max3A_896 = vector.broadcast %reduce_max3A_895 : i32 to vector<16xi32>
    %reduce_max3A_897 = arith.xori %select_n3A_892, %reduce_max3A_896 : vector<16xi32>
    %reduce_max3A_898 = tpu.scan <max>, %reduce_max3A_897 masked %reduce_max3A_894 : vector<16xi32>, vector<16xi1> -> vector<16xi32>
    %reduce_max3A_899 = arith.xori %reduce_max3A_898, %reduce_max3A_896 : vector<16xi32>
    %reduce_max3A_900 = vector.extract %reduce_max3A_899[15] : i32 from vector<16xi32>
    %shift_right_arithmetic3A_901 = arith.constant 7 : i32
    %shift_right_arithmetic3A_902 = arith.shrsi %reduce_max3A_900, %shift_right_arithmetic3A_901 : i32
    %mul3A_903 = arith.constant 128 : i32
    %mul3A_904 = arith.muli %shift_right_arithmetic3A_902, %mul3A_903 : i32
    %multiple_of3A_905 = tpu.assume_multiple %mul3A_904, 128 : i32
    %dma_start3A_906 = arith.constant 232 : i32
    %dma_start3A_907 = arith.constant 0 : i32
    %dma_start3A_908 = tpu.memref_slice %arg6[%and3A_37, %dma_start3A_906, %dma_start3A_907] : memref<2x256x128xf32, #tpu.memory_space<vmem>> -> memref<1x8x128xf32, #tpu.memory_space<vmem>>
    %dma_start3A_909 = tpu.memref_squeeze %dma_start3A_908 : memref<1x8x128xf32, #tpu.memory_space<vmem>> -> memref<8x128xf32, #tpu.memory_space<vmem>>
    %dma_start3A_910 = tpu.memref_slice %arg3[%mul3A_32, %multiple_of3A_905] : memref<64x1000000xf32, #tpu.memory_space<hbm>> -> memref<8x128xf32, #tpu.memory_space<hbm>>
    %dma_start3A_911 = arith.constant 232 : i32
    %dma_start3A_912 = arith.constant 0 : i32
    %dma_start3A_913 = tpu.memref_slice %arg6[%and3A_37, %dma_start3A_911, %dma_start3A_912] : memref<2x256x128xf32, #tpu.memory_space<vmem>> -> memref<1x8x128xf32, #tpu.memory_space<vmem>>
    %dma_start3A_914 = tpu.memref_squeeze %dma_start3A_913 : memref<1x8x128xf32, #tpu.memory_space<vmem>> -> memref<8x128xf32, #tpu.memory_space<vmem>>
    %dma_start3A_915 = tpu.memref_slice %arg3[%mul3A_32, %multiple_of3A_905] : memref<64x1000000xf32, #tpu.memory_space<hbm>> -> memref<8x128xf32, #tpu.memory_space<hbm>>
    tpu.enqueue_dma source(%dma_start3A_915 : memref<8x128xf32, #tpu.memory_space<hbm>>) target(%dma_start3A_914 : memref<8x128xf32, #tpu.memory_space<vmem>>) target_semaphore(%arg15 : memref<!tpu.dma_semaphore, #tpu.memory_space<semaphore_mem>>)
    %eq3A_916 = arith.constant 14 : i32
    %eq3A_917 = vector.broadcast %eq3A_916 : i32 to vector<16xi32>
    %eq3A_918 = arith.cmpi eq, %iota3A, %eq3A_917 : vector<16xi32>
    %jit3A_919 = arith.constant 0 : i32
    %broadcast_in_dim3A_920 = vector.broadcast %jit3A_919 : i32 to vector<16xi32>
    %select_n3A_921 = arith.select %eq3A_918, %get3A_509, %broadcast_in_dim3A_920 : vector<16xi1>, vector<16xi32>
    %reduce_max3A_922 = arith.constant true
    %reduce_max3A_923 = vector.broadcast %reduce_max3A_922 : i1 to vector<16xi1>
    %reduce_max3A_924 = arith.constant -2147483648 : i32
    %reduce_max3A_925 = vector.broadcast %reduce_max3A_924 : i32 to vector<16xi32>
    %reduce_max3A_926 = arith.xori %select_n3A_921, %reduce_max3A_925 : vector<16xi32>
    %reduce_max3A_927 = tpu.scan <max>, %reduce_max3A_926 masked %reduce_max3A_923 : vector<16xi32>, vector<16xi1> -> vector<16xi32>
    %reduce_max3A_928 = arith.xori %reduce_max3A_927, %reduce_max3A_925 : vector<16xi32>
    %reduce_max3A_929 = vector.extract %reduce_max3A_928[15] : i32 from vector<16xi32>
    %shift_right_arithmetic3A_930 = arith.constant 7 : i32
    %shift_right_arithmetic3A_931 = arith.shrsi %reduce_max3A_929, %shift_right_arithmetic3A_930 : i32
    %mul3A_932 = arith.constant 128 : i32
    %mul3A_933 = arith.muli %shift_right_arithmetic3A_931, %mul3A_932 : i32
    %multiple_of3A_934 = tpu.assume_multiple %mul3A_933, 128 : i32
    %dma_start3A_935 = arith.constant 240 : i32
    %dma_start3A_936 = arith.constant 0 : i32
    %dma_start3A_937 = tpu.memref_slice %arg6[%and3A_37, %dma_start3A_935, %dma_start3A_936] : memref<2x256x128xf32, #tpu.memory_space<vmem>> -> memref<1x8x128xf32, #tpu.memory_space<vmem>>
    %dma_start3A_938 = tpu.memref_squeeze %dma_start3A_937 : memref<1x8x128xf32, #tpu.memory_space<vmem>> -> memref<8x128xf32, #tpu.memory_space<vmem>>
    %dma_start3A_939 = tpu.memref_slice %arg3[%mul3A_32, %multiple_of3A_934] : memref<64x1000000xf32, #tpu.memory_space<hbm>> -> memref<8x128xf32, #tpu.memory_space<hbm>>
    %dma_start3A_940 = arith.constant 240 : i32
    %dma_start3A_941 = arith.constant 0 : i32
    %dma_start3A_942 = tpu.memref_slice %arg6[%and3A_37, %dma_start3A_940, %dma_start3A_941] : memref<2x256x128xf32, #tpu.memory_space<vmem>> -> memref<1x8x128xf32, #tpu.memory_space<vmem>>
    %dma_start3A_943 = tpu.memref_squeeze %dma_start3A_942 : memref<1x8x128xf32, #tpu.memory_space<vmem>> -> memref<8x128xf32, #tpu.memory_space<vmem>>
    %dma_start3A_944 = tpu.memref_slice %arg3[%mul3A_32, %multiple_of3A_934] : memref<64x1000000xf32, #tpu.memory_space<hbm>> -> memref<8x128xf32, #tpu.memory_space<hbm>>
    tpu.enqueue_dma source(%dma_start3A_944 : memref<8x128xf32, #tpu.memory_space<hbm>>) target(%dma_start3A_943 : memref<8x128xf32, #tpu.memory_space<vmem>>) target_semaphore(%arg15 : memref<!tpu.dma_semaphore, #tpu.memory_space<semaphore_mem>>)
    %eq3A_945 = arith.constant 15 : i32
    %eq3A_946 = vector.broadcast %eq3A_945 : i32 to vector<16xi32>
    %eq3A_947 = arith.cmpi eq, %iota3A, %eq3A_946 : vector<16xi32>
    %jit3A_948 = arith.constant 0 : i32
    %broadcast_in_dim3A_949 = vector.broadcast %jit3A_948 : i32 to vector<16xi32>
    %select_n3A_950 = arith.select %eq3A_947, %get3A_509, %broadcast_in_dim3A_949 : vector<16xi1>, vector<16xi32>
    %reduce_max3A_951 = arith.constant true
    %reduce_max3A_952 = vector.broadcast %reduce_max3A_951 : i1 to vector<16xi1>
    %reduce_max3A_953 = arith.constant -2147483648 : i32
    %reduce_max3A_954 = vector.broadcast %reduce_max3A_953 : i32 to vector<16xi32>
    %reduce_max3A_955 = arith.xori %select_n3A_950, %reduce_max3A_954 : vector<16xi32>
    %reduce_max3A_956 = tpu.scan <max>, %reduce_max3A_955 masked %reduce_max3A_952 : vector<16xi32>, vector<16xi1> -> vector<16xi32>
    %reduce_max3A_957 = arith.xori %reduce_max3A_956, %reduce_max3A_954 : vector<16xi32>
    %reduce_max3A_958 = vector.extract %reduce_max3A_957[15] : i32 from vector<16xi32>
    %shift_right_arithmetic3A_959 = arith.constant 7 : i32
    %shift_right_arithmetic3A_960 = arith.shrsi %reduce_max3A_958, %shift_right_arithmetic3A_959 : i32
    %mul3A_961 = arith.constant 128 : i32
    %mul3A_962 = arith.muli %shift_right_arithmetic3A_960, %mul3A_961 : i32
    %multiple_of3A_963 = tpu.assume_multiple %mul3A_962, 128 : i32
    %dma_start3A_964 = arith.constant 248 : i32
    %dma_start3A_965 = arith.constant 0 : i32
    %dma_start3A_966 = tpu.memref_slice %arg6[%and3A_37, %dma_start3A_964, %dma_start3A_965] : memref<2x256x128xf32, #tpu.memory_space<vmem>> -> memref<1x8x128xf32, #tpu.memory_space<vmem>>
    %dma_start3A_967 = tpu.memref_squeeze %dma_start3A_966 : memref<1x8x128xf32, #tpu.memory_space<vmem>> -> memref<8x128xf32, #tpu.memory_space<vmem>>
    %dma_start3A_968 = tpu.memref_slice %arg3[%mul3A_32, %multiple_of3A_963] : memref<64x1000000xf32, #tpu.memory_space<hbm>> -> memref<8x128xf32, #tpu.memory_space<hbm>>
    %dma_start3A_969 = arith.constant 248 : i32
    %dma_start3A_970 = arith.constant 0 : i32
    %dma_start3A_971 = tpu.memref_slice %arg6[%and3A_37, %dma_start3A_969, %dma_start3A_970] : memref<2x256x128xf32, #tpu.memory_space<vmem>> -> memref<1x8x128xf32, #tpu.memory_space<vmem>>
    %dma_start3A_972 = tpu.memref_squeeze %dma_start3A_971 : memref<1x8x128xf32, #tpu.memory_space<vmem>> -> memref<8x128xf32, #tpu.memory_space<vmem>>
    %dma_start3A_973 = tpu.memref_slice %arg3[%mul3A_32, %multiple_of3A_963] : memref<64x1000000xf32, #tpu.memory_space<hbm>> -> memref<8x128xf32, #tpu.memory_space<hbm>>
    tpu.enqueue_dma source(%dma_start3A_973 : memref<8x128xf32, #tpu.memory_space<hbm>>) target(%dma_start3A_972 : memref<8x128xf32, #tpu.memory_space<vmem>>) target_semaphore(%arg15 : memref<!tpu.dma_semaphore, #tpu.memory_space<semaphore_mem>>)
    %scan3A = arith.constant 0 : i32
    %scan3A_974 = arith.constant 0 : i32
    %scan3A_975 = arith.constant 127 : i32
    %scan3A_976 = arith.addi %scan3A_974, %scan3A_975 : i32
    %scan3A_977 = arith.constant 1 : i32
    scf.for %scan3A_1245 = %scan3A_974 to %scan3A_976 step %scan3A_977  : i32 {
      %add3A_1246 = arith.constant 1 : i32
      %add3A_1247 = arith.addi %scan3A_1245, %add3A_1246 : i32
      %and3A_1248 = arith.constant 1 : i32
      %and3A_1249 = arith.andi %add3A_1247, %and3A_1248 : i32
      %mul3A_1250 = arith.constant 32 : i32
      %mul3A_1251 = arith.muli %add3A_1247, %mul3A_1250 : i32
      %add3A_1252 = arith.constant 0 : i32
      %add3A_1253 = arith.addi %mul3A_1251, %add3A_1252 : i32
      %get3A_1254 = arith.index_cast %add3A_1253 : i32 to index
      %get3A_1255 = tpu.vector_load %arg5[%get3A_1254] {strides = array<i32>} : memref<4096xi32, #tpu.memory_space<vmem>>, vector<16xi32>,
      %eq3A_1256 = arith.constant 0 : i32
      %eq3A_1257 = vector.broadcast %eq3A_1256 : i32 to vector<16xi32>
      %eq3A_1258 = arith.cmpi eq, %iota3A, %eq3A_1257 : vector<16xi32>
      %jit3A_1259 = arith.constant 0 : i32
      %broadcast_in_dim3A_1260 = vector.broadcast %jit3A_1259 : i32 to vector<16xi32>
      %select_n3A_1261 = arith.select %eq3A_1258, %get3A_1255, %broadcast_in_dim3A_1260 : vector<16xi1>, vector<16xi32>
      %reduce_max3A_1262 = arith.constant true
      %reduce_max3A_1263 = vector.broadcast %reduce_max3A_1262 : i1 to vector<16xi1>
      %reduce_max3A_1264 = arith.constant -2147483648 : i32
      %reduce_max3A_1265 = vector.broadcast %reduce_max3A_1264 : i32 to vector<16xi32>
      %reduce_max3A_1266 = arith.xori %select_n3A_1261, %reduce_max3A_1265 : vector<16xi32>
      %reduce_max3A_1267 = tpu.scan <max>, %reduce_max3A_1266 masked %reduce_max3A_1263 : vector<16xi32>, vector<16xi1> -> vector<16xi32>
      %reduce_max3A_1268 = arith.xori %reduce_max3A_1267, %reduce_max3A_1265 : vector<16xi32>
      %reduce_max3A_1269 = vector.extract %reduce_max3A_1268[15] : i32 from vector<16xi32>
      %shift_right_arithmetic3A_1270 = arith.constant 7 : i32
      %shift_right_arithmetic3A_1271 = arith.shrsi %reduce_max3A_1269, %shift_right_arithmetic3A_1270 : i32
      %mul3A_1272 = arith.constant 128 : i32
      %mul3A_1273 = arith.muli %shift_right_arithmetic3A_1271, %mul3A_1272 : i32
      %multiple_of3A_1274 = tpu.assume_multiple %mul3A_1273, 128 : i32
      %dma_start3A_1275 = arith.constant 0 : i32
      %dma_start3A_1276 = arith.constant 0 : i32
      %dma_start3A_1277 = tpu.memref_slice %arg6[%and3A_1249, %dma_start3A_1275, %dma_start3A_1276] : memref<2x256x128xf32, #tpu.memory_space<vmem>> -> memref<1x8x128xf32, #tpu.memory_space<vmem>>
      %dma_start3A_1278 = tpu.memref_squeeze %dma_start3A_1277 : memref<1x8x128xf32, #tpu.memory_space<vmem>> -> memref<8x128xf32, #tpu.memory_space<vmem>>
      %dma_start3A_1279 = tpu.memref_slice %arg3[%mul3A_32, %multiple_of3A_1274] : memref<64x1000000xf32, #tpu.memory_space<hbm>> -> memref<8x128xf32, #tpu.memory_space<hbm>>
      %dma_start3A_1280 = arith.constant 0 : i32
      %dma_start3A_1281 = arith.constant 0 : i32
      %dma_start3A_1282 = tpu.memref_slice %arg6[%and3A_1249, %dma_start3A_1280, %dma_start3A_1281] : memref<2x256x128xf32, #tpu.memory_space<vmem>> -> memref<1x8x128xf32, #tpu.memory_space<vmem>>
      %dma_start3A_1283 = tpu.memref_squeeze %dma_start3A_1282 : memref<1x8x128xf32, #tpu.memory_space<vmem>> -> memref<8x128xf32, #tpu.memory_space<vmem>>
      %dma_start3A_1284 = tpu.memref_slice %arg3[%mul3A_32, %multiple_of3A_1274] : memref<64x1000000xf32, #tpu.memory_space<hbm>> -> memref<8x128xf32, #tpu.memory_space<hbm>>
      tpu.enqueue_dma source(%dma_start3A_1284 : memref<8x128xf32, #tpu.memory_space<hbm>>) target(%dma_start3A_1283 : memref<8x128xf32, #tpu.memory_space<vmem>>) target_semaphore(%arg15 : memref<!tpu.dma_semaphore, #tpu.memory_space<semaphore_mem>>)
      %eq3A_1285 = arith.constant 1 : i32
      %eq3A_1286 = vector.broadcast %eq3A_1285 : i32 to vector<16xi32>
      %eq3A_1287 = arith.cmpi eq, %iota3A, %eq3A_1286 : vector<16xi32>
      %jit3A_1288 = arith.constant 0 : i32
      %broadcast_in_dim3A_1289 = vector.broadcast %jit3A_1288 : i32 to vector<16xi32>
      %select_n3A_1290 = arith.select %eq3A_1287, %get3A_1255, %broadcast_in_dim3A_1289 : vector<16xi1>, vector<16xi32>
      %reduce_max3A_1291 = arith.constant true
      %reduce_max3A_1292 = vector.broadcast %reduce_max3A_1291 : i1 to vector<16xi1>
      %reduce_max3A_1293 = arith.constant -2147483648 : i32
      %reduce_max3A_1294 = vector.broadcast %reduce_max3A_1293 : i32 to vector<16xi32>
      %reduce_max3A_1295 = arith.xori %select_n3A_1290, %reduce_max3A_1294 : vector<16xi32>
      %reduce_max3A_1296 = tpu.scan <max>, %reduce_max3A_1295 masked %reduce_max3A_1292 : vector<16xi32>, vector<16xi1> -> vector<16xi32>
      %reduce_max3A_1297 = arith.xori %reduce_max3A_1296, %reduce_max3A_1294 : vector<16xi32>
      %reduce_max3A_1298 = vector.extract %reduce_max3A_1297[15] : i32 from vector<16xi32>
      %shift_right_arithmetic3A_1299 = arith.constant 7 : i32
      %shift_right_arithmetic3A_1300 = arith.shrsi %reduce_max3A_1298, %shift_right_arithmetic3A_1299 : i32
      %mul3A_1301 = arith.constant 128 : i32
      %mul3A_1302 = arith.muli %shift_right_arithmetic3A_1300, %mul3A_1301 : i32
      %multiple_of3A_1303 = tpu.assume_multiple %mul3A_1302, 128 : i32
      %dma_start3A_1304 = arith.constant 8 : i32
      %dma_start3A_1305 = arith.constant 0 : i32
      %dma_start3A_1306 = tpu.memref_slice %arg6[%and3A_1249, %dma_start3A_1304, %dma_start3A_1305] : memref<2x256x128xf32, #tpu.memory_space<vmem>> -> memref<1x8x128xf32, #tpu.memory_space<vmem>>
      %dma_start3A_1307 = tpu.memref_squeeze %dma_start3A_1306 : memref<1x8x128xf32, #tpu.memory_space<vmem>> -> memref<8x128xf32, #tpu.memory_space<vmem>>
      %dma_start3A_1308 = tpu.memref_slice %arg3[%mul3A_32, %multiple_of3A_1303] : memref<64x1000000xf32, #tpu.memory_space<hbm>> -> memref<8x128xf32, #tpu.memory_space<hbm>>
      %dma_start3A_1309 = arith.constant 8 : i32
      %dma_start3A_1310 = arith.constant 0 : i32
      %dma_start3A_1311 = tpu.memref_slice %arg6[%and3A_1249, %dma_start3A_1309, %dma_start3A_1310] : memref<2x256x128xf32, #tpu.memory_space<vmem>> -> memref<1x8x128xf32, #tpu.memory_space<vmem>>
      %dma_start3A_1312 = tpu.memref_squeeze %dma_start3A_1311 : memref<1x8x128xf32, #tpu.memory_space<vmem>> -> memref<8x128xf32, #tpu.memory_space<vmem>>
      %dma_start3A_1313 = tpu.memref_slice %arg3[%mul3A_32, %multiple_of3A_1303] : memref<64x1000000xf32, #tpu.memory_space<hbm>> -> memref<8x128xf32, #tpu.memory_space<hbm>>
      tpu.enqueue_dma source(%dma_start3A_1313 : memref<8x128xf32, #tpu.memory_space<hbm>>) target(%dma_start3A_1312 : memref<8x128xf32, #tpu.memory_space<vmem>>) target_semaphore(%arg15 : memref<!tpu.dma_semaphore, #tpu.memory_space<semaphore_mem>>)
      %eq3A_1314 = arith.constant 2 : i32
      %eq3A_1315 = vector.broadcast %eq3A_1314 : i32 to vector<16xi32>
      %eq3A_1316 = arith.cmpi eq, %iota3A, %eq3A_1315 : vector<16xi32>
      %jit3A_1317 = arith.constant 0 : i32
      %broadcast_in_dim3A_1318 = vector.broadcast %jit3A_1317 : i32 to vector<16xi32>
      %select_n3A_1319 = arith.select %eq3A_1316, %get3A_1255, %broadcast_in_dim3A_1318 : vector<16xi1>, vector<16xi32>
      %reduce_max3A_1320 = arith.constant true
      %reduce_max3A_1321 = vector.broadcast %reduce_max3A_1320 : i1 to vector<16xi1>
      %reduce_max3A_1322 = arith.constant -2147483648 : i32
      %reduce_max3A_1323 = vector.broadcast %reduce_max3A_1322 : i32 to vector<16xi32>
      %reduce_max3A_1324 = arith.xori %select_n3A_1319, %reduce_max3A_1323 : vector<16xi32>
      %reduce_max3A_1325 = tpu.scan <max>, %reduce_max3A_1324 masked %reduce_max3A_1321 : vector<16xi32>, vector<16xi1> -> vector<16xi32>
      %reduce_max3A_1326 = arith.xori %reduce_max3A_1325, %reduce_max3A_1323 : vector<16xi32>
      %reduce_max3A_1327 = vector.extract %reduce_max3A_1326[15] : i32 from vector<16xi32>
      %shift_right_arithmetic3A_1328 = arith.constant 7 : i32
      %shift_right_arithmetic3A_1329 = arith.shrsi %reduce_max3A_1327, %shift_right_arithmetic3A_1328 : i32
      %mul3A_1330 = arith.constant 128 : i32
      %mul3A_1331 = arith.muli %shift_right_arithmetic3A_1329, %mul3A_1330 : i32
      %multiple_of3A_1332 = tpu.assume_multiple %mul3A_1331, 128 : i32
      %dma_start3A_1333 = arith.constant 16 : i32
      %dma_start3A_1334 = arith.constant 0 : i32
      %dma_start3A_1335 = tpu.memref_slice %arg6[%and3A_1249, %dma_start3A_1333, %dma_start3A_1334] : memref<2x256x128xf32, #tpu.memory_space<vmem>> -> memref<1x8x128xf32, #tpu.memory_space<vmem>>
      %dma_start3A_1336 = tpu.memref_squeeze %dma_start3A_1335 : memref<1x8x128xf32, #tpu.memory_space<vmem>> -> memref<8x128xf32, #tpu.memory_space<vmem>>
      %dma_start3A_1337 = tpu.memref_slice %arg3[%mul3A_32, %multiple_of3A_1332] : memref<64x1000000xf32, #tpu.memory_space<hbm>> -> memref<8x128xf32, #tpu.memory_space<hbm>>
      %dma_start3A_1338 = arith.constant 16 : i32
      %dma_start3A_1339 = arith.constant 0 : i32
      %dma_start3A_1340 = tpu.memref_slice %arg6[%and3A_1249, %dma_start3A_1338, %dma_start3A_1339] : memref<2x256x128xf32, #tpu.memory_space<vmem>> -> memref<1x8x128xf32, #tpu.memory_space<vmem>>
      %dma_start3A_1341 = tpu.memref_squeeze %dma_start3A_1340 : memref<1x8x128xf32, #tpu.memory_space<vmem>> -> memref<8x128xf32, #tpu.memory_space<vmem>>
      %dma_start3A_1342 = tpu.memref_slice %arg3[%mul3A_32, %multiple_of3A_1332] : memref<64x1000000xf32, #tpu.memory_space<hbm>> -> memref<8x128xf32, #tpu.memory_space<hbm>>
      tpu.enqueue_dma source(%dma_start3A_1342 : memref<8x128xf32, #tpu.memory_space<hbm>>) target(%dma_start3A_1341 : memref<8x128xf32, #tpu.memory_space<vmem>>) target_semaphore(%arg15 : memref<!tpu.dma_semaphore, #tpu.memory_space<semaphore_mem>>)
      %eq3A_1343 = arith.constant 3 : i32
      %eq3A_1344 = vector.broadcast %eq3A_1343 : i32 to vector<16xi32>
      %eq3A_1345 = arith.cmpi eq, %iota3A, %eq3A_1344 : vector<16xi32>
      %jit3A_1346 = arith.constant 0 : i32
      %broadcast_in_dim3A_1347 = vector.broadcast %jit3A_1346 : i32 to vector<16xi32>
      %select_n3A_1348 = arith.select %eq3A_1345, %get3A_1255, %broadcast_in_dim3A_1347 : vector<16xi1>, vector<16xi32>
      %reduce_max3A_1349 = arith.constant true
      %reduce_max3A_1350 = vector.broadcast %reduce_max3A_1349 : i1 to vector<16xi1>
      %reduce_max3A_1351 = arith.constant -2147483648 : i32
      %reduce_max3A_1352 = vector.broadcast %reduce_max3A_1351 : i32 to vector<16xi32>
      %reduce_max3A_1353 = arith.xori %select_n3A_1348, %reduce_max3A_1352 : vector<16xi32>
      %reduce_max3A_1354 = tpu.scan <max>, %reduce_max3A_1353 masked %reduce_max3A_1350 : vector<16xi32>, vector<16xi1> -> vector<16xi32>
      %reduce_max3A_1355 = arith.xori %reduce_max3A_1354, %reduce_max3A_1352 : vector<16xi32>
      %reduce_max3A_1356 = vector.extract %reduce_max3A_1355[15] : i32 from vector<16xi32>
      %shift_right_arithmetic3A_1357 = arith.constant 7 : i32
      %shift_right_arithmetic3A_1358 = arith.shrsi %reduce_max3A_1356, %shift_right_arithmetic3A_1357 : i32
      %mul3A_1359 = arith.constant 128 : i32
      %mul3A_1360 = arith.muli %shift_right_arithmetic3A_1358, %mul3A_1359 : i32
      %multiple_of3A_1361 = tpu.assume_multiple %mul3A_1360, 128 : i32
      %dma_start3A_1362 = arith.constant 24 : i32
      %dma_start3A_1363 = arith.constant 0 : i32
      %dma_start3A_1364 = tpu.memref_slice %arg6[%and3A_1249, %dma_start3A_1362, %dma_start3A_1363] : memref<2x256x128xf32, #tpu.memory_space<vmem>> -> memref<1x8x128xf32, #tpu.memory_space<vmem>>
      %dma_start3A_1365 = tpu.memref_squeeze %dma_start3A_1364 : memref<1x8x128xf32, #tpu.memory_space<vmem>> -> memref<8x128xf32, #tpu.memory_space<vmem>>
      %dma_start3A_1366 = tpu.memref_slice %arg3[%mul3A_32, %multiple_of3A_1361] : memref<64x1000000xf32, #tpu.memory_space<hbm>> -> memref<8x128xf32, #tpu.memory_space<hbm>>
      %dma_start3A_1367 = arith.constant 24 : i32
      %dma_start3A_1368 = arith.constant 0 : i32
      %dma_start3A_1369 = tpu.memref_slice %arg6[%and3A_1249, %dma_start3A_1367, %dma_start3A_1368] : memref<2x256x128xf32, #tpu.memory_space<vmem>> -> memref<1x8x128xf32, #tpu.memory_space<vmem>>
      %dma_start3A_1370 = tpu.memref_squeeze %dma_start3A_1369 : memref<1x8x128xf32, #tpu.memory_space<vmem>> -> memref<8x128xf32, #tpu.memory_space<vmem>>
      %dma_start3A_1371 = tpu.memref_slice %arg3[%mul3A_32, %multiple_of3A_1361] : memref<64x1000000xf32, #tpu.memory_space<hbm>> -> memref<8x128xf32, #tpu.memory_space<hbm>>
      tpu.enqueue_dma source(%dma_start3A_1371 : memref<8x128xf32, #tpu.memory_space<hbm>>) target(%dma_start3A_1370 : memref<8x128xf32, #tpu.memory_space<vmem>>) target_semaphore(%arg15 : memref<!tpu.dma_semaphore, #tpu.memory_space<semaphore_mem>>)
      %eq3A_1372 = arith.constant 4 : i32
      %eq3A_1373 = vector.broadcast %eq3A_1372 : i32 to vector<16xi32>
      %eq3A_1374 = arith.cmpi eq, %iota3A, %eq3A_1373 : vector<16xi32>
      %jit3A_1375 = arith.constant 0 : i32
      %broadcast_in_dim3A_1376 = vector.broadcast %jit3A_1375 : i32 to vector<16xi32>
      %select_n3A_1377 = arith.select %eq3A_1374, %get3A_1255, %broadcast_in_dim3A_1376 : vector<16xi1>, vector<16xi32>
      %reduce_max3A_1378 = arith.constant true
      %reduce_max3A_1379 = vector.broadcast %reduce_max3A_1378 : i1 to vector<16xi1>
      %reduce_max3A_1380 = arith.constant -2147483648 : i32
      %reduce_max3A_1381 = vector.broadcast %reduce_max3A_1380 : i32 to vector<16xi32>
      %reduce_max3A_1382 = arith.xori %select_n3A_1377, %reduce_max3A_1381 : vector<16xi32>
      %reduce_max3A_1383 = tpu.scan <max>, %reduce_max3A_1382 masked %reduce_max3A_1379 : vector<16xi32>, vector<16xi1> -> vector<16xi32>
      %reduce_max3A_1384 = arith.xori %reduce_max3A_1383, %reduce_max3A_1381 : vector<16xi32>
      %reduce_max3A_1385 = vector.extract %reduce_max3A_1384[15] : i32 from vector<16xi32>
      %shift_right_arithmetic3A_1386 = arith.constant 7 : i32
      %shift_right_arithmetic3A_1387 = arith.shrsi %reduce_max3A_1385, %shift_right_arithmetic3A_1386 : i32
      %mul3A_1388 = arith.constant 128 : i32
      %mul3A_1389 = arith.muli %shift_right_arithmetic3A_1387, %mul3A_1388 : i32
      %multiple_of3A_1390 = tpu.assume_multiple %mul3A_1389, 128 : i32
      %dma_start3A_1391 = arith.constant 32 : i32
      %dma_start3A_1392 = arith.constant 0 : i32
      %dma_start3A_1393 = tpu.memref_slice %arg6[%and3A_1249, %dma_start3A_1391, %dma_start3A_1392] : memref<2x256x128xf32, #tpu.memory_space<vmem>> -> memref<1x8x128xf32, #tpu.memory_space<vmem>>
      %dma_start3A_1394 = tpu.memref_squeeze %dma_start3A_1393 : memref<1x8x128xf32, #tpu.memory_space<vmem>> -> memref<8x128xf32, #tpu.memory_space<vmem>>
      %dma_start3A_1395 = tpu.memref_slice %arg3[%mul3A_32, %multiple_of3A_1390] : memref<64x1000000xf32, #tpu.memory_space<hbm>> -> memref<8x128xf32, #tpu.memory_space<hbm>>
      %dma_start3A_1396 = arith.constant 32 : i32
      %dma_start3A_1397 = arith.constant 0 : i32
      %dma_start3A_1398 = tpu.memref_slice %arg6[%and3A_1249, %dma_start3A_1396, %dma_start3A_1397] : memref<2x256x128xf32, #tpu.memory_space<vmem>> -> memref<1x8x128xf32, #tpu.memory_space<vmem>>
      %dma_start3A_1399 = tpu.memref_squeeze %dma_start3A_1398 : memref<1x8x128xf32, #tpu.memory_space<vmem>> -> memref<8x128xf32, #tpu.memory_space<vmem>>
      %dma_start3A_1400 = tpu.memref_slice %arg3[%mul3A_32, %multiple_of3A_1390] : memref<64x1000000xf32, #tpu.memory_space<hbm>> -> memref<8x128xf32, #tpu.memory_space<hbm>>
      tpu.enqueue_dma source(%dma_start3A_1400 : memref<8x128xf32, #tpu.memory_space<hbm>>) target(%dma_start3A_1399 : memref<8x128xf32, #tpu.memory_space<vmem>>) target_semaphore(%arg15 : memref<!tpu.dma_semaphore, #tpu.memory_space<semaphore_mem>>)
      %eq3A_1401 = arith.constant 5 : i32
      %eq3A_1402 = vector.broadcast %eq3A_1401 : i32 to vector<16xi32>
      %eq3A_1403 = arith.cmpi eq, %iota3A, %eq3A_1402 : vector<16xi32>
      %jit3A_1404 = arith.constant 0 : i32
      %broadcast_in_dim3A_1405 = vector.broadcast %jit3A_1404 : i32 to vector<16xi32>
      %select_n3A_1406 = arith.select %eq3A_1403, %get3A_1255, %broadcast_in_dim3A_1405 : vector<16xi1>, vector<16xi32>
      %reduce_max3A_1407 = arith.constant true
      %reduce_max3A_1408 = vector.broadcast %reduce_max3A_1407 : i1 to vector<16xi1>
      %reduce_max3A_1409 = arith.constant -2147483648 : i32
      %reduce_max3A_1410 = vector.broadcast %reduce_max3A_1409 : i32 to vector<16xi32>
      %reduce_max3A_1411 = arith.xori %select_n3A_1406, %reduce_max3A_1410 : vector<16xi32>
      %reduce_max3A_1412 = tpu.scan <max>, %reduce_max3A_1411 masked %reduce_max3A_1408 : vector<16xi32>, vector<16xi1> -> vector<16xi32>
      %reduce_max3A_1413 = arith.xori %reduce_max3A_1412, %reduce_max3A_1410 : vector<16xi32>
      %reduce_max3A_1414 = vector.extract %reduce_max3A_1413[15] : i32 from vector<16xi32>
      %shift_right_arithmetic3A_1415 = arith.constant 7 : i32
      %shift_right_arithmetic3A_1416 = arith.shrsi %reduce_max3A_1414, %shift_right_arithmetic3A_1415 : i32
      %mul3A_1417 = arith.constant 128 : i32
      %mul3A_1418 = arith.muli %shift_right_arithmetic3A_1416, %mul3A_1417 : i32
      %multiple_of3A_1419 = tpu.assume_multiple %mul3A_1418, 128 : i32
      %dma_start3A_1420 = arith.constant 40 : i32
      %dma_start3A_1421 = arith.constant 0 : i32
      %dma_start3A_1422 = tpu.memref_slice %arg6[%and3A_1249, %dma_start3A_1420, %dma_start3A_1421] : memref<2x256x128xf32, #tpu.memory_space<vmem>> -> memref<1x8x128xf32, #tpu.memory_space<vmem>>
      %dma_start3A_1423 = tpu.memref_squeeze %dma_start3A_1422 : memref<1x8x128xf32, #tpu.memory_space<vmem>> -> memref<8x128xf32, #tpu.memory_space<vmem>>
      %dma_start3A_1424 = tpu.memref_slice %arg3[%mul3A_32, %multiple_of3A_1419] : memref<64x1000000xf32, #tpu.memory_space<hbm>> -> memref<8x128xf32, #tpu.memory_space<hbm>>
      %dma_start3A_1425 = arith.constant 40 : i32
      %dma_start3A_1426 = arith.constant 0 : i32
      %dma_start3A_1427 = tpu.memref_slice %arg6[%and3A_1249, %dma_start3A_1425, %dma_start3A_1426] : memref<2x256x128xf32, #tpu.memory_space<vmem>> -> memref<1x8x128xf32, #tpu.memory_space<vmem>>
      %dma_start3A_1428 = tpu.memref_squeeze %dma_start3A_1427 : memref<1x8x128xf32, #tpu.memory_space<vmem>> -> memref<8x128xf32, #tpu.memory_space<vmem>>
      %dma_start3A_1429 = tpu.memref_slice %arg3[%mul3A_32, %multiple_of3A_1419] : memref<64x1000000xf32, #tpu.memory_space<hbm>> -> memref<8x128xf32, #tpu.memory_space<hbm>>
      tpu.enqueue_dma source(%dma_start3A_1429 : memref<8x128xf32, #tpu.memory_space<hbm>>) target(%dma_start3A_1428 : memref<8x128xf32, #tpu.memory_space<vmem>>) target_semaphore(%arg15 : memref<!tpu.dma_semaphore, #tpu.memory_space<semaphore_mem>>)
      %eq3A_1430 = arith.constant 6 : i32
      %eq3A_1431 = vector.broadcast %eq3A_1430 : i32 to vector<16xi32>
      %eq3A_1432 = arith.cmpi eq, %iota3A, %eq3A_1431 : vector<16xi32>
      %jit3A_1433 = arith.constant 0 : i32
      %broadcast_in_dim3A_1434 = vector.broadcast %jit3A_1433 : i32 to vector<16xi32>
      %select_n3A_1435 = arith.select %eq3A_1432, %get3A_1255, %broadcast_in_dim3A_1434 : vector<16xi1>, vector<16xi32>
      %reduce_max3A_1436 = arith.constant true
      %reduce_max3A_1437 = vector.broadcast %reduce_max3A_1436 : i1 to vector<16xi1>
      %reduce_max3A_1438 = arith.constant -2147483648 : i32
      %reduce_max3A_1439 = vector.broadcast %reduce_max3A_1438 : i32 to vector<16xi32>
      %reduce_max3A_1440 = arith.xori %select_n3A_1435, %reduce_max3A_1439 : vector<16xi32>
      %reduce_max3A_1441 = tpu.scan <max>, %reduce_max3A_1440 masked %reduce_max3A_1437 : vector<16xi32>, vector<16xi1> -> vector<16xi32>
      %reduce_max3A_1442 = arith.xori %reduce_max3A_1441, %reduce_max3A_1439 : vector<16xi32>
      %reduce_max3A_1443 = vector.extract %reduce_max3A_1442[15] : i32 from vector<16xi32>
      %shift_right_arithmetic3A_1444 = arith.constant 7 : i32
      %shift_right_arithmetic3A_1445 = arith.shrsi %reduce_max3A_1443, %shift_right_arithmetic3A_1444 : i32
      %mul3A_1446 = arith.constant 128 : i32
      %mul3A_1447 = arith.muli %shift_right_arithmetic3A_1445, %mul3A_1446 : i32
      %multiple_of3A_1448 = tpu.assume_multiple %mul3A_1447, 128 : i32
      %dma_start3A_1449 = arith.constant 48 : i32
      %dma_start3A_1450 = arith.constant 0 : i32
      %dma_start3A_1451 = tpu.memref_slice %arg6[%and3A_1249, %dma_start3A_1449, %dma_start3A_1450] : memref<2x256x128xf32, #tpu.memory_space<vmem>> -> memref<1x8x128xf32, #tpu.memory_space<vmem>>
      %dma_start3A_1452 = tpu.memref_squeeze %dma_start3A_1451 : memref<1x8x128xf32, #tpu.memory_space<vmem>> -> memref<8x128xf32, #tpu.memory_space<vmem>>
      %dma_start3A_1453 = tpu.memref_slice %arg3[%mul3A_32, %multiple_of3A_1448] : memref<64x1000000xf32, #tpu.memory_space<hbm>> -> memref<8x128xf32, #tpu.memory_space<hbm>>
      %dma_start3A_1454 = arith.constant 48 : i32
      %dma_start3A_1455 = arith.constant 0 : i32
      %dma_start3A_1456 = tpu.memref_slice %arg6[%and3A_1249, %dma_start3A_1454, %dma_start3A_1455] : memref<2x256x128xf32, #tpu.memory_space<vmem>> -> memref<1x8x128xf32, #tpu.memory_space<vmem>>
      %dma_start3A_1457 = tpu.memref_squeeze %dma_start3A_1456 : memref<1x8x128xf32, #tpu.memory_space<vmem>> -> memref<8x128xf32, #tpu.memory_space<vmem>>
      %dma_start3A_1458 = tpu.memref_slice %arg3[%mul3A_32, %multiple_of3A_1448] : memref<64x1000000xf32, #tpu.memory_space<hbm>> -> memref<8x128xf32, #tpu.memory_space<hbm>>
      tpu.enqueue_dma source(%dma_start3A_1458 : memref<8x128xf32, #tpu.memory_space<hbm>>) target(%dma_start3A_1457 : memref<8x128xf32, #tpu.memory_space<vmem>>) target_semaphore(%arg15 : memref<!tpu.dma_semaphore, #tpu.memory_space<semaphore_mem>>)
      %eq3A_1459 = arith.constant 7 : i32
      %eq3A_1460 = vector.broadcast %eq3A_1459 : i32 to vector<16xi32>
      %eq3A_1461 = arith.cmpi eq, %iota3A, %eq3A_1460 : vector<16xi32>
      %jit3A_1462 = arith.constant 0 : i32
      %broadcast_in_dim3A_1463 = vector.broadcast %jit3A_1462 : i32 to vector<16xi32>
      %select_n3A_1464 = arith.select %eq3A_1461, %get3A_1255, %broadcast_in_dim3A_1463 : vector<16xi1>, vector<16xi32>
      %reduce_max3A_1465 = arith.constant true
      %reduce_max3A_1466 = vector.broadcast %reduce_max3A_1465 : i1 to vector<16xi1>
      %reduce_max3A_1467 = arith.constant -2147483648 : i32
      %reduce_max3A_1468 = vector.broadcast %reduce_max3A_1467 : i32 to vector<16xi32>
      %reduce_max3A_1469 = arith.xori %select_n3A_1464, %reduce_max3A_1468 : vector<16xi32>
      %reduce_max3A_1470 = tpu.scan <max>, %reduce_max3A_1469 masked %reduce_max3A_1466 : vector<16xi32>, vector<16xi1> -> vector<16xi32>
      %reduce_max3A_1471 = arith.xori %reduce_max3A_1470, %reduce_max3A_1468 : vector<16xi32>
      %reduce_max3A_1472 = vector.extract %reduce_max3A_1471[15] : i32 from vector<16xi32>
      %shift_right_arithmetic3A_1473 = arith.constant 7 : i32
      %shift_right_arithmetic3A_1474 = arith.shrsi %reduce_max3A_1472, %shift_right_arithmetic3A_1473 : i32
      %mul3A_1475 = arith.constant 128 : i32
      %mul3A_1476 = arith.muli %shift_right_arithmetic3A_1474, %mul3A_1475 : i32
      %multiple_of3A_1477 = tpu.assume_multiple %mul3A_1476, 128 : i32
      %dma_start3A_1478 = arith.constant 56 : i32
      %dma_start3A_1479 = arith.constant 0 : i32
      %dma_start3A_1480 = tpu.memref_slice %arg6[%and3A_1249, %dma_start3A_1478, %dma_start3A_1479] : memref<2x256x128xf32, #tpu.memory_space<vmem>> -> memref<1x8x128xf32, #tpu.memory_space<vmem>>
      %dma_start3A_1481 = tpu.memref_squeeze %dma_start3A_1480 : memref<1x8x128xf32, #tpu.memory_space<vmem>> -> memref<8x128xf32, #tpu.memory_space<vmem>>
      %dma_start3A_1482 = tpu.memref_slice %arg3[%mul3A_32, %multiple_of3A_1477] : memref<64x1000000xf32, #tpu.memory_space<hbm>> -> memref<8x128xf32, #tpu.memory_space<hbm>>
      %dma_start3A_1483 = arith.constant 56 : i32
      %dma_start3A_1484 = arith.constant 0 : i32
      %dma_start3A_1485 = tpu.memref_slice %arg6[%and3A_1249, %dma_start3A_1483, %dma_start3A_1484] : memref<2x256x128xf32, #tpu.memory_space<vmem>> -> memref<1x8x128xf32, #tpu.memory_space<vmem>>
      %dma_start3A_1486 = tpu.memref_squeeze %dma_start3A_1485 : memref<1x8x128xf32, #tpu.memory_space<vmem>> -> memref<8x128xf32, #tpu.memory_space<vmem>>
      %dma_start3A_1487 = tpu.memref_slice %arg3[%mul3A_32, %multiple_of3A_1477] : memref<64x1000000xf32, #tpu.memory_space<hbm>> -> memref<8x128xf32, #tpu.memory_space<hbm>>
      tpu.enqueue_dma source(%dma_start3A_1487 : memref<8x128xf32, #tpu.memory_space<hbm>>) target(%dma_start3A_1486 : memref<8x128xf32, #tpu.memory_space<vmem>>) target_semaphore(%arg15 : memref<!tpu.dma_semaphore, #tpu.memory_space<semaphore_mem>>)
      %eq3A_1488 = arith.constant 8 : i32
      %eq3A_1489 = vector.broadcast %eq3A_1488 : i32 to vector<16xi32>
      %eq3A_1490 = arith.cmpi eq, %iota3A, %eq3A_1489 : vector<16xi32>
      %jit3A_1491 = arith.constant 0 : i32
      %broadcast_in_dim3A_1492 = vector.broadcast %jit3A_1491 : i32 to vector<16xi32>
      %select_n3A_1493 = arith.select %eq3A_1490, %get3A_1255, %broadcast_in_dim3A_1492 : vector<16xi1>, vector<16xi32>
      %reduce_max3A_1494 = arith.constant true
      %reduce_max3A_1495 = vector.broadcast %reduce_max3A_1494 : i1 to vector<16xi1>
      %reduce_max3A_1496 = arith.constant -2147483648 : i32
      %reduce_max3A_1497 = vector.broadcast %reduce_max3A_1496 : i32 to vector<16xi32>
      %reduce_max3A_1498 = arith.xori %select_n3A_1493, %reduce_max3A_1497 : vector<16xi32>
      %reduce_max3A_1499 = tpu.scan <max>, %reduce_max3A_1498 masked %reduce_max3A_1495 : vector<16xi32>, vector<16xi1> -> vector<16xi32>
      %reduce_max3A_1500 = arith.xori %reduce_max3A_1499, %reduce_max3A_1497 : vector<16xi32>
      %reduce_max3A_1501 = vector.extract %reduce_max3A_1500[15] : i32 from vector<16xi32>
      %shift_right_arithmetic3A_1502 = arith.constant 7 : i32
      %shift_right_arithmetic3A_1503 = arith.shrsi %reduce_max3A_1501, %shift_right_arithmetic3A_1502 : i32
      %mul3A_1504 = arith.constant 128 : i32
      %mul3A_1505 = arith.muli %shift_right_arithmetic3A_1503, %mul3A_1504 : i32
      %multiple_of3A_1506 = tpu.assume_multiple %mul3A_1505, 128 : i32
      %dma_start3A_1507 = arith.constant 64 : i32
      %dma_start3A_1508 = arith.constant 0 : i32
      %dma_start3A_1509 = tpu.memref_slice %arg6[%and3A_1249, %dma_start3A_1507, %dma_start3A_1508] : memref<2x256x128xf32, #tpu.memory_space<vmem>> -> memref<1x8x128xf32, #tpu.memory_space<vmem>>
      %dma_start3A_1510 = tpu.memref_squeeze %dma_start3A_1509 : memref<1x8x128xf32, #tpu.memory_space<vmem>> -> memref<8x128xf32, #tpu.memory_space<vmem>>
      %dma_start3A_1511 = tpu.memref_slice %arg3[%mul3A_32, %multiple_of3A_1506] : memref<64x1000000xf32, #tpu.memory_space<hbm>> -> memref<8x128xf32, #tpu.memory_space<hbm>>
      %dma_start3A_1512 = arith.constant 64 : i32
      %dma_start3A_1513 = arith.constant 0 : i32
      %dma_start3A_1514 = tpu.memref_slice %arg6[%and3A_1249, %dma_start3A_1512, %dma_start3A_1513] : memref<2x256x128xf32, #tpu.memory_space<vmem>> -> memref<1x8x128xf32, #tpu.memory_space<vmem>>
      %dma_start3A_1515 = tpu.memref_squeeze %dma_start3A_1514 : memref<1x8x128xf32, #tpu.memory_space<vmem>> -> memref<8x128xf32, #tpu.memory_space<vmem>>
      %dma_start3A_1516 = tpu.memref_slice %arg3[%mul3A_32, %multiple_of3A_1506] : memref<64x1000000xf32, #tpu.memory_space<hbm>> -> memref<8x128xf32, #tpu.memory_space<hbm>>
      tpu.enqueue_dma source(%dma_start3A_1516 : memref<8x128xf32, #tpu.memory_space<hbm>>) target(%dma_start3A_1515 : memref<8x128xf32, #tpu.memory_space<vmem>>) target_semaphore(%arg15 : memref<!tpu.dma_semaphore, #tpu.memory_space<semaphore_mem>>)
      %eq3A_1517 = arith.constant 9 : i32
      %eq3A_1518 = vector.broadcast %eq3A_1517 : i32 to vector<16xi32>
      %eq3A_1519 = arith.cmpi eq, %iota3A, %eq3A_1518 : vector<16xi32>
      %jit3A_1520 = arith.constant 0 : i32
      %broadcast_in_dim3A_1521 = vector.broadcast %jit3A_1520 : i32 to vector<16xi32>
      %select_n3A_1522 = arith.select %eq3A_1519, %get3A_1255, %broadcast_in_dim3A_1521 : vector<16xi1>, vector<16xi32>
      %reduce_max3A_1523 = arith.constant true
      %reduce_max3A_1524 = vector.broadcast %reduce_max3A_1523 : i1 to vector<16xi1>
      %reduce_max3A_1525 = arith.constant -2147483648 : i32
      %reduce_max3A_1526 = vector.broadcast %reduce_max3A_1525 : i32 to vector<16xi32>
      %reduce_max3A_1527 = arith.xori %select_n3A_1522, %reduce_max3A_1526 : vector<16xi32>
      %reduce_max3A_1528 = tpu.scan <max>, %reduce_max3A_1527 masked %reduce_max3A_1524 : vector<16xi32>, vector<16xi1> -> vector<16xi32>
      %reduce_max3A_1529 = arith.xori %reduce_max3A_1528, %reduce_max3A_1526 : vector<16xi32>
      %reduce_max3A_1530 = vector.extract %reduce_max3A_1529[15] : i32 from vector<16xi32>
      %shift_right_arithmetic3A_1531 = arith.constant 7 : i32
      %shift_right_arithmetic3A_1532 = arith.shrsi %reduce_max3A_1530, %shift_right_arithmetic3A_1531 : i32
      %mul3A_1533 = arith.constant 128 : i32
      %mul3A_1534 = arith.muli %shift_right_arithmetic3A_1532, %mul3A_1533 : i32
      %multiple_of3A_1535 = tpu.assume_multiple %mul3A_1534, 128 : i32
      %dma_start3A_1536 = arith.constant 72 : i32
      %dma_start3A_1537 = arith.constant 0 : i32
      %dma_start3A_1538 = tpu.memref_slice %arg6[%and3A_1249, %dma_start3A_1536, %dma_start3A_1537] : memref<2x256x128xf32, #tpu.memory_space<vmem>> -> memref<1x8x128xf32, #tpu.memory_space<vmem>>
      %dma_start3A_1539 = tpu.memref_squeeze %dma_start3A_1538 : memref<1x8x128xf32, #tpu.memory_space<vmem>> -> memref<8x128xf32, #tpu.memory_space<vmem>>
      %dma_start3A_1540 = tpu.memref_slice %arg3[%mul3A_32, %multiple_of3A_1535] : memref<64x1000000xf32, #tpu.memory_space<hbm>> -> memref<8x128xf32, #tpu.memory_space<hbm>>
      %dma_start3A_1541 = arith.constant 72 : i32
      %dma_start3A_1542 = arith.constant 0 : i32
      %dma_start3A_1543 = tpu.memref_slice %arg6[%and3A_1249, %dma_start3A_1541, %dma_start3A_1542] : memref<2x256x128xf32, #tpu.memory_space<vmem>> -> memref<1x8x128xf32, #tpu.memory_space<vmem>>
      %dma_start3A_1544 = tpu.memref_squeeze %dma_start3A_1543 : memref<1x8x128xf32, #tpu.memory_space<vmem>> -> memref<8x128xf32, #tpu.memory_space<vmem>>
      %dma_start3A_1545 = tpu.memref_slice %arg3[%mul3A_32, %multiple_of3A_1535] : memref<64x1000000xf32, #tpu.memory_space<hbm>> -> memref<8x128xf32, #tpu.memory_space<hbm>>
      tpu.enqueue_dma source(%dma_start3A_1545 : memref<8x128xf32, #tpu.memory_space<hbm>>) target(%dma_start3A_1544 : memref<8x128xf32, #tpu.memory_space<vmem>>) target_semaphore(%arg15 : memref<!tpu.dma_semaphore, #tpu.memory_space<semaphore_mem>>)
      %eq3A_1546 = arith.constant 10 : i32
      %eq3A_1547 = vector.broadcast %eq3A_1546 : i32 to vector<16xi32>
      %eq3A_1548 = arith.cmpi eq, %iota3A, %eq3A_1547 : vector<16xi32>
      %jit3A_1549 = arith.constant 0 : i32
      %broadcast_in_dim3A_1550 = vector.broadcast %jit3A_1549 : i32 to vector<16xi32>
      %select_n3A_1551 = arith.select %eq3A_1548, %get3A_1255, %broadcast_in_dim3A_1550 : vector<16xi1>, vector<16xi32>
      %reduce_max3A_1552 = arith.constant true
      %reduce_max3A_1553 = vector.broadcast %reduce_max3A_1552 : i1 to vector<16xi1>
      %reduce_max3A_1554 = arith.constant -2147483648 : i32
      %reduce_max3A_1555 = vector.broadcast %reduce_max3A_1554 : i32 to vector<16xi32>
      %reduce_max3A_1556 = arith.xori %select_n3A_1551, %reduce_max3A_1555 : vector<16xi32>
      %reduce_max3A_1557 = tpu.scan <max>, %reduce_max3A_1556 masked %reduce_max3A_1553 : vector<16xi32>, vector<16xi1> -> vector<16xi32>
      %reduce_max3A_1558 = arith.xori %reduce_max3A_1557, %reduce_max3A_1555 : vector<16xi32>
      %reduce_max3A_1559 = vector.extract %reduce_max3A_1558[15] : i32 from vector<16xi32>
      %shift_right_arithmetic3A_1560 = arith.constant 7 : i32
      %shift_right_arithmetic3A_1561 = arith.shrsi %reduce_max3A_1559, %shift_right_arithmetic3A_1560 : i32
      %mul3A_1562 = arith.constant 128 : i32
      %mul3A_1563 = arith.muli %shift_right_arithmetic3A_1561, %mul3A_1562 : i32
      %multiple_of3A_1564 = tpu.assume_multiple %mul3A_1563, 128 : i32
      %dma_start3A_1565 = arith.constant 80 : i32
      %dma_start3A_1566 = arith.constant 0 : i32
      %dma_start3A_1567 = tpu.memref_slice %arg6[%and3A_1249, %dma_start3A_1565, %dma_start3A_1566] : memref<2x256x128xf32, #tpu.memory_space<vmem>> -> memref<1x8x128xf32, #tpu.memory_space<vmem>>
      %dma_start3A_1568 = tpu.memref_squeeze %dma_start3A_1567 : memref<1x8x128xf32, #tpu.memory_space<vmem>> -> memref<8x128xf32, #tpu.memory_space<vmem>>
      %dma_start3A_1569 = tpu.memref_slice %arg3[%mul3A_32, %multiple_of3A_1564] : memref<64x1000000xf32, #tpu.memory_space<hbm>> -> memref<8x128xf32, #tpu.memory_space<hbm>>
      %dma_start3A_1570 = arith.constant 80 : i32
      %dma_start3A_1571 = arith.constant 0 : i32
      %dma_start3A_1572 = tpu.memref_slice %arg6[%and3A_1249, %dma_start3A_1570, %dma_start3A_1571] : memref<2x256x128xf32, #tpu.memory_space<vmem>> -> memref<1x8x128xf32, #tpu.memory_space<vmem>>
      %dma_start3A_1573 = tpu.memref_squeeze %dma_start3A_1572 : memref<1x8x128xf32, #tpu.memory_space<vmem>> -> memref<8x128xf32, #tpu.memory_space<vmem>>
      %dma_start3A_1574 = tpu.memref_slice %arg3[%mul3A_32, %multiple_of3A_1564] : memref<64x1000000xf32, #tpu.memory_space<hbm>> -> memref<8x128xf32, #tpu.memory_space<hbm>>
      tpu.enqueue_dma source(%dma_start3A_1574 : memref<8x128xf32, #tpu.memory_space<hbm>>) target(%dma_start3A_1573 : memref<8x128xf32, #tpu.memory_space<vmem>>) target_semaphore(%arg15 : memref<!tpu.dma_semaphore, #tpu.memory_space<semaphore_mem>>)
      %eq3A_1575 = arith.constant 11 : i32
      %eq3A_1576 = vector.broadcast %eq3A_1575 : i32 to vector<16xi32>
      %eq3A_1577 = arith.cmpi eq, %iota3A, %eq3A_1576 : vector<16xi32>
      %jit3A_1578 = arith.constant 0 : i32
      %broadcast_in_dim3A_1579 = vector.broadcast %jit3A_1578 : i32 to vector<16xi32>
      %select_n3A_1580 = arith.select %eq3A_1577, %get3A_1255, %broadcast_in_dim3A_1579 : vector<16xi1>, vector<16xi32>
      %reduce_max3A_1581 = arith.constant true
      %reduce_max3A_1582 = vector.broadcast %reduce_max3A_1581 : i1 to vector<16xi1>
      %reduce_max3A_1583 = arith.constant -2147483648 : i32
      %reduce_max3A_1584 = vector.broadcast %reduce_max3A_1583 : i32 to vector<16xi32>
      %reduce_max3A_1585 = arith.xori %select_n3A_1580, %reduce_max3A_1584 : vector<16xi32>
      %reduce_max3A_1586 = tpu.scan <max>, %reduce_max3A_1585 masked %reduce_max3A_1582 : vector<16xi32>, vector<16xi1> -> vector<16xi32>
      %reduce_max3A_1587 = arith.xori %reduce_max3A_1586, %reduce_max3A_1584 : vector<16xi32>
      %reduce_max3A_1588 = vector.extract %reduce_max3A_1587[15] : i32 from vector<16xi32>
      %shift_right_arithmetic3A_1589 = arith.constant 7 : i32
      %shift_right_arithmetic3A_1590 = arith.shrsi %reduce_max3A_1588, %shift_right_arithmetic3A_1589 : i32
      %mul3A_1591 = arith.constant 128 : i32
      %mul3A_1592 = arith.muli %shift_right_arithmetic3A_1590, %mul3A_1591 : i32
      %multiple_of3A_1593 = tpu.assume_multiple %mul3A_1592, 128 : i32
      %dma_start3A_1594 = arith.constant 88 : i32
      %dma_start3A_1595 = arith.constant 0 : i32
      %dma_start3A_1596 = tpu.memref_slice %arg6[%and3A_1249, %dma_start3A_1594, %dma_start3A_1595] : memref<2x256x128xf32, #tpu.memory_space<vmem>> -> memref<1x8x128xf32, #tpu.memory_space<vmem>>
      %dma_start3A_1597 = tpu.memref_squeeze %dma_start3A_1596 : memref<1x8x128xf32, #tpu.memory_space<vmem>> -> memref<8x128xf32, #tpu.memory_space<vmem>>
      %dma_start3A_1598 = tpu.memref_slice %arg3[%mul3A_32, %multiple_of3A_1593] : memref<64x1000000xf32, #tpu.memory_space<hbm>> -> memref<8x128xf32, #tpu.memory_space<hbm>>
      %dma_start3A_1599 = arith.constant 88 : i32
      %dma_start3A_1600 = arith.constant 0 : i32
      %dma_start3A_1601 = tpu.memref_slice %arg6[%and3A_1249, %dma_start3A_1599, %dma_start3A_1600] : memref<2x256x128xf32, #tpu.memory_space<vmem>> -> memref<1x8x128xf32, #tpu.memory_space<vmem>>
      %dma_start3A_1602 = tpu.memref_squeeze %dma_start3A_1601 : memref<1x8x128xf32, #tpu.memory_space<vmem>> -> memref<8x128xf32, #tpu.memory_space<vmem>>
      %dma_start3A_1603 = tpu.memref_slice %arg3[%mul3A_32, %multiple_of3A_1593] : memref<64x1000000xf32, #tpu.memory_space<hbm>> -> memref<8x128xf32, #tpu.memory_space<hbm>>
      tpu.enqueue_dma source(%dma_start3A_1603 : memref<8x128xf32, #tpu.memory_space<hbm>>) target(%dma_start3A_1602 : memref<8x128xf32, #tpu.memory_space<vmem>>) target_semaphore(%arg15 : memref<!tpu.dma_semaphore, #tpu.memory_space<semaphore_mem>>)
      %eq3A_1604 = arith.constant 12 : i32
      %eq3A_1605 = vector.broadcast %eq3A_1604 : i32 to vector<16xi32>
      %eq3A_1606 = arith.cmpi eq, %iota3A, %eq3A_1605 : vector<16xi32>
      %jit3A_1607 = arith.constant 0 : i32
      %broadcast_in_dim3A_1608 = vector.broadcast %jit3A_1607 : i32 to vector<16xi32>
      %select_n3A_1609 = arith.select %eq3A_1606, %get3A_1255, %broadcast_in_dim3A_1608 : vector<16xi1>, vector<16xi32>
      %reduce_max3A_1610 = arith.constant true
      %reduce_max3A_1611 = vector.broadcast %reduce_max3A_1610 : i1 to vector<16xi1>
      %reduce_max3A_1612 = arith.constant -2147483648 : i32
      %reduce_max3A_1613 = vector.broadcast %reduce_max3A_1612 : i32 to vector<16xi32>
      %reduce_max3A_1614 = arith.xori %select_n3A_1609, %reduce_max3A_1613 : vector<16xi32>
      %reduce_max3A_1615 = tpu.scan <max>, %reduce_max3A_1614 masked %reduce_max3A_1611 : vector<16xi32>, vector<16xi1> -> vector<16xi32>
      %reduce_max3A_1616 = arith.xori %reduce_max3A_1615, %reduce_max3A_1613 : vector<16xi32>
      %reduce_max3A_1617 = vector.extract %reduce_max3A_1616[15] : i32 from vector<16xi32>
      %shift_right_arithmetic3A_1618 = arith.constant 7 : i32
      %shift_right_arithmetic3A_1619 = arith.shrsi %reduce_max3A_1617, %shift_right_arithmetic3A_1618 : i32
      %mul3A_1620 = arith.constant 128 : i32
      %mul3A_1621 = arith.muli %shift_right_arithmetic3A_1619, %mul3A_1620 : i32
      %multiple_of3A_1622 = tpu.assume_multiple %mul3A_1621, 128 : i32
      %dma_start3A_1623 = arith.constant 96 : i32
      %dma_start3A_1624 = arith.constant 0 : i32
      %dma_start3A_1625 = tpu.memref_slice %arg6[%and3A_1249, %dma_start3A_1623, %dma_start3A_1624] : memref<2x256x128xf32, #tpu.memory_space<vmem>> -> memref<1x8x128xf32, #tpu.memory_space<vmem>>
      %dma_start3A_1626 = tpu.memref_squeeze %dma_start3A_1625 : memref<1x8x128xf32, #tpu.memory_space<vmem>> -> memref<8x128xf32, #tpu.memory_space<vmem>>
      %dma_start3A_1627 = tpu.memref_slice %arg3[%mul3A_32, %multiple_of3A_1622] : memref<64x1000000xf32, #tpu.memory_space<hbm>> -> memref<8x128xf32, #tpu.memory_space<hbm>>
      %dma_start3A_1628 = arith.constant 96 : i32
      %dma_start3A_1629 = arith.constant 0 : i32
      %dma_start3A_1630 = tpu.memref_slice %arg6[%and3A_1249, %dma_start3A_1628, %dma_start3A_1629] : memref<2x256x128xf32, #tpu.memory_space<vmem>> -> memref<1x8x128xf32, #tpu.memory_space<vmem>>
      %dma_start3A_1631 = tpu.memref_squeeze %dma_start3A_1630 : memref<1x8x128xf32, #tpu.memory_space<vmem>> -> memref<8x128xf32, #tpu.memory_space<vmem>>
      %dma_start3A_1632 = tpu.memref_slice %arg3[%mul3A_32, %multiple_of3A_1622] : memref<64x1000000xf32, #tpu.memory_space<hbm>> -> memref<8x128xf32, #tpu.memory_space<hbm>>
      tpu.enqueue_dma source(%dma_start3A_1632 : memref<8x128xf32, #tpu.memory_space<hbm>>) target(%dma_start3A_1631 : memref<8x128xf32, #tpu.memory_space<vmem>>) target_semaphore(%arg15 : memref<!tpu.dma_semaphore, #tpu.memory_space<semaphore_mem>>)
      %eq3A_1633 = arith.constant 13 : i32
      %eq3A_1634 = vector.broadcast %eq3A_1633 : i32 to vector<16xi32>
      %eq3A_1635 = arith.cmpi eq, %iota3A, %eq3A_1634 : vector<16xi32>
      %jit3A_1636 = arith.constant 0 : i32
      %broadcast_in_dim3A_1637 = vector.broadcast %jit3A_1636 : i32 to vector<16xi32>
      %select_n3A_1638 = arith.select %eq3A_1635, %get3A_1255, %broadcast_in_dim3A_1637 : vector<16xi1>, vector<16xi32>
      %reduce_max3A_1639 = arith.constant true
      %reduce_max3A_1640 = vector.broadcast %reduce_max3A_1639 : i1 to vector<16xi1>
      %reduce_max3A_1641 = arith.constant -2147483648 : i32
      %reduce_max3A_1642 = vector.broadcast %reduce_max3A_1641 : i32 to vector<16xi32>
      %reduce_max3A_1643 = arith.xori %select_n3A_1638, %reduce_max3A_1642 : vector<16xi32>
      %reduce_max3A_1644 = tpu.scan <max>, %reduce_max3A_1643 masked %reduce_max3A_1640 : vector<16xi32>, vector<16xi1> -> vector<16xi32>
      %reduce_max3A_1645 = arith.xori %reduce_max3A_1644, %reduce_max3A_1642 : vector<16xi32>
      %reduce_max3A_1646 = vector.extract %reduce_max3A_1645[15] : i32 from vector<16xi32>
      %shift_right_arithmetic3A_1647 = arith.constant 7 : i32
      %shift_right_arithmetic3A_1648 = arith.shrsi %reduce_max3A_1646, %shift_right_arithmetic3A_1647 : i32
      %mul3A_1649 = arith.constant 128 : i32
      %mul3A_1650 = arith.muli %shift_right_arithmetic3A_1648, %mul3A_1649 : i32
      %multiple_of3A_1651 = tpu.assume_multiple %mul3A_1650, 128 : i32
      %dma_start3A_1652 = arith.constant 104 : i32
      %dma_start3A_1653 = arith.constant 0 : i32
      %dma_start3A_1654 = tpu.memref_slice %arg6[%and3A_1249, %dma_start3A_1652, %dma_start3A_1653] : memref<2x256x128xf32, #tpu.memory_space<vmem>> -> memref<1x8x128xf32, #tpu.memory_space<vmem>>
      %dma_start3A_1655 = tpu.memref_squeeze %dma_start3A_1654 : memref<1x8x128xf32, #tpu.memory_space<vmem>> -> memref<8x128xf32, #tpu.memory_space<vmem>>
      %dma_start3A_1656 = tpu.memref_slice %arg3[%mul3A_32, %multiple_of3A_1651] : memref<64x1000000xf32, #tpu.memory_space<hbm>> -> memref<8x128xf32, #tpu.memory_space<hbm>>
      %dma_start3A_1657 = arith.constant 104 : i32
      %dma_start3A_1658 = arith.constant 0 : i32
      %dma_start3A_1659 = tpu.memref_slice %arg6[%and3A_1249, %dma_start3A_1657, %dma_start3A_1658] : memref<2x256x128xf32, #tpu.memory_space<vmem>> -> memref<1x8x128xf32, #tpu.memory_space<vmem>>
      %dma_start3A_1660 = tpu.memref_squeeze %dma_start3A_1659 : memref<1x8x128xf32, #tpu.memory_space<vmem>> -> memref<8x128xf32, #tpu.memory_space<vmem>>
      %dma_start3A_1661 = tpu.memref_slice %arg3[%mul3A_32, %multiple_of3A_1651] : memref<64x1000000xf32, #tpu.memory_space<hbm>> -> memref<8x128xf32, #tpu.memory_space<hbm>>
      tpu.enqueue_dma source(%dma_start3A_1661 : memref<8x128xf32, #tpu.memory_space<hbm>>) target(%dma_start3A_1660 : memref<8x128xf32, #tpu.memory_space<vmem>>) target_semaphore(%arg15 : memref<!tpu.dma_semaphore, #tpu.memory_space<semaphore_mem>>)
      %eq3A_1662 = arith.constant 14 : i32
      %eq3A_1663 = vector.broadcast %eq3A_1662 : i32 to vector<16xi32>
      %eq3A_1664 = arith.cmpi eq, %iota3A, %eq3A_1663 : vector<16xi32>
      %jit3A_1665 = arith.constant 0 : i32
      %broadcast_in_dim3A_1666 = vector.broadcast %jit3A_1665 : i32 to vector<16xi32>
      %select_n3A_1667 = arith.select %eq3A_1664, %get3A_1255, %broadcast_in_dim3A_1666 : vector<16xi1>, vector<16xi32>
      %reduce_max3A_1668 = arith.constant true
      %reduce_max3A_1669 = vector.broadcast %reduce_max3A_1668 : i1 to vector<16xi1>
      %reduce_max3A_1670 = arith.constant -2147483648 : i32
      %reduce_max3A_1671 = vector.broadcast %reduce_max3A_1670 : i32 to vector<16xi32>
      %reduce_max3A_1672 = arith.xori %select_n3A_1667, %reduce_max3A_1671 : vector<16xi32>
      %reduce_max3A_1673 = tpu.scan <max>, %reduce_max3A_1672 masked %reduce_max3A_1669 : vector<16xi32>, vector<16xi1> -> vector<16xi32>
      %reduce_max3A_1674 = arith.xori %reduce_max3A_1673, %reduce_max3A_1671 : vector<16xi32>
      %reduce_max3A_1675 = vector.extract %reduce_max3A_1674[15] : i32 from vector<16xi32>
      %shift_right_arithmetic3A_1676 = arith.constant 7 : i32
      %shift_right_arithmetic3A_1677 = arith.shrsi %reduce_max3A_1675, %shift_right_arithmetic3A_1676 : i32
      %mul3A_1678 = arith.constant 128 : i32
      %mul3A_1679 = arith.muli %shift_right_arithmetic3A_1677, %mul3A_1678 : i32
      %multiple_of3A_1680 = tpu.assume_multiple %mul3A_1679, 128 : i32
      %dma_start3A_1681 = arith.constant 112 : i32
      %dma_start3A_1682 = arith.constant 0 : i32
      %dma_start3A_1683 = tpu.memref_slice %arg6[%and3A_1249, %dma_start3A_1681, %dma_start3A_1682] : memref<2x256x128xf32, #tpu.memory_space<vmem>> -> memref<1x8x128xf32, #tpu.memory_space<vmem>>
      %dma_start3A_1684 = tpu.memref_squeeze %dma_start3A_1683 : memref<1x8x128xf32, #tpu.memory_space<vmem>> -> memref<8x128xf32, #tpu.memory_space<vmem>>
      %dma_start3A_1685 = tpu.memref_slice %arg3[%mul3A_32, %multiple_of3A_1680] : memref<64x1000000xf32, #tpu.memory_space<hbm>> -> memref<8x128xf32, #tpu.memory_space<hbm>>
      %dma_start3A_1686 = arith.constant 112 : i32
      %dma_start3A_1687 = arith.constant 0 : i32
      %dma_start3A_1688 = tpu.memref_slice %arg6[%and3A_1249, %dma_start3A_1686, %dma_start3A_1687] : memref<2x256x128xf32, #tpu.memory_space<vmem>> -> memref<1x8x128xf32, #tpu.memory_space<vmem>>
      %dma_start3A_1689 = tpu.memref_squeeze %dma_start3A_1688 : memref<1x8x128xf32, #tpu.memory_space<vmem>> -> memref<8x128xf32, #tpu.memory_space<vmem>>
      %dma_start3A_1690 = tpu.memref_slice %arg3[%mul3A_32, %multiple_of3A_1680] : memref<64x1000000xf32, #tpu.memory_space<hbm>> -> memref<8x128xf32, #tpu.memory_space<hbm>>
      tpu.enqueue_dma source(%dma_start3A_1690 : memref<8x128xf32, #tpu.memory_space<hbm>>) target(%dma_start3A_1689 : memref<8x128xf32, #tpu.memory_space<vmem>>) target_semaphore(%arg15 : memref<!tpu.dma_semaphore, #tpu.memory_space<semaphore_mem>>)
      %eq3A_1691 = arith.constant 15 : i32
      %eq3A_1692 = vector.broadcast %eq3A_1691 : i32 to vector<16xi32>
      %eq3A_1693 = arith.cmpi eq, %iota3A, %eq3A_1692 : vector<16xi32>
      %jit3A_1694 = arith.constant 0 : i32
      %broadcast_in_dim3A_1695 = vector.broadcast %jit3A_1694 : i32 to vector<16xi32>
      %select_n3A_1696 = arith.select %eq3A_1693, %get3A_1255, %broadcast_in_dim3A_1695 : vector<16xi1>, vector<16xi32>
      %reduce_max3A_1697 = arith.constant true
      %reduce_max3A_1698 = vector.broadcast %reduce_max3A_1697 : i1 to vector<16xi1>
      %reduce_max3A_1699 = arith.constant -2147483648 : i32
      %reduce_max3A_1700 = vector.broadcast %reduce_max3A_1699 : i32 to vector<16xi32>
      %reduce_max3A_1701 = arith.xori %select_n3A_1696, %reduce_max3A_1700 : vector<16xi32>
      %reduce_max3A_1702 = tpu.scan <max>, %reduce_max3A_1701 masked %reduce_max3A_1698 : vector<16xi32>, vector<16xi1> -> vector<16xi32>
      %reduce_max3A_1703 = arith.xori %reduce_max3A_1702, %reduce_max3A_1700 : vector<16xi32>
      %reduce_max3A_1704 = vector.extract %reduce_max3A_1703[15] : i32 from vector<16xi32>
      %shift_right_arithmetic3A_1705 = arith.constant 7 : i32
      %shift_right_arithmetic3A_1706 = arith.shrsi %reduce_max3A_1704, %shift_right_arithmetic3A_1705 : i32
      %mul3A_1707 = arith.constant 128 : i32
      %mul3A_1708 = arith.muli %shift_right_arithmetic3A_1706, %mul3A_1707 : i32
      %multiple_of3A_1709 = tpu.assume_multiple %mul3A_1708, 128 : i32
      %dma_start3A_1710 = arith.constant 120 : i32
      %dma_start3A_1711 = arith.constant 0 : i32
      %dma_start3A_1712 = tpu.memref_slice %arg6[%and3A_1249, %dma_start3A_1710, %dma_start3A_1711] : memref<2x256x128xf32, #tpu.memory_space<vmem>> -> memref<1x8x128xf32, #tpu.memory_space<vmem>>
      %dma_start3A_1713 = tpu.memref_squeeze %dma_start3A_1712 : memref<1x8x128xf32, #tpu.memory_space<vmem>> -> memref<8x128xf32, #tpu.memory_space<vmem>>
      %dma_start3A_1714 = tpu.memref_slice %arg3[%mul3A_32, %multiple_of3A_1709] : memref<64x1000000xf32, #tpu.memory_space<hbm>> -> memref<8x128xf32, #tpu.memory_space<hbm>>
      %dma_start3A_1715 = arith.constant 120 : i32
      %dma_start3A_1716 = arith.constant 0 : i32
      %dma_start3A_1717 = tpu.memref_slice %arg6[%and3A_1249, %dma_start3A_1715, %dma_start3A_1716] : memref<2x256x128xf32, #tpu.memory_space<vmem>> -> memref<1x8x128xf32, #tpu.memory_space<vmem>>
      %dma_start3A_1718 = tpu.memref_squeeze %dma_start3A_1717 : memref<1x8x128xf32, #tpu.memory_space<vmem>> -> memref<8x128xf32, #tpu.memory_space<vmem>>
      %dma_start3A_1719 = tpu.memref_slice %arg3[%mul3A_32, %multiple_of3A_1709] : memref<64x1000000xf32, #tpu.memory_space<hbm>> -> memref<8x128xf32, #tpu.memory_space<hbm>>
      tpu.enqueue_dma source(%dma_start3A_1719 : memref<8x128xf32, #tpu.memory_space<hbm>>) target(%dma_start3A_1718 : memref<8x128xf32, #tpu.memory_space<vmem>>) target_semaphore(%arg15 : memref<!tpu.dma_semaphore, #tpu.memory_space<semaphore_mem>>)
      %mul3A_1720 = arith.constant 32 : i32
      %mul3A_1721 = arith.muli %add3A_1247, %mul3A_1720 : i32
      %add3A_1722 = arith.constant 16 : i32
      %add3A_1723 = arith.addi %mul3A_1721, %add3A_1722 : i32
      %get3A_1724 = arith.index_cast %add3A_1723 : i32 to index
      %get3A_1725 = tpu.vector_load %arg5[%get3A_1724] {strides = array<i32>} : memref<4096xi32, #tpu.memory_space<vmem>>, vector<16xi32>,
      %eq3A_1726 = arith.constant 0 : i32
      %eq3A_1727 = vector.broadcast %eq3A_1726 : i32 to vector<16xi32>
      %eq3A_1728 = arith.cmpi eq, %iota3A, %eq3A_1727 : vector<16xi32>
      %jit3A_1729 = arith.constant 0 : i32
      %broadcast_in_dim3A_1730 = vector.broadcast %jit3A_1729 : i32 to vector<16xi32>
      %select_n3A_1731 = arith.select %eq3A_1728, %get3A_1725, %broadcast_in_dim3A_1730 : vector<16xi1>, vector<16xi32>
      %reduce_max3A_1732 = arith.constant true
      %reduce_max3A_1733 = vector.broadcast %reduce_max3A_1732 : i1 to vector<16xi1>
      %reduce_max3A_1734 = arith.constant -2147483648 : i32
      %reduce_max3A_1735 = vector.broadcast %reduce_max3A_1734 : i32 to vector<16xi32>
      %reduce_max3A_1736 = arith.xori %select_n3A_1731, %reduce_max3A_1735 : vector<16xi32>
      %reduce_max3A_1737 = tpu.scan <max>, %reduce_max3A_1736 masked %reduce_max3A_1733 : vector<16xi32>, vector<16xi1> -> vector<16xi32>
      %reduce_max3A_1738 = arith.xori %reduce_max3A_1737, %reduce_max3A_1735 : vector<16xi32>
      %reduce_max3A_1739 = vector.extract %reduce_max3A_1738[15] : i32 from vector<16xi32>
      %shift_right_arithmetic3A_1740 = arith.constant 7 : i32
      %shift_right_arithmetic3A_1741 = arith.shrsi %reduce_max3A_1739, %shift_right_arithmetic3A_1740 : i32
      %mul3A_1742 = arith.constant 128 : i32
      %mul3A_1743 = arith.muli %shift_right_arithmetic3A_1741, %mul3A_1742 : i32
      %multiple_of3A_1744 = tpu.assume_multiple %mul3A_1743, 128 : i32
      %dma_start3A_1745 = arith.constant 128 : i32
      %dma_start3A_1746 = arith.constant 0 : i32
      %dma_start3A_1747 = tpu.memref_slice %arg6[%and3A_1249, %dma_start3A_1745, %dma_start3A_1746] : memref<2x256x128xf32, #tpu.memory_space<vmem>> -> memref<1x8x128xf32, #tpu.memory_space<vmem>>
      %dma_start3A_1748 = tpu.memref_squeeze %dma_start3A_1747 : memref<1x8x128xf32, #tpu.memory_space<vmem>> -> memref<8x128xf32, #tpu.memory_space<vmem>>
      %dma_start3A_1749 = tpu.memref_slice %arg3[%mul3A_32, %multiple_of3A_1744] : memref<64x1000000xf32, #tpu.memory_space<hbm>> -> memref<8x128xf32, #tpu.memory_space<hbm>>
      %dma_start3A_1750 = arith.constant 128 : i32
      %dma_start3A_1751 = arith.constant 0 : i32
      %dma_start3A_1752 = tpu.memref_slice %arg6[%and3A_1249, %dma_start3A_1750, %dma_start3A_1751] : memref<2x256x128xf32, #tpu.memory_space<vmem>> -> memref<1x8x128xf32, #tpu.memory_space<vmem>>
      %dma_start3A_1753 = tpu.memref_squeeze %dma_start3A_1752 : memref<1x8x128xf32, #tpu.memory_space<vmem>> -> memref<8x128xf32, #tpu.memory_space<vmem>>
      %dma_start3A_1754 = tpu.memref_slice %arg3[%mul3A_32, %multiple_of3A_1744] : memref<64x1000000xf32, #tpu.memory_space<hbm>> -> memref<8x128xf32, #tpu.memory_space<hbm>>
      tpu.enqueue_dma source(%dma_start3A_1754 : memref<8x128xf32, #tpu.memory_space<hbm>>) target(%dma_start3A_1753 : memref<8x128xf32, #tpu.memory_space<vmem>>) target_semaphore(%arg15 : memref<!tpu.dma_semaphore, #tpu.memory_space<semaphore_mem>>)
      %eq3A_1755 = arith.constant 1 : i32
      %eq3A_1756 = vector.broadcast %eq3A_1755 : i32 to vector<16xi32>
      %eq3A_1757 = arith.cmpi eq, %iota3A, %eq3A_1756 : vector<16xi32>
      %jit3A_1758 = arith.constant 0 : i32
      %broadcast_in_dim3A_1759 = vector.broadcast %jit3A_1758 : i32 to vector<16xi32>
      %select_n3A_1760 = arith.select %eq3A_1757, %get3A_1725, %broadcast_in_dim3A_1759 : vector<16xi1>, vector<16xi32>
      %reduce_max3A_1761 = arith.constant true
      %reduce_max3A_1762 = vector.broadcast %reduce_max3A_1761 : i1 to vector<16xi1>
      %reduce_max3A_1763 = arith.constant -2147483648 : i32
      %reduce_max3A_1764 = vector.broadcast %reduce_max3A_1763 : i32 to vector<16xi32>
      %reduce_max3A_1765 = arith.xori %select_n3A_1760, %reduce_max3A_1764 : vector<16xi32>
      %reduce_max3A_1766 = tpu.scan <max>, %reduce_max3A_1765 masked %reduce_max3A_1762 : vector<16xi32>, vector<16xi1> -> vector<16xi32>
      %reduce_max3A_1767 = arith.xori %reduce_max3A_1766, %reduce_max3A_1764 : vector<16xi32>
      %reduce_max3A_1768 = vector.extract %reduce_max3A_1767[15] : i32 from vector<16xi32>
      %shift_right_arithmetic3A_1769 = arith.constant 7 : i32
      %shift_right_arithmetic3A_1770 = arith.shrsi %reduce_max3A_1768, %shift_right_arithmetic3A_1769 : i32
      %mul3A_1771 = arith.constant 128 : i32
      %mul3A_1772 = arith.muli %shift_right_arithmetic3A_1770, %mul3A_1771 : i32
      %multiple_of3A_1773 = tpu.assume_multiple %mul3A_1772, 128 : i32
      %dma_start3A_1774 = arith.constant 136 : i32
      %dma_start3A_1775 = arith.constant 0 : i32
      %dma_start3A_1776 = tpu.memref_slice %arg6[%and3A_1249, %dma_start3A_1774, %dma_start3A_1775] : memref<2x256x128xf32, #tpu.memory_space<vmem>> -> memref<1x8x128xf32, #tpu.memory_space<vmem>>
      %dma_start3A_1777 = tpu.memref_squeeze %dma_start3A_1776 : memref<1x8x128xf32, #tpu.memory_space<vmem>> -> memref<8x128xf32, #tpu.memory_space<vmem>>
      %dma_start3A_1778 = tpu.memref_slice %arg3[%mul3A_32, %multiple_of3A_1773] : memref<64x1000000xf32, #tpu.memory_space<hbm>> -> memref<8x128xf32, #tpu.memory_space<hbm>>
      %dma_start3A_1779 = arith.constant 136 : i32
      %dma_start3A_1780 = arith.constant 0 : i32
      %dma_start3A_1781 = tpu.memref_slice %arg6[%and3A_1249, %dma_start3A_1779, %dma_start3A_1780] : memref<2x256x128xf32, #tpu.memory_space<vmem>> -> memref<1x8x128xf32, #tpu.memory_space<vmem>>
      %dma_start3A_1782 = tpu.memref_squeeze %dma_start3A_1781 : memref<1x8x128xf32, #tpu.memory_space<vmem>> -> memref<8x128xf32, #tpu.memory_space<vmem>>
      %dma_start3A_1783 = tpu.memref_slice %arg3[%mul3A_32, %multiple_of3A_1773] : memref<64x1000000xf32, #tpu.memory_space<hbm>> -> memref<8x128xf32, #tpu.memory_space<hbm>>
      tpu.enqueue_dma source(%dma_start3A_1783 : memref<8x128xf32, #tpu.memory_space<hbm>>) target(%dma_start3A_1782 : memref<8x128xf32, #tpu.memory_space<vmem>>) target_semaphore(%arg15 : memref<!tpu.dma_semaphore, #tpu.memory_space<semaphore_mem>>)
      %eq3A_1784 = arith.constant 2 : i32
      %eq3A_1785 = vector.broadcast %eq3A_1784 : i32 to vector<16xi32>
      %eq3A_1786 = arith.cmpi eq, %iota3A, %eq3A_1785 : vector<16xi32>
      %jit3A_1787 = arith.constant 0 : i32
      %broadcast_in_dim3A_1788 = vector.broadcast %jit3A_1787 : i32 to vector<16xi32>
      %select_n3A_1789 = arith.select %eq3A_1786, %get3A_1725, %broadcast_in_dim3A_1788 : vector<16xi1>, vector<16xi32>
      %reduce_max3A_1790 = arith.constant true
      %reduce_max3A_1791 = vector.broadcast %reduce_max3A_1790 : i1 to vector<16xi1>
      %reduce_max3A_1792 = arith.constant -2147483648 : i32
      %reduce_max3A_1793 = vector.broadcast %reduce_max3A_1792 : i32 to vector<16xi32>
      %reduce_max3A_1794 = arith.xori %select_n3A_1789, %reduce_max3A_1793 : vector<16xi32>
      %reduce_max3A_1795 = tpu.scan <max>, %reduce_max3A_1794 masked %reduce_max3A_1791 : vector<16xi32>, vector<16xi1> -> vector<16xi32>
      %reduce_max3A_1796 = arith.xori %reduce_max3A_1795, %reduce_max3A_1793 : vector<16xi32>
      %reduce_max3A_1797 = vector.extract %reduce_max3A_1796[15] : i32 from vector<16xi32>
      %shift_right_arithmetic3A_1798 = arith.constant 7 : i32
      %shift_right_arithmetic3A_1799 = arith.shrsi %reduce_max3A_1797, %shift_right_arithmetic3A_1798 : i32
      %mul3A_1800 = arith.constant 128 : i32
      %mul3A_1801 = arith.muli %shift_right_arithmetic3A_1799, %mul3A_1800 : i32
      %multiple_of3A_1802 = tpu.assume_multiple %mul3A_1801, 128 : i32
      %dma_start3A_1803 = arith.constant 144 : i32
      %dma_start3A_1804 = arith.constant 0 : i32
      %dma_start3A_1805 = tpu.memref_slice %arg6[%and3A_1249, %dma_start3A_1803, %dma_start3A_1804] : memref<2x256x128xf32, #tpu.memory_space<vmem>> -> memref<1x8x128xf32, #tpu.memory_space<vmem>>
      %dma_start3A_1806 = tpu.memref_squeeze %dma_start3A_1805 : memref<1x8x128xf32, #tpu.memory_space<vmem>> -> memref<8x128xf32, #tpu.memory_space<vmem>>
      %dma_start3A_1807 = tpu.memref_slice %arg3[%mul3A_32, %multiple_of3A_1802] : memref<64x1000000xf32, #tpu.memory_space<hbm>> -> memref<8x128xf32, #tpu.memory_space<hbm>>
      %dma_start3A_1808 = arith.constant 144 : i32
      %dma_start3A_1809 = arith.constant 0 : i32
      %dma_start3A_1810 = tpu.memref_slice %arg6[%and3A_1249, %dma_start3A_1808, %dma_start3A_1809] : memref<2x256x128xf32, #tpu.memory_space<vmem>> -> memref<1x8x128xf32, #tpu.memory_space<vmem>>
      %dma_start3A_1811 = tpu.memref_squeeze %dma_start3A_1810 : memref<1x8x128xf32, #tpu.memory_space<vmem>> -> memref<8x128xf32, #tpu.memory_space<vmem>>
      %dma_start3A_1812 = tpu.memref_slice %arg3[%mul3A_32, %multiple_of3A_1802] : memref<64x1000000xf32, #tpu.memory_space<hbm>> -> memref<8x128xf32, #tpu.memory_space<hbm>>
      tpu.enqueue_dma source(%dma_start3A_1812 : memref<8x128xf32, #tpu.memory_space<hbm>>) target(%dma_start3A_1811 : memref<8x128xf32, #tpu.memory_space<vmem>>) target_semaphore(%arg15 : memref<!tpu.dma_semaphore, #tpu.memory_space<semaphore_mem>>)
      %eq3A_1813 = arith.constant 3 : i32
      %eq3A_1814 = vector.broadcast %eq3A_1813 : i32 to vector<16xi32>
      %eq3A_1815 = arith.cmpi eq, %iota3A, %eq3A_1814 : vector<16xi32>
      %jit3A_1816 = arith.constant 0 : i32
      %broadcast_in_dim3A_1817 = vector.broadcast %jit3A_1816 : i32 to vector<16xi32>
      %select_n3A_1818 = arith.select %eq3A_1815, %get3A_1725, %broadcast_in_dim3A_1817 : vector<16xi1>, vector<16xi32>
      %reduce_max3A_1819 = arith.constant true
      %reduce_max3A_1820 = vector.broadcast %reduce_max3A_1819 : i1 to vector<16xi1>
      %reduce_max3A_1821 = arith.constant -2147483648 : i32
      %reduce_max3A_1822 = vector.broadcast %reduce_max3A_1821 : i32 to vector<16xi32>
      %reduce_max3A_1823 = arith.xori %select_n3A_1818, %reduce_max3A_1822 : vector<16xi32>
      %reduce_max3A_1824 = tpu.scan <max>, %reduce_max3A_1823 masked %reduce_max3A_1820 : vector<16xi32>, vector<16xi1> -> vector<16xi32>
      %reduce_max3A_1825 = arith.xori %reduce_max3A_1824, %reduce_max3A_1822 : vector<16xi32>
      %reduce_max3A_1826 = vector.extract %reduce_max3A_1825[15] : i32 from vector<16xi32>
      %shift_right_arithmetic3A_1827 = arith.constant 7 : i32
      %shift_right_arithmetic3A_1828 = arith.shrsi %reduce_max3A_1826, %shift_right_arithmetic3A_1827 : i32
      %mul3A_1829 = arith.constant 128 : i32
      %mul3A_1830 = arith.muli %shift_right_arithmetic3A_1828, %mul3A_1829 : i32
      %multiple_of3A_1831 = tpu.assume_multiple %mul3A_1830, 128 : i32
      %dma_start3A_1832 = arith.constant 152 : i32
      %dma_start3A_1833 = arith.constant 0 : i32
      %dma_start3A_1834 = tpu.memref_slice %arg6[%and3A_1249, %dma_start3A_1832, %dma_start3A_1833] : memref<2x256x128xf32, #tpu.memory_space<vmem>> -> memref<1x8x128xf32, #tpu.memory_space<vmem>>
      %dma_start3A_1835 = tpu.memref_squeeze %dma_start3A_1834 : memref<1x8x128xf32, #tpu.memory_space<vmem>> -> memref<8x128xf32, #tpu.memory_space<vmem>>
      %dma_start3A_1836 = tpu.memref_slice %arg3[%mul3A_32, %multiple_of3A_1831] : memref<64x1000000xf32, #tpu.memory_space<hbm>> -> memref<8x128xf32, #tpu.memory_space<hbm>>
      %dma_start3A_1837 = arith.constant 152 : i32
      %dma_start3A_1838 = arith.constant 0 : i32
      %dma_start3A_1839 = tpu.memref_slice %arg6[%and3A_1249, %dma_start3A_1837, %dma_start3A_1838] : memref<2x256x128xf32, #tpu.memory_space<vmem>> -> memref<1x8x128xf32, #tpu.memory_space<vmem>>
      %dma_start3A_1840 = tpu.memref_squeeze %dma_start3A_1839 : memref<1x8x128xf32, #tpu.memory_space<vmem>> -> memref<8x128xf32, #tpu.memory_space<vmem>>
      %dma_start3A_1841 = tpu.memref_slice %arg3[%mul3A_32, %multiple_of3A_1831] : memref<64x1000000xf32, #tpu.memory_space<hbm>> -> memref<8x128xf32, #tpu.memory_space<hbm>>
      tpu.enqueue_dma source(%dma_start3A_1841 : memref<8x128xf32, #tpu.memory_space<hbm>>) target(%dma_start3A_1840 : memref<8x128xf32, #tpu.memory_space<vmem>>) target_semaphore(%arg15 : memref<!tpu.dma_semaphore, #tpu.memory_space<semaphore_mem>>)
      %eq3A_1842 = arith.constant 4 : i32
      %eq3A_1843 = vector.broadcast %eq3A_1842 : i32 to vector<16xi32>
      %eq3A_1844 = arith.cmpi eq, %iota3A, %eq3A_1843 : vector<16xi32>
      %jit3A_1845 = arith.constant 0 : i32
      %broadcast_in_dim3A_1846 = vector.broadcast %jit3A_1845 : i32 to vector<16xi32>
      %select_n3A_1847 = arith.select %eq3A_1844, %get3A_1725, %broadcast_in_dim3A_1846 : vector<16xi1>, vector<16xi32>
      %reduce_max3A_1848 = arith.constant true
      %reduce_max3A_1849 = vector.broadcast %reduce_max3A_1848 : i1 to vector<16xi1>
      %reduce_max3A_1850 = arith.constant -2147483648 : i32
      %reduce_max3A_1851 = vector.broadcast %reduce_max3A_1850 : i32 to vector<16xi32>
      %reduce_max3A_1852 = arith.xori %select_n3A_1847, %reduce_max3A_1851 : vector<16xi32>
      %reduce_max3A_1853 = tpu.scan <max>, %reduce_max3A_1852 masked %reduce_max3A_1849 : vector<16xi32>, vector<16xi1> -> vector<16xi32>
      %reduce_max3A_1854 = arith.xori %reduce_max3A_1853, %reduce_max3A_1851 : vector<16xi32>
      %reduce_max3A_1855 = vector.extract %reduce_max3A_1854[15] : i32 from vector<16xi32>
      %shift_right_arithmetic3A_1856 = arith.constant 7 : i32
      %shift_right_arithmetic3A_1857 = arith.shrsi %reduce_max3A_1855, %shift_right_arithmetic3A_1856 : i32
      %mul3A_1858 = arith.constant 128 : i32
      %mul3A_1859 = arith.muli %shift_right_arithmetic3A_1857, %mul3A_1858 : i32
      %multiple_of3A_1860 = tpu.assume_multiple %mul3A_1859, 128 : i32
      %dma_start3A_1861 = arith.constant 160 : i32
      %dma_start3A_1862 = arith.constant 0 : i32
      %dma_start3A_1863 = tpu.memref_slice %arg6[%and3A_1249, %dma_start3A_1861, %dma_start3A_1862] : memref<2x256x128xf32, #tpu.memory_space<vmem>> -> memref<1x8x128xf32, #tpu.memory_space<vmem>>
      %dma_start3A_1864 = tpu.memref_squeeze %dma_start3A_1863 : memref<1x8x128xf32, #tpu.memory_space<vmem>> -> memref<8x128xf32, #tpu.memory_space<vmem>>
      %dma_start3A_1865 = tpu.memref_slice %arg3[%mul3A_32, %multiple_of3A_1860] : memref<64x1000000xf32, #tpu.memory_space<hbm>> -> memref<8x128xf32, #tpu.memory_space<hbm>>
      %dma_start3A_1866 = arith.constant 160 : i32
      %dma_start3A_1867 = arith.constant 0 : i32
      %dma_start3A_1868 = tpu.memref_slice %arg6[%and3A_1249, %dma_start3A_1866, %dma_start3A_1867] : memref<2x256x128xf32, #tpu.memory_space<vmem>> -> memref<1x8x128xf32, #tpu.memory_space<vmem>>
      %dma_start3A_1869 = tpu.memref_squeeze %dma_start3A_1868 : memref<1x8x128xf32, #tpu.memory_space<vmem>> -> memref<8x128xf32, #tpu.memory_space<vmem>>
      %dma_start3A_1870 = tpu.memref_slice %arg3[%mul3A_32, %multiple_of3A_1860] : memref<64x1000000xf32, #tpu.memory_space<hbm>> -> memref<8x128xf32, #tpu.memory_space<hbm>>
      tpu.enqueue_dma source(%dma_start3A_1870 : memref<8x128xf32, #tpu.memory_space<hbm>>) target(%dma_start3A_1869 : memref<8x128xf32, #tpu.memory_space<vmem>>) target_semaphore(%arg15 : memref<!tpu.dma_semaphore, #tpu.memory_space<semaphore_mem>>)
      %eq3A_1871 = arith.constant 5 : i32
      %eq3A_1872 = vector.broadcast %eq3A_1871 : i32 to vector<16xi32>
      %eq3A_1873 = arith.cmpi eq, %iota3A, %eq3A_1872 : vector<16xi32>
      %jit3A_1874 = arith.constant 0 : i32
      %broadcast_in_dim3A_1875 = vector.broadcast %jit3A_1874 : i32 to vector<16xi32>
      %select_n3A_1876 = arith.select %eq3A_1873, %get3A_1725, %broadcast_in_dim3A_1875 : vector<16xi1>, vector<16xi32>
      %reduce_max3A_1877 = arith.constant true
      %reduce_max3A_1878 = vector.broadcast %reduce_max3A_1877 : i1 to vector<16xi1>
      %reduce_max3A_1879 = arith.constant -2147483648 : i32
      %reduce_max3A_1880 = vector.broadcast %reduce_max3A_1879 : i32 to vector<16xi32>
      %reduce_max3A_1881 = arith.xori %select_n3A_1876, %reduce_max3A_1880 : vector<16xi32>
      %reduce_max3A_1882 = tpu.scan <max>, %reduce_max3A_1881 masked %reduce_max3A_1878 : vector<16xi32>, vector<16xi1> -> vector<16xi32>
      %reduce_max3A_1883 = arith.xori %reduce_max3A_1882, %reduce_max3A_1880 : vector<16xi32>
      %reduce_max3A_1884 = vector.extract %reduce_max3A_1883[15] : i32 from vector<16xi32>
      %shift_right_arithmetic3A_1885 = arith.constant 7 : i32
      %shift_right_arithmetic3A_1886 = arith.shrsi %reduce_max3A_1884, %shift_right_arithmetic3A_1885 : i32
      %mul3A_1887 = arith.constant 128 : i32
      %mul3A_1888 = arith.muli %shift_right_arithmetic3A_1886, %mul3A_1887 : i32
      %multiple_of3A_1889 = tpu.assume_multiple %mul3A_1888, 128 : i32
      %dma_start3A_1890 = arith.constant 168 : i32
      %dma_start3A_1891 = arith.constant 0 : i32
      %dma_start3A_1892 = tpu.memref_slice %arg6[%and3A_1249, %dma_start3A_1890, %dma_start3A_1891] : memref<2x256x128xf32, #tpu.memory_space<vmem>> -> memref<1x8x128xf32, #tpu.memory_space<vmem>>
      %dma_start3A_1893 = tpu.memref_squeeze %dma_start3A_1892 : memref<1x8x128xf32, #tpu.memory_space<vmem>> -> memref<8x128xf32, #tpu.memory_space<vmem>>
      %dma_start3A_1894 = tpu.memref_slice %arg3[%mul3A_32, %multiple_of3A_1889] : memref<64x1000000xf32, #tpu.memory_space<hbm>> -> memref<8x128xf32, #tpu.memory_space<hbm>>
      %dma_start3A_1895 = arith.constant 168 : i32
      %dma_start3A_1896 = arith.constant 0 : i32
      %dma_start3A_1897 = tpu.memref_slice %arg6[%and3A_1249, %dma_start3A_1895, %dma_start3A_1896] : memref<2x256x128xf32, #tpu.memory_space<vmem>> -> memref<1x8x128xf32, #tpu.memory_space<vmem>>
      %dma_start3A_1898 = tpu.memref_squeeze %dma_start3A_1897 : memref<1x8x128xf32, #tpu.memory_space<vmem>> -> memref<8x128xf32, #tpu.memory_space<vmem>>
      %dma_start3A_1899 = tpu.memref_slice %arg3[%mul3A_32, %multiple_of3A_1889] : memref<64x1000000xf32, #tpu.memory_space<hbm>> -> memref<8x128xf32, #tpu.memory_space<hbm>>
      tpu.enqueue_dma source(%dma_start3A_1899 : memref<8x128xf32, #tpu.memory_space<hbm>>) target(%dma_start3A_1898 : memref<8x128xf32, #tpu.memory_space<vmem>>) target_semaphore(%arg15 : memref<!tpu.dma_semaphore, #tpu.memory_space<semaphore_mem>>)
      %eq3A_1900 = arith.constant 6 : i32
      %eq3A_1901 = vector.broadcast %eq3A_1900 : i32 to vector<16xi32>
      %eq3A_1902 = arith.cmpi eq, %iota3A, %eq3A_1901 : vector<16xi32>
      %jit3A_1903 = arith.constant 0 : i32
      %broadcast_in_dim3A_1904 = vector.broadcast %jit3A_1903 : i32 to vector<16xi32>
      %select_n3A_1905 = arith.select %eq3A_1902, %get3A_1725, %broadcast_in_dim3A_1904 : vector<16xi1>, vector<16xi32>
      %reduce_max3A_1906 = arith.constant true
      %reduce_max3A_1907 = vector.broadcast %reduce_max3A_1906 : i1 to vector<16xi1>
      %reduce_max3A_1908 = arith.constant -2147483648 : i32
      %reduce_max3A_1909 = vector.broadcast %reduce_max3A_1908 : i32 to vector<16xi32>
      %reduce_max3A_1910 = arith.xori %select_n3A_1905, %reduce_max3A_1909 : vector<16xi32>
      %reduce_max3A_1911 = tpu.scan <max>, %reduce_max3A_1910 masked %reduce_max3A_1907 : vector<16xi32>, vector<16xi1> -> vector<16xi32>
      %reduce_max3A_1912 = arith.xori %reduce_max3A_1911, %reduce_max3A_1909 : vector<16xi32>
      %reduce_max3A_1913 = vector.extract %reduce_max3A_1912[15] : i32 from vector<16xi32>
      %shift_right_arithmetic3A_1914 = arith.constant 7 : i32
      %shift_right_arithmetic3A_1915 = arith.shrsi %reduce_max3A_1913, %shift_right_arithmetic3A_1914 : i32
      %mul3A_1916 = arith.constant 128 : i32
      %mul3A_1917 = arith.muli %shift_right_arithmetic3A_1915, %mul3A_1916 : i32
      %multiple_of3A_1918 = tpu.assume_multiple %mul3A_1917, 128 : i32
      %dma_start3A_1919 = arith.constant 176 : i32
      %dma_start3A_1920 = arith.constant 0 : i32
      %dma_start3A_1921 = tpu.memref_slice %arg6[%and3A_1249, %dma_start3A_1919, %dma_start3A_1920] : memref<2x256x128xf32, #tpu.memory_space<vmem>> -> memref<1x8x128xf32, #tpu.memory_space<vmem>>
      %dma_start3A_1922 = tpu.memref_squeeze %dma_start3A_1921 : memref<1x8x128xf32, #tpu.memory_space<vmem>> -> memref<8x128xf32, #tpu.memory_space<vmem>>
      %dma_start3A_1923 = tpu.memref_slice %arg3[%mul3A_32, %multiple_of3A_1918] : memref<64x1000000xf32, #tpu.memory_space<hbm>> -> memref<8x128xf32, #tpu.memory_space<hbm>>
      %dma_start3A_1924 = arith.constant 176 : i32
      %dma_start3A_1925 = arith.constant 0 : i32
      %dma_start3A_1926 = tpu.memref_slice %arg6[%and3A_1249, %dma_start3A_1924, %dma_start3A_1925] : memref<2x256x128xf32, #tpu.memory_space<vmem>> -> memref<1x8x128xf32, #tpu.memory_space<vmem>>
      %dma_start3A_1927 = tpu.memref_squeeze %dma_start3A_1926 : memref<1x8x128xf32, #tpu.memory_space<vmem>> -> memref<8x128xf32, #tpu.memory_space<vmem>>
      %dma_start3A_1928 = tpu.memref_slice %arg3[%mul3A_32, %multiple_of3A_1918] : memref<64x1000000xf32, #tpu.memory_space<hbm>> -> memref<8x128xf32, #tpu.memory_space<hbm>>
      tpu.enqueue_dma source(%dma_start3A_1928 : memref<8x128xf32, #tpu.memory_space<hbm>>) target(%dma_start3A_1927 : memref<8x128xf32, #tpu.memory_space<vmem>>) target_semaphore(%arg15 : memref<!tpu.dma_semaphore, #tpu.memory_space<semaphore_mem>>)
      %eq3A_1929 = arith.constant 7 : i32
      %eq3A_1930 = vector.broadcast %eq3A_1929 : i32 to vector<16xi32>
      %eq3A_1931 = arith.cmpi eq, %iota3A, %eq3A_1930 : vector<16xi32>
      %jit3A_1932 = arith.constant 0 : i32
      %broadcast_in_dim3A_1933 = vector.broadcast %jit3A_1932 : i32 to vector<16xi32>
      %select_n3A_1934 = arith.select %eq3A_1931, %get3A_1725, %broadcast_in_dim3A_1933 : vector<16xi1>, vector<16xi32>
      %reduce_max3A_1935 = arith.constant true
      %reduce_max3A_1936 = vector.broadcast %reduce_max3A_1935 : i1 to vector<16xi1>
      %reduce_max3A_1937 = arith.constant -2147483648 : i32
      %reduce_max3A_1938 = vector.broadcast %reduce_max3A_1937 : i32 to vector<16xi32>
      %reduce_max3A_1939 = arith.xori %select_n3A_1934, %reduce_max3A_1938 : vector<16xi32>
      %reduce_max3A_1940 = tpu.scan <max>, %reduce_max3A_1939 masked %reduce_max3A_1936 : vector<16xi32>, vector<16xi1> -> vector<16xi32>
      %reduce_max3A_1941 = arith.xori %reduce_max3A_1940, %reduce_max3A_1938 : vector<16xi32>
      %reduce_max3A_1942 = vector.extract %reduce_max3A_1941[15] : i32 from vector<16xi32>
      %shift_right_arithmetic3A_1943 = arith.constant 7 : i32
      %shift_right_arithmetic3A_1944 = arith.shrsi %reduce_max3A_1942, %shift_right_arithmetic3A_1943 : i32
      %mul3A_1945 = arith.constant 128 : i32
      %mul3A_1946 = arith.muli %shift_right_arithmetic3A_1944, %mul3A_1945 : i32
      %multiple_of3A_1947 = tpu.assume_multiple %mul3A_1946, 128 : i32
      %dma_start3A_1948 = arith.constant 184 : i32
      %dma_start3A_1949 = arith.constant 0 : i32
      %dma_start3A_1950 = tpu.memref_slice %arg6[%and3A_1249, %dma_start3A_1948, %dma_start3A_1949] : memref<2x256x128xf32, #tpu.memory_space<vmem>> -> memref<1x8x128xf32, #tpu.memory_space<vmem>>
      %dma_start3A_1951 = tpu.memref_squeeze %dma_start3A_1950 : memref<1x8x128xf32, #tpu.memory_space<vmem>> -> memref<8x128xf32, #tpu.memory_space<vmem>>
      %dma_start3A_1952 = tpu.memref_slice %arg3[%mul3A_32, %multiple_of3A_1947] : memref<64x1000000xf32, #tpu.memory_space<hbm>> -> memref<8x128xf32, #tpu.memory_space<hbm>>
      %dma_start3A_1953 = arith.constant 184 : i32
      %dma_start3A_1954 = arith.constant 0 : i32
      %dma_start3A_1955 = tpu.memref_slice %arg6[%and3A_1249, %dma_start3A_1953, %dma_start3A_1954] : memref<2x256x128xf32, #tpu.memory_space<vmem>> -> memref<1x8x128xf32, #tpu.memory_space<vmem>>
      %dma_start3A_1956 = tpu.memref_squeeze %dma_start3A_1955 : memref<1x8x128xf32, #tpu.memory_space<vmem>> -> memref<8x128xf32, #tpu.memory_space<vmem>>
      %dma_start3A_1957 = tpu.memref_slice %arg3[%mul3A_32, %multiple_of3A_1947] : memref<64x1000000xf32, #tpu.memory_space<hbm>> -> memref<8x128xf32, #tpu.memory_space<hbm>>
      tpu.enqueue_dma source(%dma_start3A_1957 : memref<8x128xf32, #tpu.memory_space<hbm>>) target(%dma_start3A_1956 : memref<8x128xf32, #tpu.memory_space<vmem>>) target_semaphore(%arg15 : memref<!tpu.dma_semaphore, #tpu.memory_space<semaphore_mem>>)
      %eq3A_1958 = arith.constant 8 : i32
      %eq3A_1959 = vector.broadcast %eq3A_1958 : i32 to vector<16xi32>
      %eq3A_1960 = arith.cmpi eq, %iota3A, %eq3A_1959 : vector<16xi32>
      %jit3A_1961 = arith.constant 0 : i32
      %broadcast_in_dim3A_1962 = vector.broadcast %jit3A_1961 : i32 to vector<16xi32>
      %select_n3A_1963 = arith.select %eq3A_1960, %get3A_1725, %broadcast_in_dim3A_1962 : vector<16xi1>, vector<16xi32>
      %reduce_max3A_1964 = arith.constant true
      %reduce_max3A_1965 = vector.broadcast %reduce_max3A_1964 : i1 to vector<16xi1>
      %reduce_max3A_1966 = arith.constant -2147483648 : i32
      %reduce_max3A_1967 = vector.broadcast %reduce_max3A_1966 : i32 to vector<16xi32>
      %reduce_max3A_1968 = arith.xori %select_n3A_1963, %reduce_max3A_1967 : vector<16xi32>
      %reduce_max3A_1969 = tpu.scan <max>, %reduce_max3A_1968 masked %reduce_max3A_1965 : vector<16xi32>, vector<16xi1> -> vector<16xi32>
      %reduce_max3A_1970 = arith.xori %reduce_max3A_1969, %reduce_max3A_1967 : vector<16xi32>
      %reduce_max3A_1971 = vector.extract %reduce_max3A_1970[15] : i32 from vector<16xi32>
      %shift_right_arithmetic3A_1972 = arith.constant 7 : i32
      %shift_right_arithmetic3A_1973 = arith.shrsi %reduce_max3A_1971, %shift_right_arithmetic3A_1972 : i32
      %mul3A_1974 = arith.constant 128 : i32
      %mul3A_1975 = arith.muli %shift_right_arithmetic3A_1973, %mul3A_1974 : i32
      %multiple_of3A_1976 = tpu.assume_multiple %mul3A_1975, 128 : i32
      %dma_start3A_1977 = arith.constant 192 : i32
      %dma_start3A_1978 = arith.constant 0 : i32
      %dma_start3A_1979 = tpu.memref_slice %arg6[%and3A_1249, %dma_start3A_1977, %dma_start3A_1978] : memref<2x256x128xf32, #tpu.memory_space<vmem>> -> memref<1x8x128xf32, #tpu.memory_space<vmem>>
      %dma_start3A_1980 = tpu.memref_squeeze %dma_start3A_1979 : memref<1x8x128xf32, #tpu.memory_space<vmem>> -> memref<8x128xf32, #tpu.memory_space<vmem>>
      %dma_start3A_1981 = tpu.memref_slice %arg3[%mul3A_32, %multiple_of3A_1976] : memref<64x1000000xf32, #tpu.memory_space<hbm>> -> memref<8x128xf32, #tpu.memory_space<hbm>>
      %dma_start3A_1982 = arith.constant 192 : i32
      %dma_start3A_1983 = arith.constant 0 : i32
      %dma_start3A_1984 = tpu.memref_slice %arg6[%and3A_1249, %dma_start3A_1982, %dma_start3A_1983] : memref<2x256x128xf32, #tpu.memory_space<vmem>> -> memref<1x8x128xf32, #tpu.memory_space<vmem>>
      %dma_start3A_1985 = tpu.memref_squeeze %dma_start3A_1984 : memref<1x8x128xf32, #tpu.memory_space<vmem>> -> memref<8x128xf32, #tpu.memory_space<vmem>>
      %dma_start3A_1986 = tpu.memref_slice %arg3[%mul3A_32, %multiple_of3A_1976] : memref<64x1000000xf32, #tpu.memory_space<hbm>> -> memref<8x128xf32, #tpu.memory_space<hbm>>
      tpu.enqueue_dma source(%dma_start3A_1986 : memref<8x128xf32, #tpu.memory_space<hbm>>) target(%dma_start3A_1985 : memref<8x128xf32, #tpu.memory_space<vmem>>) target_semaphore(%arg15 : memref<!tpu.dma_semaphore, #tpu.memory_space<semaphore_mem>>)
      %eq3A_1987 = arith.constant 9 : i32
      %eq3A_1988 = vector.broadcast %eq3A_1987 : i32 to vector<16xi32>
      %eq3A_1989 = arith.cmpi eq, %iota3A, %eq3A_1988 : vector<16xi32>
      %jit3A_1990 = arith.constant 0 : i32
      %broadcast_in_dim3A_1991 = vector.broadcast %jit3A_1990 : i32 to vector<16xi32>
      %select_n3A_1992 = arith.select %eq3A_1989, %get3A_1725, %broadcast_in_dim3A_1991 : vector<16xi1>, vector<16xi32>
      %reduce_max3A_1993 = arith.constant true
      %reduce_max3A_1994 = vector.broadcast %reduce_max3A_1993 : i1 to vector<16xi1>
      %reduce_max3A_1995 = arith.constant -2147483648 : i32
      %reduce_max3A_1996 = vector.broadcast %reduce_max3A_1995 : i32 to vector<16xi32>
      %reduce_max3A_1997 = arith.xori %select_n3A_1992, %reduce_max3A_1996 : vector<16xi32>
      %reduce_max3A_1998 = tpu.scan <max>, %reduce_max3A_1997 masked %reduce_max3A_1994 : vector<16xi32>, vector<16xi1> -> vector<16xi32>
      %reduce_max3A_1999 = arith.xori %reduce_max3A_1998, %reduce_max3A_1996 : vector<16xi32>
      %reduce_max3A_2000 = vector.extract %reduce_max3A_1999[15] : i32 from vector<16xi32>
      %shift_right_arithmetic3A_2001 = arith.constant 7 : i32
      %shift_right_arithmetic3A_2002 = arith.shrsi %reduce_max3A_2000, %shift_right_arithmetic3A_2001 : i32
      %mul3A_2003 = arith.constant 128 : i32
      %mul3A_2004 = arith.muli %shift_right_arithmetic3A_2002, %mul3A_2003 : i32
      %multiple_of3A_2005 = tpu.assume_multiple %mul3A_2004, 128 : i32
      %dma_start3A_2006 = arith.constant 200 : i32
      %dma_start3A_2007 = arith.constant 0 : i32
      %dma_start3A_2008 = tpu.memref_slice %arg6[%and3A_1249, %dma_start3A_2006, %dma_start3A_2007] : memref<2x256x128xf32, #tpu.memory_space<vmem>> -> memref<1x8x128xf32, #tpu.memory_space<vmem>>
      %dma_start3A_2009 = tpu.memref_squeeze %dma_start3A_2008 : memref<1x8x128xf32, #tpu.memory_space<vmem>> -> memref<8x128xf32, #tpu.memory_space<vmem>>
      %dma_start3A_2010 = tpu.memref_slice %arg3[%mul3A_32, %multiple_of3A_2005] : memref<64x1000000xf32, #tpu.memory_space<hbm>> -> memref<8x128xf32, #tpu.memory_space<hbm>>
      %dma_start3A_2011 = arith.constant 200 : i32
      %dma_start3A_2012 = arith.constant 0 : i32
      %dma_start3A_2013 = tpu.memref_slice %arg6[%and3A_1249, %dma_start3A_2011, %dma_start3A_2012] : memref<2x256x128xf32, #tpu.memory_space<vmem>> -> memref<1x8x128xf32, #tpu.memory_space<vmem>>
      %dma_start3A_2014 = tpu.memref_squeeze %dma_start3A_2013 : memref<1x8x128xf32, #tpu.memory_space<vmem>> -> memref<8x128xf32, #tpu.memory_space<vmem>>
      %dma_start3A_2015 = tpu.memref_slice %arg3[%mul3A_32, %multiple_of3A_2005] : memref<64x1000000xf32, #tpu.memory_space<hbm>> -> memref<8x128xf32, #tpu.memory_space<hbm>>
      tpu.enqueue_dma source(%dma_start3A_2015 : memref<8x128xf32, #tpu.memory_space<hbm>>) target(%dma_start3A_2014 : memref<8x128xf32, #tpu.memory_space<vmem>>) target_semaphore(%arg15 : memref<!tpu.dma_semaphore, #tpu.memory_space<semaphore_mem>>)
      %eq3A_2016 = arith.constant 10 : i32
      %eq3A_2017 = vector.broadcast %eq3A_2016 : i32 to vector<16xi32>
      %eq3A_2018 = arith.cmpi eq, %iota3A, %eq3A_2017 : vector<16xi32>
      %jit3A_2019 = arith.constant 0 : i32
      %broadcast_in_dim3A_2020 = vector.broadcast %jit3A_2019 : i32 to vector<16xi32>
      %select_n3A_2021 = arith.select %eq3A_2018, %get3A_1725, %broadcast_in_dim3A_2020 : vector<16xi1>, vector<16xi32>
      %reduce_max3A_2022 = arith.constant true
      %reduce_max3A_2023 = vector.broadcast %reduce_max3A_2022 : i1 to vector<16xi1>
      %reduce_max3A_2024 = arith.constant -2147483648 : i32
      %reduce_max3A_2025 = vector.broadcast %reduce_max3A_2024 : i32 to vector<16xi32>
      %reduce_max3A_2026 = arith.xori %select_n3A_2021, %reduce_max3A_2025 : vector<16xi32>
      %reduce_max3A_2027 = tpu.scan <max>, %reduce_max3A_2026 masked %reduce_max3A_2023 : vector<16xi32>, vector<16xi1> -> vector<16xi32>
      %reduce_max3A_2028 = arith.xori %reduce_max3A_2027, %reduce_max3A_2025 : vector<16xi32>
      %reduce_max3A_2029 = vector.extract %reduce_max3A_2028[15] : i32 from vector<16xi32>
      %shift_right_arithmetic3A_2030 = arith.constant 7 : i32
      %shift_right_arithmetic3A_2031 = arith.shrsi %reduce_max3A_2029, %shift_right_arithmetic3A_2030 : i32
      %mul3A_2032 = arith.constant 128 : i32
      %mul3A_2033 = arith.muli %shift_right_arithmetic3A_2031, %mul3A_2032 : i32
      %multiple_of3A_2034 = tpu.assume_multiple %mul3A_2033, 128 : i32
      %dma_start3A_2035 = arith.constant 208 : i32
      %dma_start3A_2036 = arith.constant 0 : i32
      %dma_start3A_2037 = tpu.memref_slice %arg6[%and3A_1249, %dma_start3A_2035, %dma_start3A_2036] : memref<2x256x128xf32, #tpu.memory_space<vmem>> -> memref<1x8x128xf32, #tpu.memory_space<vmem>>
      %dma_start3A_2038 = tpu.memref_squeeze %dma_start3A_2037 : memref<1x8x128xf32, #tpu.memory_space<vmem>> -> memref<8x128xf32, #tpu.memory_space<vmem>>
      %dma_start3A_2039 = tpu.memref_slice %arg3[%mul3A_32, %multiple_of3A_2034] : memref<64x1000000xf32, #tpu.memory_space<hbm>> -> memref<8x128xf32, #tpu.memory_space<hbm>>
      %dma_start3A_2040 = arith.constant 208 : i32
      %dma_start3A_2041 = arith.constant 0 : i32
      %dma_start3A_2042 = tpu.memref_slice %arg6[%and3A_1249, %dma_start3A_2040, %dma_start3A_2041] : memref<2x256x128xf32, #tpu.memory_space<vmem>> -> memref<1x8x128xf32, #tpu.memory_space<vmem>>
      %dma_start3A_2043 = tpu.memref_squeeze %dma_start3A_2042 : memref<1x8x128xf32, #tpu.memory_space<vmem>> -> memref<8x128xf32, #tpu.memory_space<vmem>>
      %dma_start3A_2044 = tpu.memref_slice %arg3[%mul3A_32, %multiple_of3A_2034] : memref<64x1000000xf32, #tpu.memory_space<hbm>> -> memref<8x128xf32, #tpu.memory_space<hbm>>
      tpu.enqueue_dma source(%dma_start3A_2044 : memref<8x128xf32, #tpu.memory_space<hbm>>) target(%dma_start3A_2043 : memref<8x128xf32, #tpu.memory_space<vmem>>) target_semaphore(%arg15 : memref<!tpu.dma_semaphore, #tpu.memory_space<semaphore_mem>>)
      %eq3A_2045 = arith.constant 11 : i32
      %eq3A_2046 = vector.broadcast %eq3A_2045 : i32 to vector<16xi32>
      %eq3A_2047 = arith.cmpi eq, %iota3A, %eq3A_2046 : vector<16xi32>
      %jit3A_2048 = arith.constant 0 : i32
      %broadcast_in_dim3A_2049 = vector.broadcast %jit3A_2048 : i32 to vector<16xi32>
      %select_n3A_2050 = arith.select %eq3A_2047, %get3A_1725, %broadcast_in_dim3A_2049 : vector<16xi1>, vector<16xi32>
      %reduce_max3A_2051 = arith.constant true
      %reduce_max3A_2052 = vector.broadcast %reduce_max3A_2051 : i1 to vector<16xi1>
      %reduce_max3A_2053 = arith.constant -2147483648 : i32
      %reduce_max3A_2054 = vector.broadcast %reduce_max3A_2053 : i32 to vector<16xi32>
      %reduce_max3A_2055 = arith.xori %select_n3A_2050, %reduce_max3A_2054 : vector<16xi32>
      %reduce_max3A_2056 = tpu.scan <max>, %reduce_max3A_2055 masked %reduce_max3A_2052 : vector<16xi32>, vector<16xi1> -> vector<16xi32>
      %reduce_max3A_2057 = arith.xori %reduce_max3A_2056, %reduce_max3A_2054 : vector<16xi32>
      %reduce_max3A_2058 = vector.extract %reduce_max3A_2057[15] : i32 from vector<16xi32>
      %shift_right_arithmetic3A_2059 = arith.constant 7 : i32
      %shift_right_arithmetic3A_2060 = arith.shrsi %reduce_max3A_2058, %shift_right_arithmetic3A_2059 : i32
      %mul3A_2061 = arith.constant 128 : i32
      %mul3A_2062 = arith.muli %shift_right_arithmetic3A_2060, %mul3A_2061 : i32
      %multiple_of3A_2063 = tpu.assume_multiple %mul3A_2062, 128 : i32
      %dma_start3A_2064 = arith.constant 216 : i32
      %dma_start3A_2065 = arith.constant 0 : i32
      %dma_start3A_2066 = tpu.memref_slice %arg6[%and3A_1249, %dma_start3A_2064, %dma_start3A_2065] : memref<2x256x128xf32, #tpu.memory_space<vmem>> -> memref<1x8x128xf32, #tpu.memory_space<vmem>>
      %dma_start3A_2067 = tpu.memref_squeeze %dma_start3A_2066 : memref<1x8x128xf32, #tpu.memory_space<vmem>> -> memref<8x128xf32, #tpu.memory_space<vmem>>
      %dma_start3A_2068 = tpu.memref_slice %arg3[%mul3A_32, %multiple_of3A_2063] : memref<64x1000000xf32, #tpu.memory_space<hbm>> -> memref<8x128xf32, #tpu.memory_space<hbm>>
      %dma_start3A_2069 = arith.constant 216 : i32
      %dma_start3A_2070 = arith.constant 0 : i32
      %dma_start3A_2071 = tpu.memref_slice %arg6[%and3A_1249, %dma_start3A_2069, %dma_start3A_2070] : memref<2x256x128xf32, #tpu.memory_space<vmem>> -> memref<1x8x128xf32, #tpu.memory_space<vmem>>
      %dma_start3A_2072 = tpu.memref_squeeze %dma_start3A_2071 : memref<1x8x128xf32, #tpu.memory_space<vmem>> -> memref<8x128xf32, #tpu.memory_space<vmem>>
      %dma_start3A_2073 = tpu.memref_slice %arg3[%mul3A_32, %multiple_of3A_2063] : memref<64x1000000xf32, #tpu.memory_space<hbm>> -> memref<8x128xf32, #tpu.memory_space<hbm>>
      tpu.enqueue_dma source(%dma_start3A_2073 : memref<8x128xf32, #tpu.memory_space<hbm>>) target(%dma_start3A_2072 : memref<8x128xf32, #tpu.memory_space<vmem>>) target_semaphore(%arg15 : memref<!tpu.dma_semaphore, #tpu.memory_space<semaphore_mem>>)
      %eq3A_2074 = arith.constant 12 : i32
      %eq3A_2075 = vector.broadcast %eq3A_2074 : i32 to vector<16xi32>
      %eq3A_2076 = arith.cmpi eq, %iota3A, %eq3A_2075 : vector<16xi32>
      %jit3A_2077 = arith.constant 0 : i32
      %broadcast_in_dim3A_2078 = vector.broadcast %jit3A_2077 : i32 to vector<16xi32>
      %select_n3A_2079 = arith.select %eq3A_2076, %get3A_1725, %broadcast_in_dim3A_2078 : vector<16xi1>, vector<16xi32>
      %reduce_max3A_2080 = arith.constant true
      %reduce_max3A_2081 = vector.broadcast %reduce_max3A_2080 : i1 to vector<16xi1>
      %reduce_max3A_2082 = arith.constant -2147483648 : i32
      %reduce_max3A_2083 = vector.broadcast %reduce_max3A_2082 : i32 to vector<16xi32>
      %reduce_max3A_2084 = arith.xori %select_n3A_2079, %reduce_max3A_2083 : vector<16xi32>
      %reduce_max3A_2085 = tpu.scan <max>, %reduce_max3A_2084 masked %reduce_max3A_2081 : vector<16xi32>, vector<16xi1> -> vector<16xi32>
      %reduce_max3A_2086 = arith.xori %reduce_max3A_2085, %reduce_max3A_2083 : vector<16xi32>
      %reduce_max3A_2087 = vector.extract %reduce_max3A_2086[15] : i32 from vector<16xi32>
      %shift_right_arithmetic3A_2088 = arith.constant 7 : i32
      %shift_right_arithmetic3A_2089 = arith.shrsi %reduce_max3A_2087, %shift_right_arithmetic3A_2088 : i32
      %mul3A_2090 = arith.constant 128 : i32
      %mul3A_2091 = arith.muli %shift_right_arithmetic3A_2089, %mul3A_2090 : i32
      %multiple_of3A_2092 = tpu.assume_multiple %mul3A_2091, 128 : i32
      %dma_start3A_2093 = arith.constant 224 : i32
      %dma_start3A_2094 = arith.constant 0 : i32
      %dma_start3A_2095 = tpu.memref_slice %arg6[%and3A_1249, %dma_start3A_2093, %dma_start3A_2094] : memref<2x256x128xf32, #tpu.memory_space<vmem>> -> memref<1x8x128xf32, #tpu.memory_space<vmem>>
      %dma_start3A_2096 = tpu.memref_squeeze %dma_start3A_2095 : memref<1x8x128xf32, #tpu.memory_space<vmem>> -> memref<8x128xf32, #tpu.memory_space<vmem>>
      %dma_start3A_2097 = tpu.memref_slice %arg3[%mul3A_32, %multiple_of3A_2092] : memref<64x1000000xf32, #tpu.memory_space<hbm>> -> memref<8x128xf32, #tpu.memory_space<hbm>>
      %dma_start3A_2098 = arith.constant 224 : i32
      %dma_start3A_2099 = arith.constant 0 : i32
      %dma_start3A_2100 = tpu.memref_slice %arg6[%and3A_1249, %dma_start3A_2098, %dma_start3A_2099] : memref<2x256x128xf32, #tpu.memory_space<vmem>> -> memref<1x8x128xf32, #tpu.memory_space<vmem>>
      %dma_start3A_2101 = tpu.memref_squeeze %dma_start3A_2100 : memref<1x8x128xf32, #tpu.memory_space<vmem>> -> memref<8x128xf32, #tpu.memory_space<vmem>>
      %dma_start3A_2102 = tpu.memref_slice %arg3[%mul3A_32, %multiple_of3A_2092] : memref<64x1000000xf32, #tpu.memory_space<hbm>> -> memref<8x128xf32, #tpu.memory_space<hbm>>
      tpu.enqueue_dma source(%dma_start3A_2102 : memref<8x128xf32, #tpu.memory_space<hbm>>) target(%dma_start3A_2101 : memref<8x128xf32, #tpu.memory_space<vmem>>) target_semaphore(%arg15 : memref<!tpu.dma_semaphore, #tpu.memory_space<semaphore_mem>>)
      %eq3A_2103 = arith.constant 13 : i32
      %eq3A_2104 = vector.broadcast %eq3A_2103 : i32 to vector<16xi32>
      %eq3A_2105 = arith.cmpi eq, %iota3A, %eq3A_2104 : vector<16xi32>
      %jit3A_2106 = arith.constant 0 : i32
      %broadcast_in_dim3A_2107 = vector.broadcast %jit3A_2106 : i32 to vector<16xi32>
      %select_n3A_2108 = arith.select %eq3A_2105, %get3A_1725, %broadcast_in_dim3A_2107 : vector<16xi1>, vector<16xi32>
      %reduce_max3A_2109 = arith.constant true
      %reduce_max3A_2110 = vector.broadcast %reduce_max3A_2109 : i1 to vector<16xi1>
      %reduce_max3A_2111 = arith.constant -2147483648 : i32
      %reduce_max3A_2112 = vector.broadcast %reduce_max3A_2111 : i32 to vector<16xi32>
      %reduce_max3A_2113 = arith.xori %select_n3A_2108, %reduce_max3A_2112 : vector<16xi32>
      %reduce_max3A_2114 = tpu.scan <max>, %reduce_max3A_2113 masked %reduce_max3A_2110 : vector<16xi32>, vector<16xi1> -> vector<16xi32>
      %reduce_max3A_2115 = arith.xori %reduce_max3A_2114, %reduce_max3A_2112 : vector<16xi32>
      %reduce_max3A_2116 = vector.extract %reduce_max3A_2115[15] : i32 from vector<16xi32>
      %shift_right_arithmetic3A_2117 = arith.constant 7 : i32
      %shift_right_arithmetic3A_2118 = arith.shrsi %reduce_max3A_2116, %shift_right_arithmetic3A_2117 : i32
      %mul3A_2119 = arith.constant 128 : i32
      %mul3A_2120 = arith.muli %shift_right_arithmetic3A_2118, %mul3A_2119 : i32
      %multiple_of3A_2121 = tpu.assume_multiple %mul3A_2120, 128 : i32
      %dma_start3A_2122 = arith.constant 232 : i32
      %dma_start3A_2123 = arith.constant 0 : i32
      %dma_start3A_2124 = tpu.memref_slice %arg6[%and3A_1249, %dma_start3A_2122, %dma_start3A_2123] : memref<2x256x128xf32, #tpu.memory_space<vmem>> -> memref<1x8x128xf32, #tpu.memory_space<vmem>>
      %dma_start3A_2125 = tpu.memref_squeeze %dma_start3A_2124 : memref<1x8x128xf32, #tpu.memory_space<vmem>> -> memref<8x128xf32, #tpu.memory_space<vmem>>
      %dma_start3A_2126 = tpu.memref_slice %arg3[%mul3A_32, %multiple_of3A_2121] : memref<64x1000000xf32, #tpu.memory_space<hbm>> -> memref<8x128xf32, #tpu.memory_space<hbm>>
      %dma_start3A_2127 = arith.constant 232 : i32
      %dma_start3A_2128 = arith.constant 0 : i32
      %dma_start3A_2129 = tpu.memref_slice %arg6[%and3A_1249, %dma_start3A_2127, %dma_start3A_2128] : memref<2x256x128xf32, #tpu.memory_space<vmem>> -> memref<1x8x128xf32, #tpu.memory_space<vmem>>
      %dma_start3A_2130 = tpu.memref_squeeze %dma_start3A_2129 : memref<1x8x128xf32, #tpu.memory_space<vmem>> -> memref<8x128xf32, #tpu.memory_space<vmem>>
      %dma_start3A_2131 = tpu.memref_slice %arg3[%mul3A_32, %multiple_of3A_2121] : memref<64x1000000xf32, #tpu.memory_space<hbm>> -> memref<8x128xf32, #tpu.memory_space<hbm>>
      tpu.enqueue_dma source(%dma_start3A_2131 : memref<8x128xf32, #tpu.memory_space<hbm>>) target(%dma_start3A_2130 : memref<8x128xf32, #tpu.memory_space<vmem>>) target_semaphore(%arg15 : memref<!tpu.dma_semaphore, #tpu.memory_space<semaphore_mem>>)
      %eq3A_2132 = arith.constant 14 : i32
      %eq3A_2133 = vector.broadcast %eq3A_2132 : i32 to vector<16xi32>
      %eq3A_2134 = arith.cmpi eq, %iota3A, %eq3A_2133 : vector<16xi32>
      %jit3A_2135 = arith.constant 0 : i32
      %broadcast_in_dim3A_2136 = vector.broadcast %jit3A_2135 : i32 to vector<16xi32>
      %select_n3A_2137 = arith.select %eq3A_2134, %get3A_1725, %broadcast_in_dim3A_2136 : vector<16xi1>, vector<16xi32>
      %reduce_max3A_2138 = arith.constant true
      %reduce_max3A_2139 = vector.broadcast %reduce_max3A_2138 : i1 to vector<16xi1>
      %reduce_max3A_2140 = arith.constant -2147483648 : i32
      %reduce_max3A_2141 = vector.broadcast %reduce_max3A_2140 : i32 to vector<16xi32>
      %reduce_max3A_2142 = arith.xori %select_n3A_2137, %reduce_max3A_2141 : vector<16xi32>
      %reduce_max3A_2143 = tpu.scan <max>, %reduce_max3A_2142 masked %reduce_max3A_2139 : vector<16xi32>, vector<16xi1> -> vector<16xi32>
      %reduce_max3A_2144 = arith.xori %reduce_max3A_2143, %reduce_max3A_2141 : vector<16xi32>
      %reduce_max3A_2145 = vector.extract %reduce_max3A_2144[15] : i32 from vector<16xi32>
      %shift_right_arithmetic3A_2146 = arith.constant 7 : i32
      %shift_right_arithmetic3A_2147 = arith.shrsi %reduce_max3A_2145, %shift_right_arithmetic3A_2146 : i32
      %mul3A_2148 = arith.constant 128 : i32
      %mul3A_2149 = arith.muli %shift_right_arithmetic3A_2147, %mul3A_2148 : i32
      %multiple_of3A_2150 = tpu.assume_multiple %mul3A_2149, 128 : i32
      %dma_start3A_2151 = arith.constant 240 : i32
      %dma_start3A_2152 = arith.constant 0 : i32
      %dma_start3A_2153 = tpu.memref_slice %arg6[%and3A_1249, %dma_start3A_2151, %dma_start3A_2152] : memref<2x256x128xf32, #tpu.memory_space<vmem>> -> memref<1x8x128xf32, #tpu.memory_space<vmem>>
      %dma_start3A_2154 = tpu.memref_squeeze %dma_start3A_2153 : memref<1x8x128xf32, #tpu.memory_space<vmem>> -> memref<8x128xf32, #tpu.memory_space<vmem>>
      %dma_start3A_2155 = tpu.memref_slice %arg3[%mul3A_32, %multiple_of3A_2150] : memref<64x1000000xf32, #tpu.memory_space<hbm>> -> memref<8x128xf32, #tpu.memory_space<hbm>>
      %dma_start3A_2156 = arith.constant 240 : i32
      %dma_start3A_2157 = arith.constant 0 : i32
      %dma_start3A_2158 = tpu.memref_slice %arg6[%and3A_1249, %dma_start3A_2156, %dma_start3A_2157] : memref<2x256x128xf32, #tpu.memory_space<vmem>> -> memref<1x8x128xf32, #tpu.memory_space<vmem>>
      %dma_start3A_2159 = tpu.memref_squeeze %dma_start3A_2158 : memref<1x8x128xf32, #tpu.memory_space<vmem>> -> memref<8x128xf32, #tpu.memory_space<vmem>>
      %dma_start3A_2160 = tpu.memref_slice %arg3[%mul3A_32, %multiple_of3A_2150] : memref<64x1000000xf32, #tpu.memory_space<hbm>> -> memref<8x128xf32, #tpu.memory_space<hbm>>
      tpu.enqueue_dma source(%dma_start3A_2160 : memref<8x128xf32, #tpu.memory_space<hbm>>) target(%dma_start3A_2159 : memref<8x128xf32, #tpu.memory_space<vmem>>) target_semaphore(%arg15 : memref<!tpu.dma_semaphore, #tpu.memory_space<semaphore_mem>>)
      %eq3A_2161 = arith.constant 15 : i32
      %eq3A_2162 = vector.broadcast %eq3A_2161 : i32 to vector<16xi32>
      %eq3A_2163 = arith.cmpi eq, %iota3A, %eq3A_2162 : vector<16xi32>
      %jit3A_2164 = arith.constant 0 : i32
      %broadcast_in_dim3A_2165 = vector.broadcast %jit3A_2164 : i32 to vector<16xi32>
      %select_n3A_2166 = arith.select %eq3A_2163, %get3A_1725, %broadcast_in_dim3A_2165 : vector<16xi1>, vector<16xi32>
      %reduce_max3A_2167 = arith.constant true
      %reduce_max3A_2168 = vector.broadcast %reduce_max3A_2167 : i1 to vector<16xi1>
      %reduce_max3A_2169 = arith.constant -2147483648 : i32
      %reduce_max3A_2170 = vector.broadcast %reduce_max3A_2169 : i32 to vector<16xi32>
      %reduce_max3A_2171 = arith.xori %select_n3A_2166, %reduce_max3A_2170 : vector<16xi32>
      %reduce_max3A_2172 = tpu.scan <max>, %reduce_max3A_2171 masked %reduce_max3A_2168 : vector<16xi32>, vector<16xi1> -> vector<16xi32>
      %reduce_max3A_2173 = arith.xori %reduce_max3A_2172, %reduce_max3A_2170 : vector<16xi32>
      %reduce_max3A_2174 = vector.extract %reduce_max3A_2173[15] : i32 from vector<16xi32>
      %shift_right_arithmetic3A_2175 = arith.constant 7 : i32
      %shift_right_arithmetic3A_2176 = arith.shrsi %reduce_max3A_2174, %shift_right_arithmetic3A_2175 : i32
      %mul3A_2177 = arith.constant 128 : i32
      %mul3A_2178 = arith.muli %shift_right_arithmetic3A_2176, %mul3A_2177 : i32
      %multiple_of3A_2179 = tpu.assume_multiple %mul3A_2178, 128 : i32
      %dma_start3A_2180 = arith.constant 248 : i32
      %dma_start3A_2181 = arith.constant 0 : i32
      %dma_start3A_2182 = tpu.memref_slice %arg6[%and3A_1249, %dma_start3A_2180, %dma_start3A_2181] : memref<2x256x128xf32, #tpu.memory_space<vmem>> -> memref<1x8x128xf32, #tpu.memory_space<vmem>>
      %dma_start3A_2183 = tpu.memref_squeeze %dma_start3A_2182 : memref<1x8x128xf32, #tpu.memory_space<vmem>> -> memref<8x128xf32, #tpu.memory_space<vmem>>
      %dma_start3A_2184 = tpu.memref_slice %arg3[%mul3A_32, %multiple_of3A_2179] : memref<64x1000000xf32, #tpu.memory_space<hbm>> -> memref<8x128xf32, #tpu.memory_space<hbm>>
      %dma_start3A_2185 = arith.constant 248 : i32
      %dma_start3A_2186 = arith.constant 0 : i32
      %dma_start3A_2187 = tpu.memref_slice %arg6[%and3A_1249, %dma_start3A_2185, %dma_start3A_2186] : memref<2x256x128xf32, #tpu.memory_space<vmem>> -> memref<1x8x128xf32, #tpu.memory_space<vmem>>
      %dma_start3A_2188 = tpu.memref_squeeze %dma_start3A_2187 : memref<1x8x128xf32, #tpu.memory_space<vmem>> -> memref<8x128xf32, #tpu.memory_space<vmem>>
      %dma_start3A_2189 = tpu.memref_slice %arg3[%mul3A_32, %multiple_of3A_2179] : memref<64x1000000xf32, #tpu.memory_space<hbm>> -> memref<8x128xf32, #tpu.memory_space<hbm>>
      tpu.enqueue_dma source(%dma_start3A_2189 : memref<8x128xf32, #tpu.memory_space<hbm>>) target(%dma_start3A_2188 : memref<8x128xf32, #tpu.memory_space<vmem>>) target_semaphore(%arg15 : memref<!tpu.dma_semaphore, #tpu.memory_space<semaphore_mem>>)
      %and3A_2190 = arith.constant 1 : i32
      %and3A_2191 = arith.andi %scan3A_1245, %and3A_2190 : i32
      %dma_wait3A_2192 = arith.constant 0 : i32
      %dma_wait3A_2193 = arith.constant 0 : i32
      %dma_wait3A_2194 = tpu.memref_slice %arg6[%and3A_2191, %dma_wait3A_2192, %dma_wait3A_2193] : memref<2x256x128xf32, #tpu.memory_space<vmem>> -> memref<1x64x128xf32, #tpu.memory_space<vmem>>
      %dma_wait3A_2195 = tpu.memref_squeeze %dma_wait3A_2194 : memref<1x64x128xf32, #tpu.memory_space<vmem>> -> memref<64x128xf32, #tpu.memory_space<vmem>>
      %dma_wait3A_2196 = arith.constant 0 : i32
      %dma_wait3A_2197 = arith.constant 0 : i32
      %dma_wait3A_2198 = tpu.memref_slice %arg3[%dma_wait3A_2196, %dma_wait3A_2197] : memref<64x1000000xf32, #tpu.memory_space<hbm>> -> memref<64x128xf32, #tpu.memory_space<hbm>>
      %dma_wait3A_2199 = arith.constant 0 : i32
      %dma_wait3A_2200 = arith.constant 0 : i32
      %dma_wait3A_2201 = tpu.memref_slice %arg6[%and3A_2191, %dma_wait3A_2199, %dma_wait3A_2200] : memref<2x256x128xf32, #tpu.memory_space<vmem>> -> memref<1x64x128xf32, #tpu.memory_space<vmem>>
      %dma_wait3A_2202 = tpu.memref_squeeze %dma_wait3A_2201 : memref<1x64x128xf32, #tpu.memory_space<vmem>> -> memref<64x128xf32, #tpu.memory_space<vmem>>
      %dma_wait3A_2203 = arith.constant 0 : i32
      %dma_wait3A_2204 = arith.constant 0 : i32
      %dma_wait3A_2205 = tpu.memref_slice %arg3[%dma_wait3A_2203, %dma_wait3A_2204] : memref<64x1000000xf32, #tpu.memory_space<hbm>> -> memref<64x128xf32, #tpu.memory_space<hbm>>
      tpu.wait_dma2 semaphore(%arg15 : memref<!tpu.dma_semaphore, #tpu.memory_space<semaphore_mem>>) src(%dma_wait3A_2205 : memref<64x128xf32, #tpu.memory_space<hbm>>) dst(%dma_wait3A_2202 : memref<64x128xf32, #tpu.memory_space<vmem>>)
      %dma_wait3A_2206 = arith.constant 64 : i32
      %dma_wait3A_2207 = arith.constant 0 : i32
      %dma_wait3A_2208 = tpu.memref_slice %arg6[%and3A_2191, %dma_wait3A_2206, %dma_wait3A_2207] : memref<2x256x128xf32, #tpu.memory_space<vmem>> -> memref<1x64x128xf32, #tpu.memory_space<vmem>>
      %dma_wait3A_2209 = tpu.memref_squeeze %dma_wait3A_2208 : memref<1x64x128xf32, #tpu.memory_space<vmem>> -> memref<64x128xf32, #tpu.memory_space<vmem>>
      %dma_wait3A_2210 = arith.constant 0 : i32
      %dma_wait3A_2211 = arith.constant 0 : i32
      %dma_wait3A_2212 = tpu.memref_slice %arg3[%dma_wait3A_2210, %dma_wait3A_2211] : memref<64x1000000xf32, #tpu.memory_space<hbm>> -> memref<64x128xf32, #tpu.memory_space<hbm>>
      %dma_wait3A_2213 = arith.constant 64 : i32
      %dma_wait3A_2214 = arith.constant 0 : i32
      %dma_wait3A_2215 = tpu.memref_slice %arg6[%and3A_2191, %dma_wait3A_2213, %dma_wait3A_2214] : memref<2x256x128xf32, #tpu.memory_space<vmem>> -> memref<1x64x128xf32, #tpu.memory_space<vmem>>
      %dma_wait3A_2216 = tpu.memref_squeeze %dma_wait3A_2215 : memref<1x64x128xf32, #tpu.memory_space<vmem>> -> memref<64x128xf32, #tpu.memory_space<vmem>>
      %dma_wait3A_2217 = arith.constant 0 : i32
      %dma_wait3A_2218 = arith.constant 0 : i32
      %dma_wait3A_2219 = tpu.memref_slice %arg3[%dma_wait3A_2217, %dma_wait3A_2218] : memref<64x1000000xf32, #tpu.memory_space<hbm>> -> memref<64x128xf32, #tpu.memory_space<hbm>>
      tpu.wait_dma2 semaphore(%arg15 : memref<!tpu.dma_semaphore, #tpu.memory_space<semaphore_mem>>) src(%dma_wait3A_2219 : memref<64x128xf32, #tpu.memory_space<hbm>>) dst(%dma_wait3A_2216 : memref<64x128xf32, #tpu.memory_space<vmem>>)
      %dma_wait3A_2220 = arith.constant 128 : i32
      %dma_wait3A_2221 = arith.constant 0 : i32
      %dma_wait3A_2222 = tpu.memref_slice %arg6[%and3A_2191, %dma_wait3A_2220, %dma_wait3A_2221] : memref<2x256x128xf32, #tpu.memory_space<vmem>> -> memref<1x64x128xf32, #tpu.memory_space<vmem>>
      %dma_wait3A_2223 = tpu.memref_squeeze %dma_wait3A_2222 : memref<1x64x128xf32, #tpu.memory_space<vmem>> -> memref<64x128xf32, #tpu.memory_space<vmem>>
      %dma_wait3A_2224 = arith.constant 0 : i32
      %dma_wait3A_2225 = arith.constant 0 : i32
      %dma_wait3A_2226 = tpu.memref_slice %arg3[%dma_wait3A_2224, %dma_wait3A_2225] : memref<64x1000000xf32, #tpu.memory_space<hbm>> -> memref<64x128xf32, #tpu.memory_space<hbm>>
      %dma_wait3A_2227 = arith.constant 128 : i32
      %dma_wait3A_2228 = arith.constant 0 : i32
      %dma_wait3A_2229 = tpu.memref_slice %arg6[%and3A_2191, %dma_wait3A_2227, %dma_wait3A_2228] : memref<2x256x128xf32, #tpu.memory_space<vmem>> -> memref<1x64x128xf32, #tpu.memory_space<vmem>>
      %dma_wait3A_2230 = tpu.memref_squeeze %dma_wait3A_2229 : memref<1x64x128xf32, #tpu.memory_space<vmem>> -> memref<64x128xf32, #tpu.memory_space<vmem>>
      %dma_wait3A_2231 = arith.constant 0 : i32
      %dma_wait3A_2232 = arith.constant 0 : i32
      %dma_wait3A_2233 = tpu.memref_slice %arg3[%dma_wait3A_2231, %dma_wait3A_2232] : memref<64x1000000xf32, #tpu.memory_space<hbm>> -> memref<64x128xf32, #tpu.memory_space<hbm>>
      tpu.wait_dma2 semaphore(%arg15 : memref<!tpu.dma_semaphore, #tpu.memory_space<semaphore_mem>>) src(%dma_wait3A_2233 : memref<64x128xf32, #tpu.memory_space<hbm>>) dst(%dma_wait3A_2230 : memref<64x128xf32, #tpu.memory_space<vmem>>)
      %dma_wait3A_2234 = arith.constant 192 : i32
      %dma_wait3A_2235 = arith.constant 0 : i32
      %dma_wait3A_2236 = tpu.memref_slice %arg6[%and3A_2191, %dma_wait3A_2234, %dma_wait3A_2235] : memref<2x256x128xf32, #tpu.memory_space<vmem>> -> memref<1x64x128xf32, #tpu.memory_space<vmem>>
      %dma_wait3A_2237 = tpu.memref_squeeze %dma_wait3A_2236 : memref<1x64x128xf32, #tpu.memory_space<vmem>> -> memref<64x128xf32, #tpu.memory_space<vmem>>
      %dma_wait3A_2238 = arith.constant 0 : i32
      %dma_wait3A_2239 = arith.constant 0 : i32
      %dma_wait3A_2240 = tpu.memref_slice %arg3[%dma_wait3A_2238, %dma_wait3A_2239] : memref<64x1000000xf32, #tpu.memory_space<hbm>> -> memref<64x128xf32, #tpu.memory_space<hbm>>
      %dma_wait3A_2241 = arith.constant 192 : i32
      %dma_wait3A_2242 = arith.constant 0 : i32
      %dma_wait3A_2243 = tpu.memref_slice %arg6[%and3A_2191, %dma_wait3A_2241, %dma_wait3A_2242] : memref<2x256x128xf32, #tpu.memory_space<vmem>> -> memref<1x64x128xf32, #tpu.memory_space<vmem>>
      %dma_wait3A_2244 = tpu.memref_squeeze %dma_wait3A_2243 : memref<1x64x128xf32, #tpu.memory_space<vmem>> -> memref<64x128xf32, #tpu.memory_space<vmem>>
      %dma_wait3A_2245 = arith.constant 0 : i32
      %dma_wait3A_2246 = arith.constant 0 : i32
      %dma_wait3A_2247 = tpu.memref_slice %arg3[%dma_wait3A_2245, %dma_wait3A_2246] : memref<64x1000000xf32, #tpu.memory_space<hbm>> -> memref<64x128xf32, #tpu.memory_space<hbm>>
      tpu.wait_dma2 semaphore(%arg15 : memref<!tpu.dma_semaphore, #tpu.memory_space<semaphore_mem>>) src(%dma_wait3A_2247 : memref<64x128xf32, #tpu.memory_space<hbm>>) dst(%dma_wait3A_2244 : memref<64x128xf32, #tpu.memory_space<vmem>>)
      %and3A_2248 = arith.constant 1 : i32
      %and3A_2249 = arith.andi %scan3A_1245, %and3A_2248 : i32
      %broadcast_in_dim3A_2250 = vector.broadcast %and3A_2249 : i32 to vector<16xi32>
      %mul3A_2251 = arith.constant 32 : i32
      %mul3A_2252 = arith.muli %scan3A_1245, %mul3A_2251 : i32
      %add3A_2253 = arith.constant 0 : i32
      %add3A_2254 = arith.addi %mul3A_2252, %add3A_2253 : i32
      %get3A_2255 = arith.index_cast %add3A_2254 : i32 to index
      %get3A_2256 = tpu.vector_load %arg5[%get3A_2255] {strides = array<i32>} : memref<4096xi32, #tpu.memory_space<vmem>>, vector<16xi32>,
      %and3A_2257 = arith.constant 127 : i32
      %and3A_2258 = vector.broadcast %and3A_2257 : i32 to vector<16xi32>
      %and3A_2259 = arith.andi %get3A_2256, %and3A_2258 : vector<16xi32>
      %mul3A_2260 = arith.constant 32 : i32
      %mul3A_2261 = arith.muli %scan3A_1245, %mul3A_2260 : i32
      %add3A_2262 = arith.constant 0 : i32
      %add3A_2263 = arith.addi %mul3A_2261, %add3A_2262 : i32
      %mul3A_2264 = arith.constant 8 : i32
      %mul3A_2265 = vector.broadcast %mul3A_2264 : i32 to vector<16xi32>
      %mul3A_2266 = arith.muli %iota3A, %mul3A_2265 : vector<16xi32>
      %add3A_2267 = arith.constant 0 : i32
      %add3A_2268 = vector.broadcast %add3A_2267 : i32 to vector<16xi32>
      %add3A_2269 = arith.addi %mul3A_2266, %add3A_2268 : vector<16xi32>
      %gather3A_2270 = tpu.vector_load_idx %arg6[%broadcast_in_dim3A_2250, %add3A_2269, %and3A_2259] : memref<2x256x128xf32, #tpu.memory_space<vmem>>[vector<16xi32>, vector<16xi32>, vector<16xi32>], vector<16xf32>,
      %swap3A_2271 = arith.index_cast %add3A_2263 : i32 to index
      %swap3A_2272 = tpu.vector_load %arg7[%swap3A_2271] {strides = array<i32>} : memref<4096xf32, #tpu.memory_space<vmem>>, vector<16xf32>,
      tpu.vector_store %arg7[%swap3A_2271], %gather3A_2270 {strides = array<i32>} : memref<4096xf32, #tpu.memory_space<vmem>>, vector<16xf32>,
      %mul3A_2273 = arith.constant 8 : i32
      %mul3A_2274 = vector.broadcast %mul3A_2273 : i32 to vector<16xi32>
      %mul3A_2275 = arith.muli %iota3A, %mul3A_2274 : vector<16xi32>
      %add3A_2276 = arith.constant 1 : i32
      %add3A_2277 = vector.broadcast %add3A_2276 : i32 to vector<16xi32>
      %add3A_2278 = arith.addi %mul3A_2275, %add3A_2277 : vector<16xi32>
      %gather3A_2279 = tpu.vector_load_idx %arg6[%broadcast_in_dim3A_2250, %add3A_2278, %and3A_2259] : memref<2x256x128xf32, #tpu.memory_space<vmem>>[vector<16xi32>, vector<16xi32>, vector<16xi32>], vector<16xf32>,
      %swap3A_2280 = arith.index_cast %add3A_2263 : i32 to index
      %swap3A_2281 = tpu.vector_load %arg8[%swap3A_2280] {strides = array<i32>} : memref<4096xf32, #tpu.memory_space<vmem>>, vector<16xf32>,
      tpu.vector_store %arg8[%swap3A_2280], %gather3A_2279 {strides = array<i32>} : memref<4096xf32, #tpu.memory_space<vmem>>, vector<16xf32>,
      %mul3A_2282 = arith.constant 8 : i32
      %mul3A_2283 = vector.broadcast %mul3A_2282 : i32 to vector<16xi32>
      %mul3A_2284 = arith.muli %iota3A, %mul3A_2283 : vector<16xi32>
      %add3A_2285 = arith.constant 2 : i32
      %add3A_2286 = vector.broadcast %add3A_2285 : i32 to vector<16xi32>
      %add3A_2287 = arith.addi %mul3A_2284, %add3A_2286 : vector<16xi32>
      %gather3A_2288 = tpu.vector_load_idx %arg6[%broadcast_in_dim3A_2250, %add3A_2287, %and3A_2259] : memref<2x256x128xf32, #tpu.memory_space<vmem>>[vector<16xi32>, vector<16xi32>, vector<16xi32>], vector<16xf32>,
      %swap3A_2289 = arith.index_cast %add3A_2263 : i32 to index
      %swap3A_2290 = tpu.vector_load %arg9[%swap3A_2289] {strides = array<i32>} : memref<4096xf32, #tpu.memory_space<vmem>>, vector<16xf32>,
      tpu.vector_store %arg9[%swap3A_2289], %gather3A_2288 {strides = array<i32>} : memref<4096xf32, #tpu.memory_space<vmem>>, vector<16xf32>,
      %mul3A_2291 = arith.constant 8 : i32
      %mul3A_2292 = vector.broadcast %mul3A_2291 : i32 to vector<16xi32>
      %mul3A_2293 = arith.muli %iota3A, %mul3A_2292 : vector<16xi32>
      %add3A_2294 = arith.constant 3 : i32
      %add3A_2295 = vector.broadcast %add3A_2294 : i32 to vector<16xi32>
      %add3A_2296 = arith.addi %mul3A_2293, %add3A_2295 : vector<16xi32>
      %gather3A_2297 = tpu.vector_load_idx %arg6[%broadcast_in_dim3A_2250, %add3A_2296, %and3A_2259] : memref<2x256x128xf32, #tpu.memory_space<vmem>>[vector<16xi32>, vector<16xi32>, vector<16xi32>], vector<16xf32>,
      %swap3A_2298 = arith.index_cast %add3A_2263 : i32 to index
      %swap3A_2299 = tpu.vector_load %arg10[%swap3A_2298] {strides = array<i32>} : memref<4096xf32, #tpu.memory_space<vmem>>, vector<16xf32>,
      tpu.vector_store %arg10[%swap3A_2298], %gather3A_2297 {strides = array<i32>} : memref<4096xf32, #tpu.memory_space<vmem>>, vector<16xf32>,
      %mul3A_2300 = arith.constant 8 : i32
      %mul3A_2301 = vector.broadcast %mul3A_2300 : i32 to vector<16xi32>
      %mul3A_2302 = arith.muli %iota3A, %mul3A_2301 : vector<16xi32>
      %add3A_2303 = arith.constant 4 : i32
      %add3A_2304 = vector.broadcast %add3A_2303 : i32 to vector<16xi32>
      %add3A_2305 = arith.addi %mul3A_2302, %add3A_2304 : vector<16xi32>
      %gather3A_2306 = tpu.vector_load_idx %arg6[%broadcast_in_dim3A_2250, %add3A_2305, %and3A_2259] : memref<2x256x128xf32, #tpu.memory_space<vmem>>[vector<16xi32>, vector<16xi32>, vector<16xi32>], vector<16xf32>,
      %swap3A_2307 = arith.index_cast %add3A_2263 : i32 to index
      %swap3A_2308 = tpu.vector_load %arg11[%swap3A_2307] {strides = array<i32>} : memref<4096xf32, #tpu.memory_space<vmem>>, vector<16xf32>,
      tpu.vector_store %arg11[%swap3A_2307], %gather3A_2306 {strides = array<i32>} : memref<4096xf32, #tpu.memory_space<vmem>>, vector<16xf32>,
      %mul3A_2309 = arith.constant 8 : i32
      %mul3A_2310 = vector.broadcast %mul3A_2309 : i32 to vector<16xi32>
      %mul3A_2311 = arith.muli %iota3A, %mul3A_2310 : vector<16xi32>
      %add3A_2312 = arith.constant 5 : i32
      %add3A_2313 = vector.broadcast %add3A_2312 : i32 to vector<16xi32>
      %add3A_2314 = arith.addi %mul3A_2311, %add3A_2313 : vector<16xi32>
      %gather3A_2315 = tpu.vector_load_idx %arg6[%broadcast_in_dim3A_2250, %add3A_2314, %and3A_2259] : memref<2x256x128xf32, #tpu.memory_space<vmem>>[vector<16xi32>, vector<16xi32>, vector<16xi32>], vector<16xf32>,
      %swap3A_2316 = arith.index_cast %add3A_2263 : i32 to index
      %swap3A_2317 = tpu.vector_load %arg12[%swap3A_2316] {strides = array<i32>} : memref<4096xf32, #tpu.memory_space<vmem>>, vector<16xf32>,
      tpu.vector_store %arg12[%swap3A_2316], %gather3A_2315 {strides = array<i32>} : memref<4096xf32, #tpu.memory_space<vmem>>, vector<16xf32>,
      %mul3A_2318 = arith.constant 8 : i32
      %mul3A_2319 = vector.broadcast %mul3A_2318 : i32 to vector<16xi32>
      %mul3A_2320 = arith.muli %iota3A, %mul3A_2319 : vector<16xi32>
      %add3A_2321 = arith.constant 6 : i32
      %add3A_2322 = vector.broadcast %add3A_2321 : i32 to vector<16xi32>
      %add3A_2323 = arith.addi %mul3A_2320, %add3A_2322 : vector<16xi32>
      %gather3A_2324 = tpu.vector_load_idx %arg6[%broadcast_in_dim3A_2250, %add3A_2323, %and3A_2259] : memref<2x256x128xf32, #tpu.memory_space<vmem>>[vector<16xi32>, vector<16xi32>, vector<16xi32>], vector<16xf32>,
      %swap3A_2325 = arith.index_cast %add3A_2263 : i32 to index
      %swap3A_2326 = tpu.vector_load %arg13[%swap3A_2325] {strides = array<i32>} : memref<4096xf32, #tpu.memory_space<vmem>>, vector<16xf32>,
      tpu.vector_store %arg13[%swap3A_2325], %gather3A_2324 {strides = array<i32>} : memref<4096xf32, #tpu.memory_space<vmem>>, vector<16xf32>,
      %mul3A_2327 = arith.constant 8 : i32
      %mul3A_2328 = vector.broadcast %mul3A_2327 : i32 to vector<16xi32>
      %mul3A_2329 = arith.muli %iota3A, %mul3A_2328 : vector<16xi32>
      %add3A_2330 = arith.constant 7 : i32
      %add3A_2331 = vector.broadcast %add3A_2330 : i32 to vector<16xi32>
      %add3A_2332 = arith.addi %mul3A_2329, %add3A_2331 : vector<16xi32>
      %gather3A_2333 = tpu.vector_load_idx %arg6[%broadcast_in_dim3A_2250, %add3A_2332, %and3A_2259] : memref<2x256x128xf32, #tpu.memory_space<vmem>>[vector<16xi32>, vector<16xi32>, vector<16xi32>], vector<16xf32>,
      %swap3A_2334 = arith.index_cast %add3A_2263 : i32 to index
      %swap3A_2335 = tpu.vector_load %arg14[%swap3A_2334] {strides = array<i32>} : memref<4096xf32, #tpu.memory_space<vmem>>, vector<16xf32>,
      tpu.vector_store %arg14[%swap3A_2334], %gather3A_2333 {strides = array<i32>} : memref<4096xf32, #tpu.memory_space<vmem>>, vector<16xf32>,
      %mul3A_2336 = arith.constant 32 : i32
      %mul3A_2337 = arith.muli %scan3A_1245, %mul3A_2336 : i32
      %add3A_2338 = arith.constant 16 : i32
      %add3A_2339 = arith.addi %mul3A_2337, %add3A_2338 : i32
      %get3A_2340 = arith.index_cast %add3A_2339 : i32 to index
      %get3A_2341 = tpu.vector_load %arg5[%get3A_2340] {strides = array<i32>} : memref<4096xi32, #tpu.memory_space<vmem>>, vector<16xi32>,
      %and3A_2342 = arith.constant 127 : i32
      %and3A_2343 = vector.broadcast %and3A_2342 : i32 to vector<16xi32>
      %and3A_2344 = arith.andi %get3A_2341, %and3A_2343 : vector<16xi32>
      %mul3A_2345 = arith.constant 32 : i32
      %mul3A_2346 = arith.muli %scan3A_1245, %mul3A_2345 : i32
      %add3A_2347 = arith.constant 16 : i32
      %add3A_2348 = arith.addi %mul3A_2346, %add3A_2347 : i32
      %mul3A_2349 = arith.constant 8 : i32
      %mul3A_2350 = vector.broadcast %mul3A_2349 : i32 to vector<16xi32>
      %mul3A_2351 = arith.muli %iota3A, %mul3A_2350 : vector<16xi32>
      %add3A_2352 = arith.constant 128 : i32
      %add3A_2353 = vector.broadcast %add3A_2352 : i32 to vector<16xi32>
      %add3A_2354 = arith.addi %mul3A_2351, %add3A_2353 : vector<16xi32>
      %gather3A_2355 = tpu.vector_load_idx %arg6[%broadcast_in_dim3A_2250, %add3A_2354, %and3A_2344] : memref<2x256x128xf32, #tpu.memory_space<vmem>>[vector<16xi32>, vector<16xi32>, vector<16xi32>], vector<16xf32>,
      %swap3A_2356 = arith.index_cast %add3A_2348 : i32 to index
      %swap3A_2357 = tpu.vector_load %arg7[%swap3A_2356] {strides = array<i32>} : memref<4096xf32, #tpu.memory_space<vmem>>, vector<16xf32>,
      tpu.vector_store %arg7[%swap3A_2356], %gather3A_2355 {strides = array<i32>} : memref<4096xf32, #tpu.memory_space<vmem>>, vector<16xf32>,
      %mul3A_2358 = arith.constant 8 : i32
      %mul3A_2359 = vector.broadcast %mul3A_2358 : i32 to vector<16xi32>
      %mul3A_2360 = arith.muli %iota3A, %mul3A_2359 : vector<16xi32>
      %add3A_2361 = arith.constant 129 : i32
      %add3A_2362 = vector.broadcast %add3A_2361 : i32 to vector<16xi32>
      %add3A_2363 = arith.addi %mul3A_2360, %add3A_2362 : vector<16xi32>
      %gather3A_2364 = tpu.vector_load_idx %arg6[%broadcast_in_dim3A_2250, %add3A_2363, %and3A_2344] : memref<2x256x128xf32, #tpu.memory_space<vmem>>[vector<16xi32>, vector<16xi32>, vector<16xi32>], vector<16xf32>,
      %swap3A_2365 = arith.index_cast %add3A_2348 : i32 to index
      %swap3A_2366 = tpu.vector_load %arg8[%swap3A_2365] {strides = array<i32>} : memref<4096xf32, #tpu.memory_space<vmem>>, vector<16xf32>,
      tpu.vector_store %arg8[%swap3A_2365], %gather3A_2364 {strides = array<i32>} : memref<4096xf32, #tpu.memory_space<vmem>>, vector<16xf32>,
      %mul3A_2367 = arith.constant 8 : i32
      %mul3A_2368 = vector.broadcast %mul3A_2367 : i32 to vector<16xi32>
      %mul3A_2369 = arith.muli %iota3A, %mul3A_2368 : vector<16xi32>
      %add3A_2370 = arith.constant 130 : i32
      %add3A_2371 = vector.broadcast %add3A_2370 : i32 to vector<16xi32>
      %add3A_2372 = arith.addi %mul3A_2369, %add3A_2371 : vector<16xi32>
      %gather3A_2373 = tpu.vector_load_idx %arg6[%broadcast_in_dim3A_2250, %add3A_2372, %and3A_2344] : memref<2x256x128xf32, #tpu.memory_space<vmem>>[vector<16xi32>, vector<16xi32>, vector<16xi32>], vector<16xf32>,
      %swap3A_2374 = arith.index_cast %add3A_2348 : i32 to index
      %swap3A_2375 = tpu.vector_load %arg9[%swap3A_2374] {strides = array<i32>} : memref<4096xf32, #tpu.memory_space<vmem>>, vector<16xf32>,
      tpu.vector_store %arg9[%swap3A_2374], %gather3A_2373 {strides = array<i32>} : memref<4096xf32, #tpu.memory_space<vmem>>, vector<16xf32>,
      %mul3A_2376 = arith.constant 8 : i32
      %mul3A_2377 = vector.broadcast %mul3A_2376 : i32 to vector<16xi32>
      %mul3A_2378 = arith.muli %iota3A, %mul3A_2377 : vector<16xi32>
      %add3A_2379 = arith.constant 131 : i32
      %add3A_2380 = vector.broadcast %add3A_2379 : i32 to vector<16xi32>
      %add3A_2381 = arith.addi %mul3A_2378, %add3A_2380 : vector<16xi32>
      %gather3A_2382 = tpu.vector_load_idx %arg6[%broadcast_in_dim3A_2250, %add3A_2381, %and3A_2344] : memref<2x256x128xf32, #tpu.memory_space<vmem>>[vector<16xi32>, vector<16xi32>, vector<16xi32>], vector<16xf32>,
      %swap3A_2383 = arith.index_cast %add3A_2348 : i32 to index
      %swap3A_2384 = tpu.vector_load %arg10[%swap3A_2383] {strides = array<i32>} : memref<4096xf32, #tpu.memory_space<vmem>>, vector<16xf32>,
      tpu.vector_store %arg10[%swap3A_2383], %gather3A_2382 {strides = array<i32>} : memref<4096xf32, #tpu.memory_space<vmem>>, vector<16xf32>,
      %mul3A_2385 = arith.constant 8 : i32
      %mul3A_2386 = vector.broadcast %mul3A_2385 : i32 to vector<16xi32>
      %mul3A_2387 = arith.muli %iota3A, %mul3A_2386 : vector<16xi32>
      %add3A_2388 = arith.constant 132 : i32
      %add3A_2389 = vector.broadcast %add3A_2388 : i32 to vector<16xi32>
      %add3A_2390 = arith.addi %mul3A_2387, %add3A_2389 : vector<16xi32>
      %gather3A_2391 = tpu.vector_load_idx %arg6[%broadcast_in_dim3A_2250, %add3A_2390, %and3A_2344] : memref<2x256x128xf32, #tpu.memory_space<vmem>>[vector<16xi32>, vector<16xi32>, vector<16xi32>], vector<16xf32>,
      %swap3A_2392 = arith.index_cast %add3A_2348 : i32 to index
      %swap3A_2393 = tpu.vector_load %arg11[%swap3A_2392] {strides = array<i32>} : memref<4096xf32, #tpu.memory_space<vmem>>, vector<16xf32>,
      tpu.vector_store %arg11[%swap3A_2392], %gather3A_2391 {strides = array<i32>} : memref<4096xf32, #tpu.memory_space<vmem>>, vector<16xf32>,
      %mul3A_2394 = arith.constant 8 : i32
      %mul3A_2395 = vector.broadcast %mul3A_2394 : i32 to vector<16xi32>
      %mul3A_2396 = arith.muli %iota3A, %mul3A_2395 : vector<16xi32>
      %add3A_2397 = arith.constant 133 : i32
      %add3A_2398 = vector.broadcast %add3A_2397 : i32 to vector<16xi32>
      %add3A_2399 = arith.addi %mul3A_2396, %add3A_2398 : vector<16xi32>
      %gather3A_2400 = tpu.vector_load_idx %arg6[%broadcast_in_dim3A_2250, %add3A_2399, %and3A_2344] : memref<2x256x128xf32, #tpu.memory_space<vmem>>[vector<16xi32>, vector<16xi32>, vector<16xi32>], vector<16xf32>,
      %swap3A_2401 = arith.index_cast %add3A_2348 : i32 to index
      %swap3A_2402 = tpu.vector_load %arg12[%swap3A_2401] {strides = array<i32>} : memref<4096xf32, #tpu.memory_space<vmem>>, vector<16xf32>,
      tpu.vector_store %arg12[%swap3A_2401], %gather3A_2400 {strides = array<i32>} : memref<4096xf32, #tpu.memory_space<vmem>>, vector<16xf32>,
      %mul3A_2403 = arith.constant 8 : i32
      %mul3A_2404 = vector.broadcast %mul3A_2403 : i32 to vector<16xi32>
      %mul3A_2405 = arith.muli %iota3A, %mul3A_2404 : vector<16xi32>
      %add3A_2406 = arith.constant 134 : i32
      %add3A_2407 = vector.broadcast %add3A_2406 : i32 to vector<16xi32>
      %add3A_2408 = arith.addi %mul3A_2405, %add3A_2407 : vector<16xi32>
      %gather3A_2409 = tpu.vector_load_idx %arg6[%broadcast_in_dim3A_2250, %add3A_2408, %and3A_2344] : memref<2x256x128xf32, #tpu.memory_space<vmem>>[vector<16xi32>, vector<16xi32>, vector<16xi32>], vector<16xf32>,
      %swap3A_2410 = arith.index_cast %add3A_2348 : i32 to index
      %swap3A_2411 = tpu.vector_load %arg13[%swap3A_2410] {strides = array<i32>} : memref<4096xf32, #tpu.memory_space<vmem>>, vector<16xf32>,
      tpu.vector_store %arg13[%swap3A_2410], %gather3A_2409 {strides = array<i32>} : memref<4096xf32, #tpu.memory_space<vmem>>, vector<16xf32>,
      %mul3A_2412 = arith.constant 8 : i32
      %mul3A_2413 = vector.broadcast %mul3A_2412 : i32 to vector<16xi32>
      %mul3A_2414 = arith.muli %iota3A, %mul3A_2413 : vector<16xi32>
      %add3A_2415 = arith.constant 135 : i32
      %add3A_2416 = vector.broadcast %add3A_2415 : i32 to vector<16xi32>
      %add3A_2417 = arith.addi %mul3A_2414, %add3A_2416 : vector<16xi32>
      %gather3A_2418 = tpu.vector_load_idx %arg6[%broadcast_in_dim3A_2250, %add3A_2417, %and3A_2344] : memref<2x256x128xf32, #tpu.memory_space<vmem>>[vector<16xi32>, vector<16xi32>, vector<16xi32>], vector<16xf32>,
      %swap3A_2419 = arith.index_cast %add3A_2348 : i32 to index
      %swap3A_2420 = tpu.vector_load %arg14[%swap3A_2419] {strides = array<i32>} : memref<4096xf32, #tpu.memory_space<vmem>>, vector<16xf32>,
      tpu.vector_store %arg14[%swap3A_2419], %gather3A_2418 {strides = array<i32>} : memref<4096xf32, #tpu.memory_space<vmem>>, vector<16xf32>,
    }
    %scan3A_978 = arith.constant 127 : i32
    %and3A_979 = arith.constant 127 : i32
    %and3A_980 = arith.constant 1 : i32
    %and3A_981 = arith.andi %and3A_979, %and3A_980 : i32
    %dma_wait3A = arith.constant 0 : i32
    %dma_wait3A_982 = arith.constant 0 : i32
    %dma_wait3A_983 = tpu.memref_slice %arg6[%and3A_981, %dma_wait3A, %dma_wait3A_982] : memref<2x256x128xf32, #tpu.memory_space<vmem>> -> memref<1x64x128xf32, #tpu.memory_space<vmem>>
    %dma_wait3A_984 = tpu.memref_squeeze %dma_wait3A_983 : memref<1x64x128xf32, #tpu.memory_space<vmem>> -> memref<64x128xf32, #tpu.memory_space<vmem>>
    %dma_wait3A_985 = arith.constant 0 : i32
    %dma_wait3A_986 = arith.constant 0 : i32
    %dma_wait3A_987 = tpu.memref_slice %arg3[%dma_wait3A_985, %dma_wait3A_986] : memref<64x1000000xf32, #tpu.memory_space<hbm>> -> memref<64x128xf32, #tpu.memory_space<hbm>>
    %dma_wait3A_988 = arith.constant 0 : i32
    %dma_wait3A_989 = arith.constant 0 : i32
    %dma_wait3A_990 = tpu.memref_slice %arg6[%and3A_981, %dma_wait3A_988, %dma_wait3A_989] : memref<2x256x128xf32, #tpu.memory_space<vmem>> -> memref<1x64x128xf32, #tpu.memory_space<vmem>>
    %dma_wait3A_991 = tpu.memref_squeeze %dma_wait3A_990 : memref<1x64x128xf32, #tpu.memory_space<vmem>> -> memref<64x128xf32, #tpu.memory_space<vmem>>
    %dma_wait3A_992 = arith.constant 0 : i32
    %dma_wait3A_993 = arith.constant 0 : i32
    %dma_wait3A_994 = tpu.memref_slice %arg3[%dma_wait3A_992, %dma_wait3A_993] : memref<64x1000000xf32, #tpu.memory_space<hbm>> -> memref<64x128xf32, #tpu.memory_space<hbm>>
    tpu.wait_dma2 semaphore(%arg15 : memref<!tpu.dma_semaphore, #tpu.memory_space<semaphore_mem>>) src(%dma_wait3A_994 : memref<64x128xf32, #tpu.memory_space<hbm>>) dst(%dma_wait3A_991 : memref<64x128xf32, #tpu.memory_space<vmem>>)
    %dma_wait3A_995 = arith.constant 64 : i32
    %dma_wait3A_996 = arith.constant 0 : i32
    %dma_wait3A_997 = tpu.memref_slice %arg6[%and3A_981, %dma_wait3A_995, %dma_wait3A_996] : memref<2x256x128xf32, #tpu.memory_space<vmem>> -> memref<1x64x128xf32, #tpu.memory_space<vmem>>
    %dma_wait3A_998 = tpu.memref_squeeze %dma_wait3A_997 : memref<1x64x128xf32, #tpu.memory_space<vmem>> -> memref<64x128xf32, #tpu.memory_space<vmem>>
    %dma_wait3A_999 = arith.constant 0 : i32
    %dma_wait3A_1000 = arith.constant 0 : i32
    %dma_wait3A_1001 = tpu.memref_slice %arg3[%dma_wait3A_999, %dma_wait3A_1000] : memref<64x1000000xf32, #tpu.memory_space<hbm>> -> memref<64x128xf32, #tpu.memory_space<hbm>>
    %dma_wait3A_1002 = arith.constant 64 : i32
    %dma_wait3A_1003 = arith.constant 0 : i32
    %dma_wait3A_1004 = tpu.memref_slice %arg6[%and3A_981, %dma_wait3A_1002, %dma_wait3A_1003] : memref<2x256x128xf32, #tpu.memory_space<vmem>> -> memref<1x64x128xf32, #tpu.memory_space<vmem>>
    %dma_wait3A_1005 = tpu.memref_squeeze %dma_wait3A_1004 : memref<1x64x128xf32, #tpu.memory_space<vmem>> -> memref<64x128xf32, #tpu.memory_space<vmem>>
    %dma_wait3A_1006 = arith.constant 0 : i32
    %dma_wait3A_1007 = arith.constant 0 : i32
    %dma_wait3A_1008 = tpu.memref_slice %arg3[%dma_wait3A_1006, %dma_wait3A_1007] : memref<64x1000000xf32, #tpu.memory_space<hbm>> -> memref<64x128xf32, #tpu.memory_space<hbm>>
    tpu.wait_dma2 semaphore(%arg15 : memref<!tpu.dma_semaphore, #tpu.memory_space<semaphore_mem>>) src(%dma_wait3A_1008 : memref<64x128xf32, #tpu.memory_space<hbm>>) dst(%dma_wait3A_1005 : memref<64x128xf32, #tpu.memory_space<vmem>>)
    %dma_wait3A_1009 = arith.constant 128 : i32
    %dma_wait3A_1010 = arith.constant 0 : i32
    %dma_wait3A_1011 = tpu.memref_slice %arg6[%and3A_981, %dma_wait3A_1009, %dma_wait3A_1010] : memref<2x256x128xf32, #tpu.memory_space<vmem>> -> memref<1x64x128xf32, #tpu.memory_space<vmem>>
    %dma_wait3A_1012 = tpu.memref_squeeze %dma_wait3A_1011 : memref<1x64x128xf32, #tpu.memory_space<vmem>> -> memref<64x128xf32, #tpu.memory_space<vmem>>
    %dma_wait3A_1013 = arith.constant 0 : i32
    %dma_wait3A_1014 = arith.constant 0 : i32
    %dma_wait3A_1015 = tpu.memref_slice %arg3[%dma_wait3A_1013, %dma_wait3A_1014] : memref<64x1000000xf32, #tpu.memory_space<hbm>> -> memref<64x128xf32, #tpu.memory_space<hbm>>
    %dma_wait3A_1016 = arith.constant 128 : i32
    %dma_wait3A_1017 = arith.constant 0 : i32
    %dma_wait3A_1018 = tpu.memref_slice %arg6[%and3A_981, %dma_wait3A_1016, %dma_wait3A_1017] : memref<2x256x128xf32, #tpu.memory_space<vmem>> -> memref<1x64x128xf32, #tpu.memory_space<vmem>>
    %dma_wait3A_1019 = tpu.memref_squeeze %dma_wait3A_1018 : memref<1x64x128xf32, #tpu.memory_space<vmem>> -> memref<64x128xf32, #tpu.memory_space<vmem>>
    %dma_wait3A_1020 = arith.constant 0 : i32
    %dma_wait3A_1021 = arith.constant 0 : i32
    %dma_wait3A_1022 = tpu.memref_slice %arg3[%dma_wait3A_1020, %dma_wait3A_1021] : memref<64x1000000xf32, #tpu.memory_space<hbm>> -> memref<64x128xf32, #tpu.memory_space<hbm>>
    tpu.wait_dma2 semaphore(%arg15 : memref<!tpu.dma_semaphore, #tpu.memory_space<semaphore_mem>>) src(%dma_wait3A_1022 : memref<64x128xf32, #tpu.memory_space<hbm>>) dst(%dma_wait3A_1019 : memref<64x128xf32, #tpu.memory_space<vmem>>)
    %dma_wait3A_1023 = arith.constant 192 : i32
    %dma_wait3A_1024 = arith.constant 0 : i32
    %dma_wait3A_1025 = tpu.memref_slice %arg6[%and3A_981, %dma_wait3A_1023, %dma_wait3A_1024] : memref<2x256x128xf32, #tpu.memory_space<vmem>> -> memref<1x64x128xf32, #tpu.memory_space<vmem>>
    %dma_wait3A_1026 = tpu.memref_squeeze %dma_wait3A_1025 : memref<1x64x128xf32, #tpu.memory_space<vmem>> -> memref<64x128xf32, #tpu.memory_space<vmem>>
    %dma_wait3A_1027 = arith.constant 0 : i32
    %dma_wait3A_1028 = arith.constant 0 : i32
    %dma_wait3A_1029 = tpu.memref_slice %arg3[%dma_wait3A_1027, %dma_wait3A_1028] : memref<64x1000000xf32, #tpu.memory_space<hbm>> -> memref<64x128xf32, #tpu.memory_space<hbm>>
    %dma_wait3A_1030 = arith.constant 192 : i32
    %dma_wait3A_1031 = arith.constant 0 : i32
    %dma_wait3A_1032 = tpu.memref_slice %arg6[%and3A_981, %dma_wait3A_1030, %dma_wait3A_1031] : memref<2x256x128xf32, #tpu.memory_space<vmem>> -> memref<1x64x128xf32, #tpu.memory_space<vmem>>
    %dma_wait3A_1033 = tpu.memref_squeeze %dma_wait3A_1032 : memref<1x64x128xf32, #tpu.memory_space<vmem>> -> memref<64x128xf32, #tpu.memory_space<vmem>>
    %dma_wait3A_1034 = arith.constant 0 : i32
    %dma_wait3A_1035 = arith.constant 0 : i32
    %dma_wait3A_1036 = tpu.memref_slice %arg3[%dma_wait3A_1034, %dma_wait3A_1035] : memref<64x1000000xf32, #tpu.memory_space<hbm>> -> memref<64x128xf32, #tpu.memory_space<hbm>>
    tpu.wait_dma2 semaphore(%arg15 : memref<!tpu.dma_semaphore, #tpu.memory_space<semaphore_mem>>) src(%dma_wait3A_1036 : memref<64x128xf32, #tpu.memory_space<hbm>>) dst(%dma_wait3A_1033 : memref<64x128xf32, #tpu.memory_space<vmem>>)
    %and3A_1037 = arith.constant 127 : i32
    %and3A_1038 = arith.constant 1 : i32
    %and3A_1039 = arith.andi %and3A_1037, %and3A_1038 : i32
    %broadcast_in_dim3A_1040 = vector.broadcast %and3A_1039 : i32 to vector<16xi32>
    %mul3A_1041 = arith.constant 127 : i32
    %mul3A_1042 = arith.constant 32 : i32
    %mul3A_1043 = arith.muli %mul3A_1041, %mul3A_1042 : i32
    %add3A_1044 = arith.constant 0 : i32
    %add3A_1045 = arith.addi %mul3A_1043, %add3A_1044 : i32
    %get3A_1046 = arith.index_cast %add3A_1045 : i32 to index
    %get3A_1047 = tpu.vector_load %arg5[%get3A_1046] {strides = array<i32>} : memref<4096xi32, #tpu.memory_space<vmem>>, vector<16xi32>,
    %and3A_1048 = arith.constant 127 : i32
    %and3A_1049 = vector.broadcast %and3A_1048 : i32 to vector<16xi32>
    %and3A_1050 = arith.andi %get3A_1047, %and3A_1049 : vector<16xi32>
    %mul3A_1051 = arith.constant 127 : i32
    %mul3A_1052 = arith.constant 32 : i32
    %mul3A_1053 = arith.muli %mul3A_1051, %mul3A_1052 : i32
    %add3A_1054 = arith.constant 0 : i32
    %add3A_1055 = arith.addi %mul3A_1053, %add3A_1054 : i32
    %mul3A_1056 = arith.constant 8 : i32
    %mul3A_1057 = vector.broadcast %mul3A_1056 : i32 to vector<16xi32>
    %mul3A_1058 = arith.muli %iota3A, %mul3A_1057 : vector<16xi32>
    %add3A_1059 = arith.constant 0 : i32
    %add3A_1060 = vector.broadcast %add3A_1059 : i32 to vector<16xi32>
    %add3A_1061 = arith.addi %mul3A_1058, %add3A_1060 : vector<16xi32>
    %gather3A = tpu.vector_load_idx %arg6[%broadcast_in_dim3A_1040, %add3A_1061, %and3A_1050] : memref<2x256x128xf32, #tpu.memory_space<vmem>>[vector<16xi32>, vector<16xi32>, vector<16xi32>], vector<16xf32>,
    %swap3A = arith.index_cast %add3A_1055 : i32 to index
    %swap3A_1062 = tpu.vector_load %arg7[%swap3A] {strides = array<i32>} : memref<4096xf32, #tpu.memory_space<vmem>>, vector<16xf32>,
    tpu.vector_store %arg7[%swap3A], %gather3A {strides = array<i32>} : memref<4096xf32, #tpu.memory_space<vmem>>, vector<16xf32>,
    %mul3A_1063 = arith.constant 8 : i32
    %mul3A_1064 = vector.broadcast %mul3A_1063 : i32 to vector<16xi32>
    %mul3A_1065 = arith.muli %iota3A, %mul3A_1064 : vector<16xi32>
    %add3A_1066 = arith.constant 1 : i32
    %add3A_1067 = vector.broadcast %add3A_1066 : i32 to vector<16xi32>
    %add3A_1068 = arith.addi %mul3A_1065, %add3A_1067 : vector<16xi32>
    %gather3A_1069 = tpu.vector_load_idx %arg6[%broadcast_in_dim3A_1040, %add3A_1068, %and3A_1050] : memref<2x256x128xf32, #tpu.memory_space<vmem>>[vector<16xi32>, vector<16xi32>, vector<16xi32>], vector<16xf32>,
    %swap3A_1070 = arith.index_cast %add3A_1055 : i32 to index
    %swap3A_1071 = tpu.vector_load %arg8[%swap3A_1070] {strides = array<i32>} : memref<4096xf32, #tpu.memory_space<vmem>>, vector<16xf32>,
    tpu.vector_store %arg8[%swap3A_1070], %gather3A_1069 {strides = array<i32>} : memref<4096xf32, #tpu.memory_space<vmem>>, vector<16xf32>,
    %mul3A_1072 = arith.constant 8 : i32
    %mul3A_1073 = vector.broadcast %mul3A_1072 : i32 to vector<16xi32>
    %mul3A_1074 = arith.muli %iota3A, %mul3A_1073 : vector<16xi32>
    %add3A_1075 = arith.constant 2 : i32
    %add3A_1076 = vector.broadcast %add3A_1075 : i32 to vector<16xi32>
    %add3A_1077 = arith.addi %mul3A_1074, %add3A_1076 : vector<16xi32>
    %gather3A_1078 = tpu.vector_load_idx %arg6[%broadcast_in_dim3A_1040, %add3A_1077, %and3A_1050] : memref<2x256x128xf32, #tpu.memory_space<vmem>>[vector<16xi32>, vector<16xi32>, vector<16xi32>], vector<16xf32>,
    %swap3A_1079 = arith.index_cast %add3A_1055 : i32 to index
    %swap3A_1080 = tpu.vector_load %arg9[%swap3A_1079] {strides = array<i32>} : memref<4096xf32, #tpu.memory_space<vmem>>, vector<16xf32>,
    tpu.vector_store %arg9[%swap3A_1079], %gather3A_1078 {strides = array<i32>} : memref<4096xf32, #tpu.memory_space<vmem>>, vector<16xf32>,
    %mul3A_1081 = arith.constant 8 : i32
    %mul3A_1082 = vector.broadcast %mul3A_1081 : i32 to vector<16xi32>
    %mul3A_1083 = arith.muli %iota3A, %mul3A_1082 : vector<16xi32>
    %add3A_1084 = arith.constant 3 : i32
    %add3A_1085 = vector.broadcast %add3A_1084 : i32 to vector<16xi32>
    %add3A_1086 = arith.addi %mul3A_1083, %add3A_1085 : vector<16xi32>
    %gather3A_1087 = tpu.vector_load_idx %arg6[%broadcast_in_dim3A_1040, %add3A_1086, %and3A_1050] : memref<2x256x128xf32, #tpu.memory_space<vmem>>[vector<16xi32>, vector<16xi32>, vector<16xi32>], vector<16xf32>,
    %swap3A_1088 = arith.index_cast %add3A_1055 : i32 to index
    %swap3A_1089 = tpu.vector_load %arg10[%swap3A_1088] {strides = array<i32>} : memref<4096xf32, #tpu.memory_space<vmem>>, vector<16xf32>,
    tpu.vector_store %arg10[%swap3A_1088], %gather3A_1087 {strides = array<i32>} : memref<4096xf32, #tpu.memory_space<vmem>>, vector<16xf32>,
    %mul3A_1090 = arith.constant 8 : i32
    %mul3A_1091 = vector.broadcast %mul3A_1090 : i32 to vector<16xi32>
    %mul3A_1092 = arith.muli %iota3A, %mul3A_1091 : vector<16xi32>
    %add3A_1093 = arith.constant 4 : i32
    %add3A_1094 = vector.broadcast %add3A_1093 : i32 to vector<16xi32>
    %add3A_1095 = arith.addi %mul3A_1092, %add3A_1094 : vector<16xi32>
    %gather3A_1096 = tpu.vector_load_idx %arg6[%broadcast_in_dim3A_1040, %add3A_1095, %and3A_1050] : memref<2x256x128xf32, #tpu.memory_space<vmem>>[vector<16xi32>, vector<16xi32>, vector<16xi32>], vector<16xf32>,
    %swap3A_1097 = arith.index_cast %add3A_1055 : i32 to index
    %swap3A_1098 = tpu.vector_load %arg11[%swap3A_1097] {strides = array<i32>} : memref<4096xf32, #tpu.memory_space<vmem>>, vector<16xf32>,
    tpu.vector_store %arg11[%swap3A_1097], %gather3A_1096 {strides = array<i32>} : memref<4096xf32, #tpu.memory_space<vmem>>, vector<16xf32>,
    %mul3A_1099 = arith.constant 8 : i32
    %mul3A_1100 = vector.broadcast %mul3A_1099 : i32 to vector<16xi32>
    %mul3A_1101 = arith.muli %iota3A, %mul3A_1100 : vector<16xi32>
    %add3A_1102 = arith.constant 5 : i32
    %add3A_1103 = vector.broadcast %add3A_1102 : i32 to vector<16xi32>
    %add3A_1104 = arith.addi %mul3A_1101, %add3A_1103 : vector<16xi32>
    %gather3A_1105 = tpu.vector_load_idx %arg6[%broadcast_in_dim3A_1040, %add3A_1104, %and3A_1050] : memref<2x256x128xf32, #tpu.memory_space<vmem>>[vector<16xi32>, vector<16xi32>, vector<16xi32>], vector<16xf32>,
    %swap3A_1106 = arith.index_cast %add3A_1055 : i32 to index
    %swap3A_1107 = tpu.vector_load %arg12[%swap3A_1106] {strides = array<i32>} : memref<4096xf32, #tpu.memory_space<vmem>>, vector<16xf32>,
    tpu.vector_store %arg12[%swap3A_1106], %gather3A_1105 {strides = array<i32>} : memref<4096xf32, #tpu.memory_space<vmem>>, vector<16xf32>,
    %mul3A_1108 = arith.constant 8 : i32
    %mul3A_1109 = vector.broadcast %mul3A_1108 : i32 to vector<16xi32>
    %mul3A_1110 = arith.muli %iota3A, %mul3A_1109 : vector<16xi32>
    %add3A_1111 = arith.constant 6 : i32
    %add3A_1112 = vector.broadcast %add3A_1111 : i32 to vector<16xi32>
    %add3A_1113 = arith.addi %mul3A_1110, %add3A_1112 : vector<16xi32>
    %gather3A_1114 = tpu.vector_load_idx %arg6[%broadcast_in_dim3A_1040, %add3A_1113, %and3A_1050] : memref<2x256x128xf32, #tpu.memory_space<vmem>>[vector<16xi32>, vector<16xi32>, vector<16xi32>], vector<16xf32>,
    %swap3A_1115 = arith.index_cast %add3A_1055 : i32 to index
    %swap3A_1116 = tpu.vector_load %arg13[%swap3A_1115] {strides = array<i32>} : memref<4096xf32, #tpu.memory_space<vmem>>, vector<16xf32>,
    tpu.vector_store %arg13[%swap3A_1115], %gather3A_1114 {strides = array<i32>} : memref<4096xf32, #tpu.memory_space<vmem>>, vector<16xf32>,
    %mul3A_1117 = arith.constant 8 : i32
    %mul3A_1118 = vector.broadcast %mul3A_1117 : i32 to vector<16xi32>
    %mul3A_1119 = arith.muli %iota3A, %mul3A_1118 : vector<16xi32>
    %add3A_1120 = arith.constant 7 : i32
    %add3A_1121 = vector.broadcast %add3A_1120 : i32 to vector<16xi32>
    %add3A_1122 = arith.addi %mul3A_1119, %add3A_1121 : vector<16xi32>
    %gather3A_1123 = tpu.vector_load_idx %arg6[%broadcast_in_dim3A_1040, %add3A_1122, %and3A_1050] : memref<2x256x128xf32, #tpu.memory_space<vmem>>[vector<16xi32>, vector<16xi32>, vector<16xi32>], vector<16xf32>,
    %swap3A_1124 = arith.index_cast %add3A_1055 : i32 to index
    %swap3A_1125 = tpu.vector_load %arg14[%swap3A_1124] {strides = array<i32>} : memref<4096xf32, #tpu.memory_space<vmem>>, vector<16xf32>,
    tpu.vector_store %arg14[%swap3A_1124], %gather3A_1123 {strides = array<i32>} : memref<4096xf32, #tpu.memory_space<vmem>>, vector<16xf32>,
    %mul3A_1126 = arith.constant 127 : i32
    %mul3A_1127 = arith.constant 32 : i32
    %mul3A_1128 = arith.muli %mul3A_1126, %mul3A_1127 : i32
    %add3A_1129 = arith.constant 16 : i32
    %add3A_1130 = arith.addi %mul3A_1128, %add3A_1129 : i32
    %get3A_1131 = arith.index_cast %add3A_1130 : i32 to index
    %get3A_1132 = tpu.vector_load %arg5[%get3A_1131] {strides = array<i32>} : memref<4096xi32, #tpu.memory_space<vmem>>, vector<16xi32>,
    %and3A_1133 = arith.constant 127 : i32
    %and3A_1134 = vector.broadcast %and3A_1133 : i32 to vector<16xi32>
    %and3A_1135 = arith.andi %get3A_1132, %and3A_1134 : vector<16xi32>
    %mul3A_1136 = arith.constant 127 : i32
    %mul3A_1137 = arith.constant 32 : i32
    %mul3A_1138 = arith.muli %mul3A_1136, %mul3A_1137 : i32
    %add3A_1139 = arith.constant 16 : i32
    %add3A_1140 = arith.addi %mul3A_1138, %add3A_1139 : i32
    %mul3A_1141 = arith.constant 8 : i32
    %mul3A_1142 = vector.broadcast %mul3A_1141 : i32 to vector<16xi32>
    %mul3A_1143 = arith.muli %iota3A, %mul3A_1142 : vector<16xi32>
    %add3A_1144 = arith.constant 128 : i32
    %add3A_1145 = vector.broadcast %add3A_1144 : i32 to vector<16xi32>
    %add3A_1146 = arith.addi %mul3A_1143, %add3A_1145 : vector<16xi32>
    %gather3A_1147 = tpu.vector_load_idx %arg6[%broadcast_in_dim3A_1040, %add3A_1146, %and3A_1135] : memref<2x256x128xf32, #tpu.memory_space<vmem>>[vector<16xi32>, vector<16xi32>, vector<16xi32>], vector<16xf32>,
    %swap3A_1148 = arith.index_cast %add3A_1140 : i32 to index
    %swap3A_1149 = tpu.vector_load %arg7[%swap3A_1148] {strides = array<i32>} : memref<4096xf32, #tpu.memory_space<vmem>>, vector<16xf32>,
    tpu.vector_store %arg7[%swap3A_1148], %gather3A_1147 {strides = array<i32>} : memref<4096xf32, #tpu.memory_space<vmem>>, vector<16xf32>,
    %mul3A_1150 = arith.constant 8 : i32
    %mul3A_1151 = vector.broadcast %mul3A_1150 : i32 to vector<16xi32>
    %mul3A_1152 = arith.muli %iota3A, %mul3A_1151 : vector<16xi32>
    %add3A_1153 = arith.constant 129 : i32
    %add3A_1154 = vector.broadcast %add3A_1153 : i32 to vector<16xi32>
    %add3A_1155 = arith.addi %mul3A_1152, %add3A_1154 : vector<16xi32>
    %gather3A_1156 = tpu.vector_load_idx %arg6[%broadcast_in_dim3A_1040, %add3A_1155, %and3A_1135] : memref<2x256x128xf32, #tpu.memory_space<vmem>>[vector<16xi32>, vector<16xi32>, vector<16xi32>], vector<16xf32>,
    %swap3A_1157 = arith.index_cast %add3A_1140 : i32 to index
    %swap3A_1158 = tpu.vector_load %arg8[%swap3A_1157] {strides = array<i32>} : memref<4096xf32, #tpu.memory_space<vmem>>, vector<16xf32>,
    tpu.vector_store %arg8[%swap3A_1157], %gather3A_1156 {strides = array<i32>} : memref<4096xf32, #tpu.memory_space<vmem>>, vector<16xf32>,
    %mul3A_1159 = arith.constant 8 : i32
    %mul3A_1160 = vector.broadcast %mul3A_1159 : i32 to vector<16xi32>
    %mul3A_1161 = arith.muli %iota3A, %mul3A_1160 : vector<16xi32>
    %add3A_1162 = arith.constant 130 : i32
    %add3A_1163 = vector.broadcast %add3A_1162 : i32 to vector<16xi32>
    %add3A_1164 = arith.addi %mul3A_1161, %add3A_1163 : vector<16xi32>
    %gather3A_1165 = tpu.vector_load_idx %arg6[%broadcast_in_dim3A_1040, %add3A_1164, %and3A_1135] : memref<2x256x128xf32, #tpu.memory_space<vmem>>[vector<16xi32>, vector<16xi32>, vector<16xi32>], vector<16xf32>,
    %swap3A_1166 = arith.index_cast %add3A_1140 : i32 to index
    %swap3A_1167 = tpu.vector_load %arg9[%swap3A_1166] {strides = array<i32>} : memref<4096xf32, #tpu.memory_space<vmem>>, vector<16xf32>,
    tpu.vector_store %arg9[%swap3A_1166], %gather3A_1165 {strides = array<i32>} : memref<4096xf32, #tpu.memory_space<vmem>>, vector<16xf32>,
    %mul3A_1168 = arith.constant 8 : i32
    %mul3A_1169 = vector.broadcast %mul3A_1168 : i32 to vector<16xi32>
    %mul3A_1170 = arith.muli %iota3A, %mul3A_1169 : vector<16xi32>
    %add3A_1171 = arith.constant 131 : i32
    %add3A_1172 = vector.broadcast %add3A_1171 : i32 to vector<16xi32>
    %add3A_1173 = arith.addi %mul3A_1170, %add3A_1172 : vector<16xi32>
    %gather3A_1174 = tpu.vector_load_idx %arg6[%broadcast_in_dim3A_1040, %add3A_1173, %and3A_1135] : memref<2x256x128xf32, #tpu.memory_space<vmem>>[vector<16xi32>, vector<16xi32>, vector<16xi32>], vector<16xf32>,
    %swap3A_1175 = arith.index_cast %add3A_1140 : i32 to index
    %swap3A_1176 = tpu.vector_load %arg10[%swap3A_1175] {strides = array<i32>} : memref<4096xf32, #tpu.memory_space<vmem>>, vector<16xf32>,
    tpu.vector_store %arg10[%swap3A_1175], %gather3A_1174 {strides = array<i32>} : memref<4096xf32, #tpu.memory_space<vmem>>, vector<16xf32>,
    %mul3A_1177 = arith.constant 8 : i32
    %mul3A_1178 = vector.broadcast %mul3A_1177 : i32 to vector<16xi32>
    %mul3A_1179 = arith.muli %iota3A, %mul3A_1178 : vector<16xi32>
    %add3A_1180 = arith.constant 132 : i32
    %add3A_1181 = vector.broadcast %add3A_1180 : i32 to vector<16xi32>
    %add3A_1182 = arith.addi %mul3A_1179, %add3A_1181 : vector<16xi32>
    %gather3A_1183 = tpu.vector_load_idx %arg6[%broadcast_in_dim3A_1040, %add3A_1182, %and3A_1135] : memref<2x256x128xf32, #tpu.memory_space<vmem>>[vector<16xi32>, vector<16xi32>, vector<16xi32>], vector<16xf32>,
    %swap3A_1184 = arith.index_cast %add3A_1140 : i32 to index
    %swap3A_1185 = tpu.vector_load %arg11[%swap3A_1184] {strides = array<i32>} : memref<4096xf32, #tpu.memory_space<vmem>>, vector<16xf32>,
    tpu.vector_store %arg11[%swap3A_1184], %gather3A_1183 {strides = array<i32>} : memref<4096xf32, #tpu.memory_space<vmem>>, vector<16xf32>,
    %mul3A_1186 = arith.constant 8 : i32
    %mul3A_1187 = vector.broadcast %mul3A_1186 : i32 to vector<16xi32>
    %mul3A_1188 = arith.muli %iota3A, %mul3A_1187 : vector<16xi32>
    %add3A_1189 = arith.constant 133 : i32
    %add3A_1190 = vector.broadcast %add3A_1189 : i32 to vector<16xi32>
    %add3A_1191 = arith.addi %mul3A_1188, %add3A_1190 : vector<16xi32>
    %gather3A_1192 = tpu.vector_load_idx %arg6[%broadcast_in_dim3A_1040, %add3A_1191, %and3A_1135] : memref<2x256x128xf32, #tpu.memory_space<vmem>>[vector<16xi32>, vector<16xi32>, vector<16xi32>], vector<16xf32>,
    %swap3A_1193 = arith.index_cast %add3A_1140 : i32 to index
    %swap3A_1194 = tpu.vector_load %arg12[%swap3A_1193] {strides = array<i32>} : memref<4096xf32, #tpu.memory_space<vmem>>, vector<16xf32>,
    tpu.vector_store %arg12[%swap3A_1193], %gather3A_1192 {strides = array<i32>} : memref<4096xf32, #tpu.memory_space<vmem>>, vector<16xf32>,
    %mul3A_1195 = arith.constant 8 : i32
    %mul3A_1196 = vector.broadcast %mul3A_1195 : i32 to vector<16xi32>
    %mul3A_1197 = arith.muli %iota3A, %mul3A_1196 : vector<16xi32>
    %add3A_1198 = arith.constant 134 : i32
    %add3A_1199 = vector.broadcast %add3A_1198 : i32 to vector<16xi32>
    %add3A_1200 = arith.addi %mul3A_1197, %add3A_1199 : vector<16xi32>
    %gather3A_1201 = tpu.vector_load_idx %arg6[%broadcast_in_dim3A_1040, %add3A_1200, %and3A_1135] : memref<2x256x128xf32, #tpu.memory_space<vmem>>[vector<16xi32>, vector<16xi32>, vector<16xi32>], vector<16xf32>,
    %swap3A_1202 = arith.index_cast %add3A_1140 : i32 to index
    %swap3A_1203 = tpu.vector_load %arg13[%swap3A_1202] {strides = array<i32>} : memref<4096xf32, #tpu.memory_space<vmem>>, vector<16xf32>,
    tpu.vector_store %arg13[%swap3A_1202], %gather3A_1201 {strides = array<i32>} : memref<4096xf32, #tpu.memory_space<vmem>>, vector<16xf32>,
    %mul3A_1204 = arith.constant 8 : i32
    %mul3A_1205 = vector.broadcast %mul3A_1204 : i32 to vector<16xi32>
    %mul3A_1206 = arith.muli %iota3A, %mul3A_1205 : vector<16xi32>
    %add3A_1207 = arith.constant 135 : i32
    %add3A_1208 = vector.broadcast %add3A_1207 : i32 to vector<16xi32>
    %add3A_1209 = arith.addi %mul3A_1206, %add3A_1208 : vector<16xi32>
    %gather3A_1210 = tpu.vector_load_idx %arg6[%broadcast_in_dim3A_1040, %add3A_1209, %and3A_1135] : memref<2x256x128xf32, #tpu.memory_space<vmem>>[vector<16xi32>, vector<16xi32>, vector<16xi32>], vector<16xf32>,
    %swap3A_1211 = arith.index_cast %add3A_1140 : i32 to index
    %swap3A_1212 = tpu.vector_load %arg14[%swap3A_1211] {strides = array<i32>} : memref<4096xf32, #tpu.memory_space<vmem>>, vector<16xf32>,
    tpu.vector_store %arg14[%swap3A_1211], %gather3A_1210 {strides = array<i32>} : memref<4096xf32, #tpu.memory_space<vmem>>, vector<16xf32>,
    %add3A_1213 = arith.constant 0 : i32
    %add3A_1214 = arith.addi %mul3A_32, %add3A_1213 : i32
    %mul3A_1215 = arith.constant 4096 : i32
    %mul3A_1216 = arith.muli %select_n3A_30, %mul3A_1215 : i32
    "tpu.region"() ({
      %run_scoped3A = tpu.sem_alloc : memref<!tpu.dma_semaphore, #tpu.memory_space<semaphore_mem>>
      %dma_start3A_1245 = arith.constant 0 : i32
      %dma_start3A_1246 = tpu.memref_slice %arg4[%add3A_1214, %dma_start3A_1245] : memref<64x16384xf32, #tpu.memory_space<hbm>> -> memref<1x16384xf32, #tpu.memory_space<hbm>>
      %dma_start3A_1247 = tpu.memref_squeeze %dma_start3A_1246 : memref<1x16384xf32, #tpu.memory_space<hbm>> -> memref<16384xf32, #tpu.memory_space<hbm>>
      %dma_start3A_1248 = tpu.memref_slice %dma_start3A_1247[%mul3A_1216] : memref<16384xf32, #tpu.memory_space<hbm>> -> memref<4096xf32, #tpu.memory_space<hbm>>
      %dma_start3A_1249 = arith.constant 0 : i32
      %dma_start3A_1250 = tpu.memref_slice %arg4[%add3A_1214, %dma_start3A_1249] : memref<64x16384xf32, #tpu.memory_space<hbm>> -> memref<1x16384xf32, #tpu.memory_space<hbm>>
      %dma_start3A_1251 = tpu.memref_squeeze %dma_start3A_1250 : memref<1x16384xf32, #tpu.memory_space<hbm>> -> memref<16384xf32, #tpu.memory_space<hbm>>
      %dma_start3A_1252 = tpu.memref_slice %dma_start3A_1251[%mul3A_1216] : memref<16384xf32, #tpu.memory_space<hbm>> -> memref<4096xf32, #tpu.memory_space<hbm>>
      tpu.enqueue_dma source(%arg7 : memref<4096xf32, #tpu.memory_space<vmem>>) target(%dma_start3A_1252 : memref<4096xf32, #tpu.memory_space<hbm>>) target_semaphore(%run_scoped3A : memref<!tpu.dma_semaphore, #tpu.memory_space<semaphore_mem>>)
      %dma_wait3A_1253 = arith.constant 0 : i32
      %dma_wait3A_1254 = tpu.memref_slice %arg4[%add3A_1214, %dma_wait3A_1253] : memref<64x16384xf32, #tpu.memory_space<hbm>> -> memref<1x16384xf32, #tpu.memory_space<hbm>>
      %dma_wait3A_1255 = tpu.memref_squeeze %dma_wait3A_1254 : memref<1x16384xf32, #tpu.memory_space<hbm>> -> memref<16384xf32, #tpu.memory_space<hbm>>
      %dma_wait3A_1256 = tpu.memref_slice %dma_wait3A_1255[%mul3A_1216] : memref<16384xf32, #tpu.memory_space<hbm>> -> memref<4096xf32, #tpu.memory_space<hbm>>
      %dma_wait3A_1257 = arith.constant 0 : i32
      %dma_wait3A_1258 = tpu.memref_slice %arg4[%add3A_1214, %dma_wait3A_1257] : memref<64x16384xf32, #tpu.memory_space<hbm>> -> memref<1x16384xf32, #tpu.memory_space<hbm>>
      %dma_wait3A_1259 = tpu.memref_squeeze %dma_wait3A_1258 : memref<1x16384xf32, #tpu.memory_space<hbm>> -> memref<16384xf32, #tpu.memory_space<hbm>>
      %dma_wait3A_1260 = tpu.memref_slice %dma_wait3A_1259[%mul3A_1216] : memref<16384xf32, #tpu.memory_space<hbm>> -> memref<4096xf32, #tpu.memory_space<hbm>>
      tpu.wait_dma2 semaphore(%run_scoped3A : memref<!tpu.dma_semaphore, #tpu.memory_space<semaphore_mem>>) src(%arg7 : memref<4096xf32, #tpu.memory_space<vmem>>) dst(%dma_wait3A_1260 : memref<4096xf32, #tpu.memory_space<hbm>>)
      tpu.yield
    }) : () -> ()
    %add3A_1217 = arith.constant 1 : i32
    %add3A_1218 = arith.addi %mul3A_32, %add3A_1217 : i32
    %mul3A_1219 = arith.constant 4096 : i32
    %mul3A_1220 = arith.muli %select_n3A_30, %mul3A_1219 : i32
    "tpu.region"() ({
      %run_scoped3A = tpu.sem_alloc : memref<!tpu.dma_semaphore, #tpu.memory_space<semaphore_mem>>
      %dma_start3A_1245 = arith.constant 0 : i32
      %dma_start3A_1246 = tpu.memref_slice %arg4[%add3A_1218, %dma_start3A_1245] : memref<64x16384xf32, #tpu.memory_space<hbm>> -> memref<1x16384xf32, #tpu.memory_space<hbm>>
      %dma_start3A_1247 = tpu.memref_squeeze %dma_start3A_1246 : memref<1x16384xf32, #tpu.memory_space<hbm>> -> memref<16384xf32, #tpu.memory_space<hbm>>
      %dma_start3A_1248 = tpu.memref_slice %dma_start3A_1247[%mul3A_1220] : memref<16384xf32, #tpu.memory_space<hbm>> -> memref<4096xf32, #tpu.memory_space<hbm>>
      %dma_start3A_1249 = arith.constant 0 : i32
      %dma_start3A_1250 = tpu.memref_slice %arg4[%add3A_1218, %dma_start3A_1249] : memref<64x16384xf32, #tpu.memory_space<hbm>> -> memref<1x16384xf32, #tpu.memory_space<hbm>>
      %dma_start3A_1251 = tpu.memref_squeeze %dma_start3A_1250 : memref<1x16384xf32, #tpu.memory_space<hbm>> -> memref<16384xf32, #tpu.memory_space<hbm>>
      %dma_start3A_1252 = tpu.memref_slice %dma_start3A_1251[%mul3A_1220] : memref<16384xf32, #tpu.memory_space<hbm>> -> memref<4096xf32, #tpu.memory_space<hbm>>
      tpu.enqueue_dma source(%arg8 : memref<4096xf32, #tpu.memory_space<vmem>>) target(%dma_start3A_1252 : memref<4096xf32, #tpu.memory_space<hbm>>) target_semaphore(%run_scoped3A : memref<!tpu.dma_semaphore, #tpu.memory_space<semaphore_mem>>)
      %dma_wait3A_1253 = arith.constant 0 : i32
      %dma_wait3A_1254 = tpu.memref_slice %arg4[%add3A_1218, %dma_wait3A_1253] : memref<64x16384xf32, #tpu.memory_space<hbm>> -> memref<1x16384xf32, #tpu.memory_space<hbm>>
      %dma_wait3A_1255 = tpu.memref_squeeze %dma_wait3A_1254 : memref<1x16384xf32, #tpu.memory_space<hbm>> -> memref<16384xf32, #tpu.memory_space<hbm>>
      %dma_wait3A_1256 = tpu.memref_slice %dma_wait3A_1255[%mul3A_1220] : memref<16384xf32, #tpu.memory_space<hbm>> -> memref<4096xf32, #tpu.memory_space<hbm>>
      %dma_wait3A_1257 = arith.constant 0 : i32
      %dma_wait3A_1258 = tpu.memref_slice %arg4[%add3A_1218, %dma_wait3A_1257] : memref<64x16384xf32, #tpu.memory_space<hbm>> -> memref<1x16384xf32, #tpu.memory_space<hbm>>
      %dma_wait3A_1259 = tpu.memref_squeeze %dma_wait3A_1258 : memref<1x16384xf32, #tpu.memory_space<hbm>> -> memref<16384xf32, #tpu.memory_space<hbm>>
      %dma_wait3A_1260 = tpu.memref_slice %dma_wait3A_1259[%mul3A_1220] : memref<16384xf32, #tpu.memory_space<hbm>> -> memref<4096xf32, #tpu.memory_space<hbm>>
      tpu.wait_dma2 semaphore(%run_scoped3A : memref<!tpu.dma_semaphore, #tpu.memory_space<semaphore_mem>>) src(%arg8 : memref<4096xf32, #tpu.memory_space<vmem>>) dst(%dma_wait3A_1260 : memref<4096xf32, #tpu.memory_space<hbm>>)
      tpu.yield
    }) : () -> ()
    %add3A_1221 = arith.constant 2 : i32
    %add3A_1222 = arith.addi %mul3A_32, %add3A_1221 : i32
    %mul3A_1223 = arith.constant 4096 : i32
    %mul3A_1224 = arith.muli %select_n3A_30, %mul3A_1223 : i32
    "tpu.region"() ({
      %run_scoped3A = tpu.sem_alloc : memref<!tpu.dma_semaphore, #tpu.memory_space<semaphore_mem>>
      %dma_start3A_1245 = arith.constant 0 : i32
      %dma_start3A_1246 = tpu.memref_slice %arg4[%add3A_1222, %dma_start3A_1245] : memref<64x16384xf32, #tpu.memory_space<hbm>> -> memref<1x16384xf32, #tpu.memory_space<hbm>>
      %dma_start3A_1247 = tpu.memref_squeeze %dma_start3A_1246 : memref<1x16384xf32, #tpu.memory_space<hbm>> -> memref<16384xf32, #tpu.memory_space<hbm>>
      %dma_start3A_1248 = tpu.memref_slice %dma_start3A_1247[%mul3A_1224] : memref<16384xf32, #tpu.memory_space<hbm>> -> memref<4096xf32, #tpu.memory_space<hbm>>
      %dma_start3A_1249 = arith.constant 0 : i32
      %dma_start3A_1250 = tpu.memref_slice %arg4[%add3A_1222, %dma_start3A_1249] : memref<64x16384xf32, #tpu.memory_space<hbm>> -> memref<1x16384xf32, #tpu.memory_space<hbm>>
      %dma_start3A_1251 = tpu.memref_squeeze %dma_start3A_1250 : memref<1x16384xf32, #tpu.memory_space<hbm>> -> memref<16384xf32, #tpu.memory_space<hbm>>
      %dma_start3A_1252 = tpu.memref_slice %dma_start3A_1251[%mul3A_1224] : memref<16384xf32, #tpu.memory_space<hbm>> -> memref<4096xf32, #tpu.memory_space<hbm>>
      tpu.enqueue_dma source(%arg9 : memref<4096xf32, #tpu.memory_space<vmem>>) target(%dma_start3A_1252 : memref<4096xf32, #tpu.memory_space<hbm>>) target_semaphore(%run_scoped3A : memref<!tpu.dma_semaphore, #tpu.memory_space<semaphore_mem>>)
      %dma_wait3A_1253 = arith.constant 0 : i32
      %dma_wait3A_1254 = tpu.memref_slice %arg4[%add3A_1222, %dma_wait3A_1253] : memref<64x16384xf32, #tpu.memory_space<hbm>> -> memref<1x16384xf32, #tpu.memory_space<hbm>>
      %dma_wait3A_1255 = tpu.memref_squeeze %dma_wait3A_1254 : memref<1x16384xf32, #tpu.memory_space<hbm>> -> memref<16384xf32, #tpu.memory_space<hbm>>
      %dma_wait3A_1256 = tpu.memref_slice %dma_wait3A_1255[%mul3A_1224] : memref<16384xf32, #tpu.memory_space<hbm>> -> memref<4096xf32, #tpu.memory_space<hbm>>
      %dma_wait3A_1257 = arith.constant 0 : i32
      %dma_wait3A_1258 = tpu.memref_slice %arg4[%add3A_1222, %dma_wait3A_1257] : memref<64x16384xf32, #tpu.memory_space<hbm>> -> memref<1x16384xf32, #tpu.memory_space<hbm>>
      %dma_wait3A_1259 = tpu.memref_squeeze %dma_wait3A_1258 : memref<1x16384xf32, #tpu.memory_space<hbm>> -> memref<16384xf32, #tpu.memory_space<hbm>>
      %dma_wait3A_1260 = tpu.memref_slice %dma_wait3A_1259[%mul3A_1224] : memref<16384xf32, #tpu.memory_space<hbm>> -> memref<4096xf32, #tpu.memory_space<hbm>>
      tpu.wait_dma2 semaphore(%run_scoped3A : memref<!tpu.dma_semaphore, #tpu.memory_space<semaphore_mem>>) src(%arg9 : memref<4096xf32, #tpu.memory_space<vmem>>) dst(%dma_wait3A_1260 : memref<4096xf32, #tpu.memory_space<hbm>>)
      tpu.yield
    }) : () -> ()
    %add3A_1225 = arith.constant 3 : i32
    %add3A_1226 = arith.addi %mul3A_32, %add3A_1225 : i32
    %mul3A_1227 = arith.constant 4096 : i32
    %mul3A_1228 = arith.muli %select_n3A_30, %mul3A_1227 : i32
    "tpu.region"() ({
      %run_scoped3A = tpu.sem_alloc : memref<!tpu.dma_semaphore, #tpu.memory_space<semaphore_mem>>
      %dma_start3A_1245 = arith.constant 0 : i32
      %dma_start3A_1246 = tpu.memref_slice %arg4[%add3A_1226, %dma_start3A_1245] : memref<64x16384xf32, #tpu.memory_space<hbm>> -> memref<1x16384xf32, #tpu.memory_space<hbm>>
      %dma_start3A_1247 = tpu.memref_squeeze %dma_start3A_1246 : memref<1x16384xf32, #tpu.memory_space<hbm>> -> memref<16384xf32, #tpu.memory_space<hbm>>
      %dma_start3A_1248 = tpu.memref_slice %dma_start3A_1247[%mul3A_1228] : memref<16384xf32, #tpu.memory_space<hbm>> -> memref<4096xf32, #tpu.memory_space<hbm>>
      %dma_start3A_1249 = arith.constant 0 : i32
      %dma_start3A_1250 = tpu.memref_slice %arg4[%add3A_1226, %dma_start3A_1249] : memref<64x16384xf32, #tpu.memory_space<hbm>> -> memref<1x16384xf32, #tpu.memory_space<hbm>>
      %dma_start3A_1251 = tpu.memref_squeeze %dma_start3A_1250 : memref<1x16384xf32, #tpu.memory_space<hbm>> -> memref<16384xf32, #tpu.memory_space<hbm>>
      %dma_start3A_1252 = tpu.memref_slice %dma_start3A_1251[%mul3A_1228] : memref<16384xf32, #tpu.memory_space<hbm>> -> memref<4096xf32, #tpu.memory_space<hbm>>
      tpu.enqueue_dma source(%arg10 : memref<4096xf32, #tpu.memory_space<vmem>>) target(%dma_start3A_1252 : memref<4096xf32, #tpu.memory_space<hbm>>) target_semaphore(%run_scoped3A : memref<!tpu.dma_semaphore, #tpu.memory_space<semaphore_mem>>)
      %dma_wait3A_1253 = arith.constant 0 : i32
      %dma_wait3A_1254 = tpu.memref_slice %arg4[%add3A_1226, %dma_wait3A_1253] : memref<64x16384xf32, #tpu.memory_space<hbm>> -> memref<1x16384xf32, #tpu.memory_space<hbm>>
      %dma_wait3A_1255 = tpu.memref_squeeze %dma_wait3A_1254 : memref<1x16384xf32, #tpu.memory_space<hbm>> -> memref<16384xf32, #tpu.memory_space<hbm>>
      %dma_wait3A_1256 = tpu.memref_slice %dma_wait3A_1255[%mul3A_1228] : memref<16384xf32, #tpu.memory_space<hbm>> -> memref<4096xf32, #tpu.memory_space<hbm>>
      %dma_wait3A_1257 = arith.constant 0 : i32
      %dma_wait3A_1258 = tpu.memref_slice %arg4[%add3A_1226, %dma_wait3A_1257] : memref<64x16384xf32, #tpu.memory_space<hbm>> -> memref<1x16384xf32, #tpu.memory_space<hbm>>
      %dma_wait3A_1259 = tpu.memref_squeeze %dma_wait3A_1258 : memref<1x16384xf32, #tpu.memory_space<hbm>> -> memref<16384xf32, #tpu.memory_space<hbm>>
      %dma_wait3A_1260 = tpu.memref_slice %dma_wait3A_1259[%mul3A_1228] : memref<16384xf32, #tpu.memory_space<hbm>> -> memref<4096xf32, #tpu.memory_space<hbm>>
      tpu.wait_dma2 semaphore(%run_scoped3A : memref<!tpu.dma_semaphore, #tpu.memory_space<semaphore_mem>>) src(%arg10 : memref<4096xf32, #tpu.memory_space<vmem>>) dst(%dma_wait3A_1260 : memref<4096xf32, #tpu.memory_space<hbm>>)
      tpu.yield
    }) : () -> ()
    %add3A_1229 = arith.constant 4 : i32
    %add3A_1230 = arith.addi %mul3A_32, %add3A_1229 : i32
    %mul3A_1231 = arith.constant 4096 : i32
    %mul3A_1232 = arith.muli %select_n3A_30, %mul3A_1231 : i32
    "tpu.region"() ({
      %run_scoped3A = tpu.sem_alloc : memref<!tpu.dma_semaphore, #tpu.memory_space<semaphore_mem>>
      %dma_start3A_1245 = arith.constant 0 : i32
      %dma_start3A_1246 = tpu.memref_slice %arg4[%add3A_1230, %dma_start3A_1245] : memref<64x16384xf32, #tpu.memory_space<hbm>> -> memref<1x16384xf32, #tpu.memory_space<hbm>>
      %dma_start3A_1247 = tpu.memref_squeeze %dma_start3A_1246 : memref<1x16384xf32, #tpu.memory_space<hbm>> -> memref<16384xf32, #tpu.memory_space<hbm>>
      %dma_start3A_1248 = tpu.memref_slice %dma_start3A_1247[%mul3A_1232] : memref<16384xf32, #tpu.memory_space<hbm>> -> memref<4096xf32, #tpu.memory_space<hbm>>
      %dma_start3A_1249 = arith.constant 0 : i32
      %dma_start3A_1250 = tpu.memref_slice %arg4[%add3A_1230, %dma_start3A_1249] : memref<64x16384xf32, #tpu.memory_space<hbm>> -> memref<1x16384xf32, #tpu.memory_space<hbm>>
      %dma_start3A_1251 = tpu.memref_squeeze %dma_start3A_1250 : memref<1x16384xf32, #tpu.memory_space<hbm>> -> memref<16384xf32, #tpu.memory_space<hbm>>
      %dma_start3A_1252 = tpu.memref_slice %dma_start3A_1251[%mul3A_1232] : memref<16384xf32, #tpu.memory_space<hbm>> -> memref<4096xf32, #tpu.memory_space<hbm>>
      tpu.enqueue_dma source(%arg11 : memref<4096xf32, #tpu.memory_space<vmem>>) target(%dma_start3A_1252 : memref<4096xf32, #tpu.memory_space<hbm>>) target_semaphore(%run_scoped3A : memref<!tpu.dma_semaphore, #tpu.memory_space<semaphore_mem>>)
      %dma_wait3A_1253 = arith.constant 0 : i32
      %dma_wait3A_1254 = tpu.memref_slice %arg4[%add3A_1230, %dma_wait3A_1253] : memref<64x16384xf32, #tpu.memory_space<hbm>> -> memref<1x16384xf32, #tpu.memory_space<hbm>>
      %dma_wait3A_1255 = tpu.memref_squeeze %dma_wait3A_1254 : memref<1x16384xf32, #tpu.memory_space<hbm>> -> memref<16384xf32, #tpu.memory_space<hbm>>
      %dma_wait3A_1256 = tpu.memref_slice %dma_wait3A_1255[%mul3A_1232] : memref<16384xf32, #tpu.memory_space<hbm>> -> memref<4096xf32, #tpu.memory_space<hbm>>
      %dma_wait3A_1257 = arith.constant 0 : i32
      %dma_wait3A_1258 = tpu.memref_slice %arg4[%add3A_1230, %dma_wait3A_1257] : memref<64x16384xf32, #tpu.memory_space<hbm>> -> memref<1x16384xf32, #tpu.memory_space<hbm>>
      %dma_wait3A_1259 = tpu.memref_squeeze %dma_wait3A_1258 : memref<1x16384xf32, #tpu.memory_space<hbm>> -> memref<16384xf32, #tpu.memory_space<hbm>>
      %dma_wait3A_1260 = tpu.memref_slice %dma_wait3A_1259[%mul3A_1232] : memref<16384xf32, #tpu.memory_space<hbm>> -> memref<4096xf32, #tpu.memory_space<hbm>>
      tpu.wait_dma2 semaphore(%run_scoped3A : memref<!tpu.dma_semaphore, #tpu.memory_space<semaphore_mem>>) src(%arg11 : memref<4096xf32, #tpu.memory_space<vmem>>) dst(%dma_wait3A_1260 : memref<4096xf32, #tpu.memory_space<hbm>>)
      tpu.yield
    }) : () -> ()
    %add3A_1233 = arith.constant 5 : i32
    %add3A_1234 = arith.addi %mul3A_32, %add3A_1233 : i32
    %mul3A_1235 = arith.constant 4096 : i32
    %mul3A_1236 = arith.muli %select_n3A_30, %mul3A_1235 : i32
    "tpu.region"() ({
      %run_scoped3A = tpu.sem_alloc : memref<!tpu.dma_semaphore, #tpu.memory_space<semaphore_mem>>
      %dma_start3A_1245 = arith.constant 0 : i32
      %dma_start3A_1246 = tpu.memref_slice %arg4[%add3A_1234, %dma_start3A_1245] : memref<64x16384xf32, #tpu.memory_space<hbm>> -> memref<1x16384xf32, #tpu.memory_space<hbm>>
      %dma_start3A_1247 = tpu.memref_squeeze %dma_start3A_1246 : memref<1x16384xf32, #tpu.memory_space<hbm>> -> memref<16384xf32, #tpu.memory_space<hbm>>
      %dma_start3A_1248 = tpu.memref_slice %dma_start3A_1247[%mul3A_1236] : memref<16384xf32, #tpu.memory_space<hbm>> -> memref<4096xf32, #tpu.memory_space<hbm>>
      %dma_start3A_1249 = arith.constant 0 : i32
      %dma_start3A_1250 = tpu.memref_slice %arg4[%add3A_1234, %dma_start3A_1249] : memref<64x16384xf32, #tpu.memory_space<hbm>> -> memref<1x16384xf32, #tpu.memory_space<hbm>>
      %dma_start3A_1251 = tpu.memref_squeeze %dma_start3A_1250 : memref<1x16384xf32, #tpu.memory_space<hbm>> -> memref<16384xf32, #tpu.memory_space<hbm>>
      %dma_start3A_1252 = tpu.memref_slice %dma_start3A_1251[%mul3A_1236] : memref<16384xf32, #tpu.memory_space<hbm>> -> memref<4096xf32, #tpu.memory_space<hbm>>
      tpu.enqueue_dma source(%arg12 : memref<4096xf32, #tpu.memory_space<vmem>>) target(%dma_start3A_1252 : memref<4096xf32, #tpu.memory_space<hbm>>) target_semaphore(%run_scoped3A : memref<!tpu.dma_semaphore, #tpu.memory_space<semaphore_mem>>)
      %dma_wait3A_1253 = arith.constant 0 : i32
      %dma_wait3A_1254 = tpu.memref_slice %arg4[%add3A_1234, %dma_wait3A_1253] : memref<64x16384xf32, #tpu.memory_space<hbm>> -> memref<1x16384xf32, #tpu.memory_space<hbm>>
      %dma_wait3A_1255 = tpu.memref_squeeze %dma_wait3A_1254 : memref<1x16384xf32, #tpu.memory_space<hbm>> -> memref<16384xf32, #tpu.memory_space<hbm>>
      %dma_wait3A_1256 = tpu.memref_slice %dma_wait3A_1255[%mul3A_1236] : memref<16384xf32, #tpu.memory_space<hbm>> -> memref<4096xf32, #tpu.memory_space<hbm>>
      %dma_wait3A_1257 = arith.constant 0 : i32
      %dma_wait3A_1258 = tpu.memref_slice %arg4[%add3A_1234, %dma_wait3A_1257] : memref<64x16384xf32, #tpu.memory_space<hbm>> -> memref<1x16384xf32, #tpu.memory_space<hbm>>
      %dma_wait3A_1259 = tpu.memref_squeeze %dma_wait3A_1258 : memref<1x16384xf32, #tpu.memory_space<hbm>> -> memref<16384xf32, #tpu.memory_space<hbm>>
      %dma_wait3A_1260 = tpu.memref_slice %dma_wait3A_1259[%mul3A_1236] : memref<16384xf32, #tpu.memory_space<hbm>> -> memref<4096xf32, #tpu.memory_space<hbm>>
      tpu.wait_dma2 semaphore(%run_scoped3A : memref<!tpu.dma_semaphore, #tpu.memory_space<semaphore_mem>>) src(%arg12 : memref<4096xf32, #tpu.memory_space<vmem>>) dst(%dma_wait3A_1260 : memref<4096xf32, #tpu.memory_space<hbm>>)
      tpu.yield
    }) : () -> ()
    %add3A_1237 = arith.constant 6 : i32
    %add3A_1238 = arith.addi %mul3A_32, %add3A_1237 : i32
    %mul3A_1239 = arith.constant 4096 : i32
    %mul3A_1240 = arith.muli %select_n3A_30, %mul3A_1239 : i32
    "tpu.region"() ({
      %run_scoped3A = tpu.sem_alloc : memref<!tpu.dma_semaphore, #tpu.memory_space<semaphore_mem>>
      %dma_start3A_1245 = arith.constant 0 : i32
      %dma_start3A_1246 = tpu.memref_slice %arg4[%add3A_1238, %dma_start3A_1245] : memref<64x16384xf32, #tpu.memory_space<hbm>> -> memref<1x16384xf32, #tpu.memory_space<hbm>>
      %dma_start3A_1247 = tpu.memref_squeeze %dma_start3A_1246 : memref<1x16384xf32, #tpu.memory_space<hbm>> -> memref<16384xf32, #tpu.memory_space<hbm>>
      %dma_start3A_1248 = tpu.memref_slice %dma_start3A_1247[%mul3A_1240] : memref<16384xf32, #tpu.memory_space<hbm>> -> memref<4096xf32, #tpu.memory_space<hbm>>
      %dma_start3A_1249 = arith.constant 0 : i32
      %dma_start3A_1250 = tpu.memref_slice %arg4[%add3A_1238, %dma_start3A_1249] : memref<64x16384xf32, #tpu.memory_space<hbm>> -> memref<1x16384xf32, #tpu.memory_space<hbm>>
      %dma_start3A_1251 = tpu.memref_squeeze %dma_start3A_1250 : memref<1x16384xf32, #tpu.memory_space<hbm>> -> memref<16384xf32, #tpu.memory_space<hbm>>
      %dma_start3A_1252 = tpu.memref_slice %dma_start3A_1251[%mul3A_1240] : memref<16384xf32, #tpu.memory_space<hbm>> -> memref<4096xf32, #tpu.memory_space<hbm>>
      tpu.enqueue_dma source(%arg13 : memref<4096xf32, #tpu.memory_space<vmem>>) target(%dma_start3A_1252 : memref<4096xf32, #tpu.memory_space<hbm>>) target_semaphore(%run_scoped3A : memref<!tpu.dma_semaphore, #tpu.memory_space<semaphore_mem>>)
      %dma_wait3A_1253 = arith.constant 0 : i32
      %dma_wait3A_1254 = tpu.memref_slice %arg4[%add3A_1238, %dma_wait3A_1253] : memref<64x16384xf32, #tpu.memory_space<hbm>> -> memref<1x16384xf32, #tpu.memory_space<hbm>>
      %dma_wait3A_1255 = tpu.memref_squeeze %dma_wait3A_1254 : memref<1x16384xf32, #tpu.memory_space<hbm>> -> memref<16384xf32, #tpu.memory_space<hbm>>
      %dma_wait3A_1256 = tpu.memref_slice %dma_wait3A_1255[%mul3A_1240] : memref<16384xf32, #tpu.memory_space<hbm>> -> memref<4096xf32, #tpu.memory_space<hbm>>
      %dma_wait3A_1257 = arith.constant 0 : i32
      %dma_wait3A_1258 = tpu.memref_slice %arg4[%add3A_1238, %dma_wait3A_1257] : memref<64x16384xf32, #tpu.memory_space<hbm>> -> memref<1x16384xf32, #tpu.memory_space<hbm>>
      %dma_wait3A_1259 = tpu.memref_squeeze %dma_wait3A_1258 : memref<1x16384xf32, #tpu.memory_space<hbm>> -> memref<16384xf32, #tpu.memory_space<hbm>>
      %dma_wait3A_1260 = tpu.memref_slice %dma_wait3A_1259[%mul3A_1240] : memref<16384xf32, #tpu.memory_space<hbm>> -> memref<4096xf32, #tpu.memory_space<hbm>>
      tpu.wait_dma2 semaphore(%run_scoped3A : memref<!tpu.dma_semaphore, #tpu.memory_space<semaphore_mem>>) src(%arg13 : memref<4096xf32, #tpu.memory_space<vmem>>) dst(%dma_wait3A_1260 : memref<4096xf32, #tpu.memory_space<hbm>>)
      tpu.yield
    }) : () -> ()
    %add3A_1241 = arith.constant 7 : i32
    %add3A_1242 = arith.addi %mul3A_32, %add3A_1241 : i32
    %mul3A_1243 = arith.constant 4096 : i32
    %mul3A_1244 = arith.muli %select_n3A_30, %mul3A_1243 : i32
    "tpu.region"() ({
      %run_scoped3A = tpu.sem_alloc : memref<!tpu.dma_semaphore, #tpu.memory_space<semaphore_mem>>
      %dma_start3A_1245 = arith.constant 0 : i32
      %dma_start3A_1246 = tpu.memref_slice %arg4[%add3A_1242, %dma_start3A_1245] : memref<64x16384xf32, #tpu.memory_space<hbm>> -> memref<1x16384xf32, #tpu.memory_space<hbm>>
      %dma_start3A_1247 = tpu.memref_squeeze %dma_start3A_1246 : memref<1x16384xf32, #tpu.memory_space<hbm>> -> memref<16384xf32, #tpu.memory_space<hbm>>
      %dma_start3A_1248 = tpu.memref_slice %dma_start3A_1247[%mul3A_1244] : memref<16384xf32, #tpu.memory_space<hbm>> -> memref<4096xf32, #tpu.memory_space<hbm>>
      %dma_start3A_1249 = arith.constant 0 : i32
      %dma_start3A_1250 = tpu.memref_slice %arg4[%add3A_1242, %dma_start3A_1249] : memref<64x16384xf32, #tpu.memory_space<hbm>> -> memref<1x16384xf32, #tpu.memory_space<hbm>>
      %dma_start3A_1251 = tpu.memref_squeeze %dma_start3A_1250 : memref<1x16384xf32, #tpu.memory_space<hbm>> -> memref<16384xf32, #tpu.memory_space<hbm>>
      %dma_start3A_1252 = tpu.memref_slice %dma_start3A_1251[%mul3A_1244] : memref<16384xf32, #tpu.memory_space<hbm>> -> memref<4096xf32, #tpu.memory_space<hbm>>
      tpu.enqueue_dma source(%arg14 : memref<4096xf32, #tpu.memory_space<vmem>>) target(%dma_start3A_1252 : memref<4096xf32, #tpu.memory_space<hbm>>) target_semaphore(%run_scoped3A : memref<!tpu.dma_semaphore, #tpu.memory_space<semaphore_mem>>)
      %dma_wait3A_1253 = arith.constant 0 : i32
      %dma_wait3A_1254 = tpu.memref_slice %arg4[%add3A_1242, %dma_wait3A_1253] : memref<64x16384xf32, #tpu.memory_space<hbm>> -> memref<1x16384xf32, #tpu.memory_space<hbm>>
      %dma_wait3A_1255 = tpu.memref_squeeze %dma_wait3A_1254 : memref<1x16384xf32, #tpu.memory_space<hbm>> -> memref<16384xf32, #tpu.memory_space<hbm>>
      %dma_wait3A_1256 = tpu.memref_slice %dma_wait3A_1255[%mul3A_1244] : memref<16384xf32, #tpu.memory_space<hbm>> -> memref<4096xf32, #tpu.memory_space<hbm>>
      %dma_wait3A_1257 = arith.constant 0 : i32
      %dma_wait3A_1258 = tpu.memref_slice %arg4[%add3A_1242, %dma_wait3A_1257] : memref<64x16384xf32, #tpu.memory_space<hbm>> -> memref<1x16384xf32, #tpu.memory_space<hbm>>
      %dma_wait3A_1259 = tpu.memref_squeeze %dma_wait3A_1258 : memref<1x16384xf32, #tpu.memory_space<hbm>> -> memref<16384xf32, #tpu.memory_space<hbm>>
      %dma_wait3A_1260 = tpu.memref_slice %dma_wait3A_1259[%mul3A_1244] : memref<16384xf32, #tpu.memory_space<hbm>> -> memref<4096xf32, #tpu.memory_space<hbm>>
      tpu.wait_dma2 semaphore(%run_scoped3A : memref<!tpu.dma_semaphore, #tpu.memory_space<semaphore_mem>>) src(%arg14 : memref<4096xf32, #tpu.memory_space<vmem>>) dst(%dma_wait3A_1260 : memref<4096xf32, #tpu.memory_space<hbm>>)
      tpu.yield
    }) : () -> ()
    return
  }
}

</mosaic_0001>

<sc_bundles>
// kernel: kernel.3.cloned.1.call-start
scs
__scs_entry_jumppad:
0x0: {  	(pc) =	sbr.rel $0x88, $3  }
0x1: {  	(tag) =	ssettag $0x0;
	lr =	simm.s32 $0x1  }
0x2: {  	[smem:$0x3F9F] =	sst lr;
	_ =	strace $0xD0000000  }
0x3: {  	_ = 	snop  }
0x4: {  	_ = 	snop  }
0x5: {  	_ = 	snop  }
0x6: {  	_ = 	snop  }
0x7: {  	_ = 	snop  }
__scs_overlays_trampoline_lowered:
0x8: {  	[smem:$0x3FAE] =	sst s0  }
0x9: {  	[smem:$0x3FAF] =	sst s1  }
0xa: {  	[smem:$0x3FB0] =	sst s2  }
0xb: {  	[smem:$0x3FB1] =	sst s3  }
0xc: {  	[smem:$0x3FB2] =	sst s4  }
0xd: {  	[smem:$0x3FB3] =	sst s5  }
0xe: {  	[smem:$0x3FB4] =	sst s6  }
0xf: {  	[smem:$0x3FB5] =	sst s7  }
0x10: {  	[smem:$0x3FB6] =	sst s8  }
0x11: {  	[smem:$0x3FB7] =	sst s9;
	s0 =	simm.s32 @!p0 $0x0  }
0x12: {  	s1 =	sld [smem:$0x3F9D];
	s0 =	simm.s32 @p0 $0x1  }
0x13: {  	[smem:$0x3FB8] =	sst s0;
	s0 =	simm.s32 @!p1 $0x0  }
0x14: {  	s2 =	sld [smem:$0x3F9C];
	s0 =	simm.s32 @p1 $0x1  }
0x15: {  	[smem:$0x3FB9] =	sst s0;
	s0 =	simm.s32 @!p2 $0x0  }
0x16: {  	s3 =	sld [smem:$0x3FDB];
	s0 =	simm.s32 @p2 $0x1  }
0x17: {  	s4 =	simm.s32 $0x1BF5;
	[smem:$0x3FBB] =	sst s0  }
0x18: {  	s0 =	sld [smem:$0x3F9E];
	_ =	swait.ge [sflag:s4], $0x0  }
0x19: {  	s7 =	sld [smem:$0x3F9F]  }
0x1a: {  	s8 =	sadd.s32 $0xFFFFE003, lr  }
0x1b: {  	s9 =	sadd.s32 $0xFFFFFEF7, lr;
	s5 =	simm.s32 $0xFFFFFFFF;
	p2 =	slt.u32 s8, $0xFFFFF086  }
0x1c: {  	p1 =	slt.u32 s9, $0xF7A;
	s5 =	simm.s32 @!p2 $0x0  }
0x1d: {  	s5 =	simm.s32 @p1 $0x1;
	p0 =	seq.s32 s7, s2  }
0x1e: {  	s7 =	smul.u32 @!p0 $0xF7A, s2;
	p2 =	seq.s32 @!p0 s5, $0x0  }
0x1f: {  	s9 =	smul.u32 $0xF7A, s1;
	s8 =	simm.s32 @!p0 $0x1BF5;
	p2 =	por !p2, p0  }
0x20: {  	[sflag:s8] =	ssyncset.s32 @!p0 $0xFFFFF086;
	s6 =	sadd.s32 @!p0 s3, s7;
	s7 =	simm.s32 @!p0 $0x108  }
0x21: {  	s3 =	sadd.s32 s3, s9;
	s6 =	sadd.s32 @!p0 $0x88, s6;
	s7 =	simm.s32 @p2 $0x1082  }
0x22: {  	[simem:s7], [sflag:s8] =	dma.local @!p0 [hbm:s6], $0xF7A  }
0x23: {  	s9 =	sor.u32 $0xD0000000, s2;
	s6 =	simm.s32 $0x108;
	_ =	swait.ge @!p0 [sflag:s8], $0x0  }
0x24: {  	s3 =	sadd.s32 $0x88, s3;
	s6 =	simm.s32 @!p1 $0x1082;
	[sflag:s4] =	ssyncset.s32 $0xFFFFF086  }
0x25: {  	[simem:s6], [sflag:s4] =	dma.local [hbm:s3], $0xF7A  }
0x26: {  	[smem:$0x3F9F] =	sst s1;
	(tag) =	ssettag s2;
	_ =	strace s9  }
0x27: {  	s1 =	sld [smem:$0x3FAF]  }
0x28: {  	s2 =	sld [smem:$0x3FB0]  }
0x29: {  	s4 =	sld [smem:$0x3FB2]  }
0x2a: {  	p0 =	seq.s32 s5, $0x0;
	s5 =	sld [smem:$0x3FB3]  }
0x2b: {  	s6 =	sld [smem:$0x3FB4]  }
0x2c: {  	s7 =	sld [smem:$0x3FB5]  }
0x2d: {  	s3 =	simm.s32 $0x108;
	s8 =	sld [smem:$0x3FB6]  }
0x2e: {  	s3 =	simm.s32 @!p0 $0x1082;
	s9 =	sld [smem:$0x3FB7]  }
0x2f: {  	lr =	sadd.s32 s0, s3;
	s0 =	sld [smem:$0x3FAE]  }
0x30: {  	s3 =	sld [smem:$0x3FB1]  }
0x31: {  	[smem:$0x3FBA] =	sst s10  }
0x32: {  	s10 =	sld [smem:$0x3FB8];
	_ =	sdelay $0x3  }
0x33: {  	p0 =	seq.s32 s10, $0x1;
	s10 =	sld [smem:$0x3FBA];
	_ =	sdelay $0x3  }
0x34: {  	[smem:$0x3FBA] =	sst s10  }
0x35: {  	s10 =	sld [smem:$0x3FB9];
	_ =	sdelay $0x3  }
0x36: {  	p1 =	seq.s32 s10, $0x1;
	s10 =	sld [smem:$0x3FBA];
	_ =	sdelay $0x3  }
0x37: {  	[smem:$0x3FBA] =	sst s10  }
0x38: {  	s10 =	sld [smem:$0x3FBB]  }
0x39: {  	_ = 	snop;
	(pc) =	sbr.ind lr, $3  }
0x3a: {  	_ = 	snop  }
0x3b: {  	_ = 	snop  }
0x3c: {  	p2 =	seq.s32 s10, $0x1;
	s10 =	sld [smem:$0x3FBA]  }
0x3d: {  	_ =	shalt  }
0x3e: {  	_ =	shalt  }
0x3f: {  	_ =	shalt  }
0x40: {  	_ =	shalt  }
0x41: {  	_ =	shalt  }
0x42: {  	_ =	shalt  }
0x43: {  	_ =	shalt  }
0x44: {  	_ =	shalt  }
0x45: {  	_ =	shalt  }
0x46: {  	_ =	shalt  }
0x47: {  	_ =	shalt  }
0x48: {  	_ =	shalt  }
0x49: {  	_ =	shalt  }
0x4a: {  	_ =	shalt  }
0x4b: {  	_ =	shalt  }
0x4c: {  	_ =	shalt  }
0x4d: {  	_ =	shalt  }
0x4e: {  	_ =	shalt  }
0x4f: {  	_ =	shalt  }
0x50: {  	_ =	shalt  }
0x51: {  	_ =	shalt  }
0x52: {  	_ =	shalt  }
0x53: {  	_ =	shalt  }
0x54: {  	_ =	shalt  }
0x55: {  	_ =	shalt  }
0x56: {  	_ =	shalt  }
0x57: {  	_ =	shalt  }
0x58: {  	_ =	shalt  }
0x59: {  	_ =	shalt  }
0x5a: {  	_ =	shalt  }
0x5b: {  	_ =	shalt  }
0x5c: {  	_ =	shalt  }
0x5d: {  	_ =	shalt  }
0x5e: {  	_ =	shalt  }
0x5f: {  	_ =	shalt  }
0x60: {  	_ =	shalt  }
0x61: {  	_ =	shalt  }
0x62: {  	_ =	shalt  }
0x63: {  	_ =	shalt  }
0x64: {  	_ =	shalt  }
0x65: {  	_ =	shalt  }
0x66: {  	_ =	shalt  }
0x67: {  	_ =	shalt  }
0x68: {  	_ =	shalt  }
0x69: {  	_ =	shalt  }
0x6a: {  	_ =	shalt  }
0x6b: {  	_ =	shalt  }
0x6c: {  	_ =	shalt  }
0x6d: {  	_ =	shalt  }
0x6e: {  	_ =	shalt  }
0x6f: {  	_ =	shalt  }
0x70: {  	_ =	shalt  }
0x71: {  	_ =	shalt  }
0x72: {  	_ =	shalt  }
0x73: {  	_ =	shalt  }
0x74: {  	_ =	shalt  }
0x75: {  	_ =	shalt  }
0x76: {  	_ =	shalt  }
0x77: {  	_ =	shalt  }
0x78: {  	_ =	shalt  }
0x79: {  	_ =	shalt  }
0x7a: {  	_ =	shalt  }
0x7b: {  	_ =	shalt  }
0x7c: {  	_ =	shalt  }
0x7d: {  	_ =	shalt  }
0x7e: {  	_ =	shalt  }
0x7f: {  	_ =	shalt  }
0x80: {  	_ =	shalt  }
0x81: {  	_ =	shalt  }
0x82: {  	_ =	shalt  }
0x83: {  	_ =	shalt  }
0x84: {  	_ =	shalt  }
0x85: {  	_ =	shalt  }
0x86: {  	_ =	shalt  }
0x87: {  	_ =	shalt  }
.Lfunc_end0:
.L_simem_size_0:
called_computation_lowered:
.L_overlay_start_0:
0x88: {  	s2 =	sld [smem:$0x3FD9]  }
0x89: {  	s3 =	sld [smem:$0x3FFE];
	_ =	sdelay $0x1  }
0x8a: {  	s1 =	srdreg.scid  }
0x8b: {  	s0 =	sand.u32 $0x1, s1  }
0x8c: {  	s18 =	sshll.u32 s0, $0xA;
	s2 =	sadd.s32 s3, s2  }
0x8d: {  	s2 =	sadd.s32 s2, s18  }
0x8e: {  	[smem:$0x3FC6] =	sst s2  }
0x8f: {  	_ = 	snop  }
0x90: {  	s2 =	sld [smem:$0x3FC9]  }
0x91: {  	s19 =	sld [smem:$0x3FC8]  }
0x92: {  	s4 =	sld [smem:$0x3FD0];
	(tm) =	ssettm $0x1  }
0x93: {  	s5 =	sld [smem:$0x3FFB];
	_ =	sdelay $0x3  }
0x94: {  	_ =	strace s5  }
0x95: {  	s5 =	sld [smem:$0x3FFC];
	_ =	sdelay $0x3  }
0x96: {  	_ =	strace s5  }
0x97: {  	s5 =	sld [smem:$0x3FFD];
	_ =	sdelay $0x3  }
0x98: {  	_ =	strace s5  }
0x99: {  	_ =	strace $0x8FFFFFFF  }
0x9a: {  	s20 =	sld [smem:$0x3FDB];
	_ =	sdelay $0x1  }
0x9b: {  	s6 =	simm.s32 $_scs_section_size  }
0x9c: {  	s7 =	simm.s32 $_size__tile_overlayer_lowered;
	s8 =	simm.s32 $_tile_overlayer_lowered  }
0x9d: {  	s23 =	simm.s32 $0x1BFF;
	s22 =	sshll.u32 s8, $0x1;
	s5 =	sadd.s32 s6, s20  }
0x9e: {  	s9 =	simm.s32 $0x0;
	s21 =	sshll.u32 s7, $0x1;
	s7 =	sadd.s32 s22, s5  }
0x9f: {  	[timem:s9], [sflag:s23] =	dma.local [hbm:s7], s21  }
0xa0: {  	_ =	swait.ge [sflag:s23], s21  }
0xa1: {  	s6 =	ssub.s32 $0x0, s21;
	[sflag:s23] =	ssyncset.done $0x0  }
0xa2: {  	[sflag:s23] =	ssyncadd.s32 s6;
	_ =	sdelay $0x1  }
0xa3: {  	s24 =	simm.s32 $0x1B8B  }
0xa4: {  	_ =	swait.ge [sflag:s24], $0x1  }
0xa5: {  	[sflag:s24] =	ssyncset.done $0x0  }
0xa6: {  	s25 =	simm.s32 $0x1B8E;
	[sflag:s24] =	ssyncadd.s32 $0xFFFFFFFF  }
0xa7: {  	s26 =	simm.s32 $execute0_lowered;
	[smem:$0x3FD2] =	sst s25  }
0xa8: {  	s6 =	sshll.u32 s26, $0x1;
	_ =	strace $0x80000046;
	[dreg:$0x1] =	wrdreg $0xFFFFFFFF  }
0xa9: {  	s28 =	simm.s32 $_size_execute0_lowered;
	s5 =	sadd.s32 s5, s6;
	[dreg:$0x0] =	wrdreg $0x0  }
0xaa: {  	s6 =	sshll.u32 s28, $0x1;
	[dreg:$0x2] =	wrdreg s5  }
0xab: {  	[dreg:$0x3] =	wrdreg s6  }
0xac: {  	[dreg:$0x4] =	wrdreg $0xC0  }
0xad: {  	_ =	task [dreg:s9], $0x5FFFF  }
0xae: {  	[dreg:$0x1] =	wrdreg $0xFFFFFFFF  }
0xaf: {  	[dreg:$0x0] =	wrdreg $0x60  }
0xb0: {  	[dreg:$0x2] =	wrdreg s2  }
0xb1: {  	[dreg:$0x3] =	wrdreg s19  }
0xb2: {  	[dreg:$0x4] =	wrdreg s4  }
0xb3: {  	[dreg:$0x5] =	wrdreg $0x9  }
0xb4: {  	_ =	task.clear_ibuf [dreg:s9], $0x6FFFF;
	_ =	strace $0x90000046  }
0xb5: {  	s29 =	simm.s32 $0x9;
	_ =	strace $0x80000048  }
0xb6: {  	_ =	swait.ge [sflag:s29], $0x1  }
0xb7: {  	[sflag:s29] =	ssyncadd.s32 $0xFFFFFFFF  }
0xb8: {  	_ =	strace $0x90000048  }
0xb9: {  	_ =	sfence  }
0xba: {  	s30 =	sld [smem:$0x0];
	_ =	sdelay $0x2  }
0xbb: {  	s31 =	sshll.u32 s1, $0xD;
	s1 =	sshrl.u32 s1, $0x2  }
0xbc: {  	s3 =	sand.u32 $0x4000, s31;
	s1 =	sadd.s32 s1, s30  }
0xbd: {  	s0 =	sor.u32 s3, s0;
	s1 =	sshll.u32 s1, $0x11  }
0xbe: {  	s0 =	sor.u32 s1, s0  }
0xbf: {  	s0 =	sadd.s32 $0x8F2B, s0  }
0xc0: {  	[sflag:s0] =	ssyncadd.remote.s32 $0x1  }
0xc1: {  	_ =	sfence.sel $0xFFFF  }
0xc2: {  	[dreg:$0x0] =	wrdreg $0xFFFFFFFF;
	(pc) =	sbr.abs _section_cstart, $3  }
0xc3: {  	[dreg:$0x1] =	wrdreg $0xFFFFFFFF  }
0xc4: {  	_ =	task.clear_ibuf [dreg:s9], $0x2FFFF;
	_ =	strace $0x9FFFFFFF  }
0xc5: {  	(tm) =	ssettm $0x7FFFFFFF  }
tec
execute0_lowered:
.L_overlay_start_1:
0x0: {  	(tag) =	ssettag $0x1  }
0x1: {  	s0 =	rddreg [dreg:$0x0]  }
0x2: {  	s1 =	rddreg [dreg:$0x1]  }
0x3: {  	s2 =	rddreg [dreg:$0x2];
	s3 =	simm.s32 $0x0  }
0x4: {  	s4 =	srdreg.scid;
	s8 =	stileid.u32;
	s10 =	simm.s32 $0x1000  }
0x5: {  	s28 =	simm.s32 $0x17000;
	s29 =	simm.s32 $0x18000;
	s30 =	simm.s32 $0x0  }
0x6: {  	[smem:$0x7FF] =	sst s3;
	s4 =	sand.u32 $0x1, s4;
	s5 =	sshll.u32 s8, $0x1  }
0x7: {  	vm0 =	vmmov $0x1;
	s8 =	sshrl.u32 s8, $0x1;
	s6 =	ssub.s32 $0x2, s4;
	s5 =	sand.u32 $0x2, s5  }
0x8: {  	vm1 =	vcmask $0x308;
	vm2 =	vcmask $0x70C;
	vm3 =	vcmask $0xB10;
	_ =	strace $0x80000047;
	s7 =	sshrl.u32 s6, $0x1;
	s4 =	sor.u32 s4, s5  }
0x9: {  	vm4 =	vcmask $0xF14;
	vm5 =	vcmask $0x1318;
	vm6 =	vcmask $0x171C;
	s26 =	sshll.u32 s8, $0xE;
	s9 =	ssub.s32 s6, s7;
	s5 =	sshll.u32 s4, $0x9  }
0xa: {  	vm7 =	vcmask $0x1B20;
	vm8 =	vcmask $0x1F24;
	v0 =	vlaneseq.u32;
	s4 =	sshll.u32 s4, $0xC;
	s6 =	sadd.s32 s2, s26;
	s7 =	smul.u32 $0x7A1400, s8  }
0xb: {  	vm9 =	vcmask $0x2328;
	vm10 =	vcmask $0x272C;
	v0 =	vmul.u32 $0x400, v0;
	s26 =	simm.s32 $0x16000;
	s5 =	sadd.s32 s0, s5;
	s31 =	sadd.s32 $0x10, s6  }
0xc: {  	vm11 =	vcmask $0x2B30;
	vm12 =	vcmask $0x2F34;
	vm13 =	vcmask $0x3338;
	s2 =	sadd.s32 $0x20, s6;
	s11 =	sadd.s32 $0x30, s6;
	s12 =	sadd.s32 $0x40, s6  }
0xd: {  	vm14 =	vcmask $0x373C;
	vm15 =	vmmov $0x7fff;
	v1 =	vor.u32 $0x80, v0;
	s13 =	sadd.s32 $0x50, s6;
	s14 =	sadd.s32 $0x60, s6;
	s15 =	sadd.s32 $0x70, s6  }
0xe: {  	v2 =	vor.u32 $0x100, v0;
	v3 =	vor.u32 $0x180, v0;
	v4 =	vor.u32 $0x200, v0;
	s8 =	smax.u32 s9, $0x1;
	s9 =	simm.s32 $0x2;
	s19 =	sadd.s32 s4, s31  }
0xf: {  	v5 =	vor.u32 $0x280, v0;
	v6 =	vor.u32 $0x300, v0;
	v7 =	vor.u32 $0x380, v0;
	s20 =	sadd.s32 s4, s2;
	s21 =	sadd.s32 s4, s11;
	s22 =	sadd.s32 s4, s12  }
0x10: {  	v8 =	vor.u32 $0x4000, v0;
	v9 =	vor.u32 $0x4080, v0;
	v10 =	vor.u32 $0x4100, v0;
	s23 =	sadd.s32 s4, s13;
	s24 =	sadd.s32 s4, s14;
	s25 =	sadd.s32 s4, s15  }
0x11: {  	v11 =	vor.u32 $0x4180, v0;
	v12 =	vor.u32 $0x4200, v0;
	v13 =	vor.u32 $0x4280, v0;
	s11 =	simm.s32 $0x1;
	s12 =	simm.s32 $0x80;
	s13 =	simm.s32 $0x400  }
.LBB2_1:
0x12: {  	[tilespmem:s3], [sflag:$0x2] =	stream.linear.gather [hbm4b:s5+s3], $0x1000, $0x38;
	[tilespmem:$0x19000] =	vst v63  }
0x13: {  	_ =	swait.ge [sflag:s9], $0x1000  }
0x14: {  	[sflag:s9] =	ssyncset.done $0x0  }
0x15: {  	[sflag:s9] =	ssyncadd.s32 $0xFFFFF000  }
0x16: {  	v14 =	vld [tilespmem:$0x0];
	_ =	sdelay $0x4  }
0x17: {  	v15 =	vnsel vm0, $0x0, v14  }
0x18: {  	v15 =	vxor.u32 $0x80000000, v15  }
0x19: {  	(xrf0) =	vmax.scan.msk.u32 $0xffff, v15;
	_ =	sdelay $0x2  }
0x1a: {  	v15 =	vsel vm1, $0x0, v14  }
0x1b: {  	v15 =	vxor.u32 $0x80000000, v15  }
0x1c: {  	(xrf0) =	vmax.scan.msk.u32 $0xffff, v15  }
0x1d: {  	v16, _, _ =	vpop (xrf0)  }
0x1e: {  	(v2sf) =	vpush v16, $0xF;
	_ =	sdelay $0x1  }
0x1f: {  	v15 =	vsel vm2, $0x0, v14  }
0x20: {  	v15 =	vxor.u32 $0x80000000, v15  }
0x21: {  	v38, _, _ =	vpop (xrf0);
	(xrf0) =	vmax.scan.msk.u32 $0xffff, v15  }
0x22: {  	(v2sf) =	vpush v38, $0xF;
	_ =	sdelay $0x2  }
0x23: {  	v15 =	vsel vm3, $0x0, v14  }
0x24: {  	v15 =	vxor.u32 $0x80000000, v15  }
0x25: {  	v39, _, _ =	vpop (xrf0);
	(xrf0) =	vmax.scan.msk.u32 $0xffff, v15  }
0x26: {  	(v2sf) =	vpush v39, $0xF;
	_ =	sdelay $0x3  }
0x27: {  	s0 =	spop (v2sf)  }
0x28: {  	v40 =	vsel vm4, $0x0, v14;
	v15, _, _ =	vpop (xrf0);
	s0 =	sshll.u32 s0, $0x3  }
0x29: {  	(v2sf) =	vpush v15, $0xF;
	v15 =	vxor.u32 $0x80000000, v40;
	s0 =	sand.u32 $0xFFFFFC00, s0  }
0x2a: {  	(xrf0) =	vmax.scan.msk.u32 $0xffff, v15;
	s0 =	sadd.s32 s7, s0  }
0x2b: {  	s0 =	sshrl.u32 s0, $0x3  }
0x2c: {  	s16 =	spop (v2sf);
	s0 =	sadd.s32 s1, s0  }
0x2d: {  	[tilespmem:s10], [sflag:$0x1] =	stream.linear.gather [hbm4b:s0+s3], $0x400, $0x38;
	[tilespmem:$0x19000] =	vst v63  }
0x2e: {  	v15 =	vsel vm5, $0x0, v14;
	s0 =	sshll.u32 s16, $0x3  }
0x2f: {  	v15 =	vxor.u32 $0x80000000, v15;
	s0 =	sand.u32 $0xFFFFFC00, s0  }
0x30: {  	v41, _, _ =	vpop (xrf0);
	(xrf0) =	vmax.scan.msk.u32 $0xffff, v15;
	s0 =	sadd.s32 s7, s0  }
0x31: {  	(v2sf) =	vpush v41, $0xF;
	s0 =	sshrl.u32 s0, $0x3  }
0x32: {  	s2 =	simm.s32 $0x1400;
	s17 =	spop (v2sf);
	s0 =	sadd.s32 s1, s0  }
0x33: {  	[tilespmem:s2], [sflag:$0x1] =	stream.linear.gather [hbm4b:s0+s3], $0x400, $0x38;
	[tilespmem:$0x19000] =	vst v63  }
0x34: {  	v15 =	vsel vm6, $0x0, v14;
	s0 =	sshll.u32 s17, $0x3  }
0x35: {  	v15 =	vxor.u32 $0x80000000, v15;
	s0 =	sand.u32 $0xFFFFFC00, s0  }
0x36: {  	s0 =	sadd.s32 s7, s0;
	v42, _, _ =	vpop (xrf0);
	(xrf0) =	vmax.scan.msk.u32 $0xffff, v15  }
0x37: {  	s0 =	sshrl.u32 s0, $0x3  }
0x38: {  	s18 =	simm.s32 $0x1800;
	s0 =	sadd.s32 s1, s0;
	s2 =	spop (v2sf);
	(v2sf) =	vpush v42, $0xF  }
0x39: {  	[tilespmem:s18], [sflag:$0x1] =	stream.linear.gather [hbm4b:s0+s3], $0x400, $0x38;
	[tilespmem:$0x19000] =	vst v63  }
0x3a: {  	v15 =	vsel vm7, $0x0, v14;
	s0 =	sshll.u32 s2, $0x3  }
0x3b: {  	v15 =	vxor.u32 $0x80000000, v15;
	s0 =	sand.u32 $0xFFFFFC00, s0  }
0x3c: {  	s0 =	sadd.s32 s7, s0;
	v43, _, _ =	vpop (xrf0);
	(xrf0) =	vmax.scan.msk.u32 $0xffff, v15  }
0x3d: {  	s0 =	sshrl.u32 s0, $0x3;
	(v2sf) =	vpush v43, $0xF  }
0x3e: {  	s14 =	simm.s32 $0x1C00;
	s0 =	sadd.s32 s1, s0  }
0x3f: {  	[tilespmem:s14], [sflag:$0x1] =	stream.linear.gather [hbm4b:s0+s3], $0x400, $0x38;
	[tilespmem:$0x19000] =	vst v63  }
0x40: {  	s15 =	spop (v2sf)  }
0x41: {  	s0 =	sshll.u32 s15, $0x3  }
0x42: {  	v44 =	vsel vm8, $0x0, v14;
	s0 =	sand.u32 $0xFFFFFC00, s0;
	v15, _, _ =	vpop (xrf0)  }
0x43: {  	s0 =	sadd.s32 s7, s0;
	(v2sf) =	vpush v15, $0xF;
	v15 =	vxor.u32 $0x80000000, v44  }
0x44: {  	s0 =	sshrl.u32 s0, $0x3;
	(xrf0) =	vmax.scan.msk.u32 $0xffff, v15  }
0x45: {  	s16 =	simm.s32 $0x2000;
	s0 =	sadd.s32 s1, s0  }
0x46: {  	[tilespmem:s16], [sflag:$0x1] =	stream.linear.gather [hbm4b:s0+s3], $0x400, $0x38;
	[tilespmem:$0x19000] =	vst v63  }
0x47: {  	s17 =	spop (v2sf)  }
0x48: {  	v15 =	vsel vm9, $0x0, v14;
	s0 =	sshll.u32 s17, $0x3  }
0x49: {  	v15 =	vxor.u32 $0x80000000, v15;
	s0 =	sand.u32 $0xFFFFFC00, s0  }
0x4a: {  	s0 =	sadd.s32 s7, s0;
	v45, _, _ =	vpop (xrf0);
	(xrf0) =	vmax.scan.msk.u32 $0xffff, v15  }
0x4b: {  	s0 =	sshrl.u32 s0, $0x3;
	(v2sf) =	vpush v45, $0xF  }
0x4c: {  	s18 =	simm.s32 $0x2400;
	s0 =	sadd.s32 s1, s0;
	s2 =	spop (v2sf)  }
0x4d: {  	[tilespmem:s18], [sflag:$0x1] =	stream.linear.gather [hbm4b:s0+s3], $0x400, $0x38;
	[tilespmem:$0x19000] =	vst v63  }
0x4e: {  	v15 =	vsel vm10, $0x0, v14;
	s0 =	sshll.u32 s2, $0x3  }
0x4f: {  	v15 =	vxor.u32 $0x80000000, v15;
	s0 =	sand.u32 $0xFFFFFC00, s0  }
0x50: {  	s0 =	sadd.s32 s7, s0;
	v46, _, _ =	vpop (xrf0);
	(xrf0) =	vmax.scan.msk.u32 $0xffff, v15  }
0x51: {  	s0 =	sshrl.u32 s0, $0x3  }
0x52: {  	s14 =	simm.s32 $0x2800;
	s0 =	sadd.s32 s1, s0;
	s15 =	spop (v2sf);
	(v2sf) =	vpush v46, $0xF  }
0x53: {  	[tilespmem:s14], [sflag:$0x1] =	stream.linear.gather [hbm4b:s0+s3], $0x400, $0x38;
	[tilespmem:$0x19000] =	vst v63  }
0x54: {  	v15 =	vsel vm11, $0x0, v14;
	s0 =	sshll.u32 s15, $0x3  }
0x55: {  	v15 =	vxor.u32 $0x80000000, v15;
	s0 =	sand.u32 $0xFFFFFC00, s0  }
0x56: {  	s0 =	sadd.s32 s7, s0;
	v47, _, _ =	vpop (xrf0);
	(xrf0) =	vmax.scan.msk.u32 $0xffff, v15  }
0x57: {  	s0 =	sshrl.u32 s0, $0x3;
	(v2sf) =	vpush v47, $0xF  }
0x58: {  	s16 =	simm.s32 $0x2C00;
	s0 =	sadd.s32 s1, s0  }
0x59: {  	[tilespmem:s16], [sflag:$0x1] =	stream.linear.gather [hbm4b:s0+s3], $0x400, $0x38;
	[tilespmem:$0x19000] =	vst v63  }
0x5a: {  	s17 =	spop (v2sf)  }
0x5b: {  	s0 =	sshll.u32 s17, $0x3  }
0x5c: {  	v48 =	vsel vm12, $0x0, v14;
	s0 =	sand.u32 $0xFFFFFC00, s0;
	v15, _, _ =	vpop (xrf0)  }
0x5d: {  	s0 =	sadd.s32 s7, s0;
	(v2sf) =	vpush v15, $0xF;
	v15 =	vxor.u32 $0x80000000, v48  }
0x5e: {  	s0 =	sshrl.u32 s0, $0x3;
	(xrf0) =	vmax.scan.msk.u32 $0xffff, v15  }
0x5f: {  	s18 =	simm.s32 $0x3000;
	s0 =	sadd.s32 s1, s0  }
0x60: {  	[tilespmem:s18], [sflag:$0x1] =	stream.linear.gather [hbm4b:s0+s3], $0x400, $0x38;
	[tilespmem:$0x19000] =	vst v63  }
0x61: {  	s2 =	spop (v2sf)  }
0x62: {  	v15 =	vsel vm13, $0x0, v14;
	s0 =	sshll.u32 s2, $0x3  }
0x63: {  	v15 =	vxor.u32 $0x80000000, v15;
	s0 =	sand.u32 $0xFFFFFC00, s0  }
0x64: {  	s0 =	sadd.s32 s7, s0;
	v49, _, _ =	vpop (xrf0);
	(xrf0) =	vmax.scan.msk.u32 $0xffff, v15  }
0x65: {  	s0 =	sshrl.u32 s0, $0x3;
	(v2sf) =	vpush v49, $0xF  }
0x66: {  	s14 =	simm.s32 $0x3400;
	s0 =	sadd.s32 s1, s0;
	s15 =	spop (v2sf)  }
0x67: {  	[tilespmem:s14], [sflag:$0x1] =	stream.linear.gather [hbm4b:s0+s3], $0x400, $0x38;
	[tilespmem:$0x19000] =	vst v63  }
0x68: {  	v15 =	vsel vm14, $0x0, v14;
	s0 =	sshll.u32 s15, $0x3  }
0x69: {  	v15 =	vxor.u32 $0x80000000, v15;
	s0 =	sand.u32 $0xFFFFFC00, s0  }
0x6a: {  	s0 =	sadd.s32 s7, s0;
	v50, _, _ =	vpop (xrf0);
	(xrf0) =	vmax.scan.msk.u32 $0xffff, v15  }
0x6b: {  	s0 =	sshrl.u32 s0, $0x3  }
0x6c: {  	s16 =	simm.s32 $0x3800;
	s0 =	sadd.s32 s1, s0;
	s17 =	spop (v2sf);
	(v2sf) =	vpush v50, $0xF  }
0x6d: {  	[tilespmem:s16], [sflag:$0x1] =	stream.linear.gather [hbm4b:s0+s3], $0x400, $0x38;
	[tilespmem:$0x19000] =	vst v63  }
0x6e: {  	s0 =	sshll.u32 s17, $0x3  }
0x6f: {  	s0 =	sand.u32 $0xFFFFFC00, s0  }
0x70: {  	v14 =	vsel vm15, $0x0, v14;
	s0 =	sadd.s32 s7, s0;
	v15, _, _ =	vpop (xrf0)  }
0x71: {  	v14 =	vxor.u32 $0x80000000, v14;
	s0 =	sshrl.u32 s0, $0x3;
	(v2sf) =	vpush v15, $0xF  }
0x72: {  	s18 =	simm.s32 $0x3C00;
	(xrf0) =	vmax.scan.msk.u32 $0xffff, v14;
	s0 =	sadd.s32 s1, s0  }
0x73: {  	[tilespmem:s18], [sflag:$0x1] =	stream.linear.gather [hbm4b:s0+s3], $0x400, $0x38;
	[tilespmem:$0x19000] =	vst v63  }
0x74: {  	s2 =	spop (v2sf)  }
0x75: {  	s0 =	sshll.u32 s2, $0x3  }
0x76: {  	s0 =	sand.u32 $0xFFFFFC00, s0  }
0x77: {  	s0 =	sadd.s32 s7, s0  }
0x78: {  	v14, _, _ =	vpop (xrf0);
	s0 =	sshrl.u32 s0, $0x3  }
0x79: {  	s14 =	simm.s32 $0x4000;
	(v2sf) =	vpush v14, $0xF;
	s0 =	sadd.s32 s1, s0  }
0x7a: {  	[tilespmem:s14], [sflag:$0x1] =	stream.linear.gather [hbm4b:s0+s3], $0x400, $0x38;
	[tilespmem:$0x19000] =	vst v63  }
0x7b: {  	s15 =	spop (v2sf)  }
0x7c: {  	s0 =	sshll.u32 s15, $0x3  }
0x7d: {  	s0 =	sand.u32 $0xFFFFFC00, s0  }
0x7e: {  	s0 =	sadd.s32 s7, s0  }
0x7f: {  	s0 =	sshrl.u32 s0, $0x3  }
0x80: {  	s16 =	simm.s32 $0x4400;
	s0 =	sadd.s32 s1, s0;
	s17 =	spop (v2sf)  }
0x81: {  	[tilespmem:s16], [sflag:$0x1] =	stream.linear.gather [hbm4b:s0+s3], $0x400, $0x38;
	[tilespmem:$0x19000] =	vst v63  }
0x82: {  	s0 =	sshll.u32 s17, $0x3  }
0x83: {  	s0 =	sand.u32 $0xFFFFFC00, s0  }
0x84: {  	s0 =	sadd.s32 s7, s0  }
0x85: {  	s0 =	sshrl.u32 s0, $0x3  }
0x86: {  	s18 =	simm.s32 $0x4800;
	s0 =	sadd.s32 s1, s0  }
0x87: {  	[tilespmem:s18], [sflag:$0x1] =	stream.linear.gather [hbm4b:s0+s3], $0x400, $0x38;
	[tilespmem:$0x19000] =	vst v63  }
0x88: {  	s2 =	spop (v2sf)  }
0x89: {  	s0 =	sshll.u32 s2, $0x3  }
0x8a: {  	s0 =	sand.u32 $0xFFFFFC00, s0  }
0x8b: {  	s0 =	sadd.s32 s7, s0  }
0x8c: {  	s0 =	sshrl.u32 s0, $0x3  }
0x8d: {  	s14 =	simm.s32 $0x4C00;
	s0 =	sadd.s32 s1, s0  }
0x8e: {  	[tilespmem:s14], [sflag:$0x1] =	stream.linear.gather [hbm4b:s0+s3], $0x400, $0x38;
	[tilespmem:$0x19000] =	vst v63  }
0x8f: {  	v14 =	vld [tilespmem:$0x10];
	_ =	sdelay $0x4  }
0x90: {  	v15 =	vnsel vm0, $0x0, v14  }
0x91: {  	v15 =	vxor.u32 $0x80000000, v15  }
0x92: {  	(xrf0) =	vmax.scan.msk.u32 $0xffff, v15;
	_ =	sdelay $0x5  }
0x93: {  	v51 =	vsel vm1, $0x0, v14;
	v15, _, _ =	vpop (xrf0)  }
0x94: {  	(v2sf) =	vpush v15, $0xF;
	v15 =	vxor.u32 $0x80000000, v51  }
0x95: {  	(xrf0) =	vmax.scan.msk.u32 $0xffff, v15;
	_ =	sdelay $0x4  }
0x96: {  	v15 =	vsel vm2, $0x0, v14  }
0x97: {  	v15 =	vxor.u32 $0x80000000, v15;
	v52, _, _ =	vpop (xrf0)  }
0x98: {  	(xrf0) =	vmax.scan.msk.u32 $0xffff, v15;
	(v2sf) =	vpush v52, $0xF;
	_ =	sdelay $0x3  }
0x99: {  	v15 =	vsel vm3, $0x0, v14  }
0x9a: {  	v15 =	vxor.u32 $0x80000000, v15  }
0x9b: {  	v53, _, _ =	vpop (xrf0);
	(xrf0) =	vmax.scan.msk.u32 $0xffff, v15  }
0x9c: {  	(v2sf) =	vpush v53, $0xF  }
0x9d: {  	s15 =	spop (v2sf)  }
0x9e: {  	s0 =	sshll.u32 s15, $0x3  }
0x9f: {  	v15 =	vsel vm4, $0x0, v14;
	s0 =	sand.u32 $0xFFFFFC00, s0  }
0xa0: {  	v15 =	vxor.u32 $0x80000000, v15;
	s0 =	sadd.s32 s7, s0  }
0xa1: {  	s0 =	sshrl.u32 s0, $0x3;
	v54, _, _ =	vpop (xrf0);
	(xrf0) =	vmax.scan.msk.u32 $0xffff, v15  }
0xa2: {  	s16 =	simm.s32 $0x5000;
	s0 =	sadd.s32 s1, s0  }
0xa3: {  	(v2sf) =	vpush v54, $0xF;
	[tilespmem:s16], [sflag:$0x1] =	stream.linear.gather [hbm4b:s0+s3], $0x400, $0x38;
	[tilespmem:$0x19000] =	vst v63  }
0xa4: {  	s17 =	spop (v2sf)  }
0xa5: {  	s0 =	sshll.u32 s17, $0x3  }
0xa6: {  	s0 =	sand.u32 $0xFFFFFC00, s0  }
0xa7: {  	v55 =	vsel vm5, $0x0, v14;
	v15, _, _ =	vpop (xrf0);
	s0 =	sadd.s32 s7, s0  }
0xa8: {  	(v2sf) =	vpush v15, $0xF;
	v15 =	vxor.u32 $0x80000000, v55;
	s0 =	sshrl.u32 s0, $0x3  }
0xa9: {  	s18 =	simm.s32 $0x5400;
	(xrf0) =	vmax.scan.msk.u32 $0xffff, v15;
	s0 =	sadd.s32 s1, s0  }
0xaa: {  	[tilespmem:s18], [sflag:$0x1] =	stream.linear.gather [hbm4b:s0+s3], $0x400, $0x38;
	[tilespmem:$0x19000] =	vst v63  }
0xab: {  	s2 =	spop (v2sf)  }
0xac: {  	s0 =	sshll.u32 s2, $0x3  }
0xad: {  	v15 =	vsel vm6, $0x0, v14;
	s0 =	sand.u32 $0xFFFFFC00, s0  }
0xae: {  	v15 =	vxor.u32 $0x80000000, v15;
	s0 =	sadd.s32 s7, s0  }
0xaf: {  	s0 =	sshrl.u32 s0, $0x3;
	v56, _, _ =	vpop (xrf0);
	(xrf0) =	vmax.scan.msk.u32 $0xffff, v15  }
0xb0: {  	s14 =	simm.s32 $0x5800;
	s0 =	sadd.s32 s1, s0;
	(v2sf) =	vpush v56, $0xF  }
0xb1: {  	[tilespmem:s14], [sflag:$0x1] =	stream.linear.gather [hbm4b:s0+s3], $0x400, $0x38;
	[tilespmem:$0x19000] =	vst v63  }
0xb2: {  	s15 =	spop (v2sf)  }
0xb3: {  	v15 =	vsel vm7, $0x0, v14;
	s0 =	sshll.u32 s15, $0x3  }
0xb4: {  	v15 =	vxor.u32 $0x80000000, v15;
	s0 =	sand.u32 $0xFFFFFC00, s0  }
0xb5: {  	s0 =	sadd.s32 s7, s0;
	v57, _, _ =	vpop (xrf0);
	(xrf0) =	vmax.scan.msk.u32 $0xffff, v15  }
0xb6: {  	s0 =	sshrl.u32 s0, $0x3  }
0xb7: {  	s16 =	simm.s32 $0x5C00;
	s0 =	sadd.s32 s1, s0;
	s17 =	spop (v2sf);
	(v2sf) =	vpush v57, $0xF  }
0xb8: {  	[tilespmem:s16], [sflag:$0x1] =	stream.linear.gather [hbm4b:s0+s3], $0x400, $0x38;
	[tilespmem:$0x19000] =	vst v63  }
0xb9: {  	v15 =	vsel vm8, $0x0, v14;
	s0 =	sshll.u32 s17, $0x3  }
0xba: {  	v15 =	vxor.u32 $0x80000000, v15;
	s0 =	sand.u32 $0xFFFFFC00, s0  }
0xbb: {  	s0 =	sadd.s32 s7, s0;
	v58, _, _ =	vpop (xrf0);
	(xrf0) =	vmax.scan.msk.u32 $0xffff, v15  }
0xbc: {  	s0 =	sshrl.u32 s0, $0x3;
	(v2sf) =	vpush v58, $0xF  }
0xbd: {  	s18 =	simm.s32 $0x6000;
	s0 =	sadd.s32 s1, s0  }
0xbe: {  	[tilespmem:s18], [sflag:$0x1] =	stream.linear.gather [hbm4b:s0+s3], $0x400, $0x38;
	[tilespmem:$0x19000] =	vst v63  }
0xbf: {  	s2 =	spop (v2sf)  }
0xc0: {  	s0 =	sshll.u32 s2, $0x3  }
0xc1: {  	v59 =	vsel vm9, $0x0, v14;
	s0 =	sand.u32 $0xFFFFFC00, s0;
	v15, _, _ =	vpop (xrf0)  }
0xc2: {  	s0 =	sadd.s32 s7, s0;
	(v2sf) =	vpush v15, $0xF;
	v15 =	vxor.u32 $0x80000000, v59  }
0xc3: {  	s0 =	sshrl.u32 s0, $0x3;
	(xrf0) =	vmax.scan.msk.u32 $0xffff, v15  }
0xc4: {  	s14 =	simm.s32 $0x6400;
	s0 =	sadd.s32 s1, s0  }
0xc5: {  	[tilespmem:s14], [sflag:$0x1] =	stream.linear.gather [hbm4b:s0+s3], $0x400, $0x38;
	[tilespmem:$0x19000] =	vst v63  }
0xc6: {  	s15 =	spop (v2sf)  }
0xc7: {  	v15 =	vsel vm10, $0x0, v14;
	s0 =	sshll.u32 s15, $0x3  }
0xc8: {  	v15 =	vxor.u32 $0x80000000, v15;
	s0 =	sand.u32 $0xFFFFFC00, s0  }
0xc9: {  	s0 =	sadd.s32 s7, s0;
	v60, _, _ =	vpop (xrf0);
	(xrf0) =	vmax.scan.msk.u32 $0xffff, v15  }
0xca: {  	s0 =	sshrl.u32 s0, $0x3;
	(v2sf) =	vpush v60, $0xF  }
0xcb: {  	s16 =	simm.s32 $0x6800;
	s0 =	sadd.s32 s1, s0;
	s17 =	spop (v2sf)  }
0xcc: {  	[tilespmem:s16], [sflag:$0x1] =	stream.linear.gather [hbm4b:s0+s3], $0x400, $0x38;
	[tilespmem:$0x19000] =	vst v63  }
0xcd: {  	v15 =	vsel vm11, $0x0, v14;
	s0 =	sshll.u32 s17, $0x3  }
0xce: {  	v15 =	vxor.u32 $0x80000000, v15;
	s0 =	sand.u32 $0xFFFFFC00, s0  }
0xcf: {  	s0 =	sadd.s32 s7, s0;
	v61, _, _ =	vpop (xrf0);
	(xrf0) =	vmax.scan.msk.u32 $0xffff, v15  }
0xd0: {  	s0 =	sshrl.u32 s0, $0x3  }
0xd1: {  	s18 =	simm.s32 $0x6C00;
	s0 =	sadd.s32 s1, s0;
	s2 =	spop (v2sf);
	(v2sf) =	vpush v61, $0xF  }
0xd2: {  	[tilespmem:s18], [sflag:$0x1] =	stream.linear.gather [hbm4b:s0+s3], $0x400, $0x38;
	[tilespmem:$0x19000] =	vst v63  }
0xd3: {  	v15 =	vsel vm12, $0x0, v14;
	s0 =	sshll.u32 s2, $0x3  }
0xd4: {  	v15 =	vxor.u32 $0x80000000, v15;
	s0 =	sand.u32 $0xFFFFFC00, s0  }
0xd5: {  	(xrf0) =	vmax.scan.msk.u32 $0xffff, v15;
	s0 =	sadd.s32 s7, s0;
	v62, _, _ =	vpop (xrf0)  }
0xd6: {  	s0 =	sshrl.u32 s0, $0x3;
	(v2sf) =	vpush v62, $0xF  }
0xd7: {  	s14 =	simm.s32 $0x7000;
	v15 =	vsel vm13, $0x0, v14;
	s0 =	sadd.s32 s1, s0  }
0xd8: {  	v15 =	vxor.u32 $0x80000000, v15;
	[tilespmem:s14], [sflag:$0x1] =	stream.linear.gather [hbm4b:s0+s3], $0x400, $0x38;
	[tilespmem:$0x19000] =	vst v63  }
0xd9: {  	s15 =	spop (v2sf)  }
0xda: {  	s0 =	sshll.u32 s15, $0x3  }
0xdb: {  	(xrf0) =	vmax.scan.msk.u32 $0xffff, v15;
	v15, _, _ =	vpop (xrf0);
	s0 =	sand.u32 $0xFFFFFC00, s0  }
0xdc: {  	(v2sf) =	vpush v15, $0xF;
	s0 =	sadd.s32 s7, s0  }
0xdd: {  	s0 =	sshrl.u32 s0, $0x3  }
0xde: {  	s16 =	simm.s32 $0x7400;
	s0 =	sadd.s32 s1, s0  }
0xdf: {  	v15 =	vsel vm14, $0x0, v14;
	[tilespmem:s16], [sflag:$0x1] =	stream.linear.gather [hbm4b:s0+s3], $0x400, $0x38;
	[tilespmem:$0x19000] =	vst v63  }
0xe0: {  	v15 =	vxor.u32 $0x80000000, v15;
	s17 =	spop (v2sf)  }
0xe1: {  	v63, _, _ =	vpop (xrf0);
	(xrf0) =	vmax.scan.msk.u32 $0xffff, v15;
	s0 =	sshll.u32 s17, $0x3  }
0xe2: {  	(v2sf) =	vpush v63, $0xF;
	s0 =	sand.u32 $0xFFFFFC00, s0  }
0xe3: {  	s0 =	sadd.s32 s7, s0  }
0xe4: {  	s0 =	sshrl.u32 s0, $0x3  }
0xe5: {  	s18 =	simm.s32 $0x7800;
	v14 =	vsel vm15, $0x0, v14;
	s0 =	sadd.s32 s1, s0;
	s2 =	spop (v2sf)  }
0xe6: {  	v14 =	vxor.u32 $0x80000000, v14;
	[tilespmem:s18], [sflag:$0x1] =	stream.linear.gather [hbm4b:s0+s3], $0x400, $0x38;
	[tilespmem:$0x19000] =	vst v63  }
0xe7: {  	v15, _, _ =	vpop (xrf0);
	(xrf0) =	vmax.scan.msk.u32 $0xffff, v14;
	s0 =	sshll.u32 s2, $0x3  }
0xe8: {  	(v2sf) =	vpush v15, $0xF;
	s0 =	sand.u32 $0xFFFFFC00, s0  }
0xe9: {  	s0 =	sadd.s32 s7, s0  }
0xea: {  	s0 =	sshrl.u32 s0, $0x3  }
0xeb: {  	s14 =	simm.s32 $0x7C00;
	s15 =	spop (v2sf);
	s0 =	sadd.s32 s1, s0  }
0xec: {  	[tilespmem:s14], [sflag:$0x1] =	stream.linear.gather [hbm4b:s0+s3], $0x400, $0x38;
	[tilespmem:$0x19000] =	vst v63  }
0xed: {  	v14, _, _ =	vpop (xrf0);
	s0 =	sshll.u32 s15, $0x3  }
0xee: {  	(v2sf) =	vpush v14, $0xF;
	s0 =	sand.u32 $0xFFFFFC00, s0  }
0xef: {  	s0 =	sadd.s32 s7, s0  }
0xf0: {  	s0 =	sshrl.u32 s0, $0x3  }
0xf1: {  	s31 =	simm.s32 $0x8000;
	s16 =	spop (v2sf);
	s0 =	sadd.s32 s1, s0  }
0xf2: {  	[tilespmem:s31], [sflag:$0x1] =	stream.linear.gather [hbm4b:s0+s3], $0x400, $0x38;
	[tilespmem:$0x19000] =	vst v63  }
0xf3: {  	s17 =	sshll.u32 s16, $0x3  }
0xf4: {  	s0 =	sand.u32 $0xFFFFFC00, s17  }
0xf5: {  	s0 =	sadd.s32 s7, s0  }
0xf6: {  	s0 =	sshrl.u32 s0, $0x3  }
0xf7: {  	s14 =	simm.s32 $0x8400;
	s18 =	spop (v2sf);
	s0 =	sadd.s32 s1, s0  }
0xf8: {  	[tilespmem:s14], [sflag:$0x1] =	stream.linear.gather [hbm4b:s0+s3], $0x400, $0x38;
	[tilespmem:$0x19000] =	vst v63  }
0xf9: {  	s15 =	sshll.u32 s18, $0x3  }
0xfa: {  	s0 =	sand.u32 $0xFFFFFC00, s15  }
0xfb: {  	s0 =	sadd.s32 s7, s0  }
0xfc: {  	s0 =	sshrl.u32 s0, $0x3  }
0xfd: {  	s16 =	simm.s32 $0x8800;
	s17 =	spop (v2sf);
	s0 =	sadd.s32 s1, s0  }
0xfe: {  	[tilespmem:s16], [sflag:$0x1] =	stream.linear.gather [hbm4b:s0+s3], $0x400, $0x38;
	[tilespmem:$0x19000] =	vst v63  }
0xff: {  	s0 =	sshll.u32 s17, $0x3  }
0x100: {  	s0 =	sand.u32 $0xFFFFFC00, s0  }
0x101: {  	s0 =	sadd.s32 s7, s0  }
0x102: {  	s0 =	sshrl.u32 s0, $0x3  }
0x103: {  	s18 =	simm.s32 $0x8C00;
	s0 =	sadd.s32 s1, s0  }
0x104: {  	[tilespmem:s18], [sflag:$0x1] =	stream.linear.gather [hbm4b:s0+s3], $0x400, $0x38;
	[tilespmem:$0x19000] =	vst v63  }
0x105: {  	s2 =	simm.s32 $0x0;
	s0 =	simm.s32 $0x0  }
.LBB2_2:
0x106: {  	s14 =	sshra.s32 s0, $0x2  }
0x107: {  	v14 =	vld [tilespmem:s14+$0x20];
	_ =	sdelay $0x4  }
0x108: {  	v15 =	vnsel vm0, $0x0, v14  }
0x109: {  	v15 =	vxor.u32 $0x80000000, v15  }
0x10a: {  	(xrf0) =	vmax.scan.msk.u32 $0xffff, v15;
	_ =	sdelay $0x3  }
0x10b: {  	v15 =	vsel vm1, $0x0, v14  }
0x10c: {  	v15 =	vxor.u32 $0x80000000, v15  }
0x10d: {  	(xrf0) =	vmax.scan.msk.u32 $0xffff, v15;
	v16, _, _ =	vpop (xrf0)  }
0x10e: {  	(v2sf) =	vpush v16, $0xF;
	_ =	sdelay $0x2  }
0x10f: {  	v15 =	vsel vm2, $0x0, v14  }
0x110: {  	v15 =	vxor.u32 $0x80000000, v15  }
0x111: {  	v23, _, _ =	vpop (xrf0);
	(xrf0) =	vmax.scan.msk.u32 $0xffff, v15;
	_ =	sdelay $0x1  }
0x112: {  	(v2sf) =	vpush v23, $0xF;
	_ =	sdelay $0x1  }
0x113: {  	v15 =	vsel vm3, $0x0, v14  }
0x114: {  	v15 =	vxor.u32 $0x80000000, v15  }
0x115: {  	v24, _, _ =	vpop (xrf0);
	(xrf0) =	vmax.scan.msk.u32 $0xffff, v15  }
0x116: {  	(v2sf) =	vpush v24, $0xF;
	_ =	sdelay $0x2  }
0x117: {  	s15 =	spop (v2sf)  }
0x118: {  	s15 =	sshll.u32 s15, $0x3  }
0x119: {  	v25 =	vsel vm4, $0x0, v14;
	v15, _, _ =	vpop (xrf0);
	s15 =	sand.u32 $0xFFFFFC00, s15  }
0x11a: {  	(v2sf) =	vpush v15, $0xF;
	v15 =	vxor.u32 $0x80000000, v25;
	s16 =	sadd.s32 s7, s15  }
0x11b: {  	(xrf0) =	vmax.scan.msk.u32 $0xffff, v15;
	s15 =	sand.u32 $0x8000, s31;
	s16 =	sshrl.u32 s16, $0x3  }
0x11c: {  	s17 =	sor.u32 $0x1000, s15;
	s16 =	sadd.s32 s1, s16  }
0x11d: {  	[tilespmem:s17], [sflag:$0x1] =	stream.linear.gather [hbm4b:s16+s3], $0x400, $0x38;
	[tilespmem:$0x19000] =	vst v63  }
0x11e: {  	s17 =	spop (v2sf)  }
0x11f: {  	v15 =	vsel vm5, $0x0, v14;
	s16 =	sshll.u32 s17, $0x3  }
0x120: {  	v15 =	vxor.u32 $0x80000000, v15;
	s16 =	sand.u32 $0xFFFFFC00, s16  }
0x121: {  	v26, _, _ =	vpop (xrf0);
	(xrf0) =	vmax.scan.msk.u32 $0xffff, v15;
	s16 =	sadd.s32 s7, s16  }
0x122: {  	(v2sf) =	vpush v26, $0xF;
	s16 =	sshrl.u32 s16, $0x3  }
0x123: {  	s18 =	sor.u32 $0x1400, s15;
	s17 =	spop (v2sf);
	s16 =	sadd.s32 s1, s16  }
0x124: {  	[tilespmem:s18], [sflag:$0x1] =	stream.linear.gather [hbm4b:s16+s3], $0x400, $0x38;
	[tilespmem:$0x19000] =	vst v63  }
0x125: {  	v15 =	vsel vm6, $0x0, v14;
	s16 =	sshll.u32 s17, $0x3  }
0x126: {  	v15 =	vxor.u32 $0x80000000, v15;
	s16 =	sand.u32 $0xFFFFFC00, s16  }
0x127: {  	v27, _, _ =	vpop (xrf0);
	(xrf0) =	vmax.scan.msk.u32 $0xffff, v15;
	s16 =	sadd.s32 s7, s16  }
0x128: {  	s16 =	sshrl.u32 s16, $0x3  }
0x129: {  	s18 =	sor.u32 $0x1800, s15;
	s17 =	spop (v2sf);
	(v2sf) =	vpush v27, $0xF;
	s16 =	sadd.s32 s1, s16  }
0x12a: {  	[tilespmem:s18], [sflag:$0x1] =	stream.linear.gather [hbm4b:s16+s3], $0x400, $0x38;
	[tilespmem:$0x19000] =	vst v63  }
0x12b: {  	v15 =	vsel vm7, $0x0, v14;
	s16 =	sshll.u32 s17, $0x3  }
0x12c: {  	v15 =	vxor.u32 $0x80000000, v15;
	s16 =	sand.u32 $0xFFFFFC00, s16  }
0x12d: {  	s16 =	sadd.s32 s7, s16;
	v28, _, _ =	vpop (xrf0);
	(xrf0) =	vmax.scan.msk.u32 $0xffff, v15  }
0x12e: {  	s16 =	sshrl.u32 s16, $0x3;
	(v2sf) =	vpush v28, $0xF  }
0x12f: {  	s18 =	sor.u32 $0x1C00, s15;
	s16 =	sadd.s32 s1, s16  }
0x130: {  	[tilespmem:s18], [sflag:$0x1] =	stream.linear.gather [hbm4b:s16+s3], $0x400, $0x38;
	[tilespmem:$0x19000] =	vst v63  }
0x131: {  	s17 =	spop (v2sf)  }
0x132: {  	s16 =	sshll.u32 s17, $0x3  }
0x133: {  	v29 =	vsel vm8, $0x0, v14;
	s16 =	sand.u32 $0xFFFFFC00, s16;
	v15, _, _ =	vpop (xrf0)  }
0x134: {  	s16 =	sadd.s32 s7, s16;
	(v2sf) =	vpush v15, $0xF;
	v15 =	vxor.u32 $0x80000000, v29  }
0x135: {  	s16 =	sshrl.u32 s16, $0x3;
	(xrf0) =	vmax.scan.msk.u32 $0xffff, v15  }
0x136: {  	s18 =	sor.u32 $0x2000, s15;
	s16 =	sadd.s32 s1, s16  }
0x137: {  	[tilespmem:s18], [sflag:$0x1] =	stream.linear.gather [hbm4b:s16+s3], $0x400, $0x38;
	[tilespmem:$0x19000] =	vst v63  }
0x138: {  	s17 =	spop (v2sf)  }
0x139: {  	v15 =	vsel vm9, $0x0, v14;
	s16 =	sshll.u32 s17, $0x3  }
0x13a: {  	v15 =	vxor.u32 $0x80000000, v15;
	s16 =	sand.u32 $0xFFFFFC00, s16  }
0x13b: {  	s16 =	sadd.s32 s7, s16;
	v30, _, _ =	vpop (xrf0);
	(xrf0) =	vmax.scan.msk.u32 $0xffff, v15  }
0x13c: {  	s16 =	sshrl.u32 s16, $0x3;
	(v2sf) =	vpush v30, $0xF  }
0x13d: {  	s18 =	sor.u32 $0x2400, s15;
	s16 =	sadd.s32 s1, s16;
	s17 =	spop (v2sf)  }
0x13e: {  	[tilespmem:s18], [sflag:$0x1] =	stream.linear.gather [hbm4b:s16+s3], $0x400, $0x38;
	[tilespmem:$0x19000] =	vst v63  }
0x13f: {  	v15 =	vsel vm10, $0x0, v14;
	s16 =	sshll.u32 s17, $0x3  }
0x140: {  	v15 =	vxor.u32 $0x80000000, v15;
	s16 =	sand.u32 $0xFFFFFC00, s16  }
0x141: {  	s16 =	sadd.s32 s7, s16;
	v31, _, _ =	vpop (xrf0);
	(xrf0) =	vmax.scan.msk.u32 $0xffff, v15  }
0x142: {  	s16 =	sshrl.u32 s16, $0x3  }
0x143: {  	s18 =	sor.u32 $0x2800, s15;
	s16 =	sadd.s32 s1, s16;
	s17 =	spop (v2sf);
	(v2sf) =	vpush v31, $0xF  }
0x144: {  	[tilespmem:s18], [sflag:$0x1] =	stream.linear.gather [hbm4b:s16+s3], $0x400, $0x38;
	[tilespmem:$0x19000] =	vst v63  }
0x145: {  	v15 =	vsel vm11, $0x0, v14;
	s16 =	sshll.u32 s17, $0x3  }
0x146: {  	v15 =	vxor.u32 $0x80000000, v15;
	s16 =	sand.u32 $0xFFFFFC00, s16  }
0x147: {  	s16 =	sadd.s32 s7, s16;
	v32, _, _ =	vpop (xrf0);
	(xrf0) =	vmax.scan.msk.u32 $0xffff, v15  }
0x148: {  	s16 =	sshrl.u32 s16, $0x3;
	(v2sf) =	vpush v32, $0xF  }
0x149: {  	s18 =	sor.u32 $0x2C00, s15;
	s16 =	sadd.s32 s1, s16  }
0x14a: {  	[tilespmem:s18], [sflag:$0x1] =	stream.linear.gather [hbm4b:s16+s3], $0x400, $0x38;
	[tilespmem:$0x19000] =	vst v63  }
0x14b: {  	s17 =	spop (v2sf)  }
0x14c: {  	s16 =	sshll.u32 s17, $0x3  }
0x14d: {  	v33 =	vsel vm12, $0x0, v14;
	s16 =	sand.u32 $0xFFFFFC00, s16;
	v15, _, _ =	vpop (xrf0)  }
0x14e: {  	s16 =	sadd.s32 s7, s16;
	(v2sf) =	vpush v15, $0xF;
	v15 =	vxor.u32 $0x80000000, v33  }
0x14f: {  	s16 =	sshrl.u32 s16, $0x3;
	(xrf0) =	vmax.scan.msk.u32 $0xffff, v15  }
0x150: {  	s18 =	sor.u32 $0x3000, s15;
	s16 =	sadd.s32 s1, s16  }
0x151: {  	[tilespmem:s18], [sflag:$0x1] =	stream.linear.gather [hbm4b:s16+s3], $0x400, $0x38;
	[tilespmem:$0x19000] =	vst v63  }
0x152: {  	s17 =	spop (v2sf)  }
0x153: {  	v15 =	vsel vm13, $0x0, v14;
	s16 =	sshll.u32 s17, $0x3  }
0x154: {  	v15 =	vxor.u32 $0x80000000, v15;
	s16 =	sand.u32 $0xFFFFFC00, s16  }
0x155: {  	s16 =	sadd.s32 s7, s16;
	v34, _, _ =	vpop (xrf0);
	(xrf0) =	vmax.scan.msk.u32 $0xffff, v15  }
0x156: {  	s16 =	sshrl.u32 s16, $0x3;
	(v2sf) =	vpush v34, $0xF  }
0x157: {  	s18 =	sor.u32 $0x3400, s15;
	s16 =	sadd.s32 s1, s16;
	s17 =	spop (v2sf)  }
0x158: {  	[tilespmem:s18], [sflag:$0x1] =	stream.linear.gather [hbm4b:s16+s3], $0x400, $0x38;
	[tilespmem:$0x19000] =	vst v63  }
0x159: {  	v15 =	vsel vm14, $0x0, v14;
	s16 =	sshll.u32 s17, $0x3  }
0x15a: {  	v15 =	vxor.u32 $0x80000000, v15;
	s16 =	sand.u32 $0xFFFFFC00, s16  }
0x15b: {  	s16 =	sadd.s32 s7, s16;
	v35, _, _ =	vpop (xrf0);
	(xrf0) =	vmax.scan.msk.u32 $0xffff, v15  }
0x15c: {  	s16 =	sshrl.u32 s16, $0x3  }
0x15d: {  	s18 =	sor.u32 $0x3800, s15;
	s16 =	sadd.s32 s1, s16;
	s17 =	spop (v2sf);
	(v2sf) =	vpush v35, $0xF  }
0x15e: {  	[tilespmem:s18], [sflag:$0x1] =	stream.linear.gather [hbm4b:s16+s3], $0x400, $0x38;
	[tilespmem:$0x19000] =	vst v63  }
0x15f: {  	s16 =	sshll.u32 s17, $0x3  }
0x160: {  	s16 =	sand.u32 $0xFFFFFC00, s16  }
0x161: {  	v14 =	vsel vm15, $0x0, v14;
	s16 =	sadd.s32 s7, s16;
	v15, _, _ =	vpop (xrf0)  }
0x162: {  	v14 =	vxor.u32 $0x80000000, v14;
	s16 =	sshrl.u32 s16, $0x3;
	(v2sf) =	vpush v15, $0xF  }
0x163: {  	s18 =	sor.u32 $0x3C00, s15;
	(xrf0) =	vmax.scan.msk.u32 $0xffff, v14;
	s16 =	sadd.s32 s1, s16  }
0x164: {  	[tilespmem:s18], [sflag:$0x1] =	stream.linear.gather [hbm4b:s16+s3], $0x400, $0x38;
	[tilespmem:$0x19000] =	vst v63  }
0x165: {  	s17 =	spop (v2sf)  }
0x166: {  	s16 =	sshll.u32 s17, $0x3  }
0x167: {  	s16 =	sand.u32 $0xFFFFFC00, s16  }
0x168: {  	s16 =	sadd.s32 s7, s16  }
0x169: {  	v14, _, _ =	vpop (xrf0);
	s16 =	sshrl.u32 s16, $0x3  }
0x16a: {  	s18 =	sor.u32 $0x4000, s15;
	(v2sf) =	vpush v14, $0xF;
	s16 =	sadd.s32 s1, s16  }
0x16b: {  	[tilespmem:s18], [sflag:$0x1] =	stream.linear.gather [hbm4b:s16+s3], $0x400, $0x38;
	[tilespmem:$0x19000] =	vst v63  }
0x16c: {  	s17 =	spop (v2sf)  }
0x16d: {  	s16 =	sshll.u32 s17, $0x3  }
0x16e: {  	s16 =	sand.u32 $0xFFFFFC00, s16  }
0x16f: {  	s16 =	sadd.s32 s7, s16  }
0x170: {  	s16 =	sshrl.u32 s16, $0x3  }
0x171: {  	s18 =	sor.u32 $0x4400, s15;
	s16 =	sadd.s32 s1, s16;
	s17 =	spop (v2sf)  }
0x172: {  	[tilespmem:s18], [sflag:$0x1] =	stream.linear.gather [hbm4b:s16+s3], $0x400, $0x38;
	[tilespmem:$0x19000] =	vst v63  }
0x173: {  	s16 =	sshll.u32 s17, $0x3  }
0x174: {  	s16 =	sand.u32 $0xFFFFFC00, s16  }
0x175: {  	s16 =	sadd.s32 s7, s16  }
0x176: {  	s16 =	sshrl.u32 s16, $0x3  }
0x177: {  	s18 =	sor.u32 $0x4800, s15;
	s16 =	sadd.s32 s1, s16  }
0x178: {  	[tilespmem:s18], [sflag:$0x1] =	stream.linear.gather [hbm4b:s16+s3], $0x400, $0x38;
	[tilespmem:$0x19000] =	vst v63  }
0x179: {  	s17 =	spop (v2sf)  }
0x17a: {  	s16 =	sshll.u32 s17, $0x3  }
0x17b: {  	s16 =	sand.u32 $0xFFFFFC00, s16  }
0x17c: {  	s16 =	sadd.s32 s7, s16  }
0x17d: {  	s16 =	sshrl.u32 s16, $0x3  }
0x17e: {  	s18 =	sor.u32 $0x4C00, s15;
	s16 =	sadd.s32 s1, s16  }
0x17f: {  	[tilespmem:s18], [sflag:$0x1] =	stream.linear.gather [hbm4b:s16+s3], $0x400, $0x38;
	[tilespmem:$0x19000] =	vst v63  }
0x180: {  	v14 =	vld [tilespmem:s14+$0x30];
	_ =	sdelay $0x4  }
0x181: {  	v15 =	vnsel vm0, $0x0, v14  }
0x182: {  	v15 =	vxor.u32 $0x80000000, v15  }
0x183: {  	(xrf0) =	vmax.scan.msk.u32 $0xffff, v15;
	_ =	sdelay $0x5  }
0x184: {  	v36 =	vsel vm1, $0x0, v14;
	v15, _, _ =	vpop (xrf0)  }
0x185: {  	(v2sf) =	vpush v15, $0xF;
	v15 =	vxor.u32 $0x80000000, v36  }
0x186: {  	(xrf0) =	vmax.scan.msk.u32 $0xffff, v15;
	_ =	sdelay $0x4  }
0x187: {  	v15 =	vsel vm2, $0x0, v14  }
0x188: {  	v15 =	vxor.u32 $0x80000000, v15;
	v37, _, _ =	vpop (xrf0)  }
0x189: {  	(xrf0) =	vmax.scan.msk.u32 $0xffff, v15;
	(v2sf) =	vpush v37, $0xF;
	_ =	sdelay $0x3  }
0x18a: {  	v15 =	vsel vm3, $0x0, v14  }
0x18b: {  	v15 =	vxor.u32 $0x80000000, v15  }
0x18c: {  	v38, _, _ =	vpop (xrf0);
	(xrf0) =	vmax.scan.msk.u32 $0xffff, v15  }
0x18d: {  	(v2sf) =	vpush v38, $0xF  }
0x18e: {  	s17 =	spop (v2sf)  }
0x18f: {  	s16 =	sshll.u32 s17, $0x3  }
0x190: {  	v15 =	vsel vm4, $0x0, v14;
	s16 =	sand.u32 $0xFFFFFC00, s16  }
0x191: {  	v15 =	vxor.u32 $0x80000000, v15;
	s16 =	sadd.s32 s7, s16  }
0x192: {  	s16 =	sshrl.u32 s16, $0x3;
	v39, _, _ =	vpop (xrf0);
	(xrf0) =	vmax.scan.msk.u32 $0xffff, v15  }
0x193: {  	s18 =	sor.u32 $0x5000, s15;
	s16 =	sadd.s32 s1, s16  }
0x194: {  	(v2sf) =	vpush v39, $0xF;
	[tilespmem:s18], [sflag:$0x1] =	stream.linear.gather [hbm4b:s16+s3], $0x400, $0x38;
	[tilespmem:$0x19000] =	vst v63  }
0x195: {  	s17 =	spop (v2sf)  }
0x196: {  	s16 =	sshll.u32 s17, $0x3  }
0x197: {  	s16 =	sand.u32 $0xFFFFFC00, s16  }
0x198: {  	v40 =	vsel vm5, $0x0, v14;
	v15, _, _ =	vpop (xrf0);
	s16 =	sadd.s32 s7, s16  }
0x199: {  	(v2sf) =	vpush v15, $0xF;
	v15 =	vxor.u32 $0x80000000, v40;
	s16 =	sshrl.u32 s16, $0x3  }
0x19a: {  	s18 =	sor.u32 $0x5400, s15;
	(xrf0) =	vmax.scan.msk.u32 $0xffff, v15;
	s16 =	sadd.s32 s1, s16  }
0x19b: {  	[tilespmem:s18], [sflag:$0x1] =	stream.linear.gather [hbm4b:s16+s3], $0x400, $0x38;
	[tilespmem:$0x19000] =	vst v63  }
0x19c: {  	s17 =	spop (v2sf)  }
0x19d: {  	s16 =	sshll.u32 s17, $0x3  }
0x19e: {  	v15 =	vsel vm6, $0x0, v14;
	s16 =	sand.u32 $0xFFFFFC00, s16  }
0x19f: {  	v15 =	vxor.u32 $0x80000000, v15;
	s16 =	sadd.s32 s7, s16  }
0x1a0: {  	s16 =	sshrl.u32 s16, $0x3;
	v41, _, _ =	vpop (xrf0);
	(xrf0) =	vmax.scan.msk.u32 $0xffff, v15  }
0x1a1: {  	s18 =	sor.u32 $0x5800, s15;
	s16 =	sadd.s32 s1, s16;
	(v2sf) =	vpush v41, $0xF  }
0x1a2: {  	[tilespmem:s18], [sflag:$0x1] =	stream.linear.gather [hbm4b:s16+s3], $0x400, $0x38;
	[tilespmem:$0x19000] =	vst v63  }
0x1a3: {  	s17 =	spop (v2sf)  }
0x1a4: {  	v15 =	vsel vm7, $0x0, v14;
	s16 =	sshll.u32 s17, $0x3  }
0x1a5: {  	v15 =	vxor.u32 $0x80000000, v15;
	s16 =	sand.u32 $0xFFFFFC00, s16  }
0x1a6: {  	s16 =	sadd.s32 s7, s16;
	v42, _, _ =	vpop (xrf0);
	(xrf0) =	vmax.scan.msk.u32 $0xffff, v15  }
0x1a7: {  	s16 =	sshrl.u32 s16, $0x3  }
0x1a8: {  	s18 =	sor.u32 $0x5C00, s15;
	s16 =	sadd.s32 s1, s16;
	s17 =	spop (v2sf);
	(v2sf) =	vpush v42, $0xF  }
0x1a9: {  	[tilespmem:s18], [sflag:$0x1] =	stream.linear.gather [hbm4b:s16+s3], $0x400, $0x38;
	[tilespmem:$0x19000] =	vst v63  }
0x1aa: {  	v15 =	vsel vm8, $0x0, v14;
	s16 =	sshll.u32 s17, $0x3  }
0x1ab: {  	v15 =	vxor.u32 $0x80000000, v15;
	s16 =	sand.u32 $0xFFFFFC00, s16  }
0x1ac: {  	s16 =	sadd.s32 s7, s16;
	v43, _, _ =	vpop (xrf0);
	(xrf0) =	vmax.scan.msk.u32 $0xffff, v15  }
0x1ad: {  	s16 =	sshrl.u32 s16, $0x3;
	(v2sf) =	vpush v43, $0xF  }
0x1ae: {  	s18 =	sor.u32 $0x6000, s15;
	s16 =	sadd.s32 s1, s16  }
0x1af: {  	[tilespmem:s18], [sflag:$0x1] =	stream.linear.gather [hbm4b:s16+s3], $0x400, $0x38;
	[tilespmem:$0x19000] =	vst v63  }
0x1b0: {  	s17 =	spop (v2sf)  }
0x1b1: {  	s16 =	sshll.u32 s17, $0x3  }
0x1b2: {  	v44 =	vsel vm9, $0x0, v14;
	s16 =	sand.u32 $0xFFFFFC00, s16;
	v15, _, _ =	vpop (xrf0)  }
0x1b3: {  	s16 =	sadd.s32 s7, s16;
	(v2sf) =	vpush v15, $0xF;
	v15 =	vxor.u32 $0x80000000, v44  }
0x1b4: {  	s16 =	sshrl.u32 s16, $0x3;
	(xrf0) =	vmax.scan.msk.u32 $0xffff, v15  }
0x1b5: {  	s18 =	sor.u32 $0x6400, s15;
	s16 =	sadd.s32 s1, s16  }
0x1b6: {  	[tilespmem:s18], [sflag:$0x1] =	stream.linear.gather [hbm4b:s16+s3], $0x400, $0x38;
	[tilespmem:$0x19000] =	vst v63  }
0x1b7: {  	s17 =	spop (v2sf)  }
0x1b8: {  	v15 =	vsel vm10, $0x0, v14;
	s16 =	sshll.u32 s17, $0x3  }
0x1b9: {  	v15 =	vxor.u32 $0x80000000, v15;
	s16 =	sand.u32 $0xFFFFFC00, s16  }
0x1ba: {  	s16 =	sadd.s32 s7, s16;
	v45, _, _ =	vpop (xrf0);
	(xrf0) =	vmax.scan.msk.u32 $0xffff, v15  }
0x1bb: {  	s16 =	sshrl.u32 s16, $0x3;
	(v2sf) =	vpush v45, $0xF  }
0x1bc: {  	s18 =	sor.u32 $0x6800, s15;
	s16 =	sadd.s32 s1, s16;
	s17 =	spop (v2sf)  }
0x1bd: {  	[tilespmem:s18], [sflag:$0x1] =	stream.linear.gather [hbm4b:s16+s3], $0x400, $0x38;
	[tilespmem:$0x19000] =	vst v63  }
0x1be: {  	v15 =	vsel vm11, $0x0, v14;
	s16 =	sshll.u32 s17, $0x3  }
0x1bf: {  	v15 =	vxor.u32 $0x80000000, v15;
	s16 =	sand.u32 $0xFFFFFC00, s16  }
0x1c0: {  	s16 =	sadd.s32 s7, s16;
	v46, _, _ =	vpop (xrf0);
	(xrf0) =	vmax.scan.msk.u32 $0xffff, v15  }
0x1c1: {  	s16 =	sshrl.u32 s16, $0x3  }
0x1c2: {  	s18 =	sor.u32 $0x6C00, s15;
	s16 =	sadd.s32 s1, s16;
	s17 =	spop (v2sf);
	(v2sf) =	vpush v46, $0xF  }
0x1c3: {  	[tilespmem:s18], [sflag:$0x1] =	stream.linear.gather [hbm4b:s16+s3], $0x400, $0x38;
	[tilespmem:$0x19000] =	vst v63  }
0x1c4: {  	v15 =	vsel vm12, $0x0, v14;
	s16 =	sshll.u32 s17, $0x3  }
0x1c5: {  	v15 =	vxor.u32 $0x80000000, v15;
	s16 =	sand.u32 $0xFFFFFC00, s16  }
0x1c6: {  	(xrf0) =	vmax.scan.msk.u32 $0xffff, v15;
	s16 =	sadd.s32 s7, s16;
	v47, _, _ =	vpop (xrf0)  }
0x1c7: {  	s16 =	sshrl.u32 s16, $0x3;
	(v2sf) =	vpush v47, $0xF  }
0x1c8: {  	s18 =	sor.u32 $0x7000, s15;
	v15 =	vsel vm13, $0x0, v14;
	s16 =	sadd.s32 s1, s16  }
0x1c9: {  	v15 =	vxor.u32 $0x80000000, v15;
	[tilespmem:s18], [sflag:$0x1] =	stream.linear.gather [hbm4b:s16+s3], $0x400, $0x38;
	[tilespmem:$0x19000] =	vst v63  }
0x1ca: {  	s17 =	spop (v2sf)  }
0x1cb: {  	s16 =	sshll.u32 s17, $0x3  }
0x1cc: {  	(xrf0) =	vmax.scan.msk.u32 $0xffff, v15;
	v15, _, _ =	vpop (xrf0);
	s16 =	sand.u32 $0xFFFFFC00, s16  }
0x1cd: {  	(v2sf) =	vpush v15, $0xF;
	s16 =	sadd.s32 s7, s16  }
0x1ce: {  	s16 =	sshrl.u32 s16, $0x3  }
0x1cf: {  	s18 =	sor.u32 $0x7400, s15;
	s16 =	sadd.s32 s1, s16  }
0x1d0: {  	v15 =	vsel vm14, $0x0, v14;
	[tilespmem:s18], [sflag:$0x1] =	stream.linear.gather [hbm4b:s16+s3], $0x400, $0x38;
	[tilespmem:$0x19000] =	vst v63  }
0x1d1: {  	v15 =	vxor.u32 $0x80000000, v15;
	s17 =	spop (v2sf)  }
0x1d2: {  	v48, _, _ =	vpop (xrf0);
	(xrf0) =	vmax.scan.msk.u32 $0xffff, v15;
	s16 =	sshll.u32 s17, $0x3  }
0x1d3: {  	(v2sf) =	vpush v48, $0xF;
	s16 =	sand.u32 $0xFFFFFC00, s16  }
0x1d4: {  	s16 =	sadd.s32 s7, s16  }
0x1d5: {  	s16 =	sshrl.u32 s16, $0x3  }
0x1d6: {  	v14 =	vsel vm15, $0x0, v14;
	s18 =	sor.u32 $0x7800, s15;
	s16 =	sadd.s32 s1, s16;
	s17 =	spop (v2sf)  }
0x1d7: {  	v14 =	vxor.u32 $0x80000000, v14;
	[tilespmem:s18], [sflag:$0x1] =	stream.linear.gather [hbm4b:s16+s3], $0x400, $0x38;
	[tilespmem:$0x19000] =	vst v63  }
0x1d8: {  	v15, _, _ =	vpop (xrf0);
	(xrf0) =	vmax.scan.msk.u32 $0xffff, v14;
	s16 =	sshll.u32 s17, $0x3  }
0x1d9: {  	(v2sf) =	vpush v15, $0xF;
	s16 =	sand.u32 $0xFFFFFC00, s16  }
0x1da: {  	s16 =	sadd.s32 s7, s16  }
0x1db: {  	s16 =	sshrl.u32 s16, $0x3  }
0x1dc: {  	s18 =	sor.u32 $0x7C00, s15;
	s17 =	spop (v2sf);
	s16 =	sadd.s32 s1, s16  }
0x1dd: {  	[tilespmem:s18], [sflag:$0x1] =	stream.linear.gather [hbm4b:s16+s3], $0x400, $0x38;
	[tilespmem:$0x19000] =	vst v63  }
0x1de: {  	v14, _, _ =	vpop (xrf0);
	s16 =	sshll.u32 s17, $0x3  }
0x1df: {  	(v2sf) =	vpush v14, $0xF;
	s16 =	sand.u32 $0xFFFFFC00, s16  }
0x1e0: {  	s16 =	sadd.s32 s7, s16  }
0x1e1: {  	s16 =	sshrl.u32 s16, $0x3  }
0x1e2: {  	s18 =	sadd.s32 $0x8000, s15;
	s17 =	spop (v2sf);
	s16 =	sadd.s32 s1, s16  }
0x1e3: {  	[tilespmem:s18], [sflag:$0x1] =	stream.linear.gather [hbm4b:s16+s3], $0x400, $0x38;
	[tilespmem:$0x19000] =	vst v63  }
0x1e4: {  	s18 =	sshll.u32 s17, $0x3  }
0x1e5: {  	s16 =	sand.u32 $0xFFFFFC00, s18  }
0x1e6: {  	s16 =	sadd.s32 s7, s16  }
0x1e7: {  	s16 =	sshrl.u32 s16, $0x3  }
0x1e8: {  	s18 =	sadd.s32 $0x8400, s15;
	s17 =	spop (v2sf);
	s16 =	sadd.s32 s1, s16  }
0x1e9: {  	[tilespmem:s18], [sflag:$0x1] =	stream.linear.gather [hbm4b:s16+s3], $0x400, $0x38;
	[tilespmem:$0x19000] =	vst v63  }
0x1ea: {  	s17 =	sshll.u32 s17, $0x3  }
0x1eb: {  	s16 =	sand.u32 $0xFFFFFC00, s17  }
0x1ec: {  	s16 =	sadd.s32 s7, s16  }
0x1ed: {  	s16 =	sshrl.u32 s16, $0x3  }
0x1ee: {  	s18 =	sadd.s32 $0x8800, s15;
	s17 =	spop (v2sf);
	s16 =	sadd.s32 s1, s16  }
0x1ef: {  	[tilespmem:s18], [sflag:$0x1] =	stream.linear.gather [hbm4b:s16+s3], $0x400, $0x38;
	[tilespmem:$0x19000] =	vst v63  }
0x1f0: {  	s16 =	sshll.u32 s17, $0x3  }
0x1f1: {  	s16 =	sand.u32 $0xFFFFFC00, s16  }
0x1f2: {  	s16 =	sadd.s32 s7, s16  }
0x1f3: {  	s16 =	sshrl.u32 s16, $0x3  }
0x1f4: {  	s15 =	sadd.s32 $0x8C00, s15;
	s16 =	sadd.s32 s1, s16  }
0x1f5: {  	[tilespmem:s15], [sflag:$0x1] =	stream.linear.gather [hbm4b:s16+s3], $0x400, $0x38;
	[tilespmem:$0x19000] =	vst v63  }
0x1f6: {  	_ =	swait.ge [sflag:s11], $0x2000  }
0x1f7: {  	[sflag:s11] =	ssyncset.done $0x0  }
0x1f8: {  	[sflag:s11] =	ssyncadd.s32 $0xFFFFE000  }
0x1f9: {  	_ =	swait.ge [sflag:s11], $0x2000  }
0x1fa: {  	[sflag:s11] =	ssyncset.done $0x0  }
0x1fb: {  	[sflag:s11] =	ssyncadd.s32 $0xFFFFE000  }
0x1fc: {  	_ =	swait.ge [sflag:s11], $0x2000  }
0x1fd: {  	[sflag:s11] =	ssyncset.done $0x0  }
0x1fe: {  	[sflag:s11] =	ssyncadd.s32 $0xFFFFE000  }
0x1ff: {  	_ =	swait.ge [sflag:s11], $0x2000  }
0x200: {  	[sflag:s11] =	ssyncset.done $0x0  }
0x201: {  	[sflag:s11] =	ssyncadd.s32 $0xFFFFE000  }
0x202: {  	v14 =	vld [tilespmem:s14+$0x0];
	_ =	sdelay $0x3  }
0x203: {  	s18 =	sand.u32 $0x1, s2  }
0x204: {  	s15 =	sshll.u32 s18, $0xF;
	v14 =	vand.u32 $0x7F, v14  }
0x205: {  	v14 =	vor.u32 s15, v14  }
0x206: {  	v15 =	vor.u32 v0, v14;
	_ =	sdelay $0x4  }
0x207: {  	v15 =	vld.idx.msk [tilespmem:v15+s10+$0x0], $0xffff  }
0x208: {  	v49 =	vor.u32 v1, v14;
	_ =	sdelay $0x3  }
0x209: {  	[tilespmem:s14+$0x11000] =	vst v15  }
0x20a: {  	v15 =	vld.idx.msk [tilespmem:v49+s10+$0x0], $0xffff  }
0x20b: {  	v50 =	vor.u32 v2, v14;
	_ =	sdelay $0x3  }
0x20c: {  	[tilespmem:s14+$0x12000] =	vst v15  }
0x20d: {  	v15 =	vld.idx.msk [tilespmem:v50+s10+$0x0], $0xffff  }
0x20e: {  	v51 =	vor.u32 v3, v14;
	_ =	sdelay $0x3  }
0x20f: {  	[tilespmem:s14+$0x13000] =	vst v15  }
0x210: {  	v15 =	vld.idx.msk [tilespmem:v51+s10+$0x0], $0xffff  }
0x211: {  	v52 =	vor.u32 v4, v14;
	_ =	sdelay $0x3  }
0x212: {  	[tilespmem:s14+$0x14000] =	vst v15  }
0x213: {  	v15 =	vld.idx.msk [tilespmem:v52+s10+$0x0], $0xffff  }
0x214: {  	v53 =	vor.u32 v5, v14;
	_ =	sdelay $0x3  }
0x215: {  	[tilespmem:s14+$0x15000] =	vst v15  }
0x216: {  	v15 =	vld.idx.msk [tilespmem:v53+s10+$0x0], $0xffff  }
0x217: {  	v54 =	vor.u32 v6, v14;
	_ =	sdelay $0x3  }
0x218: {  	v55 =	vld [tilespmem:s14+$0x10];
	[tilespmem:s14+$0x16000] =	vst v15  }
0x219: {  	v15 =	vld.idx.msk [tilespmem:v54+s10+$0x0], $0xffff  }
0x21a: {  	v14 =	vor.u32 v7, v14;
	_ =	sdelay $0x3  }
0x21b: {  	[tilespmem:s14+$0x17000] =	vst v15;
	v15 =	vand.u32 $0x7F, v55  }
0x21c: {  	v14 =	vld.idx.msk [tilespmem:v14+s10+$0x0], $0xffff;
	v15 =	vor.u32 s15, v15  }
0x21d: {  	v56 =	vor.u32 v8, v15;
	_ =	sdelay $0x3  }
0x21e: {  	[tilespmem:s14+$0x18000] =	vst v14  }
0x21f: {  	v14 =	vld.idx.msk [tilespmem:v56+s10+$0x0], $0xffff  }
0x220: {  	v57 =	vor.u32 v9, v15;
	_ =	sdelay $0x3  }
0x221: {  	[tilespmem:s14+$0x11010] =	vst v14  }
0x222: {  	v14 =	vld.idx.msk [tilespmem:v57+s10+$0x0], $0xffff  }
0x223: {  	v58 =	vor.u32 v10, v15;
	_ =	sdelay $0x3  }
0x224: {  	[tilespmem:s14+$0x12010] =	vst v14  }
0x225: {  	v14 =	vld.idx.msk [tilespmem:v58+s10+$0x0], $0xffff  }
0x226: {  	v59 =	vor.u32 v11, v15;
	_ =	sdelay $0x3  }
0x227: {  	[tilespmem:s14+$0x13010] =	vst v14  }
0x228: {  	v14 =	vld.idx.msk [tilespmem:v59+s10+$0x0], $0xffff  }
0x229: {  	v60 =	vor.u32 v12, v15;
	_ =	sdelay $0x3  }
0x22a: {  	[tilespmem:s14+$0x14010] =	vst v14  }
0x22b: {  	v14 =	vld.idx.msk [tilespmem:v60+s10+$0x0], $0xffff  }
0x22c: {  	v61 =	vor.u32 v13, v15;
	_ =	sdelay $0x3  }
0x22d: {  	[tilespmem:s14+$0x15010] =	vst v14  }
0x22e: {  	v62 =	vor.u32 $0x4300, v0;
	v14 =	vld.idx.msk [tilespmem:v61+s10+$0x0], $0xffff  }
0x22f: {  	v16 =	vor.u32 v62, v15;
	_ =	sdelay $0x3  }
0x230: {  	[tilespmem:s14+$0x16010] =	vst v14  }
0x231: {  	v63 =	vor.u32 $0x4380, v0;
	v14 =	vld.idx.msk [tilespmem:v16+s10+$0x0], $0xffff  }
0x232: {  	v15 =	vor.u32 v63, v15;
	_ =	sdelay $0x3  }
0x233: {  	[tilespmem:s14+$0x17010] =	vst v14  }
0x234: {  	p0 =	sne.s32 s0, $0x3F00;
	v14 =	vld.idx.msk [tilespmem:v15+s10+$0x0], $0xffff  }
.Ltmp0:
0x235: {  	_ = 	snop;
	(pc) =	sbr.rel @p0 .LBB2_2-.Ltmp0, $2  }
0x236: {  	_ =	sdelay $0x2  }
0x237: {  	s0 =	sadd.s32 $0x80, s0;
	s31 =	sadd.s32 $0x8000, s31;
	s2 =	sadd.s32 $0x1, s2;
	[tilespmem:s14+$0x18010] =	vst v14  }
0x238: {  	_ =	swait.ge [sflag:s11], $0x2000  }
0x239: {  	[sflag:s11] =	ssyncset.done $0x0  }
0x23a: {  	[sflag:s11] =	ssyncadd.s32 $0xFFFFE000  }
0x23b: {  	_ =	swait.ge [sflag:s11], $0x2000  }
0x23c: {  	[sflag:s11] =	ssyncset.done $0x0  }
0x23d: {  	[sflag:s11] =	ssyncadd.s32 $0xFFFFE000  }
0x23e: {  	_ =	swait.ge [sflag:s11], $0x2000  }
0x23f: {  	[sflag:s11] =	ssyncset.done $0x0  }
0x240: {  	[sflag:s11] =	ssyncadd.s32 $0xFFFFE000  }
0x241: {  	_ =	swait.ge [sflag:s11], $0x2000  }
0x242: {  	[sflag:s11] =	ssyncset.done $0x0  }
0x243: {  	[sflag:s11] =	ssyncadd.s32 $0xFFFFE000  }
0x244: {  	v14 =	vld [tilespmem:$0xFE0];
	_ =	sdelay $0x4  }
0x245: {  	v15 =	vor.u32 $0x8000, v0;
	v14 =	vand.u32 $0x7F, v14  }
0x246: {  	v15 =	vor.u32 v15, v14;
	_ =	sdelay $0x4  }
0x247: {  	v16 =	vor.u32 $0x8080, v0;
	v15 =	vld.idx.msk [tilespmem:v15+s10+$0x0], $0xffff  }
0x248: {  	v16 =	vor.u32 v16, v14;
	_ =	sdelay $0x3  }
0x249: {  	[tilespmem:$0x11FE0] =	vst v15  }
0x24a: {  	v49 =	vor.u32 $0x8100, v0;
	v15 =	vld.idx.msk [tilespmem:v16+s10+$0x0], $0xffff  }
0x24b: {  	v16 =	vor.u32 v49, v14;
	_ =	sdelay $0x3  }
0x24c: {  	[tilespmem:$0x12FE0] =	vst v15  }
0x24d: {  	v50 =	vor.u32 $0x8180, v0;
	v15 =	vld.idx.msk [tilespmem:v16+s10+$0x0], $0xffff  }
0x24e: {  	v16 =	vor.u32 v50, v14;
	_ =	sdelay $0x3  }
0x24f: {  	[tilespmem:$0x13FE0] =	vst v15  }
0x250: {  	v51 =	vor.u32 $0x8200, v0;
	v15 =	vld.idx.msk [tilespmem:v16+s10+$0x0], $0xffff  }
0x251: {  	v16 =	vor.u32 v51, v14;
	_ =	sdelay $0x3  }
0x252: {  	[tilespmem:$0x14FE0] =	vst v15  }
0x253: {  	v52 =	vor.u32 $0x8280, v0;
	v15 =	vld.idx.msk [tilespmem:v16+s10+$0x0], $0xffff  }
0x254: {  	v16 =	vor.u32 v52, v14;
	_ =	sdelay $0x3  }
0x255: {  	[tilespmem:$0x15FE0] =	vst v15  }
0x256: {  	v53 =	vor.u32 $0x8300, v0;
	v15 =	vld.idx.msk [tilespmem:v16+s10+$0x0], $0xffff  }
0x257: {  	v16 =	vor.u32 v53, v14;
	_ =	sdelay $0x3  }
0x258: {  	[tilespmem:$0x16FE0] =	vst v15  }
0x259: {  	v54 =	vor.u32 $0x8380, v0;
	v15 =	vld.idx.msk [tilespmem:v16+s10+$0x0], $0xffff  }
0x25a: {  	v55 =	vld [tilespmem:$0xFF0];
	v14 =	vor.u32 v54, v14;
	_ =	sdelay $0x3  }
0x25b: {  	[tilespmem:$0x17FE0] =	vst v15  }
0x25c: {  	v56 =	vor.u32 $0xC000, v0;
	v15 =	vand.u32 $0x7F, v55;
	v14 =	vld.idx.msk [tilespmem:v14+s10+$0x0], $0xffff  }
0x25d: {  	v16 =	vor.u32 v56, v15;
	_ =	sdelay $0x3  }
0x25e: {  	[tilespmem:$0x18FE0] =	vst v14  }
0x25f: {  	v57 =	vor.u32 $0xC080, v0;
	v14 =	vld.idx.msk [tilespmem:v16+s10+$0x0], $0xffff  }
0x260: {  	v16 =	vor.u32 v57, v15;
	_ =	sdelay $0x3  }
0x261: {  	[tilespmem:$0x11FF0] =	vst v14  }
0x262: {  	v58 =	vor.u32 $0xC100, v0;
	v14 =	vld.idx.msk [tilespmem:v16+s10+$0x0], $0xffff  }
0x263: {  	v16 =	vor.u32 v58, v15;
	_ =	sdelay $0x3  }
0x264: {  	[tilespmem:$0x12FF0] =	vst v14  }
0x265: {  	v59 =	vor.u32 $0xC180, v0;
	v14 =	vld.idx.msk [tilespmem:v16+s10+$0x0], $0xffff  }
0x266: {  	v16 =	vor.u32 v59, v15;
	_ =	sdelay $0x3  }
0x267: {  	[tilespmem:$0x13FF0] =	vst v14  }
0x268: {  	v60 =	vor.u32 $0xC200, v0;
	v14 =	vld.idx.msk [tilespmem:v16+s10+$0x0], $0xffff  }
0x269: {  	v16 =	vor.u32 v60, v15;
	_ =	sdelay $0x3  }
0x26a: {  	[tilespmem:$0x14FF0] =	vst v14  }
0x26b: {  	v61 =	vor.u32 $0xC280, v0;
	v14 =	vld.idx.msk [tilespmem:v16+s10+$0x0], $0xffff  }
0x26c: {  	v16 =	vor.u32 v61, v15;
	_ =	sdelay $0x3  }
0x26d: {  	[tilespmem:$0x15FF0] =	vst v14  }
0x26e: {  	v62 =	vor.u32 $0xC300, v0;
	v14 =	vld.idx.msk [tilespmem:v16+s10+$0x0], $0xffff  }
0x26f: {  	v16 =	vor.u32 v62, v15;
	_ =	sdelay $0x3  }
0x270: {  	[tilespmem:$0x16FF0] =	vst v14  }
0x271: {  	v63 =	vor.u32 $0xC380, v0;
	v14 =	vld.idx.msk [tilespmem:v16+s10+$0x0], $0xffff  }
0x272: {  	v15 =	vor.u32 v63, v15;
	_ =	sdelay $0x3  }
0x273: {  	[tilespmem:$0x17FF0] =	vst v14  }
0x274: {  	v14 =	vld.idx.msk [tilespmem:v15+s10+$0x0], $0xffff;
	_ =	sdelay $0x4  }
0x275: {  	s0 =	sadd.s32 s4, s6;
	s2 =	simm.s32 $0x11000;
	[tilespmem:$0x18FF0] =	vst v14  }
0x276: {  	[hbm4b:s0+s12] =	stream.strided.scatter [tilespmem:s2], [sflag:$0x2], $0x1000, s13, s12, $0x38;
	[tilespmem:$0x19000] =	vst v63  }
0x277: {  	_ =	swait.ge [sflag:s9], $0x1000  }
0x278: {  	[sflag:s9] =	ssyncset.done $0x0  }
0x279: {  	s16 =	simm.s32 $0x12000;
	[sflag:s9] =	ssyncadd.s32 $0xFFFFF000  }
0x27a: {  	[hbm4b:s19+s12] =	stream.strided.scatter [tilespmem:s16], [sflag:$0x2], $0x1000, s13, s12, $0x38;
	[tilespmem:$0x19000] =	vst v63  }
0x27b: {  	_ =	swait.ge [sflag:s9], $0x1000  }
0x27c: {  	[sflag:s9] =	ssyncset.done $0x0  }
0x27d: {  	s17 =	simm.s32 $0x13000;
	[sflag:s9] =	ssyncadd.s32 $0xFFFFF000  }
0x27e: {  	[hbm4b:s20+s12] =	stream.strided.scatter [tilespmem:s17], [sflag:$0x2], $0x1000, s13, s12, $0x38;
	[tilespmem:$0x19000] =	vst v63  }
0x27f: {  	_ =	swait.ge [sflag:s9], $0x1000  }
0x280: {  	[sflag:s9] =	ssyncset.done $0x0  }
0x281: {  	s18 =	simm.s32 $0x14000;
	[sflag:s9] =	ssyncadd.s32 $0xFFFFF000  }
0x282: {  	[hbm4b:s21+s12] =	stream.strided.scatter [tilespmem:s18], [sflag:$0x2], $0x1000, s13, s12, $0x38;
	[tilespmem:$0x19000] =	vst v63  }
0x283: {  	_ =	swait.ge [sflag:s9], $0x1000  }
0x284: {  	[sflag:s9] =	ssyncset.done $0x0  }
0x285: {  	s31 =	simm.s32 $0x15000;
	[sflag:s9] =	ssyncadd.s32 $0xFFFFF000  }
0x286: {  	[hbm4b:s22+s12] =	stream.strided.scatter [tilespmem:s31], [sflag:$0x2], $0x1000, s13, s12, $0x38;
	[tilespmem:$0x19000] =	vst v63  }
0x287: {  	_ =	swait.ge [sflag:s9], $0x1000  }
0x288: {  	[sflag:s9] =	ssyncset.done $0x0  }
0x289: {  	[sflag:s9] =	ssyncadd.s32 $0xFFFFF000  }
0x28a: {  	[hbm4b:s23+s12] =	stream.strided.scatter [tilespmem:s26], [sflag:$0x2], $0x1000, s13, s12, $0x38;
	[tilespmem:$0x19000] =	vst v63  }
0x28b: {  	_ =	swait.ge [sflag:s9], $0x1000  }
0x28c: {  	[sflag:s9] =	ssyncset.done $0x0  }
0x28d: {  	[sflag:s9] =	ssyncadd.s32 $0xFFFFF000  }
0x28e: {  	[hbm4b:s24+s12] =	stream.strided.scatter [tilespmem:s28], [sflag:$0x2], $0x1000, s13, s12, $0x38;
	[tilespmem:$0x19000] =	vst v63  }
0x28f: {  	s30 =	sadd.s32 $0x1, s30;
	_ =	swait.ge [sflag:s9], $0x1000  }
0x290: {  	p0 =	sne.s32 s30, s8;
	[sflag:s9] =	ssyncset.done $0x0  }
.Ltmp1:
0x291: {  	[sflag:s9] =	ssyncadd.s32 $0xFFFFF000;
	(pc) =	sbr.rel @p0 .LBB2_1-.Ltmp1, $4  }
0x292: {  	[hbm4b:s25+s12] =	stream.strided.scatter [tilespmem:s29], [sflag:$0x2], $0x1000, s13, s12, $0x38;
	[tilespmem:$0x19000] =	vst v63  }
0x293: {  	_ =	swait.ge [sflag:s9], $0x1000  }
0x294: {  	[sflag:s9] =	ssyncset.done $0x0  }
0x295: {  	[sflag:s9] =	ssyncadd.s32 $0xFFFFF000  }
0x296: {  	_ =	sfence.sel $0x180000  }
0x297: {  	[bflag:$0x0] =	sbarrier.arrive $0xFFFF  }
0x298: {  	_ =	strace $0x90000047  }
0x299: {  	s0 =	stileid.u32;
	[bflag:$0x2] =	sbarrier.arrive $0xFFFF  }
0x29a: {  	p0 =	sne.s32 s0, $0x0;
	s0 =	rddreg [dreg:$0x3]  }
0x29b: {  	s0 =	sadd.s32 @!p0 $0x100000, s0  }
0x29c: {  	[sflag:s0] =	ssyncadd.tile.s32 @!p0 $0x1;
	_ =	shalt  }
.Lfunc_end2:
_tile_overlayer_lowered:
.L_overlay_start_2:
0x29d: {  	(tag) =	ssettag $0x2  }
0x29e: {  	s0 =	rddreg [dreg:$0x0];
	s2 =	stileid.u32  }
0x29f: {  	s1 =	rddreg [dreg:$0x1];
	p0 =	sne.s32 s2, $0x0  }
0x2a0: {  	s3 =	rddreg [dreg:$0x2];
	[bflag:$0x3] =	sbarrier.arrive $0xFFFF;
	s2 =	simm.s32 @!p0 $0x1C02  }
0x2a1: {  	[timem:s3], [sflag:s2] =	dma.local @!p0 [hbm:s0], s1  }
0x2a2: {  	s0 =	simm.s32 @!p0 $0x2  }
0x2a3: {  	_ =	swait.ge @!p0 [sflag:s0], s1  }
0x2a4: {  	s1 =	ssub.s32 @!p0 $0x0, s1;
	[sflag:s0] =	ssyncset.done @!p0 $0x0  }
0x2a5: {  	[sflag:s0] =	ssyncadd.s32 @!p0 s1  }
0x2a6: {  	[bflag:$0x3] =	sbarrier.arrive $0xFFFF  }
0x2a7: {  	_ =	shalt  }

</sc_bundles>
